<compile_context>
chip_gen: v7x
topology: tpu7x:2x2x1
jax: 0.10.2.dev20260603
libtpu: 0.0.44.dev20260713+nightly
codegen_flags: <defaults>
</compile_context>

<pallas_src>
import functools

import jax
import jax.numpy as jnp
from jax import lax
from jax.experimental import pallas as pl
from jax.experimental.pallas import tpu as pltpu
from jax.experimental.pallas import tpu_sc as plsc

D_MODEL = 768
BATCH = 4
SEQ = 8192
NUM_TOKENS = BATCH * SEQ

_INFO = plsc.get_sparse_core_info()
NC = _INFO.num_cores
NS = _INFO.num_subcores
NW = NC * NS
T_PER_W = NUM_TOKENS // NW
K = 16
CHUNKS = T_PER_W // K
NBUF = 4
NVEC = D_MODEL // 16


@functools.partial(
    pl.kernel,
    out_type=jax.ShapeDtypeStruct((NUM_TOKENS, D_MODEL), jnp.float32),
    mesh=plsc.VectorSubcoreMesh(core_axis_name="c", subcore_axis_name="s"),
    scratch_types=[
        pltpu.VMEM((T_PER_W,), jnp.int32),
        pltpu.VMEM((NBUF, K, D_MODEL), jnp.float32),
        pltpu.VMEM((NBUF, K, D_MODEL), jnp.float32),
    ] + [pltpu.SemaphoreType.DMA] * (3 * NBUF),
)
def _lookup_add(x_hbm, idx_hbm, emb_hbm, out_hbm, idx_v, buf_e, buf_x, *sems):
    sem_x = sems[0:NBUF]
    sem_e = sems[NBUF:2 * NBUF]
    sem_o = sems[2 * NBUF:3 * NBUF]
    wid = lax.axis_index("s") * NC + lax.axis_index("c")
    base = wid * T_PER_W
    pltpu.sync_copy(idx_hbm.at[pl.ds(base, T_PER_W)], idx_v)

    def issue_in(c, b):
        row0 = base + c * K
        pltpu.async_copy(x_hbm.at[pl.ds(row0, K)], buf_x.at[b], sem_x[b])
        pltpu.async_copy(
            emb_hbm.at[idx_v.at[pl.ds(c * K, K)]], buf_e.at[b], sem_e[b])

    def wait_in(b):
        pltpu.make_async_copy(
            x_hbm.at[pl.ds(0, K)], buf_x.at[b], sem_x[b]).wait()
        pltpu.make_async_copy(
            emb_hbm.at[pl.ds(0, K)], buf_e.at[b], sem_e[b]).wait()

    def wait_out(b):
        pltpu.make_async_copy(
            buf_e.at[b], out_hbm.at[pl.ds(0, K)], sem_o[b]).wait()

    for c in range(NBUF - 1):
        issue_in(c, c)

    @pl.loop(0, CHUNKS, step=NBUF)
    def _group(cc):
        for t in range(NBUF):
            c = cc + t

            wait_in(t)

            nxt = (t + NBUF - 1) % NBUF

            @pl.when(c + NBUF - 1 < CHUNKS)
            def _prefetch():
                @pl.when(c >= 1)
                def _drain():
                    wait_out(nxt)

                issue_in(c + NBUF - 1, nxt)

            @plsc.parallel_loop(0, K, 1, unroll=1)
            def _row(r):
                for j0 in range(0, NVEC, 16):
                    vals = [
                        buf_x[t, r, pl.ds((j0 + i) * 16, 16)] for i in range(16)
                    ]
                    for i in range(16):
                        plsc.addupdate(
                            buf_e.at[t, r, pl.ds((j0 + i) * 16, 16)], vals[i])

            pltpu.async_copy(
                buf_e.at[t], out_hbm.at[pl.ds(base + c * K, K)], sem_o[t])

    for t in range(NBUF):
        wait_out(t)


def kernel(x, frames_map, embeddings):
    x2 = x.reshape(NUM_TOKENS, D_MODEL)
    idx = frames_map.reshape(NUM_TOKENS).astype(jnp.int32)
    out = _lookup_add(x2, idx, embeddings)
    return out.reshape(BATCH, SEQ, D_MODEL)

# --- scband reference (transcript-rebuilt; emitter-appended) ---
"""Pipeline reference for scband-frame-type-encoding-84722524880969 (READ-ONLY COPY).

The authoritative reference and input builder live on the scoring server;
editing this copy changes nothing except your own understanding.
"""

import jax, jax.numpy as jnp
import numpy as np

D_MODEL = 768
MAX_LEN = 8192
BATCH = 4
SEQ = 8192

def setup_inputs(seed: int = 0) -> dict:
    key = jax.random.key(seed)
    k_x, k_idx, k_emb = jax.random.split(key, 3)
    x = jax.random.normal(k_x, (BATCH, SEQ, D_MODEL), dtype=jnp.float32)
    frames_map = jax.random.randint(k_idx, (BATCH, SEQ), 0, MAX_LEN, dtype=jnp.int64)
    embeddings = jax.random.normal(k_emb, (MAX_LEN, D_MODEL), dtype=jnp.float32) * 0.02
    return {"x": x, "frames_map": frames_map, "embeddings": embeddings}

def reference(x, frames_map, embeddings):
    # x = x + self.embeddings(frames_map); dropout(p=0) is identity
    gathered = jnp.take(embeddings, frames_map, axis=0)  # [B, S, d_model]
    out = x + gathered
    return out

if __name__ == "__main__":
    import jax
    _d = setup_inputs()
    print(jax.jit(kernel)(*tuple(_d.values())))

</pallas_src>

<mosaic_0001>
#map = affine_map<(d0, d1) -> (0, 0)>
#map1 = affine_map<(d0, d1) -> (0)>
module attributes {stable_mosaic.version = 14 : i64} {
  func.func @_lookup_add(%arg0: i32, %arg1: i32, %arg2: memref<32768x768xf32, #tpu.memory_space<hbm>>, %arg3: memref<32768xi32, #tpu.memory_space<hbm>>, %arg4: memref<8192x768xf32, #tpu.memory_space<hbm>>, %arg5: memref<32768x768xf32, #tpu.memory_space<hbm>>, %arg6: memref<1024xi32, #tpu.memory_space<vmem>>, %arg7: memref<4x16x768xf32, #tpu.memory_space<vmem>>, %arg8: memref<4x16x768xf32, #tpu.memory_space<vmem>>, %arg9: memref<!tpu.dma_semaphore, #tpu.memory_space<semaphore_mem>>, %arg10: memref<!tpu.dma_semaphore, #tpu.memory_space<semaphore_mem>>, %arg11: memref<!tpu.dma_semaphore, #tpu.memory_space<semaphore_mem>>, %arg12: memref<!tpu.dma_semaphore, #tpu.memory_space<semaphore_mem>>, %arg13: memref<!tpu.dma_semaphore, #tpu.memory_space<semaphore_mem>>, %arg14: memref<!tpu.dma_semaphore, #tpu.memory_space<semaphore_mem>>, %arg15: memref<!tpu.dma_semaphore, #tpu.memory_space<semaphore_mem>>, %arg16: memref<!tpu.dma_semaphore, #tpu.memory_space<semaphore_mem>>, %arg17: memref<!tpu.dma_semaphore, #tpu.memory_space<semaphore_mem>>, %arg18: memref<!tpu.dma_semaphore, #tpu.memory_space<semaphore_mem>>, %arg19: memref<!tpu.dma_semaphore, #tpu.memory_space<semaphore_mem>>, %arg20: memref<!tpu.dma_semaphore, #tpu.memory_space<semaphore_mem>>) attributes {dimension_semantics = [#tpu.dimension_semantics<core_parallel>, #tpu.dimension_semantics<subcore_parallel>], iteration_bounds = array<i64: 2, 16>, scalar_prefetch = 0 : i64, scratch_operands = 15 : i64, tpu.core_type = #tpu.core_type<sc_vector_subcore>, window_params = [{transform_indices = #map}, {transform_indices = #map1}, {transform_indices = #map}, {transform_indices = #map}]} {
    %mul3A = arith.constant 2 : i32
    %mul3A_0 = arith.muli %arg1, %mul3A : i32
    %add3A = arith.addi %mul3A_0, %arg0 : i32
    %mul3A_1 = arith.constant 1024 : i32
    %mul3A_2 = arith.muli %add3A, %mul3A_1 : i32
    "tpu.region"() ({
      %run_scoped3A = tpu.sem_alloc : memref<!tpu.dma_semaphore, #tpu.memory_space<semaphore_mem>>
      %dma_start3A_140 = tpu.memref_slice %arg3[%mul3A_2] : memref<32768xi32, #tpu.memory_space<hbm>> -> memref<1024xi32, #tpu.memory_space<hbm>>
      %dma_start3A_141 = tpu.memref_slice %arg3[%mul3A_2] : memref<32768xi32, #tpu.memory_space<hbm>> -> memref<1024xi32, #tpu.memory_space<hbm>>
      tpu.enqueue_dma source(%dma_start3A_141 : memref<1024xi32, #tpu.memory_space<hbm>>) target(%arg6 : memref<1024xi32, #tpu.memory_space<vmem>>) target_semaphore(%run_scoped3A : memref<!tpu.dma_semaphore, #tpu.memory_space<semaphore_mem>>)
      %dma_wait3A_142 = tpu.memref_slice %arg3[%mul3A_2] : memref<32768xi32, #tpu.memory_space<hbm>> -> memref<1024xi32, #tpu.memory_space<hbm>>
      %dma_wait3A_143 = tpu.memref_slice %arg3[%mul3A_2] : memref<32768xi32, #tpu.memory_space<hbm>> -> memref<1024xi32, #tpu.memory_space<hbm>>
      tpu.wait_dma2 semaphore(%run_scoped3A : memref<!tpu.dma_semaphore, #tpu.memory_space<semaphore_mem>>) src(%dma_wait3A_143 : memref<1024xi32, #tpu.memory_space<hbm>>) dst(%arg6 : memref<1024xi32, #tpu.memory_space<vmem>>)
      tpu.yield
    }) : () -> ()
    %add3A_3 = arith.constant 0 : i32
    %add3A_4 = arith.addi %mul3A_2, %add3A_3 : i32
    %dma_start3A = arith.constant 0 : i32
    %dma_start3A_5 = arith.constant 0 : i32
    %dma_start3A_6 = arith.constant 0 : i32
    %dma_start3A_7 = tpu.memref_slice %arg8[%dma_start3A, %dma_start3A_5, %dma_start3A_6] : memref<4x16x768xf32, #tpu.memory_space<vmem>> -> memref<1x16x768xf32, #tpu.memory_space<vmem>>
    %dma_start3A_8 = tpu.memref_squeeze %dma_start3A_7 : memref<1x16x768xf32, #tpu.memory_space<vmem>> -> memref<16x768xf32, #tpu.memory_space<vmem>>
    %dma_start3A_9 = arith.constant 0 : i32
    %dma_start3A_10 = tpu.memref_slice %arg2[%add3A_4, %dma_start3A_9] : memref<32768x768xf32, #tpu.memory_space<hbm>> -> memref<16x768xf32, #tpu.memory_space<hbm>>
    %dma_start3A_11 = arith.constant 0 : i32
    %dma_start3A_12 = arith.constant 0 : i32
    %dma_start3A_13 = tpu.memref_slice %arg8[%dma_start3A, %dma_start3A_11, %dma_start3A_12] : memref<4x16x768xf32, #tpu.memory_space<vmem>> -> memref<1x16x768xf32, #tpu.memory_space<vmem>>
    %dma_start3A_14 = tpu.memref_squeeze %dma_start3A_13 : memref<1x16x768xf32, #tpu.memory_space<vmem>> -> memref<16x768xf32, #tpu.memory_space<vmem>>
    %dma_start3A_15 = arith.constant 0 : i32
    %dma_start3A_16 = tpu.memref_slice %arg2[%add3A_4, %dma_start3A_15] : memref<32768x768xf32, #tpu.memory_space<hbm>> -> memref<16x768xf32, #tpu.memory_space<hbm>>
    tpu.enqueue_dma source(%dma_start3A_16 : memref<16x768xf32, #tpu.memory_space<hbm>>) target(%dma_start3A_14 : memref<16x768xf32, #tpu.memory_space<vmem>>) target_semaphore(%arg9 : memref<!tpu.dma_semaphore, #tpu.memory_space<semaphore_mem>>)
    %dma_start3A_17 = arith.constant 0 : i32
    %dma_start3A_18 = arith.constant 0 : i32
    %dma_start3A_19 = arith.constant 0 : i32
    %dma_start3A_20 = tpu.memref_slice %arg7[%dma_start3A_17, %dma_start3A_18, %dma_start3A_19] : memref<4x16x768xf32, #tpu.memory_space<vmem>> -> memref<1x16x768xf32, #tpu.memory_space<vmem>>
    %dma_start3A_21 = tpu.memref_squeeze %dma_start3A_20 : memref<1x16x768xf32, #tpu.memory_space<vmem>> -> memref<16x768xf32, #tpu.memory_space<vmem>>
    %dma_start3A_22 = arith.constant 0 : i32
    %dma_start3A_23 = tpu.memref_slice %arg6[%dma_start3A_22] : memref<1024xi32, #tpu.memory_space<vmem>> -> memref<16xi32, #tpu.memory_space<vmem>>
    %dma_start3A_24 = arith.constant 0 : i32
    %dma_start3A_25 = arith.constant 0 : i32
    %dma_start3A_26 = tpu.memref_slice %arg4[%dma_start3A_24, %dma_start3A_25] : memref<8192x768xf32, #tpu.memory_space<hbm>> -> memref<8192x768xf32, #tpu.memory_space<hbm>>
    tpu.enqueue_indirect_dma source(%dma_start3A_26 : memref<8192x768xf32, #tpu.memory_space<hbm>>) target(%dma_start3A_21 : memref<16x768xf32, #tpu.memory_space<vmem>>) offsets(%dma_start3A_23 : memref<16xi32, #tpu.memory_space<vmem>>) semaphore(%arg13 : memref<!tpu.dma_semaphore, #tpu.memory_space<semaphore_mem>>)
    %add3A_27 = arith.constant 16 : i32
    %add3A_28 = arith.addi %mul3A_2, %add3A_27 : i32
    %dma_start3A_29 = arith.constant 1 : i32
    %dma_start3A_30 = arith.constant 0 : i32
    %dma_start3A_31 = arith.constant 0 : i32
    %dma_start3A_32 = tpu.memref_slice %arg8[%dma_start3A_29, %dma_start3A_30, %dma_start3A_31] : memref<4x16x768xf32, #tpu.memory_space<vmem>> -> memref<1x16x768xf32, #tpu.memory_space<vmem>>
    %dma_start3A_33 = tpu.memref_squeeze %dma_start3A_32 : memref<1x16x768xf32, #tpu.memory_space<vmem>> -> memref<16x768xf32, #tpu.memory_space<vmem>>
    %dma_start3A_34 = arith.constant 0 : i32
    %dma_start3A_35 = tpu.memref_slice %arg2[%add3A_28, %dma_start3A_34] : memref<32768x768xf32, #tpu.memory_space<hbm>> -> memref<16x768xf32, #tpu.memory_space<hbm>>
    %dma_start3A_36 = arith.constant 0 : i32
    %dma_start3A_37 = arith.constant 0 : i32
    %dma_start3A_38 = tpu.memref_slice %arg8[%dma_start3A_29, %dma_start3A_36, %dma_start3A_37] : memref<4x16x768xf32, #tpu.memory_space<vmem>> -> memref<1x16x768xf32, #tpu.memory_space<vmem>>
    %dma_start3A_39 = tpu.memref_squeeze %dma_start3A_38 : memref<1x16x768xf32, #tpu.memory_space<vmem>> -> memref<16x768xf32, #tpu.memory_space<vmem>>
    %dma_start3A_40 = arith.constant 0 : i32
    %dma_start3A_41 = tpu.memref_slice %arg2[%add3A_28, %dma_start3A_40] : memref<32768x768xf32, #tpu.memory_space<hbm>> -> memref<16x768xf32, #tpu.memory_space<hbm>>
    tpu.enqueue_dma source(%dma_start3A_41 : memref<16x768xf32, #tpu.memory_space<hbm>>) target(%dma_start3A_39 : memref<16x768xf32, #tpu.memory_space<vmem>>) target_semaphore(%arg10 : memref<!tpu.dma_semaphore, #tpu.memory_space<semaphore_mem>>)
    %dma_start3A_42 = arith.constant 1 : i32
    %dma_start3A_43 = arith.constant 0 : i32
    %dma_start3A_44 = arith.constant 0 : i32
    %dma_start3A_45 = tpu.memref_slice %arg7[%dma_start3A_42, %dma_start3A_43, %dma_start3A_44] : memref<4x16x768xf32, #tpu.memory_space<vmem>> -> memref<1x16x768xf32, #tpu.memory_space<vmem>>
    %dma_start3A_46 = tpu.memref_squeeze %dma_start3A_45 : memref<1x16x768xf32, #tpu.memory_space<vmem>> -> memref<16x768xf32, #tpu.memory_space<vmem>>
    %dma_start3A_47 = arith.constant 16 : i32
    %dma_start3A_48 = tpu.memref_slice %arg6[%dma_start3A_47] : memref<1024xi32, #tpu.memory_space<vmem>> -> memref<16xi32, #tpu.memory_space<vmem>>
    %dma_start3A_49 = arith.constant 0 : i32
    %dma_start3A_50 = arith.constant 0 : i32
    %dma_start3A_51 = tpu.memref_slice %arg4[%dma_start3A_49, %dma_start3A_50] : memref<8192x768xf32, #tpu.memory_space<hbm>> -> memref<8192x768xf32, #tpu.memory_space<hbm>>
    tpu.enqueue_indirect_dma source(%dma_start3A_51 : memref<8192x768xf32, #tpu.memory_space<hbm>>) target(%dma_start3A_46 : memref<16x768xf32, #tpu.memory_space<vmem>>) offsets(%dma_start3A_48 : memref<16xi32, #tpu.memory_space<vmem>>) semaphore(%arg14 : memref<!tpu.dma_semaphore, #tpu.memory_space<semaphore_mem>>)
    %add3A_52 = arith.constant 32 : i32
    %add3A_53 = arith.addi %mul3A_2, %add3A_52 : i32
    %dma_start3A_54 = arith.constant 2 : i32
    %dma_start3A_55 = arith.constant 0 : i32
    %dma_start3A_56 = arith.constant 0 : i32
    %dma_start3A_57 = tpu.memref_slice %arg8[%dma_start3A_54, %dma_start3A_55, %dma_start3A_56] : memref<4x16x768xf32, #tpu.memory_space<vmem>> -> memref<1x16x768xf32, #tpu.memory_space<vmem>>
    %dma_start3A_58 = tpu.memref_squeeze %dma_start3A_57 : memref<1x16x768xf32, #tpu.memory_space<vmem>> -> memref<16x768xf32, #tpu.memory_space<vmem>>
    %dma_start3A_59 = arith.constant 0 : i32
    %dma_start3A_60 = tpu.memref_slice %arg2[%add3A_53, %dma_start3A_59] : memref<32768x768xf32, #tpu.memory_space<hbm>> -> memref<16x768xf32, #tpu.memory_space<hbm>>
    %dma_start3A_61 = arith.constant 0 : i32
    %dma_start3A_62 = arith.constant 0 : i32
    %dma_start3A_63 = tpu.memref_slice %arg8[%dma_start3A_54, %dma_start3A_61, %dma_start3A_62] : memref<4x16x768xf32, #tpu.memory_space<vmem>> -> memref<1x16x768xf32, #tpu.memory_space<vmem>>
    %dma_start3A_64 = tpu.memref_squeeze %dma_start3A_63 : memref<1x16x768xf32, #tpu.memory_space<vmem>> -> memref<16x768xf32, #tpu.memory_space<vmem>>
    %dma_start3A_65 = arith.constant 0 : i32
    %dma_start3A_66 = tpu.memref_slice %arg2[%add3A_53, %dma_start3A_65] : memref<32768x768xf32, #tpu.memory_space<hbm>> -> memref<16x768xf32, #tpu.memory_space<hbm>>
    tpu.enqueue_dma source(%dma_start3A_66 : memref<16x768xf32, #tpu.memory_space<hbm>>) target(%dma_start3A_64 : memref<16x768xf32, #tpu.memory_space<vmem>>) target_semaphore(%arg11 : memref<!tpu.dma_semaphore, #tpu.memory_space<semaphore_mem>>)
    %dma_start3A_67 = arith.constant 2 : i32
    %dma_start3A_68 = arith.constant 0 : i32
    %dma_start3A_69 = arith.constant 0 : i32
    %dma_start3A_70 = tpu.memref_slice %arg7[%dma_start3A_67, %dma_start3A_68, %dma_start3A_69] : memref<4x16x768xf32, #tpu.memory_space<vmem>> -> memref<1x16x768xf32, #tpu.memory_space<vmem>>
    %dma_start3A_71 = tpu.memref_squeeze %dma_start3A_70 : memref<1x16x768xf32, #tpu.memory_space<vmem>> -> memref<16x768xf32, #tpu.memory_space<vmem>>
    %dma_start3A_72 = arith.constant 32 : i32
    %dma_start3A_73 = tpu.memref_slice %arg6[%dma_start3A_72] : memref<1024xi32, #tpu.memory_space<vmem>> -> memref<16xi32, #tpu.memory_space<vmem>>
    %dma_start3A_74 = arith.constant 0 : i32
    %dma_start3A_75 = arith.constant 0 : i32
    %dma_start3A_76 = tpu.memref_slice %arg4[%dma_start3A_74, %dma_start3A_75] : memref<8192x768xf32, #tpu.memory_space<hbm>> -> memref<8192x768xf32, #tpu.memory_space<hbm>>
    tpu.enqueue_indirect_dma source(%dma_start3A_76 : memref<8192x768xf32, #tpu.memory_space<hbm>>) target(%dma_start3A_71 : memref<16x768xf32, #tpu.memory_space<vmem>>) offsets(%dma_start3A_73 : memref<16xi32, #tpu.memory_space<vmem>>) semaphore(%arg15 : memref<!tpu.dma_semaphore, #tpu.memory_space<semaphore_mem>>)
    %scan3A = arith.constant 0 : i32
    %scan3A_77 = arith.constant 16 : i32
    %scan3A_78 = arith.addi %scan3A, %scan3A_77 : i32
    %scan3A_79 = arith.constant 1 : i32
    scf.for %scan3A_140 = %scan3A to %scan3A_78 step %scan3A_79  : i32 {
      %mul3A_141 = arith.constant 4 : i32
      %mul3A_142 = arith.muli %scan3A_140, %mul3A_141 : i32
      %add3A_143 = arith.constant 0 : i32
      %add3A_144 = arith.addi %add3A_143, %mul3A_142 : i32
      %add3A_145 = arith.constant 0 : i32
      %add3A_146 = arith.addi %add3A_144, %add3A_145 : i32
      %dma_wait3A_147 = arith.constant 0 : i32
      %dma_wait3A_148 = arith.constant 0 : i32
      %dma_wait3A_149 = arith.constant 0 : i32
      %dma_wait3A_150 = tpu.memref_slice %arg8[%dma_wait3A_147, %dma_wait3A_148, %dma_wait3A_149] : memref<4x16x768xf32, #tpu.memory_space<vmem>> -> memref<1x16x768xf32, #tpu.memory_space<vmem>>
      %dma_wait3A_151 = tpu.memref_squeeze %dma_wait3A_150 : memref<1x16x768xf32, #tpu.memory_space<vmem>> -> memref<16x768xf32, #tpu.memory_space<vmem>>
      %dma_wait3A_152 = arith.constant 0 : i32
      %dma_wait3A_153 = arith.constant 0 : i32
      %dma_wait3A_154 = tpu.memref_slice %arg2[%dma_wait3A_152, %dma_wait3A_153] : memref<32768x768xf32, #tpu.memory_space<hbm>> -> memref<16x768xf32, #tpu.memory_space<hbm>>
      %dma_wait3A_155 = arith.constant 0 : i32
      %dma_wait3A_156 = arith.constant 0 : i32
      %dma_wait3A_157 = tpu.memref_slice %arg8[%dma_wait3A_147, %dma_wait3A_155, %dma_wait3A_156] : memref<4x16x768xf32, #tpu.memory_space<vmem>> -> memref<1x16x768xf32, #tpu.memory_space<vmem>>
      %dma_wait3A_158 = tpu.memref_squeeze %dma_wait3A_157 : memref<1x16x768xf32, #tpu.memory_space<vmem>> -> memref<16x768xf32, #tpu.memory_space<vmem>>
      %dma_wait3A_159 = arith.constant 0 : i32
      %dma_wait3A_160 = arith.constant 0 : i32
      %dma_wait3A_161 = tpu.memref_slice %arg2[%dma_wait3A_159, %dma_wait3A_160] : memref<32768x768xf32, #tpu.memory_space<hbm>> -> memref<16x768xf32, #tpu.memory_space<hbm>>
      tpu.wait_dma2 semaphore(%arg9 : memref<!tpu.dma_semaphore, #tpu.memory_space<semaphore_mem>>) src(%dma_wait3A_161 : memref<16x768xf32, #tpu.memory_space<hbm>>) dst(%dma_wait3A_158 : memref<16x768xf32, #tpu.memory_space<vmem>>)
      %dma_wait3A_162 = arith.constant 0 : i32
      %dma_wait3A_163 = arith.constant 0 : i32
      %dma_wait3A_164 = arith.constant 0 : i32
      %dma_wait3A_165 = tpu.memref_slice %arg7[%dma_wait3A_162, %dma_wait3A_163, %dma_wait3A_164] : memref<4x16x768xf32, #tpu.memory_space<vmem>> -> memref<1x16x768xf32, #tpu.memory_space<vmem>>
      %dma_wait3A_166 = tpu.memref_squeeze %dma_wait3A_165 : memref<1x16x768xf32, #tpu.memory_space<vmem>> -> memref<16x768xf32, #tpu.memory_space<vmem>>
      %dma_wait3A_167 = arith.constant 0 : i32
      %dma_wait3A_168 = arith.constant 0 : i32
      %dma_wait3A_169 = tpu.memref_slice %arg4[%dma_wait3A_167, %dma_wait3A_168] : memref<8192x768xf32, #tpu.memory_space<hbm>> -> memref<16x768xf32, #tpu.memory_space<hbm>>
      %dma_wait3A_170 = arith.constant 0 : i32
      %dma_wait3A_171 = arith.constant 0 : i32
      %dma_wait3A_172 = tpu.memref_slice %arg7[%dma_wait3A_162, %dma_wait3A_170, %dma_wait3A_171] : memref<4x16x768xf32, #tpu.memory_space<vmem>> -> memref<1x16x768xf32, #tpu.memory_space<vmem>>
      %dma_wait3A_173 = tpu.memref_squeeze %dma_wait3A_172 : memref<1x16x768xf32, #tpu.memory_space<vmem>> -> memref<16x768xf32, #tpu.memory_space<vmem>>
      %dma_wait3A_174 = arith.constant 0 : i32
      %dma_wait3A_175 = arith.constant 0 : i32
      %dma_wait3A_176 = tpu.memref_slice %arg4[%dma_wait3A_174, %dma_wait3A_175] : memref<8192x768xf32, #tpu.memory_space<hbm>> -> memref<16x768xf32, #tpu.memory_space<hbm>>
      tpu.wait_dma2 semaphore(%arg13 : memref<!tpu.dma_semaphore, #tpu.memory_space<semaphore_mem>>) src(%dma_wait3A_176 : memref<16x768xf32, #tpu.memory_space<hbm>>) dst(%dma_wait3A_173 : memref<16x768xf32, #tpu.memory_space<vmem>>)
      %add3A_177 = arith.constant 4 : i32
      %add3A_178 = arith.addi %add3A_146, %add3A_177 : i32
      %sub3A = arith.constant 1 : i32
      %sub3A_179 = arith.subi %add3A_178, %sub3A : i32
      %lt3A = arith.constant 64 : i32
      %lt3A_180 = arith.cmpi slt, %sub3A_179, %lt3A : i32
      %convert_element_type3A = arith.extui %lt3A_180 : i1 to i32
      %cond3A = arith.constant 0 : i32
      %cond3A_181 = arith.cmpi ne, %convert_element_type3A, %cond3A : i32
      scf.if %cond3A_181 {
        %ge3A = arith.constant 1 : i32
        %ge3A_380 = arith.cmpi sge, %add3A_146, %ge3A : i32
        %convert_element_type3A_381 = arith.extui %ge3A_380 : i1 to i32
        %cond3A_382 = arith.constant 0 : i32
        %cond3A_383 = arith.cmpi ne, %convert_element_type3A_381, %cond3A_382 : i32
        scf.if %cond3A_383 {
          %dma_wait3A_415 = arith.constant 3 : i32
          %dma_wait3A_416 = arith.constant 0 : i32
          %dma_wait3A_417 = arith.constant 0 : i32
          %dma_wait3A_418 = tpu.memref_slice %arg7[%dma_wait3A_415, %dma_wait3A_416, %dma_wait3A_417] : memref<4x16x768xf32, #tpu.memory_space<vmem>> -> memref<1x16x768xf32, #tpu.memory_space<vmem>>
          %dma_wait3A_419 = tpu.memref_squeeze %dma_wait3A_418 : memref<1x16x768xf32, #tpu.memory_space<vmem>> -> memref<16x768xf32, #tpu.memory_space<vmem>>
          %dma_wait3A_420 = arith.constant 0 : i32
          %dma_wait3A_421 = arith.constant 0 : i32
          %dma_wait3A_422 = tpu.memref_slice %arg5[%dma_wait3A_420, %dma_wait3A_421] : memref<32768x768xf32, #tpu.memory_space<hbm>> -> memref<16x768xf32, #tpu.memory_space<hbm>>
          %dma_wait3A_423 = arith.constant 0 : i32
          %dma_wait3A_424 = arith.constant 0 : i32
          %dma_wait3A_425 = tpu.memref_slice %arg5[%dma_wait3A_423, %dma_wait3A_424] : memref<32768x768xf32, #tpu.memory_space<hbm>> -> memref<16x768xf32, #tpu.memory_space<hbm>>
          %dma_wait3A_426 = arith.constant 0 : i32
          %dma_wait3A_427 = arith.constant 0 : i32
          %dma_wait3A_428 = tpu.memref_slice %arg7[%dma_wait3A_415, %dma_wait3A_426, %dma_wait3A_427] : memref<4x16x768xf32, #tpu.memory_space<vmem>> -> memref<1x16x768xf32, #tpu.memory_space<vmem>>
          %dma_wait3A_429 = tpu.memref_squeeze %dma_wait3A_428 : memref<1x16x768xf32, #tpu.memory_space<vmem>> -> memref<16x768xf32, #tpu.memory_space<vmem>>
          tpu.wait_dma2 semaphore(%arg20 : memref<!tpu.dma_semaphore, #tpu.memory_space<semaphore_mem>>) src(%dma_wait3A_429 : memref<16x768xf32, #tpu.memory_space<vmem>>) dst(%dma_wait3A_425 : memref<16x768xf32, #tpu.memory_space<hbm>>)
        } else {
        }
        %add3A_384 = arith.constant 4 : i32
        %add3A_385 = arith.addi %add3A_146, %add3A_384 : i32
        %sub3A_386 = arith.constant 1 : i32
        %sub3A_387 = arith.subi %add3A_385, %sub3A_386 : i32
        %mul3A_388 = arith.constant 16 : i32
        %mul3A_389 = arith.muli %sub3A_387, %mul3A_388 : i32
        %add3A_390 = arith.addi %mul3A_2, %mul3A_389 : i32
        %dma_start3A_391 = arith.constant 3 : i32
        %dma_start3A_392 = arith.constant 0 : i32
        %dma_start3A_393 = arith.constant 0 : i32
        %dma_start3A_394 = tpu.memref_slice %arg8[%dma_start3A_391, %dma_start3A_392, %dma_start3A_393] : memref<4x16x768xf32, #tpu.memory_space<vmem>> -> memref<1x16x768xf32, #tpu.memory_space<vmem>>
        %dma_start3A_395 = tpu.memref_squeeze %dma_start3A_394 : memref<1x16x768xf32, #tpu.memory_space<vmem>> -> memref<16x768xf32, #tpu.memory_space<vmem>>
        %dma_start3A_396 = arith.constant 0 : i32
        %dma_start3A_397 = tpu.memref_slice %arg2[%add3A_390, %dma_start3A_396] : memref<32768x768xf32, #tpu.memory_space<hbm>> -> memref<16x768xf32, #tpu.memory_space<hbm>>
        %dma_start3A_398 = arith.constant 0 : i32
        %dma_start3A_399 = arith.constant 0 : i32
        %dma_start3A_400 = tpu.memref_slice %arg8[%dma_start3A_391, %dma_start3A_398, %dma_start3A_399] : memref<4x16x768xf32, #tpu.memory_space<vmem>> -> memref<1x16x768xf32, #tpu.memory_space<vmem>>
        %dma_start3A_401 = tpu.memref_squeeze %dma_start3A_400 : memref<1x16x768xf32, #tpu.memory_space<vmem>> -> memref<16x768xf32, #tpu.memory_space<vmem>>
        %dma_start3A_402 = arith.constant 0 : i32
        %dma_start3A_403 = tpu.memref_slice %arg2[%add3A_390, %dma_start3A_402] : memref<32768x768xf32, #tpu.memory_space<hbm>> -> memref<16x768xf32, #tpu.memory_space<hbm>>
        tpu.enqueue_dma source(%dma_start3A_403 : memref<16x768xf32, #tpu.memory_space<hbm>>) target(%dma_start3A_401 : memref<16x768xf32, #tpu.memory_space<vmem>>) target_semaphore(%arg12 : memref<!tpu.dma_semaphore, #tpu.memory_space<semaphore_mem>>)
        %mul3A_404 = arith.constant 16 : i32
        %mul3A_405 = arith.muli %sub3A_387, %mul3A_404 : i32
        %dma_start3A_406 = arith.constant 3 : i32
        %dma_start3A_407 = arith.constant 0 : i32
        %dma_start3A_408 = arith.constant 0 : i32
        %dma_start3A_409 = tpu.memref_slice %arg7[%dma_start3A_406, %dma_start3A_407, %dma_start3A_408] : memref<4x16x768xf32, #tpu.memory_space<vmem>> -> memref<1x16x768xf32, #tpu.memory_space<vmem>>
        %dma_start3A_410 = tpu.memref_squeeze %dma_start3A_409 : memref<1x16x768xf32, #tpu.memory_space<vmem>> -> memref<16x768xf32, #tpu.memory_space<vmem>>
        %dma_start3A_411 = tpu.memref_slice %arg6[%mul3A_405] : memref<1024xi32, #tpu.memory_space<vmem>> -> memref<16xi32, #tpu.memory_space<vmem>>
        %dma_start3A_412 = arith.constant 0 : i32
        %dma_start3A_413 = arith.constant 0 : i32
        %dma_start3A_414 = tpu.memref_slice %arg4[%dma_start3A_412, %dma_start3A_413] : memref<8192x768xf32, #tpu.memory_space<hbm>> -> memref<8192x768xf32, #tpu.memory_space<hbm>>
        tpu.enqueue_indirect_dma source(%dma_start3A_414 : memref<8192x768xf32, #tpu.memory_space<hbm>>) target(%dma_start3A_410 : memref<16x768xf32, #tpu.memory_space<vmem>>) offsets(%dma_start3A_411 : memref<16xi32, #tpu.memory_space<vmem>>) semaphore(%arg16 : memref<!tpu.dma_semaphore, #tpu.memory_space<semaphore_mem>>)
      } else {
      }
      %parallel_loop3A = arith.constant 0 : i32
      %parallel_loop3A_182 = arith.constant 16 : i32
      %parallel_loop3A_183 = arith.constant 1 : i32
      scf.for %parallel_loop3A_380 = %parallel_loop3A to %parallel_loop3A_182 step %parallel_loop3A_183  : i32 {
        %parallel_loop3A_381 = arith.constant 0 : i32
        %parallel_loop3A_382 = arith.index_cast %parallel_loop3A_381 : i32 to index
        %parallel_loop3A_383 = arith.index_cast %parallel_loop3A_380 : i32 to index
        %parallel_loop3A_384 = arith.constant 0 : index
        %parallel_loop3A_385 = tpu.vector_load %arg8[%parallel_loop3A_382, %parallel_loop3A_383, %parallel_loop3A_384] {strides = array<i32>} : memref<4x16x768xf32, #tpu.memory_space<vmem>>, vector<1x1x16xf32>,
        %parallel_loop3A_386 = vector.shape_cast %parallel_loop3A_385 : vector<1x1x16xf32> to vector<16xf32>
        %parallel_loop3A_387 = arith.constant 0 : i32
        %parallel_loop3A_388 = arith.index_cast %parallel_loop3A_387 : i32 to index
        %parallel_loop3A_389 = arith.index_cast %parallel_loop3A_380 : i32 to index
        %parallel_loop3A_390 = arith.constant 16 : index
        %parallel_loop3A_391 = tpu.vector_load %arg8[%parallel_loop3A_388, %parallel_loop3A_389, %parallel_loop3A_390] {strides = array<i32>} : memref<4x16x768xf32, #tpu.memory_space<vmem>>, vector<1x1x16xf32>,
        %parallel_loop3A_392 = vector.shape_cast %parallel_loop3A_391 : vector<1x1x16xf32> to vector<16xf32>
        %parallel_loop3A_393 = arith.constant 0 : i32
        %parallel_loop3A_394 = arith.index_cast %parallel_loop3A_393 : i32 to index
        %parallel_loop3A_395 = arith.index_cast %parallel_loop3A_380 : i32 to index
        %parallel_loop3A_396 = arith.constant 32 : index
        %parallel_loop3A_397 = tpu.vector_load %arg8[%parallel_loop3A_394, %parallel_loop3A_395, %parallel_loop3A_396] {strides = array<i32>} : memref<4x16x768xf32, #tpu.memory_space<vmem>>, vector<1x1x16xf32>,
        %parallel_loop3A_398 = vector.shape_cast %parallel_loop3A_397 : vector<1x1x16xf32> to vector<16xf32>
        %parallel_loop3A_399 = arith.constant 0 : i32
        %parallel_loop3A_400 = arith.index_cast %parallel_loop3A_399 : i32 to index
        %parallel_loop3A_401 = arith.index_cast %parallel_loop3A_380 : i32 to index
        %parallel_loop3A_402 = arith.constant 48 : index
        %parallel_loop3A_403 = tpu.vector_load %arg8[%parallel_loop3A_400, %parallel_loop3A_401, %parallel_loop3A_402] {strides = array<i32>} : memref<4x16x768xf32, #tpu.memory_space<vmem>>, vector<1x1x16xf32>,
        %parallel_loop3A_404 = vector.shape_cast %parallel_loop3A_403 : vector<1x1x16xf32> to vector<16xf32>
        %parallel_loop3A_405 = arith.constant 0 : i32
        %parallel_loop3A_406 = arith.index_cast %parallel_loop3A_405 : i32 to index
        %parallel_loop3A_407 = arith.index_cast %parallel_loop3A_380 : i32 to index
        %parallel_loop3A_408 = arith.constant 64 : index
        %parallel_loop3A_409 = tpu.vector_load %arg8[%parallel_loop3A_406, %parallel_loop3A_407, %parallel_loop3A_408] {strides = array<i32>} : memref<4x16x768xf32, #tpu.memory_space<vmem>>, vector<1x1x16xf32>,
        %parallel_loop3A_410 = vector.shape_cast %parallel_loop3A_409 : vector<1x1x16xf32> to vector<16xf32>
        %parallel_loop3A_411 = arith.constant 0 : i32
        %parallel_loop3A_412 = arith.index_cast %parallel_loop3A_411 : i32 to index
        %parallel_loop3A_413 = arith.index_cast %parallel_loop3A_380 : i32 to index
        %parallel_loop3A_414 = arith.constant 80 : index
        %parallel_loop3A_415 = tpu.vector_load %arg8[%parallel_loop3A_412, %parallel_loop3A_413, %parallel_loop3A_414] {strides = array<i32>} : memref<4x16x768xf32, #tpu.memory_space<vmem>>, vector<1x1x16xf32>,
        %parallel_loop3A_416 = vector.shape_cast %parallel_loop3A_415 : vector<1x1x16xf32> to vector<16xf32>
        %parallel_loop3A_417 = arith.constant 0 : i32
        %parallel_loop3A_418 = arith.index_cast %parallel_loop3A_417 : i32 to index
        %parallel_loop3A_419 = arith.index_cast %parallel_loop3A_380 : i32 to index
        %parallel_loop3A_420 = arith.constant 96 : index
        %parallel_loop3A_421 = tpu.vector_load %arg8[%parallel_loop3A_418, %parallel_loop3A_419, %parallel_loop3A_420] {strides = array<i32>} : memref<4x16x768xf32, #tpu.memory_space<vmem>>, vector<1x1x16xf32>,
        %parallel_loop3A_422 = vector.shape_cast %parallel_loop3A_421 : vector<1x1x16xf32> to vector<16xf32>
        %parallel_loop3A_423 = arith.constant 0 : i32
        %parallel_loop3A_424 = arith.index_cast %parallel_loop3A_423 : i32 to index
        %parallel_loop3A_425 = arith.index_cast %parallel_loop3A_380 : i32 to index
        %parallel_loop3A_426 = arith.constant 112 : index
        %parallel_loop3A_427 = tpu.vector_load %arg8[%parallel_loop3A_424, %parallel_loop3A_425, %parallel_loop3A_426] {strides = array<i32>} : memref<4x16x768xf32, #tpu.memory_space<vmem>>, vector<1x1x16xf32>,
        %parallel_loop3A_428 = vector.shape_cast %parallel_loop3A_427 : vector<1x1x16xf32> to vector<16xf32>
        %parallel_loop3A_429 = arith.constant 0 : i32
        %parallel_loop3A_430 = arith.index_cast %parallel_loop3A_429 : i32 to index
        %parallel_loop3A_431 = arith.index_cast %parallel_loop3A_380 : i32 to index
        %parallel_loop3A_432 = arith.constant 128 : index
        %parallel_loop3A_433 = tpu.vector_load %arg8[%parallel_loop3A_430, %parallel_loop3A_431, %parallel_loop3A_432] {strides = array<i32>} : memref<4x16x768xf32, #tpu.memory_space<vmem>>, vector<1x1x16xf32>,
        %parallel_loop3A_434 = vector.shape_cast %parallel_loop3A_433 : vector<1x1x16xf32> to vector<16xf32>
        %parallel_loop3A_435 = arith.constant 0 : i32
        %parallel_loop3A_436 = arith.index_cast %parallel_loop3A_435 : i32 to index
        %parallel_loop3A_437 = arith.index_cast %parallel_loop3A_380 : i32 to index
        %parallel_loop3A_438 = arith.constant 144 : index
        %parallel_loop3A_439 = tpu.vector_load %arg8[%parallel_loop3A_436, %parallel_loop3A_437, %parallel_loop3A_438] {strides = array<i32>} : memref<4x16x768xf32, #tpu.memory_space<vmem>>, vector<1x1x16xf32>,
        %parallel_loop3A_440 = vector.shape_cast %parallel_loop3A_439 : vector<1x1x16xf32> to vector<16xf32>
        %parallel_loop3A_441 = arith.constant 0 : i32
        %parallel_loop3A_442 = arith.index_cast %parallel_loop3A_441 : i32 to index
        %parallel_loop3A_443 = arith.index_cast %parallel_loop3A_380 : i32 to index
        %parallel_loop3A_444 = arith.constant 160 : index
        %parallel_loop3A_445 = tpu.vector_load %arg8[%parallel_loop3A_442, %parallel_loop3A_443, %parallel_loop3A_444] {strides = array<i32>} : memref<4x16x768xf32, #tpu.memory_space<vmem>>, vector<1x1x16xf32>,
        %parallel_loop3A_446 = vector.shape_cast %parallel_loop3A_445 : vector<1x1x16xf32> to vector<16xf32>
        %parallel_loop3A_447 = arith.constant 0 : i32
        %parallel_loop3A_448 = arith.index_cast %parallel_loop3A_447 : i32 to index
        %parallel_loop3A_449 = arith.index_cast %parallel_loop3A_380 : i32 to index
        %parallel_loop3A_450 = arith.constant 176 : index
        %parallel_loop3A_451 = tpu.vector_load %arg8[%parallel_loop3A_448, %parallel_loop3A_449, %parallel_loop3A_450] {strides = array<i32>} : memref<4x16x768xf32, #tpu.memory_space<vmem>>, vector<1x1x16xf32>,
        %parallel_loop3A_452 = vector.shape_cast %parallel_loop3A_451 : vector<1x1x16xf32> to vector<16xf32>
        %parallel_loop3A_453 = arith.constant 0 : i32
        %parallel_loop3A_454 = arith.index_cast %parallel_loop3A_453 : i32 to index
        %parallel_loop3A_455 = arith.index_cast %parallel_loop3A_380 : i32 to index
        %parallel_loop3A_456 = arith.constant 192 : index
        %parallel_loop3A_457 = tpu.vector_load %arg8[%parallel_loop3A_454, %parallel_loop3A_455, %parallel_loop3A_456] {strides = array<i32>} : memref<4x16x768xf32, #tpu.memory_space<vmem>>, vector<1x1x16xf32>,
        %parallel_loop3A_458 = vector.shape_cast %parallel_loop3A_457 : vector<1x1x16xf32> to vector<16xf32>
        %parallel_loop3A_459 = arith.constant 0 : i32
        %parallel_loop3A_460 = arith.index_cast %parallel_loop3A_459 : i32 to index
        %parallel_loop3A_461 = arith.index_cast %parallel_loop3A_380 : i32 to index
        %parallel_loop3A_462 = arith.constant 208 : index
        %parallel_loop3A_463 = tpu.vector_load %arg8[%parallel_loop3A_460, %parallel_loop3A_461, %parallel_loop3A_462] {strides = array<i32>} : memref<4x16x768xf32, #tpu.memory_space<vmem>>, vector<1x1x16xf32>,
        %parallel_loop3A_464 = vector.shape_cast %parallel_loop3A_463 : vector<1x1x16xf32> to vector<16xf32>
        %parallel_loop3A_465 = arith.constant 0 : i32
        %parallel_loop3A_466 = arith.index_cast %parallel_loop3A_465 : i32 to index
        %parallel_loop3A_467 = arith.index_cast %parallel_loop3A_380 : i32 to index
        %parallel_loop3A_468 = arith.constant 224 : index
        %parallel_loop3A_469 = tpu.vector_load %arg8[%parallel_loop3A_466, %parallel_loop3A_467, %parallel_loop3A_468] {strides = array<i32>} : memref<4x16x768xf32, #tpu.memory_space<vmem>>, vector<1x1x16xf32>,
        %parallel_loop3A_470 = vector.shape_cast %parallel_loop3A_469 : vector<1x1x16xf32> to vector<16xf32>
        %parallel_loop3A_471 = arith.constant 0 : i32
        %parallel_loop3A_472 = arith.index_cast %parallel_loop3A_471 : i32 to index
        %parallel_loop3A_473 = arith.index_cast %parallel_loop3A_380 : i32 to index
        %parallel_loop3A_474 = arith.constant 240 : index
        %parallel_loop3A_475 = tpu.vector_load %arg8[%parallel_loop3A_472, %parallel_loop3A_473, %parallel_loop3A_474] {strides = array<i32>} : memref<4x16x768xf32, #tpu.memory_space<vmem>>, vector<1x1x16xf32>,
        %parallel_loop3A_476 = vector.shape_cast %parallel_loop3A_475 : vector<1x1x16xf32> to vector<16xf32>
        %parallel_loop3A_477 = arith.constant 0 : i32
        %parallel_loop3A_478 = arith.index_cast %parallel_loop3A_477 : i32 to index
        %parallel_loop3A_479 = arith.index_cast %parallel_loop3A_380 : i32 to index
        %parallel_loop3A_480 = arith.constant 0 : index
        %parallel_loop3A_481 = tpu.vector_load %arg7[%parallel_loop3A_478, %parallel_loop3A_479, %parallel_loop3A_480] {strides = array<i32>} : memref<4x16x768xf32, #tpu.memory_space<vmem>>, vector<1x1x16xf32>,
        %parallel_loop3A_482 = vector.shape_cast %parallel_loop3A_481 : vector<1x1x16xf32> to vector<16xf32>
        %parallel_loop3A_483 = vector.shape_cast %parallel_loop3A_386 : vector<16xf32> to vector<1x1x16xf32>
        tpu.vector_store %arg7[%parallel_loop3A_478, %parallel_loop3A_479, %parallel_loop3A_480], %parallel_loop3A_483 {add = true, strides = array<i32>} : memref<4x16x768xf32, #tpu.memory_space<vmem>>, vector<1x1x16xf32>,
        %parallel_loop3A_484 = arith.constant 0 : i32
        %parallel_loop3A_485 = arith.index_cast %parallel_loop3A_484 : i32 to index
        %parallel_loop3A_486 = arith.index_cast %parallel_loop3A_380 : i32 to index
        %parallel_loop3A_487 = arith.constant 16 : index
        %parallel_loop3A_488 = tpu.vector_load %arg7[%parallel_loop3A_485, %parallel_loop3A_486, %parallel_loop3A_487] {strides = array<i32>} : memref<4x16x768xf32, #tpu.memory_space<vmem>>, vector<1x1x16xf32>,
        %parallel_loop3A_489 = vector.shape_cast %parallel_loop3A_488 : vector<1x1x16xf32> to vector<16xf32>
        %parallel_loop3A_490 = vector.shape_cast %parallel_loop3A_392 : vector<16xf32> to vector<1x1x16xf32>
        tpu.vector_store %arg7[%parallel_loop3A_485, %parallel_loop3A_486, %parallel_loop3A_487], %parallel_loop3A_490 {add = true, strides = array<i32>} : memref<4x16x768xf32, #tpu.memory_space<vmem>>, vector<1x1x16xf32>,
        %parallel_loop3A_491 = arith.constant 0 : i32
        %parallel_loop3A_492 = arith.index_cast %parallel_loop3A_491 : i32 to index
        %parallel_loop3A_493 = arith.index_cast %parallel_loop3A_380 : i32 to index
        %parallel_loop3A_494 = arith.constant 32 : index
        %parallel_loop3A_495 = tpu.vector_load %arg7[%parallel_loop3A_492, %parallel_loop3A_493, %parallel_loop3A_494] {strides = array<i32>} : memref<4x16x768xf32, #tpu.memory_space<vmem>>, vector<1x1x16xf32>,
        %parallel_loop3A_496 = vector.shape_cast %parallel_loop3A_495 : vector<1x1x16xf32> to vector<16xf32>
        %parallel_loop3A_497 = vector.shape_cast %parallel_loop3A_398 : vector<16xf32> to vector<1x1x16xf32>
        tpu.vector_store %arg7[%parallel_loop3A_492, %parallel_loop3A_493, %parallel_loop3A_494], %parallel_loop3A_497 {add = true, strides = array<i32>} : memref<4x16x768xf32, #tpu.memory_space<vmem>>, vector<1x1x16xf32>,
        %parallel_loop3A_498 = arith.constant 0 : i32
        %parallel_loop3A_499 = arith.index_cast %parallel_loop3A_498 : i32 to index
        %parallel_loop3A_500 = arith.index_cast %parallel_loop3A_380 : i32 to index
        %parallel_loop3A_501 = arith.constant 48 : index
        %parallel_loop3A_502 = tpu.vector_load %arg7[%parallel_loop3A_499, %parallel_loop3A_500, %parallel_loop3A_501] {strides = array<i32>} : memref<4x16x768xf32, #tpu.memory_space<vmem>>, vector<1x1x16xf32>,
        %parallel_loop3A_503 = vector.shape_cast %parallel_loop3A_502 : vector<1x1x16xf32> to vector<16xf32>
        %parallel_loop3A_504 = vector.shape_cast %parallel_loop3A_404 : vector<16xf32> to vector<1x1x16xf32>
        tpu.vector_store %arg7[%parallel_loop3A_499, %parallel_loop3A_500, %parallel_loop3A_501], %parallel_loop3A_504 {add = true, strides = array<i32>} : memref<4x16x768xf32, #tpu.memory_space<vmem>>, vector<1x1x16xf32>,
        %parallel_loop3A_505 = arith.constant 0 : i32
        %parallel_loop3A_506 = arith.index_cast %parallel_loop3A_505 : i32 to index
        %parallel_loop3A_507 = arith.index_cast %parallel_loop3A_380 : i32 to index
        %parallel_loop3A_508 = arith.constant 64 : index
        %parallel_loop3A_509 = tpu.vector_load %arg7[%parallel_loop3A_506, %parallel_loop3A_507, %parallel_loop3A_508] {strides = array<i32>} : memref<4x16x768xf32, #tpu.memory_space<vmem>>, vector<1x1x16xf32>,
        %parallel_loop3A_510 = vector.shape_cast %parallel_loop3A_509 : vector<1x1x16xf32> to vector<16xf32>
        %parallel_loop3A_511 = vector.shape_cast %parallel_loop3A_410 : vector<16xf32> to vector<1x1x16xf32>
        tpu.vector_store %arg7[%parallel_loop3A_506, %parallel_loop3A_507, %parallel_loop3A_508], %parallel_loop3A_511 {add = true, strides = array<i32>} : memref<4x16x768xf32, #tpu.memory_space<vmem>>, vector<1x1x16xf32>,
        %parallel_loop3A_512 = arith.constant 0 : i32
        %parallel_loop3A_513 = arith.index_cast %parallel_loop3A_512 : i32 to index
        %parallel_loop3A_514 = arith.index_cast %parallel_loop3A_380 : i32 to index
        %parallel_loop3A_515 = arith.constant 80 : index
        %parallel_loop3A_516 = tpu.vector_load %arg7[%parallel_loop3A_513, %parallel_loop3A_514, %parallel_loop3A_515] {strides = array<i32>} : memref<4x16x768xf32, #tpu.memory_space<vmem>>, vector<1x1x16xf32>,
        %parallel_loop3A_517 = vector.shape_cast %parallel_loop3A_516 : vector<1x1x16xf32> to vector<16xf32>
        %parallel_loop3A_518 = vector.shape_cast %parallel_loop3A_416 : vector<16xf32> to vector<1x1x16xf32>
        tpu.vector_store %arg7[%parallel_loop3A_513, %parallel_loop3A_514, %parallel_loop3A_515], %parallel_loop3A_518 {add = true, strides = array<i32>} : memref<4x16x768xf32, #tpu.memory_space<vmem>>, vector<1x1x16xf32>,
        %parallel_loop3A_519 = arith.constant 0 : i32
        %parallel_loop3A_520 = arith.index_cast %parallel_loop3A_519 : i32 to index
        %parallel_loop3A_521 = arith.index_cast %parallel_loop3A_380 : i32 to index
        %parallel_loop3A_522 = arith.constant 96 : index
        %parallel_loop3A_523 = tpu.vector_load %arg7[%parallel_loop3A_520, %parallel_loop3A_521, %parallel_loop3A_522] {strides = array<i32>} : memref<4x16x768xf32, #tpu.memory_space<vmem>>, vector<1x1x16xf32>,
        %parallel_loop3A_524 = vector.shape_cast %parallel_loop3A_523 : vector<1x1x16xf32> to vector<16xf32>
        %parallel_loop3A_525 = vector.shape_cast %parallel_loop3A_422 : vector<16xf32> to vector<1x1x16xf32>
        tpu.vector_store %arg7[%parallel_loop3A_520, %parallel_loop3A_521, %parallel_loop3A_522], %parallel_loop3A_525 {add = true, strides = array<i32>} : memref<4x16x768xf32, #tpu.memory_space<vmem>>, vector<1x1x16xf32>,
        %parallel_loop3A_526 = arith.constant 0 : i32
        %parallel_loop3A_527 = arith.index_cast %parallel_loop3A_526 : i32 to index
        %parallel_loop3A_528 = arith.index_cast %parallel_loop3A_380 : i32 to index
        %parallel_loop3A_529 = arith.constant 112 : index
        %parallel_loop3A_530 = tpu.vector_load %arg7[%parallel_loop3A_527, %parallel_loop3A_528, %parallel_loop3A_529] {strides = array<i32>} : memref<4x16x768xf32, #tpu.memory_space<vmem>>, vector<1x1x16xf32>,
        %parallel_loop3A_531 = vector.shape_cast %parallel_loop3A_530 : vector<1x1x16xf32> to vector<16xf32>
        %parallel_loop3A_532 = vector.shape_cast %parallel_loop3A_428 : vector<16xf32> to vector<1x1x16xf32>
        tpu.vector_store %arg7[%parallel_loop3A_527, %parallel_loop3A_528, %parallel_loop3A_529], %parallel_loop3A_532 {add = true, strides = array<i32>} : memref<4x16x768xf32, #tpu.memory_space<vmem>>, vector<1x1x16xf32>,
        %parallel_loop3A_533 = arith.constant 0 : i32
        %parallel_loop3A_534 = arith.index_cast %parallel_loop3A_533 : i32 to index
        %parallel_loop3A_535 = arith.index_cast %parallel_loop3A_380 : i32 to index
        %parallel_loop3A_536 = arith.constant 128 : index
        %parallel_loop3A_537 = tpu.vector_load %arg7[%parallel_loop3A_534, %parallel_loop3A_535, %parallel_loop3A_536] {strides = array<i32>} : memref<4x16x768xf32, #tpu.memory_space<vmem>>, vector<1x1x16xf32>,
        %parallel_loop3A_538 = vector.shape_cast %parallel_loop3A_537 : vector<1x1x16xf32> to vector<16xf32>
        %parallel_loop3A_539 = vector.shape_cast %parallel_loop3A_434 : vector<16xf32> to vector<1x1x16xf32>
        tpu.vector_store %arg7[%parallel_loop3A_534, %parallel_loop3A_535, %parallel_loop3A_536], %parallel_loop3A_539 {add = true, strides = array<i32>} : memref<4x16x768xf32, #tpu.memory_space<vmem>>, vector<1x1x16xf32>,
        %parallel_loop3A_540 = arith.constant 0 : i32
        %parallel_loop3A_541 = arith.index_cast %parallel_loop3A_540 : i32 to index
        %parallel_loop3A_542 = arith.index_cast %parallel_loop3A_380 : i32 to index
        %parallel_loop3A_543 = arith.constant 144 : index
        %parallel_loop3A_544 = tpu.vector_load %arg7[%parallel_loop3A_541, %parallel_loop3A_542, %parallel_loop3A_543] {strides = array<i32>} : memref<4x16x768xf32, #tpu.memory_space<vmem>>, vector<1x1x16xf32>,
        %parallel_loop3A_545 = vector.shape_cast %parallel_loop3A_544 : vector<1x1x16xf32> to vector<16xf32>
        %parallel_loop3A_546 = vector.shape_cast %parallel_loop3A_440 : vector<16xf32> to vector<1x1x16xf32>
        tpu.vector_store %arg7[%parallel_loop3A_541, %parallel_loop3A_542, %parallel_loop3A_543], %parallel_loop3A_546 {add = true, strides = array<i32>} : memref<4x16x768xf32, #tpu.memory_space<vmem>>, vector<1x1x16xf32>,
        %parallel_loop3A_547 = arith.constant 0 : i32
        %parallel_loop3A_548 = arith.index_cast %parallel_loop3A_547 : i32 to index
        %parallel_loop3A_549 = arith.index_cast %parallel_loop3A_380 : i32 to index
        %parallel_loop3A_550 = arith.constant 160 : index
        %parallel_loop3A_551 = tpu.vector_load %arg7[%parallel_loop3A_548, %parallel_loop3A_549, %parallel_loop3A_550] {strides = array<i32>} : memref<4x16x768xf32, #tpu.memory_space<vmem>>, vector<1x1x16xf32>,
        %parallel_loop3A_552 = vector.shape_cast %parallel_loop3A_551 : vector<1x1x16xf32> to vector<16xf32>
        %parallel_loop3A_553 = vector.shape_cast %parallel_loop3A_446 : vector<16xf32> to vector<1x1x16xf32>
        tpu.vector_store %arg7[%parallel_loop3A_548, %parallel_loop3A_549, %parallel_loop3A_550], %parallel_loop3A_553 {add = true, strides = array<i32>} : memref<4x16x768xf32, #tpu.memory_space<vmem>>, vector<1x1x16xf32>,
        %parallel_loop3A_554 = arith.constant 0 : i32
        %parallel_loop3A_555 = arith.index_cast %parallel_loop3A_554 : i32 to index
        %parallel_loop3A_556 = arith.index_cast %parallel_loop3A_380 : i32 to index
        %parallel_loop3A_557 = arith.constant 176 : index
        %parallel_loop3A_558 = tpu.vector_load %arg7[%parallel_loop3A_555, %parallel_loop3A_556, %parallel_loop3A_557] {strides = array<i32>} : memref<4x16x768xf32, #tpu.memory_space<vmem>>, vector<1x1x16xf32>,
        %parallel_loop3A_559 = vector.shape_cast %parallel_loop3A_558 : vector<1x1x16xf32> to vector<16xf32>
        %parallel_loop3A_560 = vector.shape_cast %parallel_loop3A_452 : vector<16xf32> to vector<1x1x16xf32>
        tpu.vector_store %arg7[%parallel_loop3A_555, %parallel_loop3A_556, %parallel_loop3A_557], %parallel_loop3A_560 {add = true, strides = array<i32>} : memref<4x16x768xf32, #tpu.memory_space<vmem>>, vector<1x1x16xf32>,
        %parallel_loop3A_561 = arith.constant 0 : i32
        %parallel_loop3A_562 = arith.index_cast %parallel_loop3A_561 : i32 to index
        %parallel_loop3A_563 = arith.index_cast %parallel_loop3A_380 : i32 to index
        %parallel_loop3A_564 = arith.constant 192 : index
        %parallel_loop3A_565 = tpu.vector_load %arg7[%parallel_loop3A_562, %parallel_loop3A_563, %parallel_loop3A_564] {strides = array<i32>} : memref<4x16x768xf32, #tpu.memory_space<vmem>>, vector<1x1x16xf32>,
        %parallel_loop3A_566 = vector.shape_cast %parallel_loop3A_565 : vector<1x1x16xf32> to vector<16xf32>
        %parallel_loop3A_567 = vector.shape_cast %parallel_loop3A_458 : vector<16xf32> to vector<1x1x16xf32>
        tpu.vector_store %arg7[%parallel_loop3A_562, %parallel_loop3A_563, %parallel_loop3A_564], %parallel_loop3A_567 {add = true, strides = array<i32>} : memref<4x16x768xf32, #tpu.memory_space<vmem>>, vector<1x1x16xf32>,
        %parallel_loop3A_568 = arith.constant 0 : i32
        %parallel_loop3A_569 = arith.index_cast %parallel_loop3A_568 : i32 to index
        %parallel_loop3A_570 = arith.index_cast %parallel_loop3A_380 : i32 to index
        %parallel_loop3A_571 = arith.constant 208 : index
        %parallel_loop3A_572 = tpu.vector_load %arg7[%parallel_loop3A_569, %parallel_loop3A_570, %parallel_loop3A_571] {strides = array<i32>} : memref<4x16x768xf32, #tpu.memory_space<vmem>>, vector<1x1x16xf32>,
        %parallel_loop3A_573 = vector.shape_cast %parallel_loop3A_572 : vector<1x1x16xf32> to vector<16xf32>
        %parallel_loop3A_574 = vector.shape_cast %parallel_loop3A_464 : vector<16xf32> to vector<1x1x16xf32>
        tpu.vector_store %arg7[%parallel_loop3A_569, %parallel_loop3A_570, %parallel_loop3A_571], %parallel_loop3A_574 {add = true, strides = array<i32>} : memref<4x16x768xf32, #tpu.memory_space<vmem>>, vector<1x1x16xf32>,
        %parallel_loop3A_575 = arith.constant 0 : i32
        %parallel_loop3A_576 = arith.index_cast %parallel_loop3A_575 : i32 to index
        %parallel_loop3A_577 = arith.index_cast %parallel_loop3A_380 : i32 to index
        %parallel_loop3A_578 = arith.constant 224 : index
        %parallel_loop3A_579 = tpu.vector_load %arg7[%parallel_loop3A_576, %parallel_loop3A_577, %parallel_loop3A_578] {strides = array<i32>} : memref<4x16x768xf32, #tpu.memory_space<vmem>>, vector<1x1x16xf32>,
        %parallel_loop3A_580 = vector.shape_cast %parallel_loop3A_579 : vector<1x1x16xf32> to vector<16xf32>
        %parallel_loop3A_581 = vector.shape_cast %parallel_loop3A_470 : vector<16xf32> to vector<1x1x16xf32>
        tpu.vector_store %arg7[%parallel_loop3A_576, %parallel_loop3A_577, %parallel_loop3A_578], %parallel_loop3A_581 {add = true, strides = array<i32>} : memref<4x16x768xf32, #tpu.memory_space<vmem>>, vector<1x1x16xf32>,
        %parallel_loop3A_582 = arith.constant 0 : i32
        %parallel_loop3A_583 = arith.index_cast %parallel_loop3A_582 : i32 to index
        %parallel_loop3A_584 = arith.index_cast %parallel_loop3A_380 : i32 to index
        %parallel_loop3A_585 = arith.constant 240 : index
        %parallel_loop3A_586 = tpu.vector_load %arg7[%parallel_loop3A_583, %parallel_loop3A_584, %parallel_loop3A_585] {strides = array<i32>} : memref<4x16x768xf32, #tpu.memory_space<vmem>>, vector<1x1x16xf32>,
        %parallel_loop3A_587 = vector.shape_cast %parallel_loop3A_586 : vector<1x1x16xf32> to vector<16xf32>
        %parallel_loop3A_588 = vector.shape_cast %parallel_loop3A_476 : vector<16xf32> to vector<1x1x16xf32>
        tpu.vector_store %arg7[%parallel_loop3A_583, %parallel_loop3A_584, %parallel_loop3A_585], %parallel_loop3A_588 {add = true, strides = array<i32>} : memref<4x16x768xf32, #tpu.memory_space<vmem>>, vector<1x1x16xf32>,
        %parallel_loop3A_589 = arith.constant 0 : i32
        %parallel_loop3A_590 = arith.index_cast %parallel_loop3A_589 : i32 to index
        %parallel_loop3A_591 = arith.index_cast %parallel_loop3A_380 : i32 to index
        %parallel_loop3A_592 = arith.constant 256 : index
        %parallel_loop3A_593 = tpu.vector_load %arg8[%parallel_loop3A_590, %parallel_loop3A_591, %parallel_loop3A_592] {strides = array<i32>} : memref<4x16x768xf32, #tpu.memory_space<vmem>>, vector<1x1x16xf32>,
        %parallel_loop3A_594 = vector.shape_cast %parallel_loop3A_593 : vector<1x1x16xf32> to vector<16xf32>
        %parallel_loop3A_595 = arith.constant 0 : i32
        %parallel_loop3A_596 = arith.index_cast %parallel_loop3A_595 : i32 to index
        %parallel_loop3A_597 = arith.index_cast %parallel_loop3A_380 : i32 to index
        %parallel_loop3A_598 = arith.constant 272 : index
        %parallel_loop3A_599 = tpu.vector_load %arg8[%parallel_loop3A_596, %parallel_loop3A_597, %parallel_loop3A_598] {strides = array<i32>} : memref<4x16x768xf32, #tpu.memory_space<vmem>>, vector<1x1x16xf32>,
        %parallel_loop3A_600 = vector.shape_cast %parallel_loop3A_599 : vector<1x1x16xf32> to vector<16xf32>
        %parallel_loop3A_601 = arith.constant 0 : i32
        %parallel_loop3A_602 = arith.index_cast %parallel_loop3A_601 : i32 to index
        %parallel_loop3A_603 = arith.index_cast %parallel_loop3A_380 : i32 to index
        %parallel_loop3A_604 = arith.constant 288 : index
        %parallel_loop3A_605 = tpu.vector_load %arg8[%parallel_loop3A_602, %parallel_loop3A_603, %parallel_loop3A_604] {strides = array<i32>} : memref<4x16x768xf32, #tpu.memory_space<vmem>>, vector<1x1x16xf32>,
        %parallel_loop3A_606 = vector.shape_cast %parallel_loop3A_605 : vector<1x1x16xf32> to vector<16xf32>
        %parallel_loop3A_607 = arith.constant 0 : i32
        %parallel_loop3A_608 = arith.index_cast %parallel_loop3A_607 : i32 to index
        %parallel_loop3A_609 = arith.index_cast %parallel_loop3A_380 : i32 to index
        %parallel_loop3A_610 = arith.constant 304 : index
        %parallel_loop3A_611 = tpu.vector_load %arg8[%parallel_loop3A_608, %parallel_loop3A_609, %parallel_loop3A_610] {strides = array<i32>} : memref<4x16x768xf32, #tpu.memory_space<vmem>>, vector<1x1x16xf32>,
        %parallel_loop3A_612 = vector.shape_cast %parallel_loop3A_611 : vector<1x1x16xf32> to vector<16xf32>
        %parallel_loop3A_613 = arith.constant 0 : i32
        %parallel_loop3A_614 = arith.index_cast %parallel_loop3A_613 : i32 to index
        %parallel_loop3A_615 = arith.index_cast %parallel_loop3A_380 : i32 to index
        %parallel_loop3A_616 = arith.constant 320 : index
        %parallel_loop3A_617 = tpu.vector_load %arg8[%parallel_loop3A_614, %parallel_loop3A_615, %parallel_loop3A_616] {strides = array<i32>} : memref<4x16x768xf32, #tpu.memory_space<vmem>>, vector<1x1x16xf32>,
        %parallel_loop3A_618 = vector.shape_cast %parallel_loop3A_617 : vector<1x1x16xf32> to vector<16xf32>
        %parallel_loop3A_619 = arith.constant 0 : i32
        %parallel_loop3A_620 = arith.index_cast %parallel_loop3A_619 : i32 to index
        %parallel_loop3A_621 = arith.index_cast %parallel_loop3A_380 : i32 to index
        %parallel_loop3A_622 = arith.constant 336 : index
        %parallel_loop3A_623 = tpu.vector_load %arg8[%parallel_loop3A_620, %parallel_loop3A_621, %parallel_loop3A_622] {strides = array<i32>} : memref<4x16x768xf32, #tpu.memory_space<vmem>>, vector<1x1x16xf32>,
        %parallel_loop3A_624 = vector.shape_cast %parallel_loop3A_623 : vector<1x1x16xf32> to vector<16xf32>
        %parallel_loop3A_625 = arith.constant 0 : i32
        %parallel_loop3A_626 = arith.index_cast %parallel_loop3A_625 : i32 to index
        %parallel_loop3A_627 = arith.index_cast %parallel_loop3A_380 : i32 to index
        %parallel_loop3A_628 = arith.constant 352 : index
        %parallel_loop3A_629 = tpu.vector_load %arg8[%parallel_loop3A_626, %parallel_loop3A_627, %parallel_loop3A_628] {strides = array<i32>} : memref<4x16x768xf32, #tpu.memory_space<vmem>>, vector<1x1x16xf32>,
        %parallel_loop3A_630 = vector.shape_cast %parallel_loop3A_629 : vector<1x1x16xf32> to vector<16xf32>
        %parallel_loop3A_631 = arith.constant 0 : i32
        %parallel_loop3A_632 = arith.index_cast %parallel_loop3A_631 : i32 to index
        %parallel_loop3A_633 = arith.index_cast %parallel_loop3A_380 : i32 to index
        %parallel_loop3A_634 = arith.constant 368 : index
        %parallel_loop3A_635 = tpu.vector_load %arg8[%parallel_loop3A_632, %parallel_loop3A_633, %parallel_loop3A_634] {strides = array<i32>} : memref<4x16x768xf32, #tpu.memory_space<vmem>>, vector<1x1x16xf32>,
        %parallel_loop3A_636 = vector.shape_cast %parallel_loop3A_635 : vector<1x1x16xf32> to vector<16xf32>
        %parallel_loop3A_637 = arith.constant 0 : i32
        %parallel_loop3A_638 = arith.index_cast %parallel_loop3A_637 : i32 to index
        %parallel_loop3A_639 = arith.index_cast %parallel_loop3A_380 : i32 to index
        %parallel_loop3A_640 = arith.constant 384 : index
        %parallel_loop3A_641 = tpu.vector_load %arg8[%parallel_loop3A_638, %parallel_loop3A_639, %parallel_loop3A_640] {strides = array<i32>} : memref<4x16x768xf32, #tpu.memory_space<vmem>>, vector<1x1x16xf32>,
        %parallel_loop3A_642 = vector.shape_cast %parallel_loop3A_641 : vector<1x1x16xf32> to vector<16xf32>
        %parallel_loop3A_643 = arith.constant 0 : i32
        %parallel_loop3A_644 = arith.index_cast %parallel_loop3A_643 : i32 to index
        %parallel_loop3A_645 = arith.index_cast %parallel_loop3A_380 : i32 to index
        %parallel_loop3A_646 = arith.constant 400 : index
        %parallel_loop3A_647 = tpu.vector_load %arg8[%parallel_loop3A_644, %parallel_loop3A_645, %parallel_loop3A_646] {strides = array<i32>} : memref<4x16x768xf32, #tpu.memory_space<vmem>>, vector<1x1x16xf32>,
        %parallel_loop3A_648 = vector.shape_cast %parallel_loop3A_647 : vector<1x1x16xf32> to vector<16xf32>
        %parallel_loop3A_649 = arith.constant 0 : i32
        %parallel_loop3A_650 = arith.index_cast %parallel_loop3A_649 : i32 to index
        %parallel_loop3A_651 = arith.index_cast %parallel_loop3A_380 : i32 to index
        %parallel_loop3A_652 = arith.constant 416 : index
        %parallel_loop3A_653 = tpu.vector_load %arg8[%parallel_loop3A_650, %parallel_loop3A_651, %parallel_loop3A_652] {strides = array<i32>} : memref<4x16x768xf32, #tpu.memory_space<vmem>>, vector<1x1x16xf32>,
        %parallel_loop3A_654 = vector.shape_cast %parallel_loop3A_653 : vector<1x1x16xf32> to vector<16xf32>
        %parallel_loop3A_655 = arith.constant 0 : i32
        %parallel_loop3A_656 = arith.index_cast %parallel_loop3A_655 : i32 to index
        %parallel_loop3A_657 = arith.index_cast %parallel_loop3A_380 : i32 to index
        %parallel_loop3A_658 = arith.constant 432 : index
        %parallel_loop3A_659 = tpu.vector_load %arg8[%parallel_loop3A_656, %parallel_loop3A_657, %parallel_loop3A_658] {strides = array<i32>} : memref<4x16x768xf32, #tpu.memory_space<vmem>>, vector<1x1x16xf32>,
        %parallel_loop3A_660 = vector.shape_cast %parallel_loop3A_659 : vector<1x1x16xf32> to vector<16xf32>
        %parallel_loop3A_661 = arith.constant 0 : i32
        %parallel_loop3A_662 = arith.index_cast %parallel_loop3A_661 : i32 to index
        %parallel_loop3A_663 = arith.index_cast %parallel_loop3A_380 : i32 to index
        %parallel_loop3A_664 = arith.constant 448 : index
        %parallel_loop3A_665 = tpu.vector_load %arg8[%parallel_loop3A_662, %parallel_loop3A_663, %parallel_loop3A_664] {strides = array<i32>} : memref<4x16x768xf32, #tpu.memory_space<vmem>>, vector<1x1x16xf32>,
        %parallel_loop3A_666 = vector.shape_cast %parallel_loop3A_665 : vector<1x1x16xf32> to vector<16xf32>
        %parallel_loop3A_667 = arith.constant 0 : i32
        %parallel_loop3A_668 = arith.index_cast %parallel_loop3A_667 : i32 to index
        %parallel_loop3A_669 = arith.index_cast %parallel_loop3A_380 : i32 to index
        %parallel_loop3A_670 = arith.constant 464 : index
        %parallel_loop3A_671 = tpu.vector_load %arg8[%parallel_loop3A_668, %parallel_loop3A_669, %parallel_loop3A_670] {strides = array<i32>} : memref<4x16x768xf32, #tpu.memory_space<vmem>>, vector<1x1x16xf32>,
        %parallel_loop3A_672 = vector.shape_cast %parallel_loop3A_671 : vector<1x1x16xf32> to vector<16xf32>
        %parallel_loop3A_673 = arith.constant 0 : i32
        %parallel_loop3A_674 = arith.index_cast %parallel_loop3A_673 : i32 to index
        %parallel_loop3A_675 = arith.index_cast %parallel_loop3A_380 : i32 to index
        %parallel_loop3A_676 = arith.constant 480 : index
        %parallel_loop3A_677 = tpu.vector_load %arg8[%parallel_loop3A_674, %parallel_loop3A_675, %parallel_loop3A_676] {strides = array<i32>} : memref<4x16x768xf32, #tpu.memory_space<vmem>>, vector<1x1x16xf32>,
        %parallel_loop3A_678 = vector.shape_cast %parallel_loop3A_677 : vector<1x1x16xf32> to vector<16xf32>
        %parallel_loop3A_679 = arith.constant 0 : i32
        %parallel_loop3A_680 = arith.index_cast %parallel_loop3A_679 : i32 to index
        %parallel_loop3A_681 = arith.index_cast %parallel_loop3A_380 : i32 to index
        %parallel_loop3A_682 = arith.constant 496 : index
        %parallel_loop3A_683 = tpu.vector_load %arg8[%parallel_loop3A_680, %parallel_loop3A_681, %parallel_loop3A_682] {strides = array<i32>} : memref<4x16x768xf32, #tpu.memory_space<vmem>>, vector<1x1x16xf32>,
        %parallel_loop3A_684 = vector.shape_cast %parallel_loop3A_683 : vector<1x1x16xf32> to vector<16xf32>
        %parallel_loop3A_685 = arith.constant 0 : i32
        %parallel_loop3A_686 = arith.index_cast %parallel_loop3A_685 : i32 to index
        %parallel_loop3A_687 = arith.index_cast %parallel_loop3A_380 : i32 to index
        %parallel_loop3A_688 = arith.constant 256 : index
        %parallel_loop3A_689 = tpu.vector_load %arg7[%parallel_loop3A_686, %parallel_loop3A_687, %parallel_loop3A_688] {strides = array<i32>} : memref<4x16x768xf32, #tpu.memory_space<vmem>>, vector<1x1x16xf32>,
        %parallel_loop3A_690 = vector.shape_cast %parallel_loop3A_689 : vector<1x1x16xf32> to vector<16xf32>
        %parallel_loop3A_691 = vector.shape_cast %parallel_loop3A_594 : vector<16xf32> to vector<1x1x16xf32>
        tpu.vector_store %arg7[%parallel_loop3A_686, %parallel_loop3A_687, %parallel_loop3A_688], %parallel_loop3A_691 {add = true, strides = array<i32>} : memref<4x16x768xf32, #tpu.memory_space<vmem>>, vector<1x1x16xf32>,
        %parallel_loop3A_692 = arith.constant 0 : i32
        %parallel_loop3A_693 = arith.index_cast %parallel_loop3A_692 : i32 to index
        %parallel_loop3A_694 = arith.index_cast %parallel_loop3A_380 : i32 to index
        %parallel_loop3A_695 = arith.constant 272 : index
        %parallel_loop3A_696 = tpu.vector_load %arg7[%parallel_loop3A_693, %parallel_loop3A_694, %parallel_loop3A_695] {strides = array<i32>} : memref<4x16x768xf32, #tpu.memory_space<vmem>>, vector<1x1x16xf32>,
        %parallel_loop3A_697 = vector.shape_cast %parallel_loop3A_696 : vector<1x1x16xf32> to vector<16xf32>
        %parallel_loop3A_698 = vector.shape_cast %parallel_loop3A_600 : vector<16xf32> to vector<1x1x16xf32>
        tpu.vector_store %arg7[%parallel_loop3A_693, %parallel_loop3A_694, %parallel_loop3A_695], %parallel_loop3A_698 {add = true, strides = array<i32>} : memref<4x16x768xf32, #tpu.memory_space<vmem>>, vector<1x1x16xf32>,
        %parallel_loop3A_699 = arith.constant 0 : i32
        %parallel_loop3A_700 = arith.index_cast %parallel_loop3A_699 : i32 to index
        %parallel_loop3A_701 = arith.index_cast %parallel_loop3A_380 : i32 to index
        %parallel_loop3A_702 = arith.constant 288 : index
        %parallel_loop3A_703 = tpu.vector_load %arg7[%parallel_loop3A_700, %parallel_loop3A_701, %parallel_loop3A_702] {strides = array<i32>} : memref<4x16x768xf32, #tpu.memory_space<vmem>>, vector<1x1x16xf32>,
        %parallel_loop3A_704 = vector.shape_cast %parallel_loop3A_703 : vector<1x1x16xf32> to vector<16xf32>
        %parallel_loop3A_705 = vector.shape_cast %parallel_loop3A_606 : vector<16xf32> to vector<1x1x16xf32>
        tpu.vector_store %arg7[%parallel_loop3A_700, %parallel_loop3A_701, %parallel_loop3A_702], %parallel_loop3A_705 {add = true, strides = array<i32>} : memref<4x16x768xf32, #tpu.memory_space<vmem>>, vector<1x1x16xf32>,
        %parallel_loop3A_706 = arith.constant 0 : i32
        %parallel_loop3A_707 = arith.index_cast %parallel_loop3A_706 : i32 to index
        %parallel_loop3A_708 = arith.index_cast %parallel_loop3A_380 : i32 to index
        %parallel_loop3A_709 = arith.constant 304 : index
        %parallel_loop3A_710 = tpu.vector_load %arg7[%parallel_loop3A_707, %parallel_loop3A_708, %parallel_loop3A_709] {strides = array<i32>} : memref<4x16x768xf32, #tpu.memory_space<vmem>>, vector<1x1x16xf32>,
        %parallel_loop3A_711 = vector.shape_cast %parallel_loop3A_710 : vector<1x1x16xf32> to vector<16xf32>
        %parallel_loop3A_712 = vector.shape_cast %parallel_loop3A_612 : vector<16xf32> to vector<1x1x16xf32>
        tpu.vector_store %arg7[%parallel_loop3A_707, %parallel_loop3A_708, %parallel_loop3A_709], %parallel_loop3A_712 {add = true, strides = array<i32>} : memref<4x16x768xf32, #tpu.memory_space<vmem>>, vector<1x1x16xf32>,
        %parallel_loop3A_713 = arith.constant 0 : i32
        %parallel_loop3A_714 = arith.index_cast %parallel_loop3A_713 : i32 to index
        %parallel_loop3A_715 = arith.index_cast %parallel_loop3A_380 : i32 to index
        %parallel_loop3A_716 = arith.constant 320 : index
        %parallel_loop3A_717 = tpu.vector_load %arg7[%parallel_loop3A_714, %parallel_loop3A_715, %parallel_loop3A_716] {strides = array<i32>} : memref<4x16x768xf32, #tpu.memory_space<vmem>>, vector<1x1x16xf32>,
        %parallel_loop3A_718 = vector.shape_cast %parallel_loop3A_717 : vector<1x1x16xf32> to vector<16xf32>
        %parallel_loop3A_719 = vector.shape_cast %parallel_loop3A_618 : vector<16xf32> to vector<1x1x16xf32>
        tpu.vector_store %arg7[%parallel_loop3A_714, %parallel_loop3A_715, %parallel_loop3A_716], %parallel_loop3A_719 {add = true, strides = array<i32>} : memref<4x16x768xf32, #tpu.memory_space<vmem>>, vector<1x1x16xf32>,
        %parallel_loop3A_720 = arith.constant 0 : i32
        %parallel_loop3A_721 = arith.index_cast %parallel_loop3A_720 : i32 to index
        %parallel_loop3A_722 = arith.index_cast %parallel_loop3A_380 : i32 to index
        %parallel_loop3A_723 = arith.constant 336 : index
        %parallel_loop3A_724 = tpu.vector_load %arg7[%parallel_loop3A_721, %parallel_loop3A_722, %parallel_loop3A_723] {strides = array<i32>} : memref<4x16x768xf32, #tpu.memory_space<vmem>>, vector<1x1x16xf32>,
        %parallel_loop3A_725 = vector.shape_cast %parallel_loop3A_724 : vector<1x1x16xf32> to vector<16xf32>
        %parallel_loop3A_726 = vector.shape_cast %parallel_loop3A_624 : vector<16xf32> to vector<1x1x16xf32>
        tpu.vector_store %arg7[%parallel_loop3A_721, %parallel_loop3A_722, %parallel_loop3A_723], %parallel_loop3A_726 {add = true, strides = array<i32>} : memref<4x16x768xf32, #tpu.memory_space<vmem>>, vector<1x1x16xf32>,
        %parallel_loop3A_727 = arith.constant 0 : i32
        %parallel_loop3A_728 = arith.index_cast %parallel_loop3A_727 : i32 to index
        %parallel_loop3A_729 = arith.index_cast %parallel_loop3A_380 : i32 to index
        %parallel_loop3A_730 = arith.constant 352 : index
        %parallel_loop3A_731 = tpu.vector_load %arg7[%parallel_loop3A_728, %parallel_loop3A_729, %parallel_loop3A_730] {strides = array<i32>} : memref<4x16x768xf32, #tpu.memory_space<vmem>>, vector<1x1x16xf32>,
        %parallel_loop3A_732 = vector.shape_cast %parallel_loop3A_731 : vector<1x1x16xf32> to vector<16xf32>
        %parallel_loop3A_733 = vector.shape_cast %parallel_loop3A_630 : vector<16xf32> to vector<1x1x16xf32>
        tpu.vector_store %arg7[%parallel_loop3A_728, %parallel_loop3A_729, %parallel_loop3A_730], %parallel_loop3A_733 {add = true, strides = array<i32>} : memref<4x16x768xf32, #tpu.memory_space<vmem>>, vector<1x1x16xf32>,
        %parallel_loop3A_734 = arith.constant 0 : i32
        %parallel_loop3A_735 = arith.index_cast %parallel_loop3A_734 : i32 to index
        %parallel_loop3A_736 = arith.index_cast %parallel_loop3A_380 : i32 to index
        %parallel_loop3A_737 = arith.constant 368 : index
        %parallel_loop3A_738 = tpu.vector_load %arg7[%parallel_loop3A_735, %parallel_loop3A_736, %parallel_loop3A_737] {strides = array<i32>} : memref<4x16x768xf32, #tpu.memory_space<vmem>>, vector<1x1x16xf32>,
        %parallel_loop3A_739 = vector.shape_cast %parallel_loop3A_738 : vector<1x1x16xf32> to vector<16xf32>
        %parallel_loop3A_740 = vector.shape_cast %parallel_loop3A_636 : vector<16xf32> to vector<1x1x16xf32>
        tpu.vector_store %arg7[%parallel_loop3A_735, %parallel_loop3A_736, %parallel_loop3A_737], %parallel_loop3A_740 {add = true, strides = array<i32>} : memref<4x16x768xf32, #tpu.memory_space<vmem>>, vector<1x1x16xf32>,
        %parallel_loop3A_741 = arith.constant 0 : i32
        %parallel_loop3A_742 = arith.index_cast %parallel_loop3A_741 : i32 to index
        %parallel_loop3A_743 = arith.index_cast %parallel_loop3A_380 : i32 to index
        %parallel_loop3A_744 = arith.constant 384 : index
        %parallel_loop3A_745 = tpu.vector_load %arg7[%parallel_loop3A_742, %parallel_loop3A_743, %parallel_loop3A_744] {strides = array<i32>} : memref<4x16x768xf32, #tpu.memory_space<vmem>>, vector<1x1x16xf32>,
        %parallel_loop3A_746 = vector.shape_cast %parallel_loop3A_745 : vector<1x1x16xf32> to vector<16xf32>
        %parallel_loop3A_747 = vector.shape_cast %parallel_loop3A_642 : vector<16xf32> to vector<1x1x16xf32>
        tpu.vector_store %arg7[%parallel_loop3A_742, %parallel_loop3A_743, %parallel_loop3A_744], %parallel_loop3A_747 {add = true, strides = array<i32>} : memref<4x16x768xf32, #tpu.memory_space<vmem>>, vector<1x1x16xf32>,
        %parallel_loop3A_748 = arith.constant 0 : i32
        %parallel_loop3A_749 = arith.index_cast %parallel_loop3A_748 : i32 to index
        %parallel_loop3A_750 = arith.index_cast %parallel_loop3A_380 : i32 to index
        %parallel_loop3A_751 = arith.constant 400 : index
        %parallel_loop3A_752 = tpu.vector_load %arg7[%parallel_loop3A_749, %parallel_loop3A_750, %parallel_loop3A_751] {strides = array<i32>} : memref<4x16x768xf32, #tpu.memory_space<vmem>>, vector<1x1x16xf32>,
        %parallel_loop3A_753 = vector.shape_cast %parallel_loop3A_752 : vector<1x1x16xf32> to vector<16xf32>
        %parallel_loop3A_754 = vector.shape_cast %parallel_loop3A_648 : vector<16xf32> to vector<1x1x16xf32>
        tpu.vector_store %arg7[%parallel_loop3A_749, %parallel_loop3A_750, %parallel_loop3A_751], %parallel_loop3A_754 {add = true, strides = array<i32>} : memref<4x16x768xf32, #tpu.memory_space<vmem>>, vector<1x1x16xf32>,
        %parallel_loop3A_755 = arith.constant 0 : i32
        %parallel_loop3A_756 = arith.index_cast %parallel_loop3A_755 : i32 to index
        %parallel_loop3A_757 = arith.index_cast %parallel_loop3A_380 : i32 to index
        %parallel_loop3A_758 = arith.constant 416 : index
        %parallel_loop3A_759 = tpu.vector_load %arg7[%parallel_loop3A_756, %parallel_loop3A_757, %parallel_loop3A_758] {strides = array<i32>} : memref<4x16x768xf32, #tpu.memory_space<vmem>>, vector<1x1x16xf32>,
        %parallel_loop3A_760 = vector.shape_cast %parallel_loop3A_759 : vector<1x1x16xf32> to vector<16xf32>
        %parallel_loop3A_761 = vector.shape_cast %parallel_loop3A_654 : vector<16xf32> to vector<1x1x16xf32>
        tpu.vector_store %arg7[%parallel_loop3A_756, %parallel_loop3A_757, %parallel_loop3A_758], %parallel_loop3A_761 {add = true, strides = array<i32>} : memref<4x16x768xf32, #tpu.memory_space<vmem>>, vector<1x1x16xf32>,
        %parallel_loop3A_762 = arith.constant 0 : i32
        %parallel_loop3A_763 = arith.index_cast %parallel_loop3A_762 : i32 to index
        %parallel_loop3A_764 = arith.index_cast %parallel_loop3A_380 : i32 to index
        %parallel_loop3A_765 = arith.constant 432 : index
        %parallel_loop3A_766 = tpu.vector_load %arg7[%parallel_loop3A_763, %parallel_loop3A_764, %parallel_loop3A_765] {strides = array<i32>} : memref<4x16x768xf32, #tpu.memory_space<vmem>>, vector<1x1x16xf32>,
        %parallel_loop3A_767 = vector.shape_cast %parallel_loop3A_766 : vector<1x1x16xf32> to vector<16xf32>
        %parallel_loop3A_768 = vector.shape_cast %parallel_loop3A_660 : vector<16xf32> to vector<1x1x16xf32>
        tpu.vector_store %arg7[%parallel_loop3A_763, %parallel_loop3A_764, %parallel_loop3A_765], %parallel_loop3A_768 {add = true, strides = array<i32>} : memref<4x16x768xf32, #tpu.memory_space<vmem>>, vector<1x1x16xf32>,
        %parallel_loop3A_769 = arith.constant 0 : i32
        %parallel_loop3A_770 = arith.index_cast %parallel_loop3A_769 : i32 to index
        %parallel_loop3A_771 = arith.index_cast %parallel_loop3A_380 : i32 to index
        %parallel_loop3A_772 = arith.constant 448 : index
        %parallel_loop3A_773 = tpu.vector_load %arg7[%parallel_loop3A_770, %parallel_loop3A_771, %parallel_loop3A_772] {strides = array<i32>} : memref<4x16x768xf32, #tpu.memory_space<vmem>>, vector<1x1x16xf32>,
        %parallel_loop3A_774 = vector.shape_cast %parallel_loop3A_773 : vector<1x1x16xf32> to vector<16xf32>
        %parallel_loop3A_775 = vector.shape_cast %parallel_loop3A_666 : vector<16xf32> to vector<1x1x16xf32>
        tpu.vector_store %arg7[%parallel_loop3A_770, %parallel_loop3A_771, %parallel_loop3A_772], %parallel_loop3A_775 {add = true, strides = array<i32>} : memref<4x16x768xf32, #tpu.memory_space<vmem>>, vector<1x1x16xf32>,
        %parallel_loop3A_776 = arith.constant 0 : i32
        %parallel_loop3A_777 = arith.index_cast %parallel_loop3A_776 : i32 to index
        %parallel_loop3A_778 = arith.index_cast %parallel_loop3A_380 : i32 to index
        %parallel_loop3A_779 = arith.constant 464 : index
        %parallel_loop3A_780 = tpu.vector_load %arg7[%parallel_loop3A_777, %parallel_loop3A_778, %parallel_loop3A_779] {strides = array<i32>} : memref<4x16x768xf32, #tpu.memory_space<vmem>>, vector<1x1x16xf32>,
        %parallel_loop3A_781 = vector.shape_cast %parallel_loop3A_780 : vector<1x1x16xf32> to vector<16xf32>
        %parallel_loop3A_782 = vector.shape_cast %parallel_loop3A_672 : vector<16xf32> to vector<1x1x16xf32>
        tpu.vector_store %arg7[%parallel_loop3A_777, %parallel_loop3A_778, %parallel_loop3A_779], %parallel_loop3A_782 {add = true, strides = array<i32>} : memref<4x16x768xf32, #tpu.memory_space<vmem>>, vector<1x1x16xf32>,
        %parallel_loop3A_783 = arith.constant 0 : i32
        %parallel_loop3A_784 = arith.index_cast %parallel_loop3A_783 : i32 to index
        %parallel_loop3A_785 = arith.index_cast %parallel_loop3A_380 : i32 to index
        %parallel_loop3A_786 = arith.constant 480 : index
        %parallel_loop3A_787 = tpu.vector_load %arg7[%parallel_loop3A_784, %parallel_loop3A_785, %parallel_loop3A_786] {strides = array<i32>} : memref<4x16x768xf32, #tpu.memory_space<vmem>>, vector<1x1x16xf32>,
        %parallel_loop3A_788 = vector.shape_cast %parallel_loop3A_787 : vector<1x1x16xf32> to vector<16xf32>
        %parallel_loop3A_789 = vector.shape_cast %parallel_loop3A_678 : vector<16xf32> to vector<1x1x16xf32>
        tpu.vector_store %arg7[%parallel_loop3A_784, %parallel_loop3A_785, %parallel_loop3A_786], %parallel_loop3A_789 {add = true, strides = array<i32>} : memref<4x16x768xf32, #tpu.memory_space<vmem>>, vector<1x1x16xf32>,
        %parallel_loop3A_790 = arith.constant 0 : i32
        %parallel_loop3A_791 = arith.index_cast %parallel_loop3A_790 : i32 to index
        %parallel_loop3A_792 = arith.index_cast %parallel_loop3A_380 : i32 to index
        %parallel_loop3A_793 = arith.constant 496 : index
        %parallel_loop3A_794 = tpu.vector_load %arg7[%parallel_loop3A_791, %parallel_loop3A_792, %parallel_loop3A_793] {strides = array<i32>} : memref<4x16x768xf32, #tpu.memory_space<vmem>>, vector<1x1x16xf32>,
        %parallel_loop3A_795 = vector.shape_cast %parallel_loop3A_794 : vector<1x1x16xf32> to vector<16xf32>
        %parallel_loop3A_796 = vector.shape_cast %parallel_loop3A_684 : vector<16xf32> to vector<1x1x16xf32>
        tpu.vector_store %arg7[%parallel_loop3A_791, %parallel_loop3A_792, %parallel_loop3A_793], %parallel_loop3A_796 {add = true, strides = array<i32>} : memref<4x16x768xf32, #tpu.memory_space<vmem>>, vector<1x1x16xf32>,
        %parallel_loop3A_797 = arith.constant 0 : i32
        %parallel_loop3A_798 = arith.index_cast %parallel_loop3A_797 : i32 to index
        %parallel_loop3A_799 = arith.index_cast %parallel_loop3A_380 : i32 to index
        %parallel_loop3A_800 = arith.constant 512 : index
        %parallel_loop3A_801 = tpu.vector_load %arg8[%parallel_loop3A_798, %parallel_loop3A_799, %parallel_loop3A_800] {strides = array<i32>} : memref<4x16x768xf32, #tpu.memory_space<vmem>>, vector<1x1x16xf32>,
        %parallel_loop3A_802 = vector.shape_cast %parallel_loop3A_801 : vector<1x1x16xf32> to vector<16xf32>
        %parallel_loop3A_803 = arith.constant 0 : i32
        %parallel_loop3A_804 = arith.index_cast %parallel_loop3A_803 : i32 to index
        %parallel_loop3A_805 = arith.index_cast %parallel_loop3A_380 : i32 to index
        %parallel_loop3A_806 = arith.constant 528 : index
        %parallel_loop3A_807 = tpu.vector_load %arg8[%parallel_loop3A_804, %parallel_loop3A_805, %parallel_loop3A_806] {strides = array<i32>} : memref<4x16x768xf32, #tpu.memory_space<vmem>>, vector<1x1x16xf32>,
        %parallel_loop3A_808 = vector.shape_cast %parallel_loop3A_807 : vector<1x1x16xf32> to vector<16xf32>
        %parallel_loop3A_809 = arith.constant 0 : i32
        %parallel_loop3A_810 = arith.index_cast %parallel_loop3A_809 : i32 to index
        %parallel_loop3A_811 = arith.index_cast %parallel_loop3A_380 : i32 to index
        %parallel_loop3A_812 = arith.constant 544 : index
        %parallel_loop3A_813 = tpu.vector_load %arg8[%parallel_loop3A_810, %parallel_loop3A_811, %parallel_loop3A_812] {strides = array<i32>} : memref<4x16x768xf32, #tpu.memory_space<vmem>>, vector<1x1x16xf32>,
        %parallel_loop3A_814 = vector.shape_cast %parallel_loop3A_813 : vector<1x1x16xf32> to vector<16xf32>
        %parallel_loop3A_815 = arith.constant 0 : i32
        %parallel_loop3A_816 = arith.index_cast %parallel_loop3A_815 : i32 to index
        %parallel_loop3A_817 = arith.index_cast %parallel_loop3A_380 : i32 to index
        %parallel_loop3A_818 = arith.constant 560 : index
        %parallel_loop3A_819 = tpu.vector_load %arg8[%parallel_loop3A_816, %parallel_loop3A_817, %parallel_loop3A_818] {strides = array<i32>} : memref<4x16x768xf32, #tpu.memory_space<vmem>>, vector<1x1x16xf32>,
        %parallel_loop3A_820 = vector.shape_cast %parallel_loop3A_819 : vector<1x1x16xf32> to vector<16xf32>
        %parallel_loop3A_821 = arith.constant 0 : i32
        %parallel_loop3A_822 = arith.index_cast %parallel_loop3A_821 : i32 to index
        %parallel_loop3A_823 = arith.index_cast %parallel_loop3A_380 : i32 to index
        %parallel_loop3A_824 = arith.constant 576 : index
        %parallel_loop3A_825 = tpu.vector_load %arg8[%parallel_loop3A_822, %parallel_loop3A_823, %parallel_loop3A_824] {strides = array<i32>} : memref<4x16x768xf32, #tpu.memory_space<vmem>>, vector<1x1x16xf32>,
        %parallel_loop3A_826 = vector.shape_cast %parallel_loop3A_825 : vector<1x1x16xf32> to vector<16xf32>
        %parallel_loop3A_827 = arith.constant 0 : i32
        %parallel_loop3A_828 = arith.index_cast %parallel_loop3A_827 : i32 to index
        %parallel_loop3A_829 = arith.index_cast %parallel_loop3A_380 : i32 to index
        %parallel_loop3A_830 = arith.constant 592 : index
        %parallel_loop3A_831 = tpu.vector_load %arg8[%parallel_loop3A_828, %parallel_loop3A_829, %parallel_loop3A_830] {strides = array<i32>} : memref<4x16x768xf32, #tpu.memory_space<vmem>>, vector<1x1x16xf32>,
        %parallel_loop3A_832 = vector.shape_cast %parallel_loop3A_831 : vector<1x1x16xf32> to vector<16xf32>
        %parallel_loop3A_833 = arith.constant 0 : i32
        %parallel_loop3A_834 = arith.index_cast %parallel_loop3A_833 : i32 to index
        %parallel_loop3A_835 = arith.index_cast %parallel_loop3A_380 : i32 to index
        %parallel_loop3A_836 = arith.constant 608 : index
        %parallel_loop3A_837 = tpu.vector_load %arg8[%parallel_loop3A_834, %parallel_loop3A_835, %parallel_loop3A_836] {strides = array<i32>} : memref<4x16x768xf32, #tpu.memory_space<vmem>>, vector<1x1x16xf32>,
        %parallel_loop3A_838 = vector.shape_cast %parallel_loop3A_837 : vector<1x1x16xf32> to vector<16xf32>
        %parallel_loop3A_839 = arith.constant 0 : i32
        %parallel_loop3A_840 = arith.index_cast %parallel_loop3A_839 : i32 to index
        %parallel_loop3A_841 = arith.index_cast %parallel_loop3A_380 : i32 to index
        %parallel_loop3A_842 = arith.constant 624 : index
        %parallel_loop3A_843 = tpu.vector_load %arg8[%parallel_loop3A_840, %parallel_loop3A_841, %parallel_loop3A_842] {strides = array<i32>} : memref<4x16x768xf32, #tpu.memory_space<vmem>>, vector<1x1x16xf32>,
        %parallel_loop3A_844 = vector.shape_cast %parallel_loop3A_843 : vector<1x1x16xf32> to vector<16xf32>
        %parallel_loop3A_845 = arith.constant 0 : i32
        %parallel_loop3A_846 = arith.index_cast %parallel_loop3A_845 : i32 to index
        %parallel_loop3A_847 = arith.index_cast %parallel_loop3A_380 : i32 to index
        %parallel_loop3A_848 = arith.constant 640 : index
        %parallel_loop3A_849 = tpu.vector_load %arg8[%parallel_loop3A_846, %parallel_loop3A_847, %parallel_loop3A_848] {strides = array<i32>} : memref<4x16x768xf32, #tpu.memory_space<vmem>>, vector<1x1x16xf32>,
        %parallel_loop3A_850 = vector.shape_cast %parallel_loop3A_849 : vector<1x1x16xf32> to vector<16xf32>
        %parallel_loop3A_851 = arith.constant 0 : i32
        %parallel_loop3A_852 = arith.index_cast %parallel_loop3A_851 : i32 to index
        %parallel_loop3A_853 = arith.index_cast %parallel_loop3A_380 : i32 to index
        %parallel_loop3A_854 = arith.constant 656 : index
        %parallel_loop3A_855 = tpu.vector_load %arg8[%parallel_loop3A_852, %parallel_loop3A_853, %parallel_loop3A_854] {strides = array<i32>} : memref<4x16x768xf32, #tpu.memory_space<vmem>>, vector<1x1x16xf32>,
        %parallel_loop3A_856 = vector.shape_cast %parallel_loop3A_855 : vector<1x1x16xf32> to vector<16xf32>
        %parallel_loop3A_857 = arith.constant 0 : i32
        %parallel_loop3A_858 = arith.index_cast %parallel_loop3A_857 : i32 to index
        %parallel_loop3A_859 = arith.index_cast %parallel_loop3A_380 : i32 to index
        %parallel_loop3A_860 = arith.constant 672 : index
        %parallel_loop3A_861 = tpu.vector_load %arg8[%parallel_loop3A_858, %parallel_loop3A_859, %parallel_loop3A_860] {strides = array<i32>} : memref<4x16x768xf32, #tpu.memory_space<vmem>>, vector<1x1x16xf32>,
        %parallel_loop3A_862 = vector.shape_cast %parallel_loop3A_861 : vector<1x1x16xf32> to vector<16xf32>
        %parallel_loop3A_863 = arith.constant 0 : i32
        %parallel_loop3A_864 = arith.index_cast %parallel_loop3A_863 : i32 to index
        %parallel_loop3A_865 = arith.index_cast %parallel_loop3A_380 : i32 to index
        %parallel_loop3A_866 = arith.constant 688 : index
        %parallel_loop3A_867 = tpu.vector_load %arg8[%parallel_loop3A_864, %parallel_loop3A_865, %parallel_loop3A_866] {strides = array<i32>} : memref<4x16x768xf32, #tpu.memory_space<vmem>>, vector<1x1x16xf32>,
        %parallel_loop3A_868 = vector.shape_cast %parallel_loop3A_867 : vector<1x1x16xf32> to vector<16xf32>
        %parallel_loop3A_869 = arith.constant 0 : i32
        %parallel_loop3A_870 = arith.index_cast %parallel_loop3A_869 : i32 to index
        %parallel_loop3A_871 = arith.index_cast %parallel_loop3A_380 : i32 to index
        %parallel_loop3A_872 = arith.constant 704 : index
        %parallel_loop3A_873 = tpu.vector_load %arg8[%parallel_loop3A_870, %parallel_loop3A_871, %parallel_loop3A_872] {strides = array<i32>} : memref<4x16x768xf32, #tpu.memory_space<vmem>>, vector<1x1x16xf32>,
        %parallel_loop3A_874 = vector.shape_cast %parallel_loop3A_873 : vector<1x1x16xf32> to vector<16xf32>
        %parallel_loop3A_875 = arith.constant 0 : i32
        %parallel_loop3A_876 = arith.index_cast %parallel_loop3A_875 : i32 to index
        %parallel_loop3A_877 = arith.index_cast %parallel_loop3A_380 : i32 to index
        %parallel_loop3A_878 = arith.constant 720 : index
        %parallel_loop3A_879 = tpu.vector_load %arg8[%parallel_loop3A_876, %parallel_loop3A_877, %parallel_loop3A_878] {strides = array<i32>} : memref<4x16x768xf32, #tpu.memory_space<vmem>>, vector<1x1x16xf32>,
        %parallel_loop3A_880 = vector.shape_cast %parallel_loop3A_879 : vector<1x1x16xf32> to vector<16xf32>
        %parallel_loop3A_881 = arith.constant 0 : i32
        %parallel_loop3A_882 = arith.index_cast %parallel_loop3A_881 : i32 to index
        %parallel_loop3A_883 = arith.index_cast %parallel_loop3A_380 : i32 to index
        %parallel_loop3A_884 = arith.constant 736 : index
        %parallel_loop3A_885 = tpu.vector_load %arg8[%parallel_loop3A_882, %parallel_loop3A_883, %parallel_loop3A_884] {strides = array<i32>} : memref<4x16x768xf32, #tpu.memory_space<vmem>>, vector<1x1x16xf32>,
        %parallel_loop3A_886 = vector.shape_cast %parallel_loop3A_885 : vector<1x1x16xf32> to vector<16xf32>
        %parallel_loop3A_887 = arith.constant 0 : i32
        %parallel_loop3A_888 = arith.index_cast %parallel_loop3A_887 : i32 to index
        %parallel_loop3A_889 = arith.index_cast %parallel_loop3A_380 : i32 to index
        %parallel_loop3A_890 = arith.constant 752 : index
        %parallel_loop3A_891 = tpu.vector_load %arg8[%parallel_loop3A_888, %parallel_loop3A_889, %parallel_loop3A_890] {strides = array<i32>} : memref<4x16x768xf32, #tpu.memory_space<vmem>>, vector<1x1x16xf32>,
        %parallel_loop3A_892 = vector.shape_cast %parallel_loop3A_891 : vector<1x1x16xf32> to vector<16xf32>
        %parallel_loop3A_893 = arith.constant 0 : i32
        %parallel_loop3A_894 = arith.index_cast %parallel_loop3A_893 : i32 to index
        %parallel_loop3A_895 = arith.index_cast %parallel_loop3A_380 : i32 to index
        %parallel_loop3A_896 = arith.constant 512 : index
        %parallel_loop3A_897 = tpu.vector_load %arg7[%parallel_loop3A_894, %parallel_loop3A_895, %parallel_loop3A_896] {strides = array<i32>} : memref<4x16x768xf32, #tpu.memory_space<vmem>>, vector<1x1x16xf32>,
        %parallel_loop3A_898 = vector.shape_cast %parallel_loop3A_897 : vector<1x1x16xf32> to vector<16xf32>
        %parallel_loop3A_899 = vector.shape_cast %parallel_loop3A_802 : vector<16xf32> to vector<1x1x16xf32>
        tpu.vector_store %arg7[%parallel_loop3A_894, %parallel_loop3A_895, %parallel_loop3A_896], %parallel_loop3A_899 {add = true, strides = array<i32>} : memref<4x16x768xf32, #tpu.memory_space<vmem>>, vector<1x1x16xf32>,
        %parallel_loop3A_900 = arith.constant 0 : i32
        %parallel_loop3A_901 = arith.index_cast %parallel_loop3A_900 : i32 to index
        %parallel_loop3A_902 = arith.index_cast %parallel_loop3A_380 : i32 to index
        %parallel_loop3A_903 = arith.constant 528 : index
        %parallel_loop3A_904 = tpu.vector_load %arg7[%parallel_loop3A_901, %parallel_loop3A_902, %parallel_loop3A_903] {strides = array<i32>} : memref<4x16x768xf32, #tpu.memory_space<vmem>>, vector<1x1x16xf32>,
        %parallel_loop3A_905 = vector.shape_cast %parallel_loop3A_904 : vector<1x1x16xf32> to vector<16xf32>
        %parallel_loop3A_906 = vector.shape_cast %parallel_loop3A_808 : vector<16xf32> to vector<1x1x16xf32>
        tpu.vector_store %arg7[%parallel_loop3A_901, %parallel_loop3A_902, %parallel_loop3A_903], %parallel_loop3A_906 {add = true, strides = array<i32>} : memref<4x16x768xf32, #tpu.memory_space<vmem>>, vector<1x1x16xf32>,
        %parallel_loop3A_907 = arith.constant 0 : i32
        %parallel_loop3A_908 = arith.index_cast %parallel_loop3A_907 : i32 to index
        %parallel_loop3A_909 = arith.index_cast %parallel_loop3A_380 : i32 to index
        %parallel_loop3A_910 = arith.constant 544 : index
        %parallel_loop3A_911 = tpu.vector_load %arg7[%parallel_loop3A_908, %parallel_loop3A_909, %parallel_loop3A_910] {strides = array<i32>} : memref<4x16x768xf32, #tpu.memory_space<vmem>>, vector<1x1x16xf32>,
        %parallel_loop3A_912 = vector.shape_cast %parallel_loop3A_911 : vector<1x1x16xf32> to vector<16xf32>
        %parallel_loop3A_913 = vector.shape_cast %parallel_loop3A_814 : vector<16xf32> to vector<1x1x16xf32>
        tpu.vector_store %arg7[%parallel_loop3A_908, %parallel_loop3A_909, %parallel_loop3A_910], %parallel_loop3A_913 {add = true, strides = array<i32>} : memref<4x16x768xf32, #tpu.memory_space<vmem>>, vector<1x1x16xf32>,
        %parallel_loop3A_914 = arith.constant 0 : i32
        %parallel_loop3A_915 = arith.index_cast %parallel_loop3A_914 : i32 to index
        %parallel_loop3A_916 = arith.index_cast %parallel_loop3A_380 : i32 to index
        %parallel_loop3A_917 = arith.constant 560 : index
        %parallel_loop3A_918 = tpu.vector_load %arg7[%parallel_loop3A_915, %parallel_loop3A_916, %parallel_loop3A_917] {strides = array<i32>} : memref<4x16x768xf32, #tpu.memory_space<vmem>>, vector<1x1x16xf32>,
        %parallel_loop3A_919 = vector.shape_cast %parallel_loop3A_918 : vector<1x1x16xf32> to vector<16xf32>
        %parallel_loop3A_920 = vector.shape_cast %parallel_loop3A_820 : vector<16xf32> to vector<1x1x16xf32>
        tpu.vector_store %arg7[%parallel_loop3A_915, %parallel_loop3A_916, %parallel_loop3A_917], %parallel_loop3A_920 {add = true, strides = array<i32>} : memref<4x16x768xf32, #tpu.memory_space<vmem>>, vector<1x1x16xf32>,
        %parallel_loop3A_921 = arith.constant 0 : i32
        %parallel_loop3A_922 = arith.index_cast %parallel_loop3A_921 : i32 to index
        %parallel_loop3A_923 = arith.index_cast %parallel_loop3A_380 : i32 to index
        %parallel_loop3A_924 = arith.constant 576 : index
        %parallel_loop3A_925 = tpu.vector_load %arg7[%parallel_loop3A_922, %parallel_loop3A_923, %parallel_loop3A_924] {strides = array<i32>} : memref<4x16x768xf32, #tpu.memory_space<vmem>>, vector<1x1x16xf32>,
        %parallel_loop3A_926 = vector.shape_cast %parallel_loop3A_925 : vector<1x1x16xf32> to vector<16xf32>
        %parallel_loop3A_927 = vector.shape_cast %parallel_loop3A_826 : vector<16xf32> to vector<1x1x16xf32>
        tpu.vector_store %arg7[%parallel_loop3A_922, %parallel_loop3A_923, %parallel_loop3A_924], %parallel_loop3A_927 {add = true, strides = array<i32>} : memref<4x16x768xf32, #tpu.memory_space<vmem>>, vector<1x1x16xf32>,
        %parallel_loop3A_928 = arith.constant 0 : i32
        %parallel_loop3A_929 = arith.index_cast %parallel_loop3A_928 : i32 to index
        %parallel_loop3A_930 = arith.index_cast %parallel_loop3A_380 : i32 to index
        %parallel_loop3A_931 = arith.constant 592 : index
        %parallel_loop3A_932 = tpu.vector_load %arg7[%parallel_loop3A_929, %parallel_loop3A_930, %parallel_loop3A_931] {strides = array<i32>} : memref<4x16x768xf32, #tpu.memory_space<vmem>>, vector<1x1x16xf32>,
        %parallel_loop3A_933 = vector.shape_cast %parallel_loop3A_932 : vector<1x1x16xf32> to vector<16xf32>
        %parallel_loop3A_934 = vector.shape_cast %parallel_loop3A_832 : vector<16xf32> to vector<1x1x16xf32>
        tpu.vector_store %arg7[%parallel_loop3A_929, %parallel_loop3A_930, %parallel_loop3A_931], %parallel_loop3A_934 {add = true, strides = array<i32>} : memref<4x16x768xf32, #tpu.memory_space<vmem>>, vector<1x1x16xf32>,
        %parallel_loop3A_935 = arith.constant 0 : i32
        %parallel_loop3A_936 = arith.index_cast %parallel_loop3A_935 : i32 to index
        %parallel_loop3A_937 = arith.index_cast %parallel_loop3A_380 : i32 to index
        %parallel_loop3A_938 = arith.constant 608 : index
        %parallel_loop3A_939 = tpu.vector_load %arg7[%parallel_loop3A_936, %parallel_loop3A_937, %parallel_loop3A_938] {strides = array<i32>} : memref<4x16x768xf32, #tpu.memory_space<vmem>>, vector<1x1x16xf32>,
        %parallel_loop3A_940 = vector.shape_cast %parallel_loop3A_939 : vector<1x1x16xf32> to vector<16xf32>
        %parallel_loop3A_941 = vector.shape_cast %parallel_loop3A_838 : vector<16xf32> to vector<1x1x16xf32>
        tpu.vector_store %arg7[%parallel_loop3A_936, %parallel_loop3A_937, %parallel_loop3A_938], %parallel_loop3A_941 {add = true, strides = array<i32>} : memref<4x16x768xf32, #tpu.memory_space<vmem>>, vector<1x1x16xf32>,
        %parallel_loop3A_942 = arith.constant 0 : i32
        %parallel_loop3A_943 = arith.index_cast %parallel_loop3A_942 : i32 to index
        %parallel_loop3A_944 = arith.index_cast %parallel_loop3A_380 : i32 to index
        %parallel_loop3A_945 = arith.constant 624 : index
        %parallel_loop3A_946 = tpu.vector_load %arg7[%parallel_loop3A_943, %parallel_loop3A_944, %parallel_loop3A_945] {strides = array<i32>} : memref<4x16x768xf32, #tpu.memory_space<vmem>>, vector<1x1x16xf32>,
        %parallel_loop3A_947 = vector.shape_cast %parallel_loop3A_946 : vector<1x1x16xf32> to vector<16xf32>
        %parallel_loop3A_948 = vector.shape_cast %parallel_loop3A_844 : vector<16xf32> to vector<1x1x16xf32>
        tpu.vector_store %arg7[%parallel_loop3A_943, %parallel_loop3A_944, %parallel_loop3A_945], %parallel_loop3A_948 {add = true, strides = array<i32>} : memref<4x16x768xf32, #tpu.memory_space<vmem>>, vector<1x1x16xf32>,
        %parallel_loop3A_949 = arith.constant 0 : i32
        %parallel_loop3A_950 = arith.index_cast %parallel_loop3A_949 : i32 to index
        %parallel_loop3A_951 = arith.index_cast %parallel_loop3A_380 : i32 to index
        %parallel_loop3A_952 = arith.constant 640 : index
        %parallel_loop3A_953 = tpu.vector_load %arg7[%parallel_loop3A_950, %parallel_loop3A_951, %parallel_loop3A_952] {strides = array<i32>} : memref<4x16x768xf32, #tpu.memory_space<vmem>>, vector<1x1x16xf32>,
        %parallel_loop3A_954 = vector.shape_cast %parallel_loop3A_953 : vector<1x1x16xf32> to vector<16xf32>
        %parallel_loop3A_955 = vector.shape_cast %parallel_loop3A_850 : vector<16xf32> to vector<1x1x16xf32>
        tpu.vector_store %arg7[%parallel_loop3A_950, %parallel_loop3A_951, %parallel_loop3A_952], %parallel_loop3A_955 {add = true, strides = array<i32>} : memref<4x16x768xf32, #tpu.memory_space<vmem>>, vector<1x1x16xf32>,
        %parallel_loop3A_956 = arith.constant 0 : i32
        %parallel_loop3A_957 = arith.index_cast %parallel_loop3A_956 : i32 to index
        %parallel_loop3A_958 = arith.index_cast %parallel_loop3A_380 : i32 to index
        %parallel_loop3A_959 = arith.constant 656 : index
        %parallel_loop3A_960 = tpu.vector_load %arg7[%parallel_loop3A_957, %parallel_loop3A_958, %parallel_loop3A_959] {strides = array<i32>} : memref<4x16x768xf32, #tpu.memory_space<vmem>>, vector<1x1x16xf32>,
        %parallel_loop3A_961 = vector.shape_cast %parallel_loop3A_960 : vector<1x1x16xf32> to vector<16xf32>
        %parallel_loop3A_962 = vector.shape_cast %parallel_loop3A_856 : vector<16xf32> to vector<1x1x16xf32>
        tpu.vector_store %arg7[%parallel_loop3A_957, %parallel_loop3A_958, %parallel_loop3A_959], %parallel_loop3A_962 {add = true, strides = array<i32>} : memref<4x16x768xf32, #tpu.memory_space<vmem>>, vector<1x1x16xf32>,
        %parallel_loop3A_963 = arith.constant 0 : i32
        %parallel_loop3A_964 = arith.index_cast %parallel_loop3A_963 : i32 to index
        %parallel_loop3A_965 = arith.index_cast %parallel_loop3A_380 : i32 to index
        %parallel_loop3A_966 = arith.constant 672 : index
        %parallel_loop3A_967 = tpu.vector_load %arg7[%parallel_loop3A_964, %parallel_loop3A_965, %parallel_loop3A_966] {strides = array<i32>} : memref<4x16x768xf32, #tpu.memory_space<vmem>>, vector<1x1x16xf32>,
        %parallel_loop3A_968 = vector.shape_cast %parallel_loop3A_967 : vector<1x1x16xf32> to vector<16xf32>
        %parallel_loop3A_969 = vector.shape_cast %parallel_loop3A_862 : vector<16xf32> to vector<1x1x16xf32>
        tpu.vector_store %arg7[%parallel_loop3A_964, %parallel_loop3A_965, %parallel_loop3A_966], %parallel_loop3A_969 {add = true, strides = array<i32>} : memref<4x16x768xf32, #tpu.memory_space<vmem>>, vector<1x1x16xf32>,
        %parallel_loop3A_970 = arith.constant 0 : i32
        %parallel_loop3A_971 = arith.index_cast %parallel_loop3A_970 : i32 to index
        %parallel_loop3A_972 = arith.index_cast %parallel_loop3A_380 : i32 to index
        %parallel_loop3A_973 = arith.constant 688 : index
        %parallel_loop3A_974 = tpu.vector_load %arg7[%parallel_loop3A_971, %parallel_loop3A_972, %parallel_loop3A_973] {strides = array<i32>} : memref<4x16x768xf32, #tpu.memory_space<vmem>>, vector<1x1x16xf32>,
        %parallel_loop3A_975 = vector.shape_cast %parallel_loop3A_974 : vector<1x1x16xf32> to vector<16xf32>
        %parallel_loop3A_976 = vector.shape_cast %parallel_loop3A_868 : vector<16xf32> to vector<1x1x16xf32>
        tpu.vector_store %arg7[%parallel_loop3A_971, %parallel_loop3A_972, %parallel_loop3A_973], %parallel_loop3A_976 {add = true, strides = array<i32>} : memref<4x16x768xf32, #tpu.memory_space<vmem>>, vector<1x1x16xf32>,
        %parallel_loop3A_977 = arith.constant 0 : i32
        %parallel_loop3A_978 = arith.index_cast %parallel_loop3A_977 : i32 to index
        %parallel_loop3A_979 = arith.index_cast %parallel_loop3A_380 : i32 to index
        %parallel_loop3A_980 = arith.constant 704 : index
        %parallel_loop3A_981 = tpu.vector_load %arg7[%parallel_loop3A_978, %parallel_loop3A_979, %parallel_loop3A_980] {strides = array<i32>} : memref<4x16x768xf32, #tpu.memory_space<vmem>>, vector<1x1x16xf32>,
        %parallel_loop3A_982 = vector.shape_cast %parallel_loop3A_981 : vector<1x1x16xf32> to vector<16xf32>
        %parallel_loop3A_983 = vector.shape_cast %parallel_loop3A_874 : vector<16xf32> to vector<1x1x16xf32>
        tpu.vector_store %arg7[%parallel_loop3A_978, %parallel_loop3A_979, %parallel_loop3A_980], %parallel_loop3A_983 {add = true, strides = array<i32>} : memref<4x16x768xf32, #tpu.memory_space<vmem>>, vector<1x1x16xf32>,
        %parallel_loop3A_984 = arith.constant 0 : i32
        %parallel_loop3A_985 = arith.index_cast %parallel_loop3A_984 : i32 to index
        %parallel_loop3A_986 = arith.index_cast %parallel_loop3A_380 : i32 to index
        %parallel_loop3A_987 = arith.constant 720 : index
        %parallel_loop3A_988 = tpu.vector_load %arg7[%parallel_loop3A_985, %parallel_loop3A_986, %parallel_loop3A_987] {strides = array<i32>} : memref<4x16x768xf32, #tpu.memory_space<vmem>>, vector<1x1x16xf32>,
        %parallel_loop3A_989 = vector.shape_cast %parallel_loop3A_988 : vector<1x1x16xf32> to vector<16xf32>
        %parallel_loop3A_990 = vector.shape_cast %parallel_loop3A_880 : vector<16xf32> to vector<1x1x16xf32>
        tpu.vector_store %arg7[%parallel_loop3A_985, %parallel_loop3A_986, %parallel_loop3A_987], %parallel_loop3A_990 {add = true, strides = array<i32>} : memref<4x16x768xf32, #tpu.memory_space<vmem>>, vector<1x1x16xf32>,
        %parallel_loop3A_991 = arith.constant 0 : i32
        %parallel_loop3A_992 = arith.index_cast %parallel_loop3A_991 : i32 to index
        %parallel_loop3A_993 = arith.index_cast %parallel_loop3A_380 : i32 to index
        %parallel_loop3A_994 = arith.constant 736 : index
        %parallel_loop3A_995 = tpu.vector_load %arg7[%parallel_loop3A_992, %parallel_loop3A_993, %parallel_loop3A_994] {strides = array<i32>} : memref<4x16x768xf32, #tpu.memory_space<vmem>>, vector<1x1x16xf32>,
        %parallel_loop3A_996 = vector.shape_cast %parallel_loop3A_995 : vector<1x1x16xf32> to vector<16xf32>
        %parallel_loop3A_997 = vector.shape_cast %parallel_loop3A_886 : vector<16xf32> to vector<1x1x16xf32>
        tpu.vector_store %arg7[%parallel_loop3A_992, %parallel_loop3A_993, %parallel_loop3A_994], %parallel_loop3A_997 {add = true, strides = array<i32>} : memref<4x16x768xf32, #tpu.memory_space<vmem>>, vector<1x1x16xf32>,
        %parallel_loop3A_998 = arith.constant 0 : i32
        %parallel_loop3A_999 = arith.index_cast %parallel_loop3A_998 : i32 to index
        %parallel_loop3A_1000 = arith.index_cast %parallel_loop3A_380 : i32 to index
        %parallel_loop3A_1001 = arith.constant 752 : index
        %parallel_loop3A_1002 = tpu.vector_load %arg7[%parallel_loop3A_999, %parallel_loop3A_1000, %parallel_loop3A_1001] {strides = array<i32>} : memref<4x16x768xf32, #tpu.memory_space<vmem>>, vector<1x1x16xf32>,
        %parallel_loop3A_1003 = vector.shape_cast %parallel_loop3A_1002 : vector<1x1x16xf32> to vector<16xf32>
        %parallel_loop3A_1004 = vector.shape_cast %parallel_loop3A_892 : vector<16xf32> to vector<1x1x16xf32>
        tpu.vector_store %arg7[%parallel_loop3A_999, %parallel_loop3A_1000, %parallel_loop3A_1001], %parallel_loop3A_1004 {add = true, strides = array<i32>} : memref<4x16x768xf32, #tpu.memory_space<vmem>>, vector<1x1x16xf32>,
      } {sc.loop_unroll_factor = 1 : i64, sc.parallel_access}
      %mul3A_184 = arith.constant 16 : i32
      %mul3A_185 = arith.muli %add3A_146, %mul3A_184 : i32
      %add3A_186 = arith.addi %mul3A_2, %mul3A_185 : i32
      %dma_start3A_187 = arith.constant 0 : i32
      %dma_start3A_188 = arith.constant 0 : i32
      %dma_start3A_189 = arith.constant 0 : i32
      %dma_start3A_190 = tpu.memref_slice %arg7[%dma_start3A_187, %dma_start3A_188, %dma_start3A_189] : memref<4x16x768xf32, #tpu.memory_space<vmem>> -> memref<1x16x768xf32, #tpu.memory_space<vmem>>
      %dma_start3A_191 = tpu.memref_squeeze %dma_start3A_190 : memref<1x16x768xf32, #tpu.memory_space<vmem>> -> memref<16x768xf32, #tpu.memory_space<vmem>>
      %dma_start3A_192 = arith.constant 0 : i32
      %dma_start3A_193 = tpu.memref_slice %arg5[%add3A_186, %dma_start3A_192] : memref<32768x768xf32, #tpu.memory_space<hbm>> -> memref<16x768xf32, #tpu.memory_space<hbm>>
      %dma_start3A_194 = arith.constant 0 : i32
      %dma_start3A_195 = tpu.memref_slice %arg5[%add3A_186, %dma_start3A_194] : memref<32768x768xf32, #tpu.memory_space<hbm>> -> memref<16x768xf32, #tpu.memory_space<hbm>>
      %dma_start3A_196 = arith.constant 0 : i32
      %dma_start3A_197 = arith.constant 0 : i32
      %dma_start3A_198 = tpu.memref_slice %arg7[%dma_start3A_187, %dma_start3A_196, %dma_start3A_197] : memref<4x16x768xf32, #tpu.memory_space<vmem>> -> memref<1x16x768xf32, #tpu.memory_space<vmem>>
      %dma_start3A_199 = tpu.memref_squeeze %dma_start3A_198 : memref<1x16x768xf32, #tpu.memory_space<vmem>> -> memref<16x768xf32, #tpu.memory_space<vmem>>
      tpu.enqueue_dma source(%dma_start3A_199 : memref<16x768xf32, #tpu.memory_space<vmem>>) target(%dma_start3A_195 : memref<16x768xf32, #tpu.memory_space<hbm>>) target_semaphore(%arg17 : memref<!tpu.dma_semaphore, #tpu.memory_space<semaphore_mem>>)
      %add3A_200 = arith.constant 1 : i32
      %add3A_201 = arith.addi %add3A_144, %add3A_200 : i32
      %dma_wait3A_202 = arith.constant 1 : i32
      %dma_wait3A_203 = arith.constant 0 : i32
      %dma_wait3A_204 = arith.constant 0 : i32
      %dma_wait3A_205 = tpu.memref_slice %arg8[%dma_wait3A_202, %dma_wait3A_203, %dma_wait3A_204] : memref<4x16x768xf32, #tpu.memory_space<vmem>> -> memref<1x16x768xf32, #tpu.memory_space<vmem>>
      %dma_wait3A_206 = tpu.memref_squeeze %dma_wait3A_205 : memref<1x16x768xf32, #tpu.memory_space<vmem>> -> memref<16x768xf32, #tpu.memory_space<vmem>>
      %dma_wait3A_207 = arith.constant 0 : i32
      %dma_wait3A_208 = arith.constant 0 : i32
      %dma_wait3A_209 = tpu.memref_slice %arg2[%dma_wait3A_207, %dma_wait3A_208] : memref<32768x768xf32, #tpu.memory_space<hbm>> -> memref<16x768xf32, #tpu.memory_space<hbm>>
      %dma_wait3A_210 = arith.constant 0 : i32
      %dma_wait3A_211 = arith.constant 0 : i32
      %dma_wait3A_212 = tpu.memref_slice %arg8[%dma_wait3A_202, %dma_wait3A_210, %dma_wait3A_211] : memref<4x16x768xf32, #tpu.memory_space<vmem>> -> memref<1x16x768xf32, #tpu.memory_space<vmem>>
      %dma_wait3A_213 = tpu.memref_squeeze %dma_wait3A_212 : memref<1x16x768xf32, #tpu.memory_space<vmem>> -> memref<16x768xf32, #tpu.memory_space<vmem>>
      %dma_wait3A_214 = arith.constant 0 : i32
      %dma_wait3A_215 = arith.constant 0 : i32
      %dma_wait3A_216 = tpu.memref_slice %arg2[%dma_wait3A_214, %dma_wait3A_215] : memref<32768x768xf32, #tpu.memory_space<hbm>> -> memref<16x768xf32, #tpu.memory_space<hbm>>
      tpu.wait_dma2 semaphore(%arg10 : memref<!tpu.dma_semaphore, #tpu.memory_space<semaphore_mem>>) src(%dma_wait3A_216 : memref<16x768xf32, #tpu.memory_space<hbm>>) dst(%dma_wait3A_213 : memref<16x768xf32, #tpu.memory_space<vmem>>)
      %dma_wait3A_217 = arith.constant 1 : i32
      %dma_wait3A_218 = arith.constant 0 : i32
      %dma_wait3A_219 = arith.constant 0 : i32
      %dma_wait3A_220 = tpu.memref_slice %arg7[%dma_wait3A_217, %dma_wait3A_218, %dma_wait3A_219] : memref<4x16x768xf32, #tpu.memory_space<vmem>> -> memref<1x16x768xf32, #tpu.memory_space<vmem>>
      %dma_wait3A_221 = tpu.memref_squeeze %dma_wait3A_220 : memref<1x16x768xf32, #tpu.memory_space<vmem>> -> memref<16x768xf32, #tpu.memory_space<vmem>>
      %dma_wait3A_222 = arith.constant 0 : i32
      %dma_wait3A_223 = arith.constant 0 : i32
      %dma_wait3A_224 = tpu.memref_slice %arg4[%dma_wait3A_222, %dma_wait3A_223] : memref<8192x768xf32, #tpu.memory_space<hbm>> -> memref<16x768xf32, #tpu.memory_space<hbm>>
      %dma_wait3A_225 = arith.constant 0 : i32
      %dma_wait3A_226 = arith.constant 0 : i32
      %dma_wait3A_227 = tpu.memref_slice %arg7[%dma_wait3A_217, %dma_wait3A_225, %dma_wait3A_226] : memref<4x16x768xf32, #tpu.memory_space<vmem>> -> memref<1x16x768xf32, #tpu.memory_space<vmem>>
      %dma_wait3A_228 = tpu.memref_squeeze %dma_wait3A_227 : memref<1x16x768xf32, #tpu.memory_space<vmem>> -> memref<16x768xf32, #tpu.memory_space<vmem>>
      %dma_wait3A_229 = arith.constant 0 : i32
      %dma_wait3A_230 = arith.constant 0 : i32
      %dma_wait3A_231 = tpu.memref_slice %arg4[%dma_wait3A_229, %dma_wait3A_230] : memref<8192x768xf32, #tpu.memory_space<hbm>> -> memref<16x768xf32, #tpu.memory_space<hbm>>
      tpu.wait_dma2 semaphore(%arg14 : memref<!tpu.dma_semaphore, #tpu.memory_space<semaphore_mem>>) src(%dma_wait3A_231 : memref<16x768xf32, #tpu.memory_space<hbm>>) dst(%dma_wait3A_228 : memref<16x768xf32, #tpu.memory_space<vmem>>)
      %add3A_232 = arith.constant 4 : i32
      %add3A_233 = arith.addi %add3A_201, %add3A_232 : i32
      %sub3A_234 = arith.constant 1 : i32
      %sub3A_235 = arith.subi %add3A_233, %sub3A_234 : i32
      %lt3A_236 = arith.constant 64 : i32
      %lt3A_237 = arith.cmpi slt, %sub3A_235, %lt3A_236 : i32
      %convert_element_type3A_238 = arith.extui %lt3A_237 : i1 to i32
      %cond3A_239 = arith.constant 0 : i32
      %cond3A_240 = arith.cmpi ne, %convert_element_type3A_238, %cond3A_239 : i32
      scf.if %cond3A_240 {
        %ge3A = arith.constant 1 : i32
        %ge3A_380 = arith.cmpi sge, %add3A_201, %ge3A : i32
        %convert_element_type3A_381 = arith.extui %ge3A_380 : i1 to i32
        %cond3A_382 = arith.constant 0 : i32
        %cond3A_383 = arith.cmpi ne, %convert_element_type3A_381, %cond3A_382 : i32
        scf.if %cond3A_383 {
          %dma_wait3A_415 = arith.constant 0 : i32
          %dma_wait3A_416 = arith.constant 0 : i32
          %dma_wait3A_417 = arith.constant 0 : i32
          %dma_wait3A_418 = tpu.memref_slice %arg7[%dma_wait3A_415, %dma_wait3A_416, %dma_wait3A_417] : memref<4x16x768xf32, #tpu.memory_space<vmem>> -> memref<1x16x768xf32, #tpu.memory_space<vmem>>
          %dma_wait3A_419 = tpu.memref_squeeze %dma_wait3A_418 : memref<1x16x768xf32, #tpu.memory_space<vmem>> -> memref<16x768xf32, #tpu.memory_space<vmem>>
          %dma_wait3A_420 = arith.constant 0 : i32
          %dma_wait3A_421 = arith.constant 0 : i32
          %dma_wait3A_422 = tpu.memref_slice %arg5[%dma_wait3A_420, %dma_wait3A_421] : memref<32768x768xf32, #tpu.memory_space<hbm>> -> memref<16x768xf32, #tpu.memory_space<hbm>>
          %dma_wait3A_423 = arith.constant 0 : i32
          %dma_wait3A_424 = arith.constant 0 : i32
          %dma_wait3A_425 = tpu.memref_slice %arg5[%dma_wait3A_423, %dma_wait3A_424] : memref<32768x768xf32, #tpu.memory_space<hbm>> -> memref<16x768xf32, #tpu.memory_space<hbm>>
          %dma_wait3A_426 = arith.constant 0 : i32
          %dma_wait3A_427 = arith.constant 0 : i32
          %dma_wait3A_428 = tpu.memref_slice %arg7[%dma_wait3A_415, %dma_wait3A_426, %dma_wait3A_427] : memref<4x16x768xf32, #tpu.memory_space<vmem>> -> memref<1x16x768xf32, #tpu.memory_space<vmem>>
          %dma_wait3A_429 = tpu.memref_squeeze %dma_wait3A_428 : memref<1x16x768xf32, #tpu.memory_space<vmem>> -> memref<16x768xf32, #tpu.memory_space<vmem>>
          tpu.wait_dma2 semaphore(%arg17 : memref<!tpu.dma_semaphore, #tpu.memory_space<semaphore_mem>>) src(%dma_wait3A_429 : memref<16x768xf32, #tpu.memory_space<vmem>>) dst(%dma_wait3A_425 : memref<16x768xf32, #tpu.memory_space<hbm>>)
        } else {
        }
        %add3A_384 = arith.constant 4 : i32
        %add3A_385 = arith.addi %add3A_201, %add3A_384 : i32
        %sub3A_386 = arith.constant 1 : i32
        %sub3A_387 = arith.subi %add3A_385, %sub3A_386 : i32
        %mul3A_388 = arith.constant 16 : i32
        %mul3A_389 = arith.muli %sub3A_387, %mul3A_388 : i32
        %add3A_390 = arith.addi %mul3A_2, %mul3A_389 : i32
        %dma_start3A_391 = arith.constant 0 : i32
        %dma_start3A_392 = arith.constant 0 : i32
        %dma_start3A_393 = arith.constant 0 : i32
        %dma_start3A_394 = tpu.memref_slice %arg8[%dma_start3A_391, %dma_start3A_392, %dma_start3A_393] : memref<4x16x768xf32, #tpu.memory_space<vmem>> -> memref<1x16x768xf32, #tpu.memory_space<vmem>>
        %dma_start3A_395 = tpu.memref_squeeze %dma_start3A_394 : memref<1x16x768xf32, #tpu.memory_space<vmem>> -> memref<16x768xf32, #tpu.memory_space<vmem>>
        %dma_start3A_396 = arith.constant 0 : i32
        %dma_start3A_397 = tpu.memref_slice %arg2[%add3A_390, %dma_start3A_396] : memref<32768x768xf32, #tpu.memory_space<hbm>> -> memref<16x768xf32, #tpu.memory_space<hbm>>
        %dma_start3A_398 = arith.constant 0 : i32
        %dma_start3A_399 = arith.constant 0 : i32
        %dma_start3A_400 = tpu.memref_slice %arg8[%dma_start3A_391, %dma_start3A_398, %dma_start3A_399] : memref<4x16x768xf32, #tpu.memory_space<vmem>> -> memref<1x16x768xf32, #tpu.memory_space<vmem>>
        %dma_start3A_401 = tpu.memref_squeeze %dma_start3A_400 : memref<1x16x768xf32, #tpu.memory_space<vmem>> -> memref<16x768xf32, #tpu.memory_space<vmem>>
        %dma_start3A_402 = arith.constant 0 : i32
        %dma_start3A_403 = tpu.memref_slice %arg2[%add3A_390, %dma_start3A_402] : memref<32768x768xf32, #tpu.memory_space<hbm>> -> memref<16x768xf32, #tpu.memory_space<hbm>>
        tpu.enqueue_dma source(%dma_start3A_403 : memref<16x768xf32, #tpu.memory_space<hbm>>) target(%dma_start3A_401 : memref<16x768xf32, #tpu.memory_space<vmem>>) target_semaphore(%arg9 : memref<!tpu.dma_semaphore, #tpu.memory_space<semaphore_mem>>)
        %mul3A_404 = arith.constant 16 : i32
        %mul3A_405 = arith.muli %sub3A_387, %mul3A_404 : i32
        %dma_start3A_406 = arith.constant 0 : i32
        %dma_start3A_407 = arith.constant 0 : i32
        %dma_start3A_408 = arith.constant 0 : i32
        %dma_start3A_409 = tpu.memref_slice %arg7[%dma_start3A_406, %dma_start3A_407, %dma_start3A_408] : memref<4x16x768xf32, #tpu.memory_space<vmem>> -> memref<1x16x768xf32, #tpu.memory_space<vmem>>
        %dma_start3A_410 = tpu.memref_squeeze %dma_start3A_409 : memref<1x16x768xf32, #tpu.memory_space<vmem>> -> memref<16x768xf32, #tpu.memory_space<vmem>>
        %dma_start3A_411 = tpu.memref_slice %arg6[%mul3A_405] : memref<1024xi32, #tpu.memory_space<vmem>> -> memref<16xi32, #tpu.memory_space<vmem>>
        %dma_start3A_412 = arith.constant 0 : i32
        %dma_start3A_413 = arith.constant 0 : i32
        %dma_start3A_414 = tpu.memref_slice %arg4[%dma_start3A_412, %dma_start3A_413] : memref<8192x768xf32, #tpu.memory_space<hbm>> -> memref<8192x768xf32, #tpu.memory_space<hbm>>
        tpu.enqueue_indirect_dma source(%dma_start3A_414 : memref<8192x768xf32, #tpu.memory_space<hbm>>) target(%dma_start3A_410 : memref<16x768xf32, #tpu.memory_space<vmem>>) offsets(%dma_start3A_411 : memref<16xi32, #tpu.memory_space<vmem>>) semaphore(%arg13 : memref<!tpu.dma_semaphore, #tpu.memory_space<semaphore_mem>>)
      } else {
      }
      %parallel_loop3A_241 = arith.constant 0 : i32
      %parallel_loop3A_242 = arith.constant 16 : i32
      %parallel_loop3A_243 = arith.constant 1 : i32
      scf.for %parallel_loop3A_380 = %parallel_loop3A_241 to %parallel_loop3A_242 step %parallel_loop3A_243  : i32 {
        %parallel_loop3A_381 = arith.constant 1 : i32
        %parallel_loop3A_382 = arith.index_cast %parallel_loop3A_381 : i32 to index
        %parallel_loop3A_383 = arith.index_cast %parallel_loop3A_380 : i32 to index
        %parallel_loop3A_384 = arith.constant 0 : index
        %parallel_loop3A_385 = tpu.vector_load %arg8[%parallel_loop3A_382, %parallel_loop3A_383, %parallel_loop3A_384] {strides = array<i32>} : memref<4x16x768xf32, #tpu.memory_space<vmem>>, vector<1x1x16xf32>,
        %parallel_loop3A_386 = vector.shape_cast %parallel_loop3A_385 : vector<1x1x16xf32> to vector<16xf32>
        %parallel_loop3A_387 = arith.constant 1 : i32
        %parallel_loop3A_388 = arith.index_cast %parallel_loop3A_387 : i32 to index
        %parallel_loop3A_389 = arith.index_cast %parallel_loop3A_380 : i32 to index
        %parallel_loop3A_390 = arith.constant 16 : index
        %parallel_loop3A_391 = tpu.vector_load %arg8[%parallel_loop3A_388, %parallel_loop3A_389, %parallel_loop3A_390] {strides = array<i32>} : memref<4x16x768xf32, #tpu.memory_space<vmem>>, vector<1x1x16xf32>,
        %parallel_loop3A_392 = vector.shape_cast %parallel_loop3A_391 : vector<1x1x16xf32> to vector<16xf32>
        %parallel_loop3A_393 = arith.constant 1 : i32
        %parallel_loop3A_394 = arith.index_cast %parallel_loop3A_393 : i32 to index
        %parallel_loop3A_395 = arith.index_cast %parallel_loop3A_380 : i32 to index
        %parallel_loop3A_396 = arith.constant 32 : index
        %parallel_loop3A_397 = tpu.vector_load %arg8[%parallel_loop3A_394, %parallel_loop3A_395, %parallel_loop3A_396] {strides = array<i32>} : memref<4x16x768xf32, #tpu.memory_space<vmem>>, vector<1x1x16xf32>,
        %parallel_loop3A_398 = vector.shape_cast %parallel_loop3A_397 : vector<1x1x16xf32> to vector<16xf32>
        %parallel_loop3A_399 = arith.constant 1 : i32
        %parallel_loop3A_400 = arith.index_cast %parallel_loop3A_399 : i32 to index
        %parallel_loop3A_401 = arith.index_cast %parallel_loop3A_380 : i32 to index
        %parallel_loop3A_402 = arith.constant 48 : index
        %parallel_loop3A_403 = tpu.vector_load %arg8[%parallel_loop3A_400, %parallel_loop3A_401, %parallel_loop3A_402] {strides = array<i32>} : memref<4x16x768xf32, #tpu.memory_space<vmem>>, vector<1x1x16xf32>,
        %parallel_loop3A_404 = vector.shape_cast %parallel_loop3A_403 : vector<1x1x16xf32> to vector<16xf32>
        %parallel_loop3A_405 = arith.constant 1 : i32
        %parallel_loop3A_406 = arith.index_cast %parallel_loop3A_405 : i32 to index
        %parallel_loop3A_407 = arith.index_cast %parallel_loop3A_380 : i32 to index
        %parallel_loop3A_408 = arith.constant 64 : index
        %parallel_loop3A_409 = tpu.vector_load %arg8[%parallel_loop3A_406, %parallel_loop3A_407, %parallel_loop3A_408] {strides = array<i32>} : memref<4x16x768xf32, #tpu.memory_space<vmem>>, vector<1x1x16xf32>,
        %parallel_loop3A_410 = vector.shape_cast %parallel_loop3A_409 : vector<1x1x16xf32> to vector<16xf32>
        %parallel_loop3A_411 = arith.constant 1 : i32
        %parallel_loop3A_412 = arith.index_cast %parallel_loop3A_411 : i32 to index
        %parallel_loop3A_413 = arith.index_cast %parallel_loop3A_380 : i32 to index
        %parallel_loop3A_414 = arith.constant 80 : index
        %parallel_loop3A_415 = tpu.vector_load %arg8[%parallel_loop3A_412, %parallel_loop3A_413, %parallel_loop3A_414] {strides = array<i32>} : memref<4x16x768xf32, #tpu.memory_space<vmem>>, vector<1x1x16xf32>,
        %parallel_loop3A_416 = vector.shape_cast %parallel_loop3A_415 : vector<1x1x16xf32> to vector<16xf32>
        %parallel_loop3A_417 = arith.constant 1 : i32
        %parallel_loop3A_418 = arith.index_cast %parallel_loop3A_417 : i32 to index
        %parallel_loop3A_419 = arith.index_cast %parallel_loop3A_380 : i32 to index
        %parallel_loop3A_420 = arith.constant 96 : index
        %parallel_loop3A_421 = tpu.vector_load %arg8[%parallel_loop3A_418, %parallel_loop3A_419, %parallel_loop3A_420] {strides = array<i32>} : memref<4x16x768xf32, #tpu.memory_space<vmem>>, vector<1x1x16xf32>,
        %parallel_loop3A_422 = vector.shape_cast %parallel_loop3A_421 : vector<1x1x16xf32> to vector<16xf32>
        %parallel_loop3A_423 = arith.constant 1 : i32
        %parallel_loop3A_424 = arith.index_cast %parallel_loop3A_423 : i32 to index
        %parallel_loop3A_425 = arith.index_cast %parallel_loop3A_380 : i32 to index
        %parallel_loop3A_426 = arith.constant 112 : index
        %parallel_loop3A_427 = tpu.vector_load %arg8[%parallel_loop3A_424, %parallel_loop3A_425, %parallel_loop3A_426] {strides = array<i32>} : memref<4x16x768xf32, #tpu.memory_space<vmem>>, vector<1x1x16xf32>,
        %parallel_loop3A_428 = vector.shape_cast %parallel_loop3A_427 : vector<1x1x16xf32> to vector<16xf32>
        %parallel_loop3A_429 = arith.constant 1 : i32
        %parallel_loop3A_430 = arith.index_cast %parallel_loop3A_429 : i32 to index
        %parallel_loop3A_431 = arith.index_cast %parallel_loop3A_380 : i32 to index
        %parallel_loop3A_432 = arith.constant 128 : index
        %parallel_loop3A_433 = tpu.vector_load %arg8[%parallel_loop3A_430, %parallel_loop3A_431, %parallel_loop3A_432] {strides = array<i32>} : memref<4x16x768xf32, #tpu.memory_space<vmem>>, vector<1x1x16xf32>,
        %parallel_loop3A_434 = vector.shape_cast %parallel_loop3A_433 : vector<1x1x16xf32> to vector<16xf32>
        %parallel_loop3A_435 = arith.constant 1 : i32
        %parallel_loop3A_436 = arith.index_cast %parallel_loop3A_435 : i32 to index
        %parallel_loop3A_437 = arith.index_cast %parallel_loop3A_380 : i32 to index
        %parallel_loop3A_438 = arith.constant 144 : index
        %parallel_loop3A_439 = tpu.vector_load %arg8[%parallel_loop3A_436, %parallel_loop3A_437, %parallel_loop3A_438] {strides = array<i32>} : memref<4x16x768xf32, #tpu.memory_space<vmem>>, vector<1x1x16xf32>,
        %parallel_loop3A_440 = vector.shape_cast %parallel_loop3A_439 : vector<1x1x16xf32> to vector<16xf32>
        %parallel_loop3A_441 = arith.constant 1 : i32
        %parallel_loop3A_442 = arith.index_cast %parallel_loop3A_441 : i32 to index
        %parallel_loop3A_443 = arith.index_cast %parallel_loop3A_380 : i32 to index
        %parallel_loop3A_444 = arith.constant 160 : index
        %parallel_loop3A_445 = tpu.vector_load %arg8[%parallel_loop3A_442, %parallel_loop3A_443, %parallel_loop3A_444] {strides = array<i32>} : memref<4x16x768xf32, #tpu.memory_space<vmem>>, vector<1x1x16xf32>,
        %parallel_loop3A_446 = vector.shape_cast %parallel_loop3A_445 : vector<1x1x16xf32> to vector<16xf32>
        %parallel_loop3A_447 = arith.constant 1 : i32
        %parallel_loop3A_448 = arith.index_cast %parallel_loop3A_447 : i32 to index
        %parallel_loop3A_449 = arith.index_cast %parallel_loop3A_380 : i32 to index
        %parallel_loop3A_450 = arith.constant 176 : index
        %parallel_loop3A_451 = tpu.vector_load %arg8[%parallel_loop3A_448, %parallel_loop3A_449, %parallel_loop3A_450] {strides = array<i32>} : memref<4x16x768xf32, #tpu.memory_space<vmem>>, vector<1x1x16xf32>,
        %parallel_loop3A_452 = vector.shape_cast %parallel_loop3A_451 : vector<1x1x16xf32> to vector<16xf32>
        %parallel_loop3A_453 = arith.constant 1 : i32
        %parallel_loop3A_454 = arith.index_cast %parallel_loop3A_453 : i32 to index
        %parallel_loop3A_455 = arith.index_cast %parallel_loop3A_380 : i32 to index
        %parallel_loop3A_456 = arith.constant 192 : index
        %parallel_loop3A_457 = tpu.vector_load %arg8[%parallel_loop3A_454, %parallel_loop3A_455, %parallel_loop3A_456] {strides = array<i32>} : memref<4x16x768xf32, #tpu.memory_space<vmem>>, vector<1x1x16xf32>,
        %parallel_loop3A_458 = vector.shape_cast %parallel_loop3A_457 : vector<1x1x16xf32> to vector<16xf32>
        %parallel_loop3A_459 = arith.constant 1 : i32
        %parallel_loop3A_460 = arith.index_cast %parallel_loop3A_459 : i32 to index
        %parallel_loop3A_461 = arith.index_cast %parallel_loop3A_380 : i32 to index
        %parallel_loop3A_462 = arith.constant 208 : index
        %parallel_loop3A_463 = tpu.vector_load %arg8[%parallel_loop3A_460, %parallel_loop3A_461, %parallel_loop3A_462] {strides = array<i32>} : memref<4x16x768xf32, #tpu.memory_space<vmem>>, vector<1x1x16xf32>,
        %parallel_loop3A_464 = vector.shape_cast %parallel_loop3A_463 : vector<1x1x16xf32> to vector<16xf32>
        %parallel_loop3A_465 = arith.constant 1 : i32
        %parallel_loop3A_466 = arith.index_cast %parallel_loop3A_465 : i32 to index
        %parallel_loop3A_467 = arith.index_cast %parallel_loop3A_380 : i32 to index
        %parallel_loop3A_468 = arith.constant 224 : index
        %parallel_loop3A_469 = tpu.vector_load %arg8[%parallel_loop3A_466, %parallel_loop3A_467, %parallel_loop3A_468] {strides = array<i32>} : memref<4x16x768xf32, #tpu.memory_space<vmem>>, vector<1x1x16xf32>,
        %parallel_loop3A_470 = vector.shape_cast %parallel_loop3A_469 : vector<1x1x16xf32> to vector<16xf32>
        %parallel_loop3A_471 = arith.constant 1 : i32
        %parallel_loop3A_472 = arith.index_cast %parallel_loop3A_471 : i32 to index
        %parallel_loop3A_473 = arith.index_cast %parallel_loop3A_380 : i32 to index
        %parallel_loop3A_474 = arith.constant 240 : index
        %parallel_loop3A_475 = tpu.vector_load %arg8[%parallel_loop3A_472, %parallel_loop3A_473, %parallel_loop3A_474] {strides = array<i32>} : memref<4x16x768xf32, #tpu.memory_space<vmem>>, vector<1x1x16xf32>,
        %parallel_loop3A_476 = vector.shape_cast %parallel_loop3A_475 : vector<1x1x16xf32> to vector<16xf32>
        %parallel_loop3A_477 = arith.constant 1 : i32
        %parallel_loop3A_478 = arith.index_cast %parallel_loop3A_477 : i32 to index
        %parallel_loop3A_479 = arith.index_cast %parallel_loop3A_380 : i32 to index
        %parallel_loop3A_480 = arith.constant 0 : index
        %parallel_loop3A_481 = tpu.vector_load %arg7[%parallel_loop3A_478, %parallel_loop3A_479, %parallel_loop3A_480] {strides = array<i32>} : memref<4x16x768xf32, #tpu.memory_space<vmem>>, vector<1x1x16xf32>,
        %parallel_loop3A_482 = vector.shape_cast %parallel_loop3A_481 : vector<1x1x16xf32> to vector<16xf32>
        %parallel_loop3A_483 = vector.shape_cast %parallel_loop3A_386 : vector<16xf32> to vector<1x1x16xf32>
        tpu.vector_store %arg7[%parallel_loop3A_478, %parallel_loop3A_479, %parallel_loop3A_480], %parallel_loop3A_483 {add = true, strides = array<i32>} : memref<4x16x768xf32, #tpu.memory_space<vmem>>, vector<1x1x16xf32>,
        %parallel_loop3A_484 = arith.constant 1 : i32
        %parallel_loop3A_485 = arith.index_cast %parallel_loop3A_484 : i32 to index
        %parallel_loop3A_486 = arith.index_cast %parallel_loop3A_380 : i32 to index
        %parallel_loop3A_487 = arith.constant 16 : index
        %parallel_loop3A_488 = tpu.vector_load %arg7[%parallel_loop3A_485, %parallel_loop3A_486, %parallel_loop3A_487] {strides = array<i32>} : memref<4x16x768xf32, #tpu.memory_space<vmem>>, vector<1x1x16xf32>,
        %parallel_loop3A_489 = vector.shape_cast %parallel_loop3A_488 : vector<1x1x16xf32> to vector<16xf32>
        %parallel_loop3A_490 = vector.shape_cast %parallel_loop3A_392 : vector<16xf32> to vector<1x1x16xf32>
        tpu.vector_store %arg7[%parallel_loop3A_485, %parallel_loop3A_486, %parallel_loop3A_487], %parallel_loop3A_490 {add = true, strides = array<i32>} : memref<4x16x768xf32, #tpu.memory_space<vmem>>, vector<1x1x16xf32>,
        %parallel_loop3A_491 = arith.constant 1 : i32
        %parallel_loop3A_492 = arith.index_cast %parallel_loop3A_491 : i32 to index
        %parallel_loop3A_493 = arith.index_cast %parallel_loop3A_380 : i32 to index
        %parallel_loop3A_494 = arith.constant 32 : index
        %parallel_loop3A_495 = tpu.vector_load %arg7[%parallel_loop3A_492, %parallel_loop3A_493, %parallel_loop3A_494] {strides = array<i32>} : memref<4x16x768xf32, #tpu.memory_space<vmem>>, vector<1x1x16xf32>,
        %parallel_loop3A_496 = vector.shape_cast %parallel_loop3A_495 : vector<1x1x16xf32> to vector<16xf32>
        %parallel_loop3A_497 = vector.shape_cast %parallel_loop3A_398 : vector<16xf32> to vector<1x1x16xf32>
        tpu.vector_store %arg7[%parallel_loop3A_492, %parallel_loop3A_493, %parallel_loop3A_494], %parallel_loop3A_497 {add = true, strides = array<i32>} : memref<4x16x768xf32, #tpu.memory_space<vmem>>, vector<1x1x16xf32>,
        %parallel_loop3A_498 = arith.constant 1 : i32
        %parallel_loop3A_499 = arith.index_cast %parallel_loop3A_498 : i32 to index
        %parallel_loop3A_500 = arith.index_cast %parallel_loop3A_380 : i32 to index
        %parallel_loop3A_501 = arith.constant 48 : index
        %parallel_loop3A_502 = tpu.vector_load %arg7[%parallel_loop3A_499, %parallel_loop3A_500, %parallel_loop3A_501] {strides = array<i32>} : memref<4x16x768xf32, #tpu.memory_space<vmem>>, vector<1x1x16xf32>,
        %parallel_loop3A_503 = vector.shape_cast %parallel_loop3A_502 : vector<1x1x16xf32> to vector<16xf32>
        %parallel_loop3A_504 = vector.shape_cast %parallel_loop3A_404 : vector<16xf32> to vector<1x1x16xf32>
        tpu.vector_store %arg7[%parallel_loop3A_499, %parallel_loop3A_500, %parallel_loop3A_501], %parallel_loop3A_504 {add = true, strides = array<i32>} : memref<4x16x768xf32, #tpu.memory_space<vmem>>, vector<1x1x16xf32>,
        %parallel_loop3A_505 = arith.constant 1 : i32
        %parallel_loop3A_506 = arith.index_cast %parallel_loop3A_505 : i32 to index
        %parallel_loop3A_507 = arith.index_cast %parallel_loop3A_380 : i32 to index
        %parallel_loop3A_508 = arith.constant 64 : index
        %parallel_loop3A_509 = tpu.vector_load %arg7[%parallel_loop3A_506, %parallel_loop3A_507, %parallel_loop3A_508] {strides = array<i32>} : memref<4x16x768xf32, #tpu.memory_space<vmem>>, vector<1x1x16xf32>,
        %parallel_loop3A_510 = vector.shape_cast %parallel_loop3A_509 : vector<1x1x16xf32> to vector<16xf32>
        %parallel_loop3A_511 = vector.shape_cast %parallel_loop3A_410 : vector<16xf32> to vector<1x1x16xf32>
        tpu.vector_store %arg7[%parallel_loop3A_506, %parallel_loop3A_507, %parallel_loop3A_508], %parallel_loop3A_511 {add = true, strides = array<i32>} : memref<4x16x768xf32, #tpu.memory_space<vmem>>, vector<1x1x16xf32>,
        %parallel_loop3A_512 = arith.constant 1 : i32
        %parallel_loop3A_513 = arith.index_cast %parallel_loop3A_512 : i32 to index
        %parallel_loop3A_514 = arith.index_cast %parallel_loop3A_380 : i32 to index
        %parallel_loop3A_515 = arith.constant 80 : index
        %parallel_loop3A_516 = tpu.vector_load %arg7[%parallel_loop3A_513, %parallel_loop3A_514, %parallel_loop3A_515] {strides = array<i32>} : memref<4x16x768xf32, #tpu.memory_space<vmem>>, vector<1x1x16xf32>,
        %parallel_loop3A_517 = vector.shape_cast %parallel_loop3A_516 : vector<1x1x16xf32> to vector<16xf32>
        %parallel_loop3A_518 = vector.shape_cast %parallel_loop3A_416 : vector<16xf32> to vector<1x1x16xf32>
        tpu.vector_store %arg7[%parallel_loop3A_513, %parallel_loop3A_514, %parallel_loop3A_515], %parallel_loop3A_518 {add = true, strides = array<i32>} : memref<4x16x768xf32, #tpu.memory_space<vmem>>, vector<1x1x16xf32>,
        %parallel_loop3A_519 = arith.constant 1 : i32
        %parallel_loop3A_520 = arith.index_cast %parallel_loop3A_519 : i32 to index
        %parallel_loop3A_521 = arith.index_cast %parallel_loop3A_380 : i32 to index
        %parallel_loop3A_522 = arith.constant 96 : index
        %parallel_loop3A_523 = tpu.vector_load %arg7[%parallel_loop3A_520, %parallel_loop3A_521, %parallel_loop3A_522] {strides = array<i32>} : memref<4x16x768xf32, #tpu.memory_space<vmem>>, vector<1x1x16xf32>,
        %parallel_loop3A_524 = vector.shape_cast %parallel_loop3A_523 : vector<1x1x16xf32> to vector<16xf32>
        %parallel_loop3A_525 = vector.shape_cast %parallel_loop3A_422 : vector<16xf32> to vector<1x1x16xf32>
        tpu.vector_store %arg7[%parallel_loop3A_520, %parallel_loop3A_521, %parallel_loop3A_522], %parallel_loop3A_525 {add = true, strides = array<i32>} : memref<4x16x768xf32, #tpu.memory_space<vmem>>, vector<1x1x16xf32>,
        %parallel_loop3A_526 = arith.constant 1 : i32
        %parallel_loop3A_527 = arith.index_cast %parallel_loop3A_526 : i32 to index
        %parallel_loop3A_528 = arith.index_cast %parallel_loop3A_380 : i32 to index
        %parallel_loop3A_529 = arith.constant 112 : index
        %parallel_loop3A_530 = tpu.vector_load %arg7[%parallel_loop3A_527, %parallel_loop3A_528, %parallel_loop3A_529] {strides = array<i32>} : memref<4x16x768xf32, #tpu.memory_space<vmem>>, vector<1x1x16xf32>,
        %parallel_loop3A_531 = vector.shape_cast %parallel_loop3A_530 : vector<1x1x16xf32> to vector<16xf32>
        %parallel_loop3A_532 = vector.shape_cast %parallel_loop3A_428 : vector<16xf32> to vector<1x1x16xf32>
        tpu.vector_store %arg7[%parallel_loop3A_527, %parallel_loop3A_528, %parallel_loop3A_529], %parallel_loop3A_532 {add = true, strides = array<i32>} : memref<4x16x768xf32, #tpu.memory_space<vmem>>, vector<1x1x16xf32>,
        %parallel_loop3A_533 = arith.constant 1 : i32
        %parallel_loop3A_534 = arith.index_cast %parallel_loop3A_533 : i32 to index
        %parallel_loop3A_535 = arith.index_cast %parallel_loop3A_380 : i32 to index
        %parallel_loop3A_536 = arith.constant 128 : index
        %parallel_loop3A_537 = tpu.vector_load %arg7[%parallel_loop3A_534, %parallel_loop3A_535, %parallel_loop3A_536] {strides = array<i32>} : memref<4x16x768xf32, #tpu.memory_space<vmem>>, vector<1x1x16xf32>,
        %parallel_loop3A_538 = vector.shape_cast %parallel_loop3A_537 : vector<1x1x16xf32> to vector<16xf32>
        %parallel_loop3A_539 = vector.shape_cast %parallel_loop3A_434 : vector<16xf32> to vector<1x1x16xf32>
        tpu.vector_store %arg7[%parallel_loop3A_534, %parallel_loop3A_535, %parallel_loop3A_536], %parallel_loop3A_539 {add = true, strides = array<i32>} : memref<4x16x768xf32, #tpu.memory_space<vmem>>, vector<1x1x16xf32>,
        %parallel_loop3A_540 = arith.constant 1 : i32
        %parallel_loop3A_541 = arith.index_cast %parallel_loop3A_540 : i32 to index
        %parallel_loop3A_542 = arith.index_cast %parallel_loop3A_380 : i32 to index
        %parallel_loop3A_543 = arith.constant 144 : index
        %parallel_loop3A_544 = tpu.vector_load %arg7[%parallel_loop3A_541, %parallel_loop3A_542, %parallel_loop3A_543] {strides = array<i32>} : memref<4x16x768xf32, #tpu.memory_space<vmem>>, vector<1x1x16xf32>,
        %parallel_loop3A_545 = vector.shape_cast %parallel_loop3A_544 : vector<1x1x16xf32> to vector<16xf32>
        %parallel_loop3A_546 = vector.shape_cast %parallel_loop3A_440 : vector<16xf32> to vector<1x1x16xf32>
        tpu.vector_store %arg7[%parallel_loop3A_541, %parallel_loop3A_542, %parallel_loop3A_543], %parallel_loop3A_546 {add = true, strides = array<i32>} : memref<4x16x768xf32, #tpu.memory_space<vmem>>, vector<1x1x16xf32>,
        %parallel_loop3A_547 = arith.constant 1 : i32
        %parallel_loop3A_548 = arith.index_cast %parallel_loop3A_547 : i32 to index
        %parallel_loop3A_549 = arith.index_cast %parallel_loop3A_380 : i32 to index
        %parallel_loop3A_550 = arith.constant 160 : index
        %parallel_loop3A_551 = tpu.vector_load %arg7[%parallel_loop3A_548, %parallel_loop3A_549, %parallel_loop3A_550] {strides = array<i32>} : memref<4x16x768xf32, #tpu.memory_space<vmem>>, vector<1x1x16xf32>,
        %parallel_loop3A_552 = vector.shape_cast %parallel_loop3A_551 : vector<1x1x16xf32> to vector<16xf32>
        %parallel_loop3A_553 = vector.shape_cast %parallel_loop3A_446 : vector<16xf32> to vector<1x1x16xf32>
        tpu.vector_store %arg7[%parallel_loop3A_548, %parallel_loop3A_549, %parallel_loop3A_550], %parallel_loop3A_553 {add = true, strides = array<i32>} : memref<4x16x768xf32, #tpu.memory_space<vmem>>, vector<1x1x16xf32>,
        %parallel_loop3A_554 = arith.constant 1 : i32
        %parallel_loop3A_555 = arith.index_cast %parallel_loop3A_554 : i32 to index
        %parallel_loop3A_556 = arith.index_cast %parallel_loop3A_380 : i32 to index
        %parallel_loop3A_557 = arith.constant 176 : index
        %parallel_loop3A_558 = tpu.vector_load %arg7[%parallel_loop3A_555, %parallel_loop3A_556, %parallel_loop3A_557] {strides = array<i32>} : memref<4x16x768xf32, #tpu.memory_space<vmem>>, vector<1x1x16xf32>,
        %parallel_loop3A_559 = vector.shape_cast %parallel_loop3A_558 : vector<1x1x16xf32> to vector<16xf32>
        %parallel_loop3A_560 = vector.shape_cast %parallel_loop3A_452 : vector<16xf32> to vector<1x1x16xf32>
        tpu.vector_store %arg7[%parallel_loop3A_555, %parallel_loop3A_556, %parallel_loop3A_557], %parallel_loop3A_560 {add = true, strides = array<i32>} : memref<4x16x768xf32, #tpu.memory_space<vmem>>, vector<1x1x16xf32>,
        %parallel_loop3A_561 = arith.constant 1 : i32
        %parallel_loop3A_562 = arith.index_cast %parallel_loop3A_561 : i32 to index
        %parallel_loop3A_563 = arith.index_cast %parallel_loop3A_380 : i32 to index
        %parallel_loop3A_564 = arith.constant 192 : index
        %parallel_loop3A_565 = tpu.vector_load %arg7[%parallel_loop3A_562, %parallel_loop3A_563, %parallel_loop3A_564] {strides = array<i32>} : memref<4x16x768xf32, #tpu.memory_space<vmem>>, vector<1x1x16xf32>,
        %parallel_loop3A_566 = vector.shape_cast %parallel_loop3A_565 : vector<1x1x16xf32> to vector<16xf32>
        %parallel_loop3A_567 = vector.shape_cast %parallel_loop3A_458 : vector<16xf32> to vector<1x1x16xf32>
        tpu.vector_store %arg7[%parallel_loop3A_562, %parallel_loop3A_563, %parallel_loop3A_564], %parallel_loop3A_567 {add = true, strides = array<i32>} : memref<4x16x768xf32, #tpu.memory_space<vmem>>, vector<1x1x16xf32>,
        %parallel_loop3A_568 = arith.constant 1 : i32
        %parallel_loop3A_569 = arith.index_cast %parallel_loop3A_568 : i32 to index
        %parallel_loop3A_570 = arith.index_cast %parallel_loop3A_380 : i32 to index
        %parallel_loop3A_571 = arith.constant 208 : index
        %parallel_loop3A_572 = tpu.vector_load %arg7[%parallel_loop3A_569, %parallel_loop3A_570, %parallel_loop3A_571] {strides = array<i32>} : memref<4x16x768xf32, #tpu.memory_space<vmem>>, vector<1x1x16xf32>,
        %parallel_loop3A_573 = vector.shape_cast %parallel_loop3A_572 : vector<1x1x16xf32> to vector<16xf32>
        %parallel_loop3A_574 = vector.shape_cast %parallel_loop3A_464 : vector<16xf32> to vector<1x1x16xf32>
        tpu.vector_store %arg7[%parallel_loop3A_569, %parallel_loop3A_570, %parallel_loop3A_571], %parallel_loop3A_574 {add = true, strides = array<i32>} : memref<4x16x768xf32, #tpu.memory_space<vmem>>, vector<1x1x16xf32>,
        %parallel_loop3A_575 = arith.constant 1 : i32
        %parallel_loop3A_576 = arith.index_cast %parallel_loop3A_575 : i32 to index
        %parallel_loop3A_577 = arith.index_cast %parallel_loop3A_380 : i32 to index
        %parallel_loop3A_578 = arith.constant 224 : index
        %parallel_loop3A_579 = tpu.vector_load %arg7[%parallel_loop3A_576, %parallel_loop3A_577, %parallel_loop3A_578] {strides = array<i32>} : memref<4x16x768xf32, #tpu.memory_space<vmem>>, vector<1x1x16xf32>,
        %parallel_loop3A_580 = vector.shape_cast %parallel_loop3A_579 : vector<1x1x16xf32> to vector<16xf32>
        %parallel_loop3A_581 = vector.shape_cast %parallel_loop3A_470 : vector<16xf32> to vector<1x1x16xf32>
        tpu.vector_store %arg7[%parallel_loop3A_576, %parallel_loop3A_577, %parallel_loop3A_578], %parallel_loop3A_581 {add = true, strides = array<i32>} : memref<4x16x768xf32, #tpu.memory_space<vmem>>, vector<1x1x16xf32>,
        %parallel_loop3A_582 = arith.constant 1 : i32
        %parallel_loop3A_583 = arith.index_cast %parallel_loop3A_582 : i32 to index
        %parallel_loop3A_584 = arith.index_cast %parallel_loop3A_380 : i32 to index
        %parallel_loop3A_585 = arith.constant 240 : index
        %parallel_loop3A_586 = tpu.vector_load %arg7[%parallel_loop3A_583, %parallel_loop3A_584, %parallel_loop3A_585] {strides = array<i32>} : memref<4x16x768xf32, #tpu.memory_space<vmem>>, vector<1x1x16xf32>,
        %parallel_loop3A_587 = vector.shape_cast %parallel_loop3A_586 : vector<1x1x16xf32> to vector<16xf32>
        %parallel_loop3A_588 = vector.shape_cast %parallel_loop3A_476 : vector<16xf32> to vector<1x1x16xf32>
        tpu.vector_store %arg7[%parallel_loop3A_583, %parallel_loop3A_584, %parallel_loop3A_585], %parallel_loop3A_588 {add = true, strides = array<i32>} : memref<4x16x768xf32, #tpu.memory_space<vmem>>, vector<1x1x16xf32>,
        %parallel_loop3A_589 = arith.constant 1 : i32
        %parallel_loop3A_590 = arith.index_cast %parallel_loop3A_589 : i32 to index
        %parallel_loop3A_591 = arith.index_cast %parallel_loop3A_380 : i32 to index
        %parallel_loop3A_592 = arith.constant 256 : index
        %parallel_loop3A_593 = tpu.vector_load %arg8[%parallel_loop3A_590, %parallel_loop3A_591, %parallel_loop3A_592] {strides = array<i32>} : memref<4x16x768xf32, #tpu.memory_space<vmem>>, vector<1x1x16xf32>,
        %parallel_loop3A_594 = vector.shape_cast %parallel_loop3A_593 : vector<1x1x16xf32> to vector<16xf32>
        %parallel_loop3A_595 = arith.constant 1 : i32
        %parallel_loop3A_596 = arith.index_cast %parallel_loop3A_595 : i32 to index
        %parallel_loop3A_597 = arith.index_cast %parallel_loop3A_380 : i32 to index
        %parallel_loop3A_598 = arith.constant 272 : index
        %parallel_loop3A_599 = tpu.vector_load %arg8[%parallel_loop3A_596, %parallel_loop3A_597, %parallel_loop3A_598] {strides = array<i32>} : memref<4x16x768xf32, #tpu.memory_space<vmem>>, vector<1x1x16xf32>,
        %parallel_loop3A_600 = vector.shape_cast %parallel_loop3A_599 : vector<1x1x16xf32> to vector<16xf32>
        %parallel_loop3A_601 = arith.constant 1 : i32
        %parallel_loop3A_602 = arith.index_cast %parallel_loop3A_601 : i32 to index
        %parallel_loop3A_603 = arith.index_cast %parallel_loop3A_380 : i32 to index
        %parallel_loop3A_604 = arith.constant 288 : index
        %parallel_loop3A_605 = tpu.vector_load %arg8[%parallel_loop3A_602, %parallel_loop3A_603, %parallel_loop3A_604] {strides = array<i32>} : memref<4x16x768xf32, #tpu.memory_space<vmem>>, vector<1x1x16xf32>,
        %parallel_loop3A_606 = vector.shape_cast %parallel_loop3A_605 : vector<1x1x16xf32> to vector<16xf32>
        %parallel_loop3A_607 = arith.constant 1 : i32
        %parallel_loop3A_608 = arith.index_cast %parallel_loop3A_607 : i32 to index
        %parallel_loop3A_609 = arith.index_cast %parallel_loop3A_380 : i32 to index
        %parallel_loop3A_610 = arith.constant 304 : index
        %parallel_loop3A_611 = tpu.vector_load %arg8[%parallel_loop3A_608, %parallel_loop3A_609, %parallel_loop3A_610] {strides = array<i32>} : memref<4x16x768xf32, #tpu.memory_space<vmem>>, vector<1x1x16xf32>,
        %parallel_loop3A_612 = vector.shape_cast %parallel_loop3A_611 : vector<1x1x16xf32> to vector<16xf32>
        %parallel_loop3A_613 = arith.constant 1 : i32
        %parallel_loop3A_614 = arith.index_cast %parallel_loop3A_613 : i32 to index
        %parallel_loop3A_615 = arith.index_cast %parallel_loop3A_380 : i32 to index
        %parallel_loop3A_616 = arith.constant 320 : index
        %parallel_loop3A_617 = tpu.vector_load %arg8[%parallel_loop3A_614, %parallel_loop3A_615, %parallel_loop3A_616] {strides = array<i32>} : memref<4x16x768xf32, #tpu.memory_space<vmem>>, vector<1x1x16xf32>,
        %parallel_loop3A_618 = vector.shape_cast %parallel_loop3A_617 : vector<1x1x16xf32> to vector<16xf32>
        %parallel_loop3A_619 = arith.constant 1 : i32
        %parallel_loop3A_620 = arith.index_cast %parallel_loop3A_619 : i32 to index
        %parallel_loop3A_621 = arith.index_cast %parallel_loop3A_380 : i32 to index
        %parallel_loop3A_622 = arith.constant 336 : index
        %parallel_loop3A_623 = tpu.vector_load %arg8[%parallel_loop3A_620, %parallel_loop3A_621, %parallel_loop3A_622] {strides = array<i32>} : memref<4x16x768xf32, #tpu.memory_space<vmem>>, vector<1x1x16xf32>,
        %parallel_loop3A_624 = vector.shape_cast %parallel_loop3A_623 : vector<1x1x16xf32> to vector<16xf32>
        %parallel_loop3A_625 = arith.constant 1 : i32
        %parallel_loop3A_626 = arith.index_cast %parallel_loop3A_625 : i32 to index
        %parallel_loop3A_627 = arith.index_cast %parallel_loop3A_380 : i32 to index
        %parallel_loop3A_628 = arith.constant 352 : index
        %parallel_loop3A_629 = tpu.vector_load %arg8[%parallel_loop3A_626, %parallel_loop3A_627, %parallel_loop3A_628] {strides = array<i32>} : memref<4x16x768xf32, #tpu.memory_space<vmem>>, vector<1x1x16xf32>,
        %parallel_loop3A_630 = vector.shape_cast %parallel_loop3A_629 : vector<1x1x16xf32> to vector<16xf32>
        %parallel_loop3A_631 = arith.constant 1 : i32
        %parallel_loop3A_632 = arith.index_cast %parallel_loop3A_631 : i32 to index
        %parallel_loop3A_633 = arith.index_cast %parallel_loop3A_380 : i32 to index
        %parallel_loop3A_634 = arith.constant 368 : index
        %parallel_loop3A_635 = tpu.vector_load %arg8[%parallel_loop3A_632, %parallel_loop3A_633, %parallel_loop3A_634] {strides = array<i32>} : memref<4x16x768xf32, #tpu.memory_space<vmem>>, vector<1x1x16xf32>,
        %parallel_loop3A_636 = vector.shape_cast %parallel_loop3A_635 : vector<1x1x16xf32> to vector<16xf32>
        %parallel_loop3A_637 = arith.constant 1 : i32
        %parallel_loop3A_638 = arith.index_cast %parallel_loop3A_637 : i32 to index
        %parallel_loop3A_639 = arith.index_cast %parallel_loop3A_380 : i32 to index
        %parallel_loop3A_640 = arith.constant 384 : index
        %parallel_loop3A_641 = tpu.vector_load %arg8[%parallel_loop3A_638, %parallel_loop3A_639, %parallel_loop3A_640] {strides = array<i32>} : memref<4x16x768xf32, #tpu.memory_space<vmem>>, vector<1x1x16xf32>,
        %parallel_loop3A_642 = vector.shape_cast %parallel_loop3A_641 : vector<1x1x16xf32> to vector<16xf32>
        %parallel_loop3A_643 = arith.constant 1 : i32
        %parallel_loop3A_644 = arith.index_cast %parallel_loop3A_643 : i32 to index
        %parallel_loop3A_645 = arith.index_cast %parallel_loop3A_380 : i32 to index
        %parallel_loop3A_646 = arith.constant 400 : index
        %parallel_loop3A_647 = tpu.vector_load %arg8[%parallel_loop3A_644, %parallel_loop3A_645, %parallel_loop3A_646] {strides = array<i32>} : memref<4x16x768xf32, #tpu.memory_space<vmem>>, vector<1x1x16xf32>,
        %parallel_loop3A_648 = vector.shape_cast %parallel_loop3A_647 : vector<1x1x16xf32> to vector<16xf32>
        %parallel_loop3A_649 = arith.constant 1 : i32
        %parallel_loop3A_650 = arith.index_cast %parallel_loop3A_649 : i32 to index
        %parallel_loop3A_651 = arith.index_cast %parallel_loop3A_380 : i32 to index
        %parallel_loop3A_652 = arith.constant 416 : index
        %parallel_loop3A_653 = tpu.vector_load %arg8[%parallel_loop3A_650, %parallel_loop3A_651, %parallel_loop3A_652] {strides = array<i32>} : memref<4x16x768xf32, #tpu.memory_space<vmem>>, vector<1x1x16xf32>,
        %parallel_loop3A_654 = vector.shape_cast %parallel_loop3A_653 : vector<1x1x16xf32> to vector<16xf32>
        %parallel_loop3A_655 = arith.constant 1 : i32
        %parallel_loop3A_656 = arith.index_cast %parallel_loop3A_655 : i32 to index
        %parallel_loop3A_657 = arith.index_cast %parallel_loop3A_380 : i32 to index
        %parallel_loop3A_658 = arith.constant 432 : index
        %parallel_loop3A_659 = tpu.vector_load %arg8[%parallel_loop3A_656, %parallel_loop3A_657, %parallel_loop3A_658] {strides = array<i32>} : memref<4x16x768xf32, #tpu.memory_space<vmem>>, vector<1x1x16xf32>,
        %parallel_loop3A_660 = vector.shape_cast %parallel_loop3A_659 : vector<1x1x16xf32> to vector<16xf32>
        %parallel_loop3A_661 = arith.constant 1 : i32
        %parallel_loop3A_662 = arith.index_cast %parallel_loop3A_661 : i32 to index
        %parallel_loop3A_663 = arith.index_cast %parallel_loop3A_380 : i32 to index
        %parallel_loop3A_664 = arith.constant 448 : index
        %parallel_loop3A_665 = tpu.vector_load %arg8[%parallel_loop3A_662, %parallel_loop3A_663, %parallel_loop3A_664] {strides = array<i32>} : memref<4x16x768xf32, #tpu.memory_space<vmem>>, vector<1x1x16xf32>,
        %parallel_loop3A_666 = vector.shape_cast %parallel_loop3A_665 : vector<1x1x16xf32> to vector<16xf32>
        %parallel_loop3A_667 = arith.constant 1 : i32
        %parallel_loop3A_668 = arith.index_cast %parallel_loop3A_667 : i32 to index
        %parallel_loop3A_669 = arith.index_cast %parallel_loop3A_380 : i32 to index
        %parallel_loop3A_670 = arith.constant 464 : index
        %parallel_loop3A_671 = tpu.vector_load %arg8[%parallel_loop3A_668, %parallel_loop3A_669, %parallel_loop3A_670] {strides = array<i32>} : memref<4x16x768xf32, #tpu.memory_space<vmem>>, vector<1x1x16xf32>,
        %parallel_loop3A_672 = vector.shape_cast %parallel_loop3A_671 : vector<1x1x16xf32> to vector<16xf32>
        %parallel_loop3A_673 = arith.constant 1 : i32
        %parallel_loop3A_674 = arith.index_cast %parallel_loop3A_673 : i32 to index
        %parallel_loop3A_675 = arith.index_cast %parallel_loop3A_380 : i32 to index
        %parallel_loop3A_676 = arith.constant 480 : index
        %parallel_loop3A_677 = tpu.vector_load %arg8[%parallel_loop3A_674, %parallel_loop3A_675, %parallel_loop3A_676] {strides = array<i32>} : memref<4x16x768xf32, #tpu.memory_space<vmem>>, vector<1x1x16xf32>,
        %parallel_loop3A_678 = vector.shape_cast %parallel_loop3A_677 : vector<1x1x16xf32> to vector<16xf32>
        %parallel_loop3A_679 = arith.constant 1 : i32
        %parallel_loop3A_680 = arith.index_cast %parallel_loop3A_679 : i32 to index
        %parallel_loop3A_681 = arith.index_cast %parallel_loop3A_380 : i32 to index
        %parallel_loop3A_682 = arith.constant 496 : index
        %parallel_loop3A_683 = tpu.vector_load %arg8[%parallel_loop3A_680, %parallel_loop3A_681, %parallel_loop3A_682] {strides = array<i32>} : memref<4x16x768xf32, #tpu.memory_space<vmem>>, vector<1x1x16xf32>,
        %parallel_loop3A_684 = vector.shape_cast %parallel_loop3A_683 : vector<1x1x16xf32> to vector<16xf32>
        %parallel_loop3A_685 = arith.constant 1 : i32
        %parallel_loop3A_686 = arith.index_cast %parallel_loop3A_685 : i32 to index
        %parallel_loop3A_687 = arith.index_cast %parallel_loop3A_380 : i32 to index
        %parallel_loop3A_688 = arith.constant 256 : index
        %parallel_loop3A_689 = tpu.vector_load %arg7[%parallel_loop3A_686, %parallel_loop3A_687, %parallel_loop3A_688] {strides = array<i32>} : memref<4x16x768xf32, #tpu.memory_space<vmem>>, vector<1x1x16xf32>,
        %parallel_loop3A_690 = vector.shape_cast %parallel_loop3A_689 : vector<1x1x16xf32> to vector<16xf32>
        %parallel_loop3A_691 = vector.shape_cast %parallel_loop3A_594 : vector<16xf32> to vector<1x1x16xf32>
        tpu.vector_store %arg7[%parallel_loop3A_686, %parallel_loop3A_687, %parallel_loop3A_688], %parallel_loop3A_691 {add = true, strides = array<i32>} : memref<4x16x768xf32, #tpu.memory_space<vmem>>, vector<1x1x16xf32>,
        %parallel_loop3A_692 = arith.constant 1 : i32
        %parallel_loop3A_693 = arith.index_cast %parallel_loop3A_692 : i32 to index
        %parallel_loop3A_694 = arith.index_cast %parallel_loop3A_380 : i32 to index
        %parallel_loop3A_695 = arith.constant 272 : index
        %parallel_loop3A_696 = tpu.vector_load %arg7[%parallel_loop3A_693, %parallel_loop3A_694, %parallel_loop3A_695] {strides = array<i32>} : memref<4x16x768xf32, #tpu.memory_space<vmem>>, vector<1x1x16xf32>,
        %parallel_loop3A_697 = vector.shape_cast %parallel_loop3A_696 : vector<1x1x16xf32> to vector<16xf32>
        %parallel_loop3A_698 = vector.shape_cast %parallel_loop3A_600 : vector<16xf32> to vector<1x1x16xf32>
        tpu.vector_store %arg7[%parallel_loop3A_693, %parallel_loop3A_694, %parallel_loop3A_695], %parallel_loop3A_698 {add = true, strides = array<i32>} : memref<4x16x768xf32, #tpu.memory_space<vmem>>, vector<1x1x16xf32>,
        %parallel_loop3A_699 = arith.constant 1 : i32
        %parallel_loop3A_700 = arith.index_cast %parallel_loop3A_699 : i32 to index
        %parallel_loop3A_701 = arith.index_cast %parallel_loop3A_380 : i32 to index
        %parallel_loop3A_702 = arith.constant 288 : index
        %parallel_loop3A_703 = tpu.vector_load %arg7[%parallel_loop3A_700, %parallel_loop3A_701, %parallel_loop3A_702] {strides = array<i32>} : memref<4x16x768xf32, #tpu.memory_space<vmem>>, vector<1x1x16xf32>,
        %parallel_loop3A_704 = vector.shape_cast %parallel_loop3A_703 : vector<1x1x16xf32> to vector<16xf32>
        %parallel_loop3A_705 = vector.shape_cast %parallel_loop3A_606 : vector<16xf32> to vector<1x1x16xf32>
        tpu.vector_store %arg7[%parallel_loop3A_700, %parallel_loop3A_701, %parallel_loop3A_702], %parallel_loop3A_705 {add = true, strides = array<i32>} : memref<4x16x768xf32, #tpu.memory_space<vmem>>, vector<1x1x16xf32>,
        %parallel_loop3A_706 = arith.constant 1 : i32
        %parallel_loop3A_707 = arith.index_cast %parallel_loop3A_706 : i32 to index
        %parallel_loop3A_708 = arith.index_cast %parallel_loop3A_380 : i32 to index
        %parallel_loop3A_709 = arith.constant 304 : index
        %parallel_loop3A_710 = tpu.vector_load %arg7[%parallel_loop3A_707, %parallel_loop3A_708, %parallel_loop3A_709] {strides = array<i32>} : memref<4x16x768xf32, #tpu.memory_space<vmem>>, vector<1x1x16xf32>,
        %parallel_loop3A_711 = vector.shape_cast %parallel_loop3A_710 : vector<1x1x16xf32> to vector<16xf32>
        %parallel_loop3A_712 = vector.shape_cast %parallel_loop3A_612 : vector<16xf32> to vector<1x1x16xf32>
        tpu.vector_store %arg7[%parallel_loop3A_707, %parallel_loop3A_708, %parallel_loop3A_709], %parallel_loop3A_712 {add = true, strides = array<i32>} : memref<4x16x768xf32, #tpu.memory_space<vmem>>, vector<1x1x16xf32>,
        %parallel_loop3A_713 = arith.constant 1 : i32
        %parallel_loop3A_714 = arith.index_cast %parallel_loop3A_713 : i32 to index
        %parallel_loop3A_715 = arith.index_cast %parallel_loop3A_380 : i32 to index
        %parallel_loop3A_716 = arith.constant 320 : index
        %parallel_loop3A_717 = tpu.vector_load %arg7[%parallel_loop3A_714, %parallel_loop3A_715, %parallel_loop3A_716] {strides = array<i32>} : memref<4x16x768xf32, #tpu.memory_space<vmem>>, vector<1x1x16xf32>,
        %parallel_loop3A_718 = vector.shape_cast %parallel_loop3A_717 : vector<1x1x16xf32> to vector<16xf32>
        %parallel_loop3A_719 = vector.shape_cast %parallel_loop3A_618 : vector<16xf32> to vector<1x1x16xf32>
        tpu.vector_store %arg7[%parallel_loop3A_714, %parallel_loop3A_715, %parallel_loop3A_716], %parallel_loop3A_719 {add = true, strides = array<i32>} : memref<4x16x768xf32, #tpu.memory_space<vmem>>, vector<1x1x16xf32>,
        %parallel_loop3A_720 = arith.constant 1 : i32
        %parallel_loop3A_721 = arith.index_cast %parallel_loop3A_720 : i32 to index
        %parallel_loop3A_722 = arith.index_cast %parallel_loop3A_380 : i32 to index
        %parallel_loop3A_723 = arith.constant 336 : index
        %parallel_loop3A_724 = tpu.vector_load %arg7[%parallel_loop3A_721, %parallel_loop3A_722, %parallel_loop3A_723] {strides = array<i32>} : memref<4x16x768xf32, #tpu.memory_space<vmem>>, vector<1x1x16xf32>,
        %parallel_loop3A_725 = vector.shape_cast %parallel_loop3A_724 : vector<1x1x16xf32> to vector<16xf32>
        %parallel_loop3A_726 = vector.shape_cast %parallel_loop3A_624 : vector<16xf32> to vector<1x1x16xf32>
        tpu.vector_store %arg7[%parallel_loop3A_721, %parallel_loop3A_722, %parallel_loop3A_723], %parallel_loop3A_726 {add = true, strides = array<i32>} : memref<4x16x768xf32, #tpu.memory_space<vmem>>, vector<1x1x16xf32>,
        %parallel_loop3A_727 = arith.constant 1 : i32
        %parallel_loop3A_728 = arith.index_cast %parallel_loop3A_727 : i32 to index
        %parallel_loop3A_729 = arith.index_cast %parallel_loop3A_380 : i32 to index
        %parallel_loop3A_730 = arith.constant 352 : index
        %parallel_loop3A_731 = tpu.vector_load %arg7[%parallel_loop3A_728, %parallel_loop3A_729, %parallel_loop3A_730] {strides = array<i32>} : memref<4x16x768xf32, #tpu.memory_space<vmem>>, vector<1x1x16xf32>,
        %parallel_loop3A_732 = vector.shape_cast %parallel_loop3A_731 : vector<1x1x16xf32> to vector<16xf32>
        %parallel_loop3A_733 = vector.shape_cast %parallel_loop3A_630 : vector<16xf32> to vector<1x1x16xf32>
        tpu.vector_store %arg7[%parallel_loop3A_728, %parallel_loop3A_729, %parallel_loop3A_730], %parallel_loop3A_733 {add = true, strides = array<i32>} : memref<4x16x768xf32, #tpu.memory_space<vmem>>, vector<1x1x16xf32>,
        %parallel_loop3A_734 = arith.constant 1 : i32
        %parallel_loop3A_735 = arith.index_cast %parallel_loop3A_734 : i32 to index
        %parallel_loop3A_736 = arith.index_cast %parallel_loop3A_380 : i32 to index
        %parallel_loop3A_737 = arith.constant 368 : index
        %parallel_loop3A_738 = tpu.vector_load %arg7[%parallel_loop3A_735, %parallel_loop3A_736, %parallel_loop3A_737] {strides = array<i32>} : memref<4x16x768xf32, #tpu.memory_space<vmem>>, vector<1x1x16xf32>,
        %parallel_loop3A_739 = vector.shape_cast %parallel_loop3A_738 : vector<1x1x16xf32> to vector<16xf32>
        %parallel_loop3A_740 = vector.shape_cast %parallel_loop3A_636 : vector<16xf32> to vector<1x1x16xf32>
        tpu.vector_store %arg7[%parallel_loop3A_735, %parallel_loop3A_736, %parallel_loop3A_737], %parallel_loop3A_740 {add = true, strides = array<i32>} : memref<4x16x768xf32, #tpu.memory_space<vmem>>, vector<1x1x16xf32>,
        %parallel_loop3A_741 = arith.constant 1 : i32
        %parallel_loop3A_742 = arith.index_cast %parallel_loop3A_741 : i32 to index
        %parallel_loop3A_743 = arith.index_cast %parallel_loop3A_380 : i32 to index
        %parallel_loop3A_744 = arith.constant 384 : index
        %parallel_loop3A_745 = tpu.vector_load %arg7[%parallel_loop3A_742, %parallel_loop3A_743, %parallel_loop3A_744] {strides = array<i32>} : memref<4x16x768xf32, #tpu.memory_space<vmem>>, vector<1x1x16xf32>,
        %parallel_loop3A_746 = vector.shape_cast %parallel_loop3A_745 : vector<1x1x16xf32> to vector<16xf32>
        %parallel_loop3A_747 = vector.shape_cast %parallel_loop3A_642 : vector<16xf32> to vector<1x1x16xf32>
        tpu.vector_store %arg7[%parallel_loop3A_742, %parallel_loop3A_743, %parallel_loop3A_744], %parallel_loop3A_747 {add = true, strides = array<i32>} : memref<4x16x768xf32, #tpu.memory_space<vmem>>, vector<1x1x16xf32>,
        %parallel_loop3A_748 = arith.constant 1 : i32
        %parallel_loop3A_749 = arith.index_cast %parallel_loop3A_748 : i32 to index
        %parallel_loop3A_750 = arith.index_cast %parallel_loop3A_380 : i32 to index
        %parallel_loop3A_751 = arith.constant 400 : index
        %parallel_loop3A_752 = tpu.vector_load %arg7[%parallel_loop3A_749, %parallel_loop3A_750, %parallel_loop3A_751] {strides = array<i32>} : memref<4x16x768xf32, #tpu.memory_space<vmem>>, vector<1x1x16xf32>,
        %parallel_loop3A_753 = vector.shape_cast %parallel_loop3A_752 : vector<1x1x16xf32> to vector<16xf32>
        %parallel_loop3A_754 = vector.shape_cast %parallel_loop3A_648 : vector<16xf32> to vector<1x1x16xf32>
        tpu.vector_store %arg7[%parallel_loop3A_749, %parallel_loop3A_750, %parallel_loop3A_751], %parallel_loop3A_754 {add = true, strides = array<i32>} : memref<4x16x768xf32, #tpu.memory_space<vmem>>, vector<1x1x16xf32>,
        %parallel_loop3A_755 = arith.constant 1 : i32
        %parallel_loop3A_756 = arith.index_cast %parallel_loop3A_755 : i32 to index
        %parallel_loop3A_757 = arith.index_cast %parallel_loop3A_380 : i32 to index
        %parallel_loop3A_758 = arith.constant 416 : index
        %parallel_loop3A_759 = tpu.vector_load %arg7[%parallel_loop3A_756, %parallel_loop3A_757, %parallel_loop3A_758] {strides = array<i32>} : memref<4x16x768xf32, #tpu.memory_space<vmem>>, vector<1x1x16xf32>,
        %parallel_loop3A_760 = vector.shape_cast %parallel_loop3A_759 : vector<1x1x16xf32> to vector<16xf32>
        %parallel_loop3A_761 = vector.shape_cast %parallel_loop3A_654 : vector<16xf32> to vector<1x1x16xf32>
        tpu.vector_store %arg7[%parallel_loop3A_756, %parallel_loop3A_757, %parallel_loop3A_758], %parallel_loop3A_761 {add = true, strides = array<i32>} : memref<4x16x768xf32, #tpu.memory_space<vmem>>, vector<1x1x16xf32>,
        %parallel_loop3A_762 = arith.constant 1 : i32
        %parallel_loop3A_763 = arith.index_cast %parallel_loop3A_762 : i32 to index
        %parallel_loop3A_764 = arith.index_cast %parallel_loop3A_380 : i32 to index
        %parallel_loop3A_765 = arith.constant 432 : index
        %parallel_loop3A_766 = tpu.vector_load %arg7[%parallel_loop3A_763, %parallel_loop3A_764, %parallel_loop3A_765] {strides = array<i32>} : memref<4x16x768xf32, #tpu.memory_space<vmem>>, vector<1x1x16xf32>,
        %parallel_loop3A_767 = vector.shape_cast %parallel_loop3A_766 : vector<1x1x16xf32> to vector<16xf32>
        %parallel_loop3A_768 = vector.shape_cast %parallel_loop3A_660 : vector<16xf32> to vector<1x1x16xf32>
        tpu.vector_store %arg7[%parallel_loop3A_763, %parallel_loop3A_764, %parallel_loop3A_765], %parallel_loop3A_768 {add = true, strides = array<i32>} : memref<4x16x768xf32, #tpu.memory_space<vmem>>, vector<1x1x16xf32>,
        %parallel_loop3A_769 = arith.constant 1 : i32
        %parallel_loop3A_770 = arith.index_cast %parallel_loop3A_769 : i32 to index
        %parallel_loop3A_771 = arith.index_cast %parallel_loop3A_380 : i32 to index
        %parallel_loop3A_772 = arith.constant 448 : index
        %parallel_loop3A_773 = tpu.vector_load %arg7[%parallel_loop3A_770, %parallel_loop3A_771, %parallel_loop3A_772] {strides = array<i32>} : memref<4x16x768xf32, #tpu.memory_space<vmem>>, vector<1x1x16xf32>,
        %parallel_loop3A_774 = vector.shape_cast %parallel_loop3A_773 : vector<1x1x16xf32> to vector<16xf32>
        %parallel_loop3A_775 = vector.shape_cast %parallel_loop3A_666 : vector<16xf32> to vector<1x1x16xf32>
        tpu.vector_store %arg7[%parallel_loop3A_770, %parallel_loop3A_771, %parallel_loop3A_772], %parallel_loop3A_775 {add = true, strides = array<i32>} : memref<4x16x768xf32, #tpu.memory_space<vmem>>, vector<1x1x16xf32>,
        %parallel_loop3A_776 = arith.constant 1 : i32
        %parallel_loop3A_777 = arith.index_cast %parallel_loop3A_776 : i32 to index
        %parallel_loop3A_778 = arith.index_cast %parallel_loop3A_380 : i32 to index
        %parallel_loop3A_779 = arith.constant 464 : index
        %parallel_loop3A_780 = tpu.vector_load %arg7[%parallel_loop3A_777, %parallel_loop3A_778, %parallel_loop3A_779] {strides = array<i32>} : memref<4x16x768xf32, #tpu.memory_space<vmem>>, vector<1x1x16xf32>,
        %parallel_loop3A_781 = vector.shape_cast %parallel_loop3A_780 : vector<1x1x16xf32> to vector<16xf32>
        %parallel_loop3A_782 = vector.shape_cast %parallel_loop3A_672 : vector<16xf32> to vector<1x1x16xf32>
        tpu.vector_store %arg7[%parallel_loop3A_777, %parallel_loop3A_778, %parallel_loop3A_779], %parallel_loop3A_782 {add = true, strides = array<i32>} : memref<4x16x768xf32, #tpu.memory_space<vmem>>, vector<1x1x16xf32>,
        %parallel_loop3A_783 = arith.constant 1 : i32
        %parallel_loop3A_784 = arith.index_cast %parallel_loop3A_783 : i32 to index
        %parallel_loop3A_785 = arith.index_cast %parallel_loop3A_380 : i32 to index
        %parallel_loop3A_786 = arith.constant 480 : index
        %parallel_loop3A_787 = tpu.vector_load %arg7[%parallel_loop3A_784, %parallel_loop3A_785, %parallel_loop3A_786] {strides = array<i32>} : memref<4x16x768xf32, #tpu.memory_space<vmem>>, vector<1x1x16xf32>,
        %parallel_loop3A_788 = vector.shape_cast %parallel_loop3A_787 : vector<1x1x16xf32> to vector<16xf32>
        %parallel_loop3A_789 = vector.shape_cast %parallel_loop3A_678 : vector<16xf32> to vector<1x1x16xf32>
        tpu.vector_store %arg7[%parallel_loop3A_784, %parallel_loop3A_785, %parallel_loop3A_786], %parallel_loop3A_789 {add = true, strides = array<i32>} : memref<4x16x768xf32, #tpu.memory_space<vmem>>, vector<1x1x16xf32>,
        %parallel_loop3A_790 = arith.constant 1 : i32
        %parallel_loop3A_791 = arith.index_cast %parallel_loop3A_790 : i32 to index
        %parallel_loop3A_792 = arith.index_cast %parallel_loop3A_380 : i32 to index
        %parallel_loop3A_793 = arith.constant 496 : index
        %parallel_loop3A_794 = tpu.vector_load %arg7[%parallel_loop3A_791, %parallel_loop3A_792, %parallel_loop3A_793] {strides = array<i32>} : memref<4x16x768xf32, #tpu.memory_space<vmem>>, vector<1x1x16xf32>,
        %parallel_loop3A_795 = vector.shape_cast %parallel_loop3A_794 : vector<1x1x16xf32> to vector<16xf32>
        %parallel_loop3A_796 = vector.shape_cast %parallel_loop3A_684 : vector<16xf32> to vector<1x1x16xf32>
        tpu.vector_store %arg7[%parallel_loop3A_791, %parallel_loop3A_792, %parallel_loop3A_793], %parallel_loop3A_796 {add = true, strides = array<i32>} : memref<4x16x768xf32, #tpu.memory_space<vmem>>, vector<1x1x16xf32>,
        %parallel_loop3A_797 = arith.constant 1 : i32
        %parallel_loop3A_798 = arith.index_cast %parallel_loop3A_797 : i32 to index
        %parallel_loop3A_799 = arith.index_cast %parallel_loop3A_380 : i32 to index
        %parallel_loop3A_800 = arith.constant 512 : index
        %parallel_loop3A_801 = tpu.vector_load %arg8[%parallel_loop3A_798, %parallel_loop3A_799, %parallel_loop3A_800] {strides = array<i32>} : memref<4x16x768xf32, #tpu.memory_space<vmem>>, vector<1x1x16xf32>,
        %parallel_loop3A_802 = vector.shape_cast %parallel_loop3A_801 : vector<1x1x16xf32> to vector<16xf32>
        %parallel_loop3A_803 = arith.constant 1 : i32
        %parallel_loop3A_804 = arith.index_cast %parallel_loop3A_803 : i32 to index
        %parallel_loop3A_805 = arith.index_cast %parallel_loop3A_380 : i32 to index
        %parallel_loop3A_806 = arith.constant 528 : index
        %parallel_loop3A_807 = tpu.vector_load %arg8[%parallel_loop3A_804, %parallel_loop3A_805, %parallel_loop3A_806] {strides = array<i32>} : memref<4x16x768xf32, #tpu.memory_space<vmem>>, vector<1x1x16xf32>,
        %parallel_loop3A_808 = vector.shape_cast %parallel_loop3A_807 : vector<1x1x16xf32> to vector<16xf32>
        %parallel_loop3A_809 = arith.constant 1 : i32
        %parallel_loop3A_810 = arith.index_cast %parallel_loop3A_809 : i32 to index
        %parallel_loop3A_811 = arith.index_cast %parallel_loop3A_380 : i32 to index
        %parallel_loop3A_812 = arith.constant 544 : index
        %parallel_loop3A_813 = tpu.vector_load %arg8[%parallel_loop3A_810, %parallel_loop3A_811, %parallel_loop3A_812] {strides = array<i32>} : memref<4x16x768xf32, #tpu.memory_space<vmem>>, vector<1x1x16xf32>,
        %parallel_loop3A_814 = vector.shape_cast %parallel_loop3A_813 : vector<1x1x16xf32> to vector<16xf32>
        %parallel_loop3A_815 = arith.constant 1 : i32
        %parallel_loop3A_816 = arith.index_cast %parallel_loop3A_815 : i32 to index
        %parallel_loop3A_817 = arith.index_cast %parallel_loop3A_380 : i32 to index
        %parallel_loop3A_818 = arith.constant 560 : index
        %parallel_loop3A_819 = tpu.vector_load %arg8[%parallel_loop3A_816, %parallel_loop3A_817, %parallel_loop3A_818] {strides = array<i32>} : memref<4x16x768xf32, #tpu.memory_space<vmem>>, vector<1x1x16xf32>,
        %parallel_loop3A_820 = vector.shape_cast %parallel_loop3A_819 : vector<1x1x16xf32> to vector<16xf32>
        %parallel_loop3A_821 = arith.constant 1 : i32
        %parallel_loop3A_822 = arith.index_cast %parallel_loop3A_821 : i32 to index
        %parallel_loop3A_823 = arith.index_cast %parallel_loop3A_380 : i32 to index
        %parallel_loop3A_824 = arith.constant 576 : index
        %parallel_loop3A_825 = tpu.vector_load %arg8[%parallel_loop3A_822, %parallel_loop3A_823, %parallel_loop3A_824] {strides = array<i32>} : memref<4x16x768xf32, #tpu.memory_space<vmem>>, vector<1x1x16xf32>,
        %parallel_loop3A_826 = vector.shape_cast %parallel_loop3A_825 : vector<1x1x16xf32> to vector<16xf32>
        %parallel_loop3A_827 = arith.constant 1 : i32
        %parallel_loop3A_828 = arith.index_cast %parallel_loop3A_827 : i32 to index
        %parallel_loop3A_829 = arith.index_cast %parallel_loop3A_380 : i32 to index
        %parallel_loop3A_830 = arith.constant 592 : index
        %parallel_loop3A_831 = tpu.vector_load %arg8[%parallel_loop3A_828, %parallel_loop3A_829, %parallel_loop3A_830] {strides = array<i32>} : memref<4x16x768xf32, #tpu.memory_space<vmem>>, vector<1x1x16xf32>,
        %parallel_loop3A_832 = vector.shape_cast %parallel_loop3A_831 : vector<1x1x16xf32> to vector<16xf32>
        %parallel_loop3A_833 = arith.constant 1 : i32
        %parallel_loop3A_834 = arith.index_cast %parallel_loop3A_833 : i32 to index
        %parallel_loop3A_835 = arith.index_cast %parallel_loop3A_380 : i32 to index
        %parallel_loop3A_836 = arith.constant 608 : index
        %parallel_loop3A_837 = tpu.vector_load %arg8[%parallel_loop3A_834, %parallel_loop3A_835, %parallel_loop3A_836] {strides = array<i32>} : memref<4x16x768xf32, #tpu.memory_space<vmem>>, vector<1x1x16xf32>,
        %parallel_loop3A_838 = vector.shape_cast %parallel_loop3A_837 : vector<1x1x16xf32> to vector<16xf32>
        %parallel_loop3A_839 = arith.constant 1 : i32
        %parallel_loop3A_840 = arith.index_cast %parallel_loop3A_839 : i32 to index
        %parallel_loop3A_841 = arith.index_cast %parallel_loop3A_380 : i32 to index
        %parallel_loop3A_842 = arith.constant 624 : index
        %parallel_loop3A_843 = tpu.vector_load %arg8[%parallel_loop3A_840, %parallel_loop3A_841, %parallel_loop3A_842] {strides = array<i32>} : memref<4x16x768xf32, #tpu.memory_space<vmem>>, vector<1x1x16xf32>,
        %parallel_loop3A_844 = vector.shape_cast %parallel_loop3A_843 : vector<1x1x16xf32> to vector<16xf32>
        %parallel_loop3A_845 = arith.constant 1 : i32
        %parallel_loop3A_846 = arith.index_cast %parallel_loop3A_845 : i32 to index
        %parallel_loop3A_847 = arith.index_cast %parallel_loop3A_380 : i32 to index
        %parallel_loop3A_848 = arith.constant 640 : index
        %parallel_loop3A_849 = tpu.vector_load %arg8[%parallel_loop3A_846, %parallel_loop3A_847, %parallel_loop3A_848] {strides = array<i32>} : memref<4x16x768xf32, #tpu.memory_space<vmem>>, vector<1x1x16xf32>,
        %parallel_loop3A_850 = vector.shape_cast %parallel_loop3A_849 : vector<1x1x16xf32> to vector<16xf32>
        %parallel_loop3A_851 = arith.constant 1 : i32
        %parallel_loop3A_852 = arith.index_cast %parallel_loop3A_851 : i32 to index
        %parallel_loop3A_853 = arith.index_cast %parallel_loop3A_380 : i32 to index
        %parallel_loop3A_854 = arith.constant 656 : index
        %parallel_loop3A_855 = tpu.vector_load %arg8[%parallel_loop3A_852, %parallel_loop3A_853, %parallel_loop3A_854] {strides = array<i32>} : memref<4x16x768xf32, #tpu.memory_space<vmem>>, vector<1x1x16xf32>,
        %parallel_loop3A_856 = vector.shape_cast %parallel_loop3A_855 : vector<1x1x16xf32> to vector<16xf32>
        %parallel_loop3A_857 = arith.constant 1 : i32
        %parallel_loop3A_858 = arith.index_cast %parallel_loop3A_857 : i32 to index
        %parallel_loop3A_859 = arith.index_cast %parallel_loop3A_380 : i32 to index
        %parallel_loop3A_860 = arith.constant 672 : index
        %parallel_loop3A_861 = tpu.vector_load %arg8[%parallel_loop3A_858, %parallel_loop3A_859, %parallel_loop3A_860] {strides = array<i32>} : memref<4x16x768xf32, #tpu.memory_space<vmem>>, vector<1x1x16xf32>,
        %parallel_loop3A_862 = vector.shape_cast %parallel_loop3A_861 : vector<1x1x16xf32> to vector<16xf32>
        %parallel_loop3A_863 = arith.constant 1 : i32
        %parallel_loop3A_864 = arith.index_cast %parallel_loop3A_863 : i32 to index
        %parallel_loop3A_865 = arith.index_cast %parallel_loop3A_380 : i32 to index
        %parallel_loop3A_866 = arith.constant 688 : index
        %parallel_loop3A_867 = tpu.vector_load %arg8[%parallel_loop3A_864, %parallel_loop3A_865, %parallel_loop3A_866] {strides = array<i32>} : memref<4x16x768xf32, #tpu.memory_space<vmem>>, vector<1x1x16xf32>,
        %parallel_loop3A_868 = vector.shape_cast %parallel_loop3A_867 : vector<1x1x16xf32> to vector<16xf32>
        %parallel_loop3A_869 = arith.constant 1 : i32
        %parallel_loop3A_870 = arith.index_cast %parallel_loop3A_869 : i32 to index
        %parallel_loop3A_871 = arith.index_cast %parallel_loop3A_380 : i32 to index
        %parallel_loop3A_872 = arith.constant 704 : index
        %parallel_loop3A_873 = tpu.vector_load %arg8[%parallel_loop3A_870, %parallel_loop3A_871, %parallel_loop3A_872] {strides = array<i32>} : memref<4x16x768xf32, #tpu.memory_space<vmem>>, vector<1x1x16xf32>,
        %parallel_loop3A_874 = vector.shape_cast %parallel_loop3A_873 : vector<1x1x16xf32> to vector<16xf32>
        %parallel_loop3A_875 = arith.constant 1 : i32
        %parallel_loop3A_876 = arith.index_cast %parallel_loop3A_875 : i32 to index
        %parallel_loop3A_877 = arith.index_cast %parallel_loop3A_380 : i32 to index
        %parallel_loop3A_878 = arith.constant 720 : index
        %parallel_loop3A_879 = tpu.vector_load %arg8[%parallel_loop3A_876, %parallel_loop3A_877, %parallel_loop3A_878] {strides = array<i32>} : memref<4x16x768xf32, #tpu.memory_space<vmem>>, vector<1x1x16xf32>,
        %parallel_loop3A_880 = vector.shape_cast %parallel_loop3A_879 : vector<1x1x16xf32> to vector<16xf32>
        %parallel_loop3A_881 = arith.constant 1 : i32
        %parallel_loop3A_882 = arith.index_cast %parallel_loop3A_881 : i32 to index
        %parallel_loop3A_883 = arith.index_cast %parallel_loop3A_380 : i32 to index
        %parallel_loop3A_884 = arith.constant 736 : index
        %parallel_loop3A_885 = tpu.vector_load %arg8[%parallel_loop3A_882, %parallel_loop3A_883, %parallel_loop3A_884] {strides = array<i32>} : memref<4x16x768xf32, #tpu.memory_space<vmem>>, vector<1x1x16xf32>,
        %parallel_loop3A_886 = vector.shape_cast %parallel_loop3A_885 : vector<1x1x16xf32> to vector<16xf32>
        %parallel_loop3A_887 = arith.constant 1 : i32
        %parallel_loop3A_888 = arith.index_cast %parallel_loop3A_887 : i32 to index
        %parallel_loop3A_889 = arith.index_cast %parallel_loop3A_380 : i32 to index
        %parallel_loop3A_890 = arith.constant 752 : index
        %parallel_loop3A_891 = tpu.vector_load %arg8[%parallel_loop3A_888, %parallel_loop3A_889, %parallel_loop3A_890] {strides = array<i32>} : memref<4x16x768xf32, #tpu.memory_space<vmem>>, vector<1x1x16xf32>,
        %parallel_loop3A_892 = vector.shape_cast %parallel_loop3A_891 : vector<1x1x16xf32> to vector<16xf32>
        %parallel_loop3A_893 = arith.constant 1 : i32
        %parallel_loop3A_894 = arith.index_cast %parallel_loop3A_893 : i32 to index
        %parallel_loop3A_895 = arith.index_cast %parallel_loop3A_380 : i32 to index
        %parallel_loop3A_896 = arith.constant 512 : index
        %parallel_loop3A_897 = tpu.vector_load %arg7[%parallel_loop3A_894, %parallel_loop3A_895, %parallel_loop3A_896] {strides = array<i32>} : memref<4x16x768xf32, #tpu.memory_space<vmem>>, vector<1x1x16xf32>,
        %parallel_loop3A_898 = vector.shape_cast %parallel_loop3A_897 : vector<1x1x16xf32> to vector<16xf32>
        %parallel_loop3A_899 = vector.shape_cast %parallel_loop3A_802 : vector<16xf32> to vector<1x1x16xf32>
        tpu.vector_store %arg7[%parallel_loop3A_894, %parallel_loop3A_895, %parallel_loop3A_896], %parallel_loop3A_899 {add = true, strides = array<i32>} : memref<4x16x768xf32, #tpu.memory_space<vmem>>, vector<1x1x16xf32>,
        %parallel_loop3A_900 = arith.constant 1 : i32
        %parallel_loop3A_901 = arith.index_cast %parallel_loop3A_900 : i32 to index
        %parallel_loop3A_902 = arith.index_cast %parallel_loop3A_380 : i32 to index
        %parallel_loop3A_903 = arith.constant 528 : index
        %parallel_loop3A_904 = tpu.vector_load %arg7[%parallel_loop3A_901, %parallel_loop3A_902, %parallel_loop3A_903] {strides = array<i32>} : memref<4x16x768xf32, #tpu.memory_space<vmem>>, vector<1x1x16xf32>,
        %parallel_loop3A_905 = vector.shape_cast %parallel_loop3A_904 : vector<1x1x16xf32> to vector<16xf32>
        %parallel_loop3A_906 = vector.shape_cast %parallel_loop3A_808 : vector<16xf32> to vector<1x1x16xf32>
        tpu.vector_store %arg7[%parallel_loop3A_901, %parallel_loop3A_902, %parallel_loop3A_903], %parallel_loop3A_906 {add = true, strides = array<i32>} : memref<4x16x768xf32, #tpu.memory_space<vmem>>, vector<1x1x16xf32>,
        %parallel_loop3A_907 = arith.constant 1 : i32
        %parallel_loop3A_908 = arith.index_cast %parallel_loop3A_907 : i32 to index
        %parallel_loop3A_909 = arith.index_cast %parallel_loop3A_380 : i32 to index
        %parallel_loop3A_910 = arith.constant 544 : index
        %parallel_loop3A_911 = tpu.vector_load %arg7[%parallel_loop3A_908, %parallel_loop3A_909, %parallel_loop3A_910] {strides = array<i32>} : memref<4x16x768xf32, #tpu.memory_space<vmem>>, vector<1x1x16xf32>,
        %parallel_loop3A_912 = vector.shape_cast %parallel_loop3A_911 : vector<1x1x16xf32> to vector<16xf32>
        %parallel_loop3A_913 = vector.shape_cast %parallel_loop3A_814 : vector<16xf32> to vector<1x1x16xf32>
        tpu.vector_store %arg7[%parallel_loop3A_908, %parallel_loop3A_909, %parallel_loop3A_910], %parallel_loop3A_913 {add = true, strides = array<i32>} : memref<4x16x768xf32, #tpu.memory_space<vmem>>, vector<1x1x16xf32>,
        %parallel_loop3A_914 = arith.constant 1 : i32
        %parallel_loop3A_915 = arith.index_cast %parallel_loop3A_914 : i32 to index
        %parallel_loop3A_916 = arith.index_cast %parallel_loop3A_380 : i32 to index
        %parallel_loop3A_917 = arith.constant 560 : index
        %parallel_loop3A_918 = tpu.vector_load %arg7[%parallel_loop3A_915, %parallel_loop3A_916, %parallel_loop3A_917] {strides = array<i32>} : memref<4x16x768xf32, #tpu.memory_space<vmem>>, vector<1x1x16xf32>,
        %parallel_loop3A_919 = vector.shape_cast %parallel_loop3A_918 : vector<1x1x16xf32> to vector<16xf32>
        %parallel_loop3A_920 = vector.shape_cast %parallel_loop3A_820 : vector<16xf32> to vector<1x1x16xf32>
        tpu.vector_store %arg7[%parallel_loop3A_915, %parallel_loop3A_916, %parallel_loop3A_917], %parallel_loop3A_920 {add = true, strides = array<i32>} : memref<4x16x768xf32, #tpu.memory_space<vmem>>, vector<1x1x16xf32>,
        %parallel_loop3A_921 = arith.constant 1 : i32
        %parallel_loop3A_922 = arith.index_cast %parallel_loop3A_921 : i32 to index
        %parallel_loop3A_923 = arith.index_cast %parallel_loop3A_380 : i32 to index
        %parallel_loop3A_924 = arith.constant 576 : index
        %parallel_loop3A_925 = tpu.vector_load %arg7[%parallel_loop3A_922, %parallel_loop3A_923, %parallel_loop3A_924] {strides = array<i32>} : memref<4x16x768xf32, #tpu.memory_space<vmem>>, vector<1x1x16xf32>,
        %parallel_loop3A_926 = vector.shape_cast %parallel_loop3A_925 : vector<1x1x16xf32> to vector<16xf32>
        %parallel_loop3A_927 = vector.shape_cast %parallel_loop3A_826 : vector<16xf32> to vector<1x1x16xf32>
        tpu.vector_store %arg7[%parallel_loop3A_922, %parallel_loop3A_923, %parallel_loop3A_924], %parallel_loop3A_927 {add = true, strides = array<i32>} : memref<4x16x768xf32, #tpu.memory_space<vmem>>, vector<1x1x16xf32>,
        %parallel_loop3A_928 = arith.constant 1 : i32
        %parallel_loop3A_929 = arith.index_cast %parallel_loop3A_928 : i32 to index
        %parallel_loop3A_930 = arith.index_cast %parallel_loop3A_380 : i32 to index
        %parallel_loop3A_931 = arith.constant 592 : index
        %parallel_loop3A_932 = tpu.vector_load %arg7[%parallel_loop3A_929, %parallel_loop3A_930, %parallel_loop3A_931] {strides = array<i32>} : memref<4x16x768xf32, #tpu.memory_space<vmem>>, vector<1x1x16xf32>,
        %parallel_loop3A_933 = vector.shape_cast %parallel_loop3A_932 : vector<1x1x16xf32> to vector<16xf32>
        %parallel_loop3A_934 = vector.shape_cast %parallel_loop3A_832 : vector<16xf32> to vector<1x1x16xf32>
        tpu.vector_store %arg7[%parallel_loop3A_929, %parallel_loop3A_930, %parallel_loop3A_931], %parallel_loop3A_934 {add = true, strides = array<i32>} : memref<4x16x768xf32, #tpu.memory_space<vmem>>, vector<1x1x16xf32>,
        %parallel_loop3A_935 = arith.constant 1 : i32
        %parallel_loop3A_936 = arith.index_cast %parallel_loop3A_935 : i32 to index
        %parallel_loop3A_937 = arith.index_cast %parallel_loop3A_380 : i32 to index
        %parallel_loop3A_938 = arith.constant 608 : index
        %parallel_loop3A_939 = tpu.vector_load %arg7[%parallel_loop3A_936, %parallel_loop3A_937, %parallel_loop3A_938] {strides = array<i32>} : memref<4x16x768xf32, #tpu.memory_space<vmem>>, vector<1x1x16xf32>,
        %parallel_loop3A_940 = vector.shape_cast %parallel_loop3A_939 : vector<1x1x16xf32> to vector<16xf32>
        %parallel_loop3A_941 = vector.shape_cast %parallel_loop3A_838 : vector<16xf32> to vector<1x1x16xf32>
        tpu.vector_store %arg7[%parallel_loop3A_936, %parallel_loop3A_937, %parallel_loop3A_938], %parallel_loop3A_941 {add = true, strides = array<i32>} : memref<4x16x768xf32, #tpu.memory_space<vmem>>, vector<1x1x16xf32>,
        %parallel_loop3A_942 = arith.constant 1 : i32
        %parallel_loop3A_943 = arith.index_cast %parallel_loop3A_942 : i32 to index
        %parallel_loop3A_944 = arith.index_cast %parallel_loop3A_380 : i32 to index
        %parallel_loop3A_945 = arith.constant 624 : index
        %parallel_loop3A_946 = tpu.vector_load %arg7[%parallel_loop3A_943, %parallel_loop3A_944, %parallel_loop3A_945] {strides = array<i32>} : memref<4x16x768xf32, #tpu.memory_space<vmem>>, vector<1x1x16xf32>,
        %parallel_loop3A_947 = vector.shape_cast %parallel_loop3A_946 : vector<1x1x16xf32> to vector<16xf32>
        %parallel_loop3A_948 = vector.shape_cast %parallel_loop3A_844 : vector<16xf32> to vector<1x1x16xf32>
        tpu.vector_store %arg7[%parallel_loop3A_943, %parallel_loop3A_944, %parallel_loop3A_945], %parallel_loop3A_948 {add = true, strides = array<i32>} : memref<4x16x768xf32, #tpu.memory_space<vmem>>, vector<1x1x16xf32>,
        %parallel_loop3A_949 = arith.constant 1 : i32
        %parallel_loop3A_950 = arith.index_cast %parallel_loop3A_949 : i32 to index
        %parallel_loop3A_951 = arith.index_cast %parallel_loop3A_380 : i32 to index
        %parallel_loop3A_952 = arith.constant 640 : index
        %parallel_loop3A_953 = tpu.vector_load %arg7[%parallel_loop3A_950, %parallel_loop3A_951, %parallel_loop3A_952] {strides = array<i32>} : memref<4x16x768xf32, #tpu.memory_space<vmem>>, vector<1x1x16xf32>,
        %parallel_loop3A_954 = vector.shape_cast %parallel_loop3A_953 : vector<1x1x16xf32> to vector<16xf32>
        %parallel_loop3A_955 = vector.shape_cast %parallel_loop3A_850 : vector<16xf32> to vector<1x1x16xf32>
        tpu.vector_store %arg7[%parallel_loop3A_950, %parallel_loop3A_951, %parallel_loop3A_952], %parallel_loop3A_955 {add = true, strides = array<i32>} : memref<4x16x768xf32, #tpu.memory_space<vmem>>, vector<1x1x16xf32>,
        %parallel_loop3A_956 = arith.constant 1 : i32
        %parallel_loop3A_957 = arith.index_cast %parallel_loop3A_956 : i32 to index
        %parallel_loop3A_958 = arith.index_cast %parallel_loop3A_380 : i32 to index
        %parallel_loop3A_959 = arith.constant 656 : index
        %parallel_loop3A_960 = tpu.vector_load %arg7[%parallel_loop3A_957, %parallel_loop3A_958, %parallel_loop3A_959] {strides = array<i32>} : memref<4x16x768xf32, #tpu.memory_space<vmem>>, vector<1x1x16xf32>,
        %parallel_loop3A_961 = vector.shape_cast %parallel_loop3A_960 : vector<1x1x16xf32> to vector<16xf32>
        %parallel_loop3A_962 = vector.shape_cast %parallel_loop3A_856 : vector<16xf32> to vector<1x1x16xf32>
        tpu.vector_store %arg7[%parallel_loop3A_957, %parallel_loop3A_958, %parallel_loop3A_959], %parallel_loop3A_962 {add = true, strides = array<i32>} : memref<4x16x768xf32, #tpu.memory_space<vmem>>, vector<1x1x16xf32>,
        %parallel_loop3A_963 = arith.constant 1 : i32
        %parallel_loop3A_964 = arith.index_cast %parallel_loop3A_963 : i32 to index
        %parallel_loop3A_965 = arith.index_cast %parallel_loop3A_380 : i32 to index
        %parallel_loop3A_966 = arith.constant 672 : index
        %parallel_loop3A_967 = tpu.vector_load %arg7[%parallel_loop3A_964, %parallel_loop3A_965, %parallel_loop3A_966] {strides = array<i32>} : memref<4x16x768xf32, #tpu.memory_space<vmem>>, vector<1x1x16xf32>,
        %parallel_loop3A_968 = vector.shape_cast %parallel_loop3A_967 : vector<1x1x16xf32> to vector<16xf32>
        %parallel_loop3A_969 = vector.shape_cast %parallel_loop3A_862 : vector<16xf32> to vector<1x1x16xf32>
        tpu.vector_store %arg7[%parallel_loop3A_964, %parallel_loop3A_965, %parallel_loop3A_966], %parallel_loop3A_969 {add = true, strides = array<i32>} : memref<4x16x768xf32, #tpu.memory_space<vmem>>, vector<1x1x16xf32>,
        %parallel_loop3A_970 = arith.constant 1 : i32
        %parallel_loop3A_971 = arith.index_cast %parallel_loop3A_970 : i32 to index
        %parallel_loop3A_972 = arith.index_cast %parallel_loop3A_380 : i32 to index
        %parallel_loop3A_973 = arith.constant 688 : index
        %parallel_loop3A_974 = tpu.vector_load %arg7[%parallel_loop3A_971, %parallel_loop3A_972, %parallel_loop3A_973] {strides = array<i32>} : memref<4x16x768xf32, #tpu.memory_space<vmem>>, vector<1x1x16xf32>,
        %parallel_loop3A_975 = vector.shape_cast %parallel_loop3A_974 : vector<1x1x16xf32> to vector<16xf32>
        %parallel_loop3A_976 = vector.shape_cast %parallel_loop3A_868 : vector<16xf32> to vector<1x1x16xf32>
        tpu.vector_store %arg7[%parallel_loop3A_971, %parallel_loop3A_972, %parallel_loop3A_973], %parallel_loop3A_976 {add = true, strides = array<i32>} : memref<4x16x768xf32, #tpu.memory_space<vmem>>, vector<1x1x16xf32>,
        %parallel_loop3A_977 = arith.constant 1 : i32
        %parallel_loop3A_978 = arith.index_cast %parallel_loop3A_977 : i32 to index
        %parallel_loop3A_979 = arith.index_cast %parallel_loop3A_380 : i32 to index
        %parallel_loop3A_980 = arith.constant 704 : index
        %parallel_loop3A_981 = tpu.vector_load %arg7[%parallel_loop3A_978, %parallel_loop3A_979, %parallel_loop3A_980] {strides = array<i32>} : memref<4x16x768xf32, #tpu.memory_space<vmem>>, vector<1x1x16xf32>,
        %parallel_loop3A_982 = vector.shape_cast %parallel_loop3A_981 : vector<1x1x16xf32> to vector<16xf32>
        %parallel_loop3A_983 = vector.shape_cast %parallel_loop3A_874 : vector<16xf32> to vector<1x1x16xf32>
        tpu.vector_store %arg7[%parallel_loop3A_978, %parallel_loop3A_979, %parallel_loop3A_980], %parallel_loop3A_983 {add = true, strides = array<i32>} : memref<4x16x768xf32, #tpu.memory_space<vmem>>, vector<1x1x16xf32>,
        %parallel_loop3A_984 = arith.constant 1 : i32
        %parallel_loop3A_985 = arith.index_cast %parallel_loop3A_984 : i32 to index
        %parallel_loop3A_986 = arith.index_cast %parallel_loop3A_380 : i32 to index
        %parallel_loop3A_987 = arith.constant 720 : index
        %parallel_loop3A_988 = tpu.vector_load %arg7[%parallel_loop3A_985, %parallel_loop3A_986, %parallel_loop3A_987] {strides = array<i32>} : memref<4x16x768xf32, #tpu.memory_space<vmem>>, vector<1x1x16xf32>,
        %parallel_loop3A_989 = vector.shape_cast %parallel_loop3A_988 : vector<1x1x16xf32> to vector<16xf32>
        %parallel_loop3A_990 = vector.shape_cast %parallel_loop3A_880 : vector<16xf32> to vector<1x1x16xf32>
        tpu.vector_store %arg7[%parallel_loop3A_985, %parallel_loop3A_986, %parallel_loop3A_987], %parallel_loop3A_990 {add = true, strides = array<i32>} : memref<4x16x768xf32, #tpu.memory_space<vmem>>, vector<1x1x16xf32>,
        %parallel_loop3A_991 = arith.constant 1 : i32
        %parallel_loop3A_992 = arith.index_cast %parallel_loop3A_991 : i32 to index
        %parallel_loop3A_993 = arith.index_cast %parallel_loop3A_380 : i32 to index
        %parallel_loop3A_994 = arith.constant 736 : index
        %parallel_loop3A_995 = tpu.vector_load %arg7[%parallel_loop3A_992, %parallel_loop3A_993, %parallel_loop3A_994] {strides = array<i32>} : memref<4x16x768xf32, #tpu.memory_space<vmem>>, vector<1x1x16xf32>,
        %parallel_loop3A_996 = vector.shape_cast %parallel_loop3A_995 : vector<1x1x16xf32> to vector<16xf32>
        %parallel_loop3A_997 = vector.shape_cast %parallel_loop3A_886 : vector<16xf32> to vector<1x1x16xf32>
        tpu.vector_store %arg7[%parallel_loop3A_992, %parallel_loop3A_993, %parallel_loop3A_994], %parallel_loop3A_997 {add = true, strides = array<i32>} : memref<4x16x768xf32, #tpu.memory_space<vmem>>, vector<1x1x16xf32>,
        %parallel_loop3A_998 = arith.constant 1 : i32
        %parallel_loop3A_999 = arith.index_cast %parallel_loop3A_998 : i32 to index
        %parallel_loop3A_1000 = arith.index_cast %parallel_loop3A_380 : i32 to index
        %parallel_loop3A_1001 = arith.constant 752 : index
        %parallel_loop3A_1002 = tpu.vector_load %arg7[%parallel_loop3A_999, %parallel_loop3A_1000, %parallel_loop3A_1001] {strides = array<i32>} : memref<4x16x768xf32, #tpu.memory_space<vmem>>, vector<1x1x16xf32>,
        %parallel_loop3A_1003 = vector.shape_cast %parallel_loop3A_1002 : vector<1x1x16xf32> to vector<16xf32>
        %parallel_loop3A_1004 = vector.shape_cast %parallel_loop3A_892 : vector<16xf32> to vector<1x1x16xf32>
        tpu.vector_store %arg7[%parallel_loop3A_999, %parallel_loop3A_1000, %parallel_loop3A_1001], %parallel_loop3A_1004 {add = true, strides = array<i32>} : memref<4x16x768xf32, #tpu.memory_space<vmem>>, vector<1x1x16xf32>,
      } {sc.loop_unroll_factor = 1 : i64, sc.parallel_access}
      %mul3A_244 = arith.constant 16 : i32
      %mul3A_245 = arith.muli %add3A_201, %mul3A_244 : i32
      %add3A_246 = arith.addi %mul3A_2, %mul3A_245 : i32
      %dma_start3A_247 = arith.constant 1 : i32
      %dma_start3A_248 = arith.constant 0 : i32
      %dma_start3A_249 = arith.constant 0 : i32
      %dma_start3A_250 = tpu.memref_slice %arg7[%dma_start3A_247, %dma_start3A_248, %dma_start3A_249] : memref<4x16x768xf32, #tpu.memory_space<vmem>> -> memref<1x16x768xf32, #tpu.memory_space<vmem>>
      %dma_start3A_251 = tpu.memref_squeeze %dma_start3A_250 : memref<1x16x768xf32, #tpu.memory_space<vmem>> -> memref<16x768xf32, #tpu.memory_space<vmem>>
      %dma_start3A_252 = arith.constant 0 : i32
      %dma_start3A_253 = tpu.memref_slice %arg5[%add3A_246, %dma_start3A_252] : memref<32768x768xf32, #tpu.memory_space<hbm>> -> memref<16x768xf32, #tpu.memory_space<hbm>>
      %dma_start3A_254 = arith.constant 0 : i32
      %dma_start3A_255 = tpu.memref_slice %arg5[%add3A_246, %dma_start3A_254] : memref<32768x768xf32, #tpu.memory_space<hbm>> -> memref<16x768xf32, #tpu.memory_space<hbm>>
      %dma_start3A_256 = arith.constant 0 : i32
      %dma_start3A_257 = arith.constant 0 : i32
      %dma_start3A_258 = tpu.memref_slice %arg7[%dma_start3A_247, %dma_start3A_256, %dma_start3A_257] : memref<4x16x768xf32, #tpu.memory_space<vmem>> -> memref<1x16x768xf32, #tpu.memory_space<vmem>>
      %dma_start3A_259 = tpu.memref_squeeze %dma_start3A_258 : memref<1x16x768xf32, #tpu.memory_space<vmem>> -> memref<16x768xf32, #tpu.memory_space<vmem>>
      tpu.enqueue_dma source(%dma_start3A_259 : memref<16x768xf32, #tpu.memory_space<vmem>>) target(%dma_start3A_255 : memref<16x768xf32, #tpu.memory_space<hbm>>) target_semaphore(%arg18 : memref<!tpu.dma_semaphore, #tpu.memory_space<semaphore_mem>>)
      %add3A_260 = arith.constant 2 : i32
      %add3A_261 = arith.addi %add3A_144, %add3A_260 : i32
      %dma_wait3A_262 = arith.constant 2 : i32
      %dma_wait3A_263 = arith.constant 0 : i32
      %dma_wait3A_264 = arith.constant 0 : i32
      %dma_wait3A_265 = tpu.memref_slice %arg8[%dma_wait3A_262, %dma_wait3A_263, %dma_wait3A_264] : memref<4x16x768xf32, #tpu.memory_space<vmem>> -> memref<1x16x768xf32, #tpu.memory_space<vmem>>
      %dma_wait3A_266 = tpu.memref_squeeze %dma_wait3A_265 : memref<1x16x768xf32, #tpu.memory_space<vmem>> -> memref<16x768xf32, #tpu.memory_space<vmem>>
      %dma_wait3A_267 = arith.constant 0 : i32
      %dma_wait3A_268 = arith.constant 0 : i32
      %dma_wait3A_269 = tpu.memref_slice %arg2[%dma_wait3A_267, %dma_wait3A_268] : memref<32768x768xf32, #tpu.memory_space<hbm>> -> memref<16x768xf32, #tpu.memory_space<hbm>>
      %dma_wait3A_270 = arith.constant 0 : i32
      %dma_wait3A_271 = arith.constant 0 : i32
      %dma_wait3A_272 = tpu.memref_slice %arg8[%dma_wait3A_262, %dma_wait3A_270, %dma_wait3A_271] : memref<4x16x768xf32, #tpu.memory_space<vmem>> -> memref<1x16x768xf32, #tpu.memory_space<vmem>>
      %dma_wait3A_273 = tpu.memref_squeeze %dma_wait3A_272 : memref<1x16x768xf32, #tpu.memory_space<vmem>> -> memref<16x768xf32, #tpu.memory_space<vmem>>
      %dma_wait3A_274 = arith.constant 0 : i32
      %dma_wait3A_275 = arith.constant 0 : i32
      %dma_wait3A_276 = tpu.memref_slice %arg2[%dma_wait3A_274, %dma_wait3A_275] : memref<32768x768xf32, #tpu.memory_space<hbm>> -> memref<16x768xf32, #tpu.memory_space<hbm>>
      tpu.wait_dma2 semaphore(%arg11 : memref<!tpu.dma_semaphore, #tpu.memory_space<semaphore_mem>>) src(%dma_wait3A_276 : memref<16x768xf32, #tpu.memory_space<hbm>>) dst(%dma_wait3A_273 : memref<16x768xf32, #tpu.memory_space<vmem>>)
      %dma_wait3A_277 = arith.constant 2 : i32
      %dma_wait3A_278 = arith.constant 0 : i32
      %dma_wait3A_279 = arith.constant 0 : i32
      %dma_wait3A_280 = tpu.memref_slice %arg7[%dma_wait3A_277, %dma_wait3A_278, %dma_wait3A_279] : memref<4x16x768xf32, #tpu.memory_space<vmem>> -> memref<1x16x768xf32, #tpu.memory_space<vmem>>
      %dma_wait3A_281 = tpu.memref_squeeze %dma_wait3A_280 : memref<1x16x768xf32, #tpu.memory_space<vmem>> -> memref<16x768xf32, #tpu.memory_space<vmem>>
      %dma_wait3A_282 = arith.constant 0 : i32
      %dma_wait3A_283 = arith.constant 0 : i32
      %dma_wait3A_284 = tpu.memref_slice %arg4[%dma_wait3A_282, %dma_wait3A_283] : memref<8192x768xf32, #tpu.memory_space<hbm>> -> memref<16x768xf32, #tpu.memory_space<hbm>>
      %dma_wait3A_285 = arith.constant 0 : i32
      %dma_wait3A_286 = arith.constant 0 : i32
      %dma_wait3A_287 = tpu.memref_slice %arg7[%dma_wait3A_277, %dma_wait3A_285, %dma_wait3A_286] : memref<4x16x768xf32, #tpu.memory_space<vmem>> -> memref<1x16x768xf32, #tpu.memory_space<vmem>>
      %dma_wait3A_288 = tpu.memref_squeeze %dma_wait3A_287 : memref<1x16x768xf32, #tpu.memory_space<vmem>> -> memref<16x768xf32, #tpu.memory_space<vmem>>
      %dma_wait3A_289 = arith.constant 0 : i32
      %dma_wait3A_290 = arith.constant 0 : i32
      %dma_wait3A_291 = tpu.memref_slice %arg4[%dma_wait3A_289, %dma_wait3A_290] : memref<8192x768xf32, #tpu.memory_space<hbm>> -> memref<16x768xf32, #tpu.memory_space<hbm>>
      tpu.wait_dma2 semaphore(%arg15 : memref<!tpu.dma_semaphore, #tpu.memory_space<semaphore_mem>>) src(%dma_wait3A_291 : memref<16x768xf32, #tpu.memory_space<hbm>>) dst(%dma_wait3A_288 : memref<16x768xf32, #tpu.memory_space<vmem>>)
      %add3A_292 = arith.constant 4 : i32
      %add3A_293 = arith.addi %add3A_261, %add3A_292 : i32
      %sub3A_294 = arith.constant 1 : i32
      %sub3A_295 = arith.subi %add3A_293, %sub3A_294 : i32
      %lt3A_296 = arith.constant 64 : i32
      %lt3A_297 = arith.cmpi slt, %sub3A_295, %lt3A_296 : i32
      %convert_element_type3A_298 = arith.extui %lt3A_297 : i1 to i32
      %cond3A_299 = arith.constant 0 : i32
      %cond3A_300 = arith.cmpi ne, %convert_element_type3A_298, %cond3A_299 : i32
      scf.if %cond3A_300 {
        %ge3A = arith.constant 1 : i32
        %ge3A_380 = arith.cmpi sge, %add3A_261, %ge3A : i32
        %convert_element_type3A_381 = arith.extui %ge3A_380 : i1 to i32
        %cond3A_382 = arith.constant 0 : i32
        %cond3A_383 = arith.cmpi ne, %convert_element_type3A_381, %cond3A_382 : i32
        scf.if %cond3A_383 {
          %dma_wait3A_415 = arith.constant 1 : i32
          %dma_wait3A_416 = arith.constant 0 : i32
          %dma_wait3A_417 = arith.constant 0 : i32
          %dma_wait3A_418 = tpu.memref_slice %arg7[%dma_wait3A_415, %dma_wait3A_416, %dma_wait3A_417] : memref<4x16x768xf32, #tpu.memory_space<vmem>> -> memref<1x16x768xf32, #tpu.memory_space<vmem>>
          %dma_wait3A_419 = tpu.memref_squeeze %dma_wait3A_418 : memref<1x16x768xf32, #tpu.memory_space<vmem>> -> memref<16x768xf32, #tpu.memory_space<vmem>>
          %dma_wait3A_420 = arith.constant 0 : i32
          %dma_wait3A_421 = arith.constant 0 : i32
          %dma_wait3A_422 = tpu.memref_slice %arg5[%dma_wait3A_420, %dma_wait3A_421] : memref<32768x768xf32, #tpu.memory_space<hbm>> -> memref<16x768xf32, #tpu.memory_space<hbm>>
          %dma_wait3A_423 = arith.constant 0 : i32
          %dma_wait3A_424 = arith.constant 0 : i32
          %dma_wait3A_425 = tpu.memref_slice %arg5[%dma_wait3A_423, %dma_wait3A_424] : memref<32768x768xf32, #tpu.memory_space<hbm>> -> memref<16x768xf32, #tpu.memory_space<hbm>>
          %dma_wait3A_426 = arith.constant 0 : i32
          %dma_wait3A_427 = arith.constant 0 : i32
          %dma_wait3A_428 = tpu.memref_slice %arg7[%dma_wait3A_415, %dma_wait3A_426, %dma_wait3A_427] : memref<4x16x768xf32, #tpu.memory_space<vmem>> -> memref<1x16x768xf32, #tpu.memory_space<vmem>>
          %dma_wait3A_429 = tpu.memref_squeeze %dma_wait3A_428 : memref<1x16x768xf32, #tpu.memory_space<vmem>> -> memref<16x768xf32, #tpu.memory_space<vmem>>
          tpu.wait_dma2 semaphore(%arg18 : memref<!tpu.dma_semaphore, #tpu.memory_space<semaphore_mem>>) src(%dma_wait3A_429 : memref<16x768xf32, #tpu.memory_space<vmem>>) dst(%dma_wait3A_425 : memref<16x768xf32, #tpu.memory_space<hbm>>)
        } else {
        }
        %add3A_384 = arith.constant 4 : i32
        %add3A_385 = arith.addi %add3A_261, %add3A_384 : i32
        %sub3A_386 = arith.constant 1 : i32
        %sub3A_387 = arith.subi %add3A_385, %sub3A_386 : i32
        %mul3A_388 = arith.constant 16 : i32
        %mul3A_389 = arith.muli %sub3A_387, %mul3A_388 : i32
        %add3A_390 = arith.addi %mul3A_2, %mul3A_389 : i32
        %dma_start3A_391 = arith.constant 1 : i32
        %dma_start3A_392 = arith.constant 0 : i32
        %dma_start3A_393 = arith.constant 0 : i32
        %dma_start3A_394 = tpu.memref_slice %arg8[%dma_start3A_391, %dma_start3A_392, %dma_start3A_393] : memref<4x16x768xf32, #tpu.memory_space<vmem>> -> memref<1x16x768xf32, #tpu.memory_space<vmem>>
        %dma_start3A_395 = tpu.memref_squeeze %dma_start3A_394 : memref<1x16x768xf32, #tpu.memory_space<vmem>> -> memref<16x768xf32, #tpu.memory_space<vmem>>
        %dma_start3A_396 = arith.constant 0 : i32
        %dma_start3A_397 = tpu.memref_slice %arg2[%add3A_390, %dma_start3A_396] : memref<32768x768xf32, #tpu.memory_space<hbm>> -> memref<16x768xf32, #tpu.memory_space<hbm>>
        %dma_start3A_398 = arith.constant 0 : i32
        %dma_start3A_399 = arith.constant 0 : i32
        %dma_start3A_400 = tpu.memref_slice %arg8[%dma_start3A_391, %dma_start3A_398, %dma_start3A_399] : memref<4x16x768xf32, #tpu.memory_space<vmem>> -> memref<1x16x768xf32, #tpu.memory_space<vmem>>
        %dma_start3A_401 = tpu.memref_squeeze %dma_start3A_400 : memref<1x16x768xf32, #tpu.memory_space<vmem>> -> memref<16x768xf32, #tpu.memory_space<vmem>>
        %dma_start3A_402 = arith.constant 0 : i32
        %dma_start3A_403 = tpu.memref_slice %arg2[%add3A_390, %dma_start3A_402] : memref<32768x768xf32, #tpu.memory_space<hbm>> -> memref<16x768xf32, #tpu.memory_space<hbm>>
        tpu.enqueue_dma source(%dma_start3A_403 : memref<16x768xf32, #tpu.memory_space<hbm>>) target(%dma_start3A_401 : memref<16x768xf32, #tpu.memory_space<vmem>>) target_semaphore(%arg10 : memref<!tpu.dma_semaphore, #tpu.memory_space<semaphore_mem>>)
        %mul3A_404 = arith.constant 16 : i32
        %mul3A_405 = arith.muli %sub3A_387, %mul3A_404 : i32
        %dma_start3A_406 = arith.constant 1 : i32
        %dma_start3A_407 = arith.constant 0 : i32
        %dma_start3A_408 = arith.constant 0 : i32
        %dma_start3A_409 = tpu.memref_slice %arg7[%dma_start3A_406, %dma_start3A_407, %dma_start3A_408] : memref<4x16x768xf32, #tpu.memory_space<vmem>> -> memref<1x16x768xf32, #tpu.memory_space<vmem>>
        %dma_start3A_410 = tpu.memref_squeeze %dma_start3A_409 : memref<1x16x768xf32, #tpu.memory_space<vmem>> -> memref<16x768xf32, #tpu.memory_space<vmem>>
        %dma_start3A_411 = tpu.memref_slice %arg6[%mul3A_405] : memref<1024xi32, #tpu.memory_space<vmem>> -> memref<16xi32, #tpu.memory_space<vmem>>
        %dma_start3A_412 = arith.constant 0 : i32
        %dma_start3A_413 = arith.constant 0 : i32
        %dma_start3A_414 = tpu.memref_slice %arg4[%dma_start3A_412, %dma_start3A_413] : memref<8192x768xf32, #tpu.memory_space<hbm>> -> memref<8192x768xf32, #tpu.memory_space<hbm>>
        tpu.enqueue_indirect_dma source(%dma_start3A_414 : memref<8192x768xf32, #tpu.memory_space<hbm>>) target(%dma_start3A_410 : memref<16x768xf32, #tpu.memory_space<vmem>>) offsets(%dma_start3A_411 : memref<16xi32, #tpu.memory_space<vmem>>) semaphore(%arg14 : memref<!tpu.dma_semaphore, #tpu.memory_space<semaphore_mem>>)
      } else {
      }
      %parallel_loop3A_301 = arith.constant 0 : i32
      %parallel_loop3A_302 = arith.constant 16 : i32
      %parallel_loop3A_303 = arith.constant 1 : i32
      scf.for %parallel_loop3A_380 = %parallel_loop3A_301 to %parallel_loop3A_302 step %parallel_loop3A_303  : i32 {
        %parallel_loop3A_381 = arith.constant 2 : i32
        %parallel_loop3A_382 = arith.index_cast %parallel_loop3A_381 : i32 to index
        %parallel_loop3A_383 = arith.index_cast %parallel_loop3A_380 : i32 to index
        %parallel_loop3A_384 = arith.constant 0 : index
        %parallel_loop3A_385 = tpu.vector_load %arg8[%parallel_loop3A_382, %parallel_loop3A_383, %parallel_loop3A_384] {strides = array<i32>} : memref<4x16x768xf32, #tpu.memory_space<vmem>>, vector<1x1x16xf32>,
        %parallel_loop3A_386 = vector.shape_cast %parallel_loop3A_385 : vector<1x1x16xf32> to vector<16xf32>
        %parallel_loop3A_387 = arith.constant 2 : i32
        %parallel_loop3A_388 = arith.index_cast %parallel_loop3A_387 : i32 to index
        %parallel_loop3A_389 = arith.index_cast %parallel_loop3A_380 : i32 to index
        %parallel_loop3A_390 = arith.constant 16 : index
        %parallel_loop3A_391 = tpu.vector_load %arg8[%parallel_loop3A_388, %parallel_loop3A_389, %parallel_loop3A_390] {strides = array<i32>} : memref<4x16x768xf32, #tpu.memory_space<vmem>>, vector<1x1x16xf32>,
        %parallel_loop3A_392 = vector.shape_cast %parallel_loop3A_391 : vector<1x1x16xf32> to vector<16xf32>
        %parallel_loop3A_393 = arith.constant 2 : i32
        %parallel_loop3A_394 = arith.index_cast %parallel_loop3A_393 : i32 to index
        %parallel_loop3A_395 = arith.index_cast %parallel_loop3A_380 : i32 to index
        %parallel_loop3A_396 = arith.constant 32 : index
        %parallel_loop3A_397 = tpu.vector_load %arg8[%parallel_loop3A_394, %parallel_loop3A_395, %parallel_loop3A_396] {strides = array<i32>} : memref<4x16x768xf32, #tpu.memory_space<vmem>>, vector<1x1x16xf32>,
        %parallel_loop3A_398 = vector.shape_cast %parallel_loop3A_397 : vector<1x1x16xf32> to vector<16xf32>
        %parallel_loop3A_399 = arith.constant 2 : i32
        %parallel_loop3A_400 = arith.index_cast %parallel_loop3A_399 : i32 to index
        %parallel_loop3A_401 = arith.index_cast %parallel_loop3A_380 : i32 to index
        %parallel_loop3A_402 = arith.constant 48 : index
        %parallel_loop3A_403 = tpu.vector_load %arg8[%parallel_loop3A_400, %parallel_loop3A_401, %parallel_loop3A_402] {strides = array<i32>} : memref<4x16x768xf32, #tpu.memory_space<vmem>>, vector<1x1x16xf32>,
        %parallel_loop3A_404 = vector.shape_cast %parallel_loop3A_403 : vector<1x1x16xf32> to vector<16xf32>
        %parallel_loop3A_405 = arith.constant 2 : i32
        %parallel_loop3A_406 = arith.index_cast %parallel_loop3A_405 : i32 to index
        %parallel_loop3A_407 = arith.index_cast %parallel_loop3A_380 : i32 to index
        %parallel_loop3A_408 = arith.constant 64 : index
        %parallel_loop3A_409 = tpu.vector_load %arg8[%parallel_loop3A_406, %parallel_loop3A_407, %parallel_loop3A_408] {strides = array<i32>} : memref<4x16x768xf32, #tpu.memory_space<vmem>>, vector<1x1x16xf32>,
        %parallel_loop3A_410 = vector.shape_cast %parallel_loop3A_409 : vector<1x1x16xf32> to vector<16xf32>
        %parallel_loop3A_411 = arith.constant 2 : i32
        %parallel_loop3A_412 = arith.index_cast %parallel_loop3A_411 : i32 to index
        %parallel_loop3A_413 = arith.index_cast %parallel_loop3A_380 : i32 to index
        %parallel_loop3A_414 = arith.constant 80 : index
        %parallel_loop3A_415 = tpu.vector_load %arg8[%parallel_loop3A_412, %parallel_loop3A_413, %parallel_loop3A_414] {strides = array<i32>} : memref<4x16x768xf32, #tpu.memory_space<vmem>>, vector<1x1x16xf32>,
        %parallel_loop3A_416 = vector.shape_cast %parallel_loop3A_415 : vector<1x1x16xf32> to vector<16xf32>
        %parallel_loop3A_417 = arith.constant 2 : i32
        %parallel_loop3A_418 = arith.index_cast %parallel_loop3A_417 : i32 to index
        %parallel_loop3A_419 = arith.index_cast %parallel_loop3A_380 : i32 to index
        %parallel_loop3A_420 = arith.constant 96 : index
        %parallel_loop3A_421 = tpu.vector_load %arg8[%parallel_loop3A_418, %parallel_loop3A_419, %parallel_loop3A_420] {strides = array<i32>} : memref<4x16x768xf32, #tpu.memory_space<vmem>>, vector<1x1x16xf32>,
        %parallel_loop3A_422 = vector.shape_cast %parallel_loop3A_421 : vector<1x1x16xf32> to vector<16xf32>
        %parallel_loop3A_423 = arith.constant 2 : i32
        %parallel_loop3A_424 = arith.index_cast %parallel_loop3A_423 : i32 to index
        %parallel_loop3A_425 = arith.index_cast %parallel_loop3A_380 : i32 to index
        %parallel_loop3A_426 = arith.constant 112 : index
        %parallel_loop3A_427 = tpu.vector_load %arg8[%parallel_loop3A_424, %parallel_loop3A_425, %parallel_loop3A_426] {strides = array<i32>} : memref<4x16x768xf32, #tpu.memory_space<vmem>>, vector<1x1x16xf32>,
        %parallel_loop3A_428 = vector.shape_cast %parallel_loop3A_427 : vector<1x1x16xf32> to vector<16xf32>
        %parallel_loop3A_429 = arith.constant 2 : i32
        %parallel_loop3A_430 = arith.index_cast %parallel_loop3A_429 : i32 to index
        %parallel_loop3A_431 = arith.index_cast %parallel_loop3A_380 : i32 to index
        %parallel_loop3A_432 = arith.constant 128 : index
        %parallel_loop3A_433 = tpu.vector_load %arg8[%parallel_loop3A_430, %parallel_loop3A_431, %parallel_loop3A_432] {strides = array<i32>} : memref<4x16x768xf32, #tpu.memory_space<vmem>>, vector<1x1x16xf32>,
        %parallel_loop3A_434 = vector.shape_cast %parallel_loop3A_433 : vector<1x1x16xf32> to vector<16xf32>
        %parallel_loop3A_435 = arith.constant 2 : i32
        %parallel_loop3A_436 = arith.index_cast %parallel_loop3A_435 : i32 to index
        %parallel_loop3A_437 = arith.index_cast %parallel_loop3A_380 : i32 to index
        %parallel_loop3A_438 = arith.constant 144 : index
        %parallel_loop3A_439 = tpu.vector_load %arg8[%parallel_loop3A_436, %parallel_loop3A_437, %parallel_loop3A_438] {strides = array<i32>} : memref<4x16x768xf32, #tpu.memory_space<vmem>>, vector<1x1x16xf32>,
        %parallel_loop3A_440 = vector.shape_cast %parallel_loop3A_439 : vector<1x1x16xf32> to vector<16xf32>
        %parallel_loop3A_441 = arith.constant 2 : i32
        %parallel_loop3A_442 = arith.index_cast %parallel_loop3A_441 : i32 to index
        %parallel_loop3A_443 = arith.index_cast %parallel_loop3A_380 : i32 to index
        %parallel_loop3A_444 = arith.constant 160 : index
        %parallel_loop3A_445 = tpu.vector_load %arg8[%parallel_loop3A_442, %parallel_loop3A_443, %parallel_loop3A_444] {strides = array<i32>} : memref<4x16x768xf32, #tpu.memory_space<vmem>>, vector<1x1x16xf32>,
        %parallel_loop3A_446 = vector.shape_cast %parallel_loop3A_445 : vector<1x1x16xf32> to vector<16xf32>
        %parallel_loop3A_447 = arith.constant 2 : i32
        %parallel_loop3A_448 = arith.index_cast %parallel_loop3A_447 : i32 to index
        %parallel_loop3A_449 = arith.index_cast %parallel_loop3A_380 : i32 to index
        %parallel_loop3A_450 = arith.constant 176 : index
        %parallel_loop3A_451 = tpu.vector_load %arg8[%parallel_loop3A_448, %parallel_loop3A_449, %parallel_loop3A_450] {strides = array<i32>} : memref<4x16x768xf32, #tpu.memory_space<vmem>>, vector<1x1x16xf32>,
        %parallel_loop3A_452 = vector.shape_cast %parallel_loop3A_451 : vector<1x1x16xf32> to vector<16xf32>
        %parallel_loop3A_453 = arith.constant 2 : i32
        %parallel_loop3A_454 = arith.index_cast %parallel_loop3A_453 : i32 to index
        %parallel_loop3A_455 = arith.index_cast %parallel_loop3A_380 : i32 to index
        %parallel_loop3A_456 = arith.constant 192 : index
        %parallel_loop3A_457 = tpu.vector_load %arg8[%parallel_loop3A_454, %parallel_loop3A_455, %parallel_loop3A_456] {strides = array<i32>} : memref<4x16x768xf32, #tpu.memory_space<vmem>>, vector<1x1x16xf32>,
        %parallel_loop3A_458 = vector.shape_cast %parallel_loop3A_457 : vector<1x1x16xf32> to vector<16xf32>
        %parallel_loop3A_459 = arith.constant 2 : i32
        %parallel_loop3A_460 = arith.index_cast %parallel_loop3A_459 : i32 to index
        %parallel_loop3A_461 = arith.index_cast %parallel_loop3A_380 : i32 to index
        %parallel_loop3A_462 = arith.constant 208 : index
        %parallel_loop3A_463 = tpu.vector_load %arg8[%parallel_loop3A_460, %parallel_loop3A_461, %parallel_loop3A_462] {strides = array<i32>} : memref<4x16x768xf32, #tpu.memory_space<vmem>>, vector<1x1x16xf32>,
        %parallel_loop3A_464 = vector.shape_cast %parallel_loop3A_463 : vector<1x1x16xf32> to vector<16xf32>
        %parallel_loop3A_465 = arith.constant 2 : i32
        %parallel_loop3A_466 = arith.index_cast %parallel_loop3A_465 : i32 to index
        %parallel_loop3A_467 = arith.index_cast %parallel_loop3A_380 : i32 to index
        %parallel_loop3A_468 = arith.constant 224 : index
        %parallel_loop3A_469 = tpu.vector_load %arg8[%parallel_loop3A_466, %parallel_loop3A_467, %parallel_loop3A_468] {strides = array<i32>} : memref<4x16x768xf32, #tpu.memory_space<vmem>>, vector<1x1x16xf32>,
        %parallel_loop3A_470 = vector.shape_cast %parallel_loop3A_469 : vector<1x1x16xf32> to vector<16xf32>
        %parallel_loop3A_471 = arith.constant 2 : i32
        %parallel_loop3A_472 = arith.index_cast %parallel_loop3A_471 : i32 to index
        %parallel_loop3A_473 = arith.index_cast %parallel_loop3A_380 : i32 to index
        %parallel_loop3A_474 = arith.constant 240 : index
        %parallel_loop3A_475 = tpu.vector_load %arg8[%parallel_loop3A_472, %parallel_loop3A_473, %parallel_loop3A_474] {strides = array<i32>} : memref<4x16x768xf32, #tpu.memory_space<vmem>>, vector<1x1x16xf32>,
        %parallel_loop3A_476 = vector.shape_cast %parallel_loop3A_475 : vector<1x1x16xf32> to vector<16xf32>
        %parallel_loop3A_477 = arith.constant 2 : i32
        %parallel_loop3A_478 = arith.index_cast %parallel_loop3A_477 : i32 to index
        %parallel_loop3A_479 = arith.index_cast %parallel_loop3A_380 : i32 to index
        %parallel_loop3A_480 = arith.constant 0 : index
        %parallel_loop3A_481 = tpu.vector_load %arg7[%parallel_loop3A_478, %parallel_loop3A_479, %parallel_loop3A_480] {strides = array<i32>} : memref<4x16x768xf32, #tpu.memory_space<vmem>>, vector<1x1x16xf32>,
        %parallel_loop3A_482 = vector.shape_cast %parallel_loop3A_481 : vector<1x1x16xf32> to vector<16xf32>
        %parallel_loop3A_483 = vector.shape_cast %parallel_loop3A_386 : vector<16xf32> to vector<1x1x16xf32>
        tpu.vector_store %arg7[%parallel_loop3A_478, %parallel_loop3A_479, %parallel_loop3A_480], %parallel_loop3A_483 {add = true, strides = array<i32>} : memref<4x16x768xf32, #tpu.memory_space<vmem>>, vector<1x1x16xf32>,
        %parallel_loop3A_484 = arith.constant 2 : i32
        %parallel_loop3A_485 = arith.index_cast %parallel_loop3A_484 : i32 to index
        %parallel_loop3A_486 = arith.index_cast %parallel_loop3A_380 : i32 to index
        %parallel_loop3A_487 = arith.constant 16 : index
        %parallel_loop3A_488 = tpu.vector_load %arg7[%parallel_loop3A_485, %parallel_loop3A_486, %parallel_loop3A_487] {strides = array<i32>} : memref<4x16x768xf32, #tpu.memory_space<vmem>>, vector<1x1x16xf32>,
        %parallel_loop3A_489 = vector.shape_cast %parallel_loop3A_488 : vector<1x1x16xf32> to vector<16xf32>
        %parallel_loop3A_490 = vector.shape_cast %parallel_loop3A_392 : vector<16xf32> to vector<1x1x16xf32>
        tpu.vector_store %arg7[%parallel_loop3A_485, %parallel_loop3A_486, %parallel_loop3A_487], %parallel_loop3A_490 {add = true, strides = array<i32>} : memref<4x16x768xf32, #tpu.memory_space<vmem>>, vector<1x1x16xf32>,
        %parallel_loop3A_491 = arith.constant 2 : i32
        %parallel_loop3A_492 = arith.index_cast %parallel_loop3A_491 : i32 to index
        %parallel_loop3A_493 = arith.index_cast %parallel_loop3A_380 : i32 to index
        %parallel_loop3A_494 = arith.constant 32 : index
        %parallel_loop3A_495 = tpu.vector_load %arg7[%parallel_loop3A_492, %parallel_loop3A_493, %parallel_loop3A_494] {strides = array<i32>} : memref<4x16x768xf32, #tpu.memory_space<vmem>>, vector<1x1x16xf32>,
        %parallel_loop3A_496 = vector.shape_cast %parallel_loop3A_495 : vector<1x1x16xf32> to vector<16xf32>
        %parallel_loop3A_497 = vector.shape_cast %parallel_loop3A_398 : vector<16xf32> to vector<1x1x16xf32>
        tpu.vector_store %arg7[%parallel_loop3A_492, %parallel_loop3A_493, %parallel_loop3A_494], %parallel_loop3A_497 {add = true, strides = array<i32>} : memref<4x16x768xf32, #tpu.memory_space<vmem>>, vector<1x1x16xf32>,
        %parallel_loop3A_498 = arith.constant 2 : i32
        %parallel_loop3A_499 = arith.index_cast %parallel_loop3A_498 : i32 to index
        %parallel_loop3A_500 = arith.index_cast %parallel_loop3A_380 : i32 to index
        %parallel_loop3A_501 = arith.constant 48 : index
        %parallel_loop3A_502 = tpu.vector_load %arg7[%parallel_loop3A_499, %parallel_loop3A_500, %parallel_loop3A_501] {strides = array<i32>} : memref<4x16x768xf32, #tpu.memory_space<vmem>>, vector<1x1x16xf32>,
        %parallel_loop3A_503 = vector.shape_cast %parallel_loop3A_502 : vector<1x1x16xf32> to vector<16xf32>
        %parallel_loop3A_504 = vector.shape_cast %parallel_loop3A_404 : vector<16xf32> to vector<1x1x16xf32>
        tpu.vector_store %arg7[%parallel_loop3A_499, %parallel_loop3A_500, %parallel_loop3A_501], %parallel_loop3A_504 {add = true, strides = array<i32>} : memref<4x16x768xf32, #tpu.memory_space<vmem>>, vector<1x1x16xf32>,
        %parallel_loop3A_505 = arith.constant 2 : i32
        %parallel_loop3A_506 = arith.index_cast %parallel_loop3A_505 : i32 to index
        %parallel_loop3A_507 = arith.index_cast %parallel_loop3A_380 : i32 to index
        %parallel_loop3A_508 = arith.constant 64 : index
        %parallel_loop3A_509 = tpu.vector_load %arg7[%parallel_loop3A_506, %parallel_loop3A_507, %parallel_loop3A_508] {strides = array<i32>} : memref<4x16x768xf32, #tpu.memory_space<vmem>>, vector<1x1x16xf32>,
        %parallel_loop3A_510 = vector.shape_cast %parallel_loop3A_509 : vector<1x1x16xf32> to vector<16xf32>
        %parallel_loop3A_511 = vector.shape_cast %parallel_loop3A_410 : vector<16xf32> to vector<1x1x16xf32>
        tpu.vector_store %arg7[%parallel_loop3A_506, %parallel_loop3A_507, %parallel_loop3A_508], %parallel_loop3A_511 {add = true, strides = array<i32>} : memref<4x16x768xf32, #tpu.memory_space<vmem>>, vector<1x1x16xf32>,
        %parallel_loop3A_512 = arith.constant 2 : i32
        %parallel_loop3A_513 = arith.index_cast %parallel_loop3A_512 : i32 to index
        %parallel_loop3A_514 = arith.index_cast %parallel_loop3A_380 : i32 to index
        %parallel_loop3A_515 = arith.constant 80 : index
        %parallel_loop3A_516 = tpu.vector_load %arg7[%parallel_loop3A_513, %parallel_loop3A_514, %parallel_loop3A_515] {strides = array<i32>} : memref<4x16x768xf32, #tpu.memory_space<vmem>>, vector<1x1x16xf32>,
        %parallel_loop3A_517 = vector.shape_cast %parallel_loop3A_516 : vector<1x1x16xf32> to vector<16xf32>
        %parallel_loop3A_518 = vector.shape_cast %parallel_loop3A_416 : vector<16xf32> to vector<1x1x16xf32>
        tpu.vector_store %arg7[%parallel_loop3A_513, %parallel_loop3A_514, %parallel_loop3A_515], %parallel_loop3A_518 {add = true, strides = array<i32>} : memref<4x16x768xf32, #tpu.memory_space<vmem>>, vector<1x1x16xf32>,
        %parallel_loop3A_519 = arith.constant 2 : i32
        %parallel_loop3A_520 = arith.index_cast %parallel_loop3A_519 : i32 to index
        %parallel_loop3A_521 = arith.index_cast %parallel_loop3A_380 : i32 to index
        %parallel_loop3A_522 = arith.constant 96 : index
        %parallel_loop3A_523 = tpu.vector_load %arg7[%parallel_loop3A_520, %parallel_loop3A_521, %parallel_loop3A_522] {strides = array<i32>} : memref<4x16x768xf32, #tpu.memory_space<vmem>>, vector<1x1x16xf32>,
        %parallel_loop3A_524 = vector.shape_cast %parallel_loop3A_523 : vector<1x1x16xf32> to vector<16xf32>
        %parallel_loop3A_525 = vector.shape_cast %parallel_loop3A_422 : vector<16xf32> to vector<1x1x16xf32>
        tpu.vector_store %arg7[%parallel_loop3A_520, %parallel_loop3A_521, %parallel_loop3A_522], %parallel_loop3A_525 {add = true, strides = array<i32>} : memref<4x16x768xf32, #tpu.memory_space<vmem>>, vector<1x1x16xf32>,
        %parallel_loop3A_526 = arith.constant 2 : i32
        %parallel_loop3A_527 = arith.index_cast %parallel_loop3A_526 : i32 to index
        %parallel_loop3A_528 = arith.index_cast %parallel_loop3A_380 : i32 to index
        %parallel_loop3A_529 = arith.constant 112 : index
        %parallel_loop3A_530 = tpu.vector_load %arg7[%parallel_loop3A_527, %parallel_loop3A_528, %parallel_loop3A_529] {strides = array<i32>} : memref<4x16x768xf32, #tpu.memory_space<vmem>>, vector<1x1x16xf32>,
        %parallel_loop3A_531 = vector.shape_cast %parallel_loop3A_530 : vector<1x1x16xf32> to vector<16xf32>
        %parallel_loop3A_532 = vector.shape_cast %parallel_loop3A_428 : vector<16xf32> to vector<1x1x16xf32>
        tpu.vector_store %arg7[%parallel_loop3A_527, %parallel_loop3A_528, %parallel_loop3A_529], %parallel_loop3A_532 {add = true, strides = array<i32>} : memref<4x16x768xf32, #tpu.memory_space<vmem>>, vector<1x1x16xf32>,
        %parallel_loop3A_533 = arith.constant 2 : i32
        %parallel_loop3A_534 = arith.index_cast %parallel_loop3A_533 : i32 to index
        %parallel_loop3A_535 = arith.index_cast %parallel_loop3A_380 : i32 to index
        %parallel_loop3A_536 = arith.constant 128 : index
        %parallel_loop3A_537 = tpu.vector_load %arg7[%parallel_loop3A_534, %parallel_loop3A_535, %parallel_loop3A_536] {strides = array<i32>} : memref<4x16x768xf32, #tpu.memory_space<vmem>>, vector<1x1x16xf32>,
        %parallel_loop3A_538 = vector.shape_cast %parallel_loop3A_537 : vector<1x1x16xf32> to vector<16xf32>
        %parallel_loop3A_539 = vector.shape_cast %parallel_loop3A_434 : vector<16xf32> to vector<1x1x16xf32>
        tpu.vector_store %arg7[%parallel_loop3A_534, %parallel_loop3A_535, %parallel_loop3A_536], %parallel_loop3A_539 {add = true, strides = array<i32>} : memref<4x16x768xf32, #tpu.memory_space<vmem>>, vector<1x1x16xf32>,
        %parallel_loop3A_540 = arith.constant 2 : i32
        %parallel_loop3A_541 = arith.index_cast %parallel_loop3A_540 : i32 to index
        %parallel_loop3A_542 = arith.index_cast %parallel_loop3A_380 : i32 to index
        %parallel_loop3A_543 = arith.constant 144 : index
        %parallel_loop3A_544 = tpu.vector_load %arg7[%parallel_loop3A_541, %parallel_loop3A_542, %parallel_loop3A_543] {strides = array<i32>} : memref<4x16x768xf32, #tpu.memory_space<vmem>>, vector<1x1x16xf32>,
        %parallel_loop3A_545 = vector.shape_cast %parallel_loop3A_544 : vector<1x1x16xf32> to vector<16xf32>
        %parallel_loop3A_546 = vector.shape_cast %parallel_loop3A_440 : vector<16xf32> to vector<1x1x16xf32>
        tpu.vector_store %arg7[%parallel_loop3A_541, %parallel_loop3A_542, %parallel_loop3A_543], %parallel_loop3A_546 {add = true, strides = array<i32>} : memref<4x16x768xf32, #tpu.memory_space<vmem>>, vector<1x1x16xf32>,
        %parallel_loop3A_547 = arith.constant 2 : i32
        %parallel_loop3A_548 = arith.index_cast %parallel_loop3A_547 : i32 to index
        %parallel_loop3A_549 = arith.index_cast %parallel_loop3A_380 : i32 to index
        %parallel_loop3A_550 = arith.constant 160 : index
        %parallel_loop3A_551 = tpu.vector_load %arg7[%parallel_loop3A_548, %parallel_loop3A_549, %parallel_loop3A_550] {strides = array<i32>} : memref<4x16x768xf32, #tpu.memory_space<vmem>>, vector<1x1x16xf32>,
        %parallel_loop3A_552 = vector.shape_cast %parallel_loop3A_551 : vector<1x1x16xf32> to vector<16xf32>
        %parallel_loop3A_553 = vector.shape_cast %parallel_loop3A_446 : vector<16xf32> to vector<1x1x16xf32>
        tpu.vector_store %arg7[%parallel_loop3A_548, %parallel_loop3A_549, %parallel_loop3A_550], %parallel_loop3A_553 {add = true, strides = array<i32>} : memref<4x16x768xf32, #tpu.memory_space<vmem>>, vector<1x1x16xf32>,
        %parallel_loop3A_554 = arith.constant 2 : i32
        %parallel_loop3A_555 = arith.index_cast %parallel_loop3A_554 : i32 to index
        %parallel_loop3A_556 = arith.index_cast %parallel_loop3A_380 : i32 to index
        %parallel_loop3A_557 = arith.constant 176 : index
        %parallel_loop3A_558 = tpu.vector_load %arg7[%parallel_loop3A_555, %parallel_loop3A_556, %parallel_loop3A_557] {strides = array<i32>} : memref<4x16x768xf32, #tpu.memory_space<vmem>>, vector<1x1x16xf32>,
        %parallel_loop3A_559 = vector.shape_cast %parallel_loop3A_558 : vector<1x1x16xf32> to vector<16xf32>
        %parallel_loop3A_560 = vector.shape_cast %parallel_loop3A_452 : vector<16xf32> to vector<1x1x16xf32>
        tpu.vector_store %arg7[%parallel_loop3A_555, %parallel_loop3A_556, %parallel_loop3A_557], %parallel_loop3A_560 {add = true, strides = array<i32>} : memref<4x16x768xf32, #tpu.memory_space<vmem>>, vector<1x1x16xf32>,
        %parallel_loop3A_561 = arith.constant 2 : i32
        %parallel_loop3A_562 = arith.index_cast %parallel_loop3A_561 : i32 to index
        %parallel_loop3A_563 = arith.index_cast %parallel_loop3A_380 : i32 to index
        %parallel_loop3A_564 = arith.constant 192 : index
        %parallel_loop3A_565 = tpu.vector_load %arg7[%parallel_loop3A_562, %parallel_loop3A_563, %parallel_loop3A_564] {strides = array<i32>} : memref<4x16x768xf32, #tpu.memory_space<vmem>>, vector<1x1x16xf32>,
        %parallel_loop3A_566 = vector.shape_cast %parallel_loop3A_565 : vector<1x1x16xf32> to vector<16xf32>
        %parallel_loop3A_567 = vector.shape_cast %parallel_loop3A_458 : vector<16xf32> to vector<1x1x16xf32>
        tpu.vector_store %arg7[%parallel_loop3A_562, %parallel_loop3A_563, %parallel_loop3A_564], %parallel_loop3A_567 {add = true, strides = array<i32>} : memref<4x16x768xf32, #tpu.memory_space<vmem>>, vector<1x1x16xf32>,
        %parallel_loop3A_568 = arith.constant 2 : i32
        %parallel_loop3A_569 = arith.index_cast %parallel_loop3A_568 : i32 to index
        %parallel_loop3A_570 = arith.index_cast %parallel_loop3A_380 : i32 to index
        %parallel_loop3A_571 = arith.constant 208 : index
        %parallel_loop3A_572 = tpu.vector_load %arg7[%parallel_loop3A_569, %parallel_loop3A_570, %parallel_loop3A_571] {strides = array<i32>} : memref<4x16x768xf32, #tpu.memory_space<vmem>>, vector<1x1x16xf32>,
        %parallel_loop3A_573 = vector.shape_cast %parallel_loop3A_572 : vector<1x1x16xf32> to vector<16xf32>
        %parallel_loop3A_574 = vector.shape_cast %parallel_loop3A_464 : vector<16xf32> to vector<1x1x16xf32>
        tpu.vector_store %arg7[%parallel_loop3A_569, %parallel_loop3A_570, %parallel_loop3A_571], %parallel_loop3A_574 {add = true, strides = array<i32>} : memref<4x16x768xf32, #tpu.memory_space<vmem>>, vector<1x1x16xf32>,
        %parallel_loop3A_575 = arith.constant 2 : i32
        %parallel_loop3A_576 = arith.index_cast %parallel_loop3A_575 : i32 to index
        %parallel_loop3A_577 = arith.index_cast %parallel_loop3A_380 : i32 to index
        %parallel_loop3A_578 = arith.constant 224 : index
        %parallel_loop3A_579 = tpu.vector_load %arg7[%parallel_loop3A_576, %parallel_loop3A_577, %parallel_loop3A_578] {strides = array<i32>} : memref<4x16x768xf32, #tpu.memory_space<vmem>>, vector<1x1x16xf32>,
        %parallel_loop3A_580 = vector.shape_cast %parallel_loop3A_579 : vector<1x1x16xf32> to vector<16xf32>
        %parallel_loop3A_581 = vector.shape_cast %parallel_loop3A_470 : vector<16xf32> to vector<1x1x16xf32>
        tpu.vector_store %arg7[%parallel_loop3A_576, %parallel_loop3A_577, %parallel_loop3A_578], %parallel_loop3A_581 {add = true, strides = array<i32>} : memref<4x16x768xf32, #tpu.memory_space<vmem>>, vector<1x1x16xf32>,
        %parallel_loop3A_582 = arith.constant 2 : i32
        %parallel_loop3A_583 = arith.index_cast %parallel_loop3A_582 : i32 to index
        %parallel_loop3A_584 = arith.index_cast %parallel_loop3A_380 : i32 to index
        %parallel_loop3A_585 = arith.constant 240 : index
        %parallel_loop3A_586 = tpu.vector_load %arg7[%parallel_loop3A_583, %parallel_loop3A_584, %parallel_loop3A_585] {strides = array<i32>} : memref<4x16x768xf32, #tpu.memory_space<vmem>>, vector<1x1x16xf32>,
        %parallel_loop3A_587 = vector.shape_cast %parallel_loop3A_586 : vector<1x1x16xf32> to vector<16xf32>
        %parallel_loop3A_588 = vector.shape_cast %parallel_loop3A_476 : vector<16xf32> to vector<1x1x16xf32>
        tpu.vector_store %arg7[%parallel_loop3A_583, %parallel_loop3A_584, %parallel_loop3A_585], %parallel_loop3A_588 {add = true, strides = array<i32>} : memref<4x16x768xf32, #tpu.memory_space<vmem>>, vector<1x1x16xf32>,
        %parallel_loop3A_589 = arith.constant 2 : i32
        %parallel_loop3A_590 = arith.index_cast %parallel_loop3A_589 : i32 to index
        %parallel_loop3A_591 = arith.index_cast %parallel_loop3A_380 : i32 to index
        %parallel_loop3A_592 = arith.constant 256 : index
        %parallel_loop3A_593 = tpu.vector_load %arg8[%parallel_loop3A_590, %parallel_loop3A_591, %parallel_loop3A_592] {strides = array<i32>} : memref<4x16x768xf32, #tpu.memory_space<vmem>>, vector<1x1x16xf32>,
        %parallel_loop3A_594 = vector.shape_cast %parallel_loop3A_593 : vector<1x1x16xf32> to vector<16xf32>
        %parallel_loop3A_595 = arith.constant 2 : i32
        %parallel_loop3A_596 = arith.index_cast %parallel_loop3A_595 : i32 to index
        %parallel_loop3A_597 = arith.index_cast %parallel_loop3A_380 : i32 to index
        %parallel_loop3A_598 = arith.constant 272 : index
        %parallel_loop3A_599 = tpu.vector_load %arg8[%parallel_loop3A_596, %parallel_loop3A_597, %parallel_loop3A_598] {strides = array<i32>} : memref<4x16x768xf32, #tpu.memory_space<vmem>>, vector<1x1x16xf32>,
        %parallel_loop3A_600 = vector.shape_cast %parallel_loop3A_599 : vector<1x1x16xf32> to vector<16xf32>
        %parallel_loop3A_601 = arith.constant 2 : i32
        %parallel_loop3A_602 = arith.index_cast %parallel_loop3A_601 : i32 to index
        %parallel_loop3A_603 = arith.index_cast %parallel_loop3A_380 : i32 to index
        %parallel_loop3A_604 = arith.constant 288 : index
        %parallel_loop3A_605 = tpu.vector_load %arg8[%parallel_loop3A_602, %parallel_loop3A_603, %parallel_loop3A_604] {strides = array<i32>} : memref<4x16x768xf32, #tpu.memory_space<vmem>>, vector<1x1x16xf32>,
        %parallel_loop3A_606 = vector.shape_cast %parallel_loop3A_605 : vector<1x1x16xf32> to vector<16xf32>
        %parallel_loop3A_607 = arith.constant 2 : i32
        %parallel_loop3A_608 = arith.index_cast %parallel_loop3A_607 : i32 to index
        %parallel_loop3A_609 = arith.index_cast %parallel_loop3A_380 : i32 to index
        %parallel_loop3A_610 = arith.constant 304 : index
        %parallel_loop3A_611 = tpu.vector_load %arg8[%parallel_loop3A_608, %parallel_loop3A_609, %parallel_loop3A_610] {strides = array<i32>} : memref<4x16x768xf32, #tpu.memory_space<vmem>>, vector<1x1x16xf32>,
        %parallel_loop3A_612 = vector.shape_cast %parallel_loop3A_611 : vector<1x1x16xf32> to vector<16xf32>
        %parallel_loop3A_613 = arith.constant 2 : i32
        %parallel_loop3A_614 = arith.index_cast %parallel_loop3A_613 : i32 to index
        %parallel_loop3A_615 = arith.index_cast %parallel_loop3A_380 : i32 to index
        %parallel_loop3A_616 = arith.constant 320 : index
        %parallel_loop3A_617 = tpu.vector_load %arg8[%parallel_loop3A_614, %parallel_loop3A_615, %parallel_loop3A_616] {strides = array<i32>} : memref<4x16x768xf32, #tpu.memory_space<vmem>>, vector<1x1x16xf32>,
        %parallel_loop3A_618 = vector.shape_cast %parallel_loop3A_617 : vector<1x1x16xf32> to vector<16xf32>
        %parallel_loop3A_619 = arith.constant 2 : i32
        %parallel_loop3A_620 = arith.index_cast %parallel_loop3A_619 : i32 to index
        %parallel_loop3A_621 = arith.index_cast %parallel_loop3A_380 : i32 to index
        %parallel_loop3A_622 = arith.constant 336 : index
        %parallel_loop3A_623 = tpu.vector_load %arg8[%parallel_loop3A_620, %parallel_loop3A_621, %parallel_loop3A_622] {strides = array<i32>} : memref<4x16x768xf32, #tpu.memory_space<vmem>>, vector<1x1x16xf32>,
        %parallel_loop3A_624 = vector.shape_cast %parallel_loop3A_623 : vector<1x1x16xf32> to vector<16xf32>
        %parallel_loop3A_625 = arith.constant 2 : i32
        %parallel_loop3A_626 = arith.index_cast %parallel_loop3A_625 : i32 to index
        %parallel_loop3A_627 = arith.index_cast %parallel_loop3A_380 : i32 to index
        %parallel_loop3A_628 = arith.constant 352 : index
        %parallel_loop3A_629 = tpu.vector_load %arg8[%parallel_loop3A_626, %parallel_loop3A_627, %parallel_loop3A_628] {strides = array<i32>} : memref<4x16x768xf32, #tpu.memory_space<vmem>>, vector<1x1x16xf32>,
        %parallel_loop3A_630 = vector.shape_cast %parallel_loop3A_629 : vector<1x1x16xf32> to vector<16xf32>
        %parallel_loop3A_631 = arith.constant 2 : i32
        %parallel_loop3A_632 = arith.index_cast %parallel_loop3A_631 : i32 to index
        %parallel_loop3A_633 = arith.index_cast %parallel_loop3A_380 : i32 to index
        %parallel_loop3A_634 = arith.constant 368 : index
        %parallel_loop3A_635 = tpu.vector_load %arg8[%parallel_loop3A_632, %parallel_loop3A_633, %parallel_loop3A_634] {strides = array<i32>} : memref<4x16x768xf32, #tpu.memory_space<vmem>>, vector<1x1x16xf32>,
        %parallel_loop3A_636 = vector.shape_cast %parallel_loop3A_635 : vector<1x1x16xf32> to vector<16xf32>
        %parallel_loop3A_637 = arith.constant 2 : i32
        %parallel_loop3A_638 = arith.index_cast %parallel_loop3A_637 : i32 to index
        %parallel_loop3A_639 = arith.index_cast %parallel_loop3A_380 : i32 to index
        %parallel_loop3A_640 = arith.constant 384 : index
        %parallel_loop3A_641 = tpu.vector_load %arg8[%parallel_loop3A_638, %parallel_loop3A_639, %parallel_loop3A_640] {strides = array<i32>} : memref<4x16x768xf32, #tpu.memory_space<vmem>>, vector<1x1x16xf32>,
        %parallel_loop3A_642 = vector.shape_cast %parallel_loop3A_641 : vector<1x1x16xf32> to vector<16xf32>
        %parallel_loop3A_643 = arith.constant 2 : i32
        %parallel_loop3A_644 = arith.index_cast %parallel_loop3A_643 : i32 to index
        %parallel_loop3A_645 = arith.index_cast %parallel_loop3A_380 : i32 to index
        %parallel_loop3A_646 = arith.constant 400 : index
        %parallel_loop3A_647 = tpu.vector_load %arg8[%parallel_loop3A_644, %parallel_loop3A_645, %parallel_loop3A_646] {strides = array<i32>} : memref<4x16x768xf32, #tpu.memory_space<vmem>>, vector<1x1x16xf32>,
        %parallel_loop3A_648 = vector.shape_cast %parallel_loop3A_647 : vector<1x1x16xf32> to vector<16xf32>
        %parallel_loop3A_649 = arith.constant 2 : i32
        %parallel_loop3A_650 = arith.index_cast %parallel_loop3A_649 : i32 to index
        %parallel_loop3A_651 = arith.index_cast %parallel_loop3A_380 : i32 to index
        %parallel_loop3A_652 = arith.constant 416 : index
        %parallel_loop3A_653 = tpu.vector_load %arg8[%parallel_loop3A_650, %parallel_loop3A_651, %parallel_loop3A_652] {strides = array<i32>} : memref<4x16x768xf32, #tpu.memory_space<vmem>>, vector<1x1x16xf32>,
        %parallel_loop3A_654 = vector.shape_cast %parallel_loop3A_653 : vector<1x1x16xf32> to vector<16xf32>
        %parallel_loop3A_655 = arith.constant 2 : i32
        %parallel_loop3A_656 = arith.index_cast %parallel_loop3A_655 : i32 to index
        %parallel_loop3A_657 = arith.index_cast %parallel_loop3A_380 : i32 to index
        %parallel_loop3A_658 = arith.constant 432 : index
        %parallel_loop3A_659 = tpu.vector_load %arg8[%parallel_loop3A_656, %parallel_loop3A_657, %parallel_loop3A_658] {strides = array<i32>} : memref<4x16x768xf32, #tpu.memory_space<vmem>>, vector<1x1x16xf32>,
        %parallel_loop3A_660 = vector.shape_cast %parallel_loop3A_659 : vector<1x1x16xf32> to vector<16xf32>
        %parallel_loop3A_661 = arith.constant 2 : i32
        %parallel_loop3A_662 = arith.index_cast %parallel_loop3A_661 : i32 to index
        %parallel_loop3A_663 = arith.index_cast %parallel_loop3A_380 : i32 to index
        %parallel_loop3A_664 = arith.constant 448 : index
        %parallel_loop3A_665 = tpu.vector_load %arg8[%parallel_loop3A_662, %parallel_loop3A_663, %parallel_loop3A_664] {strides = array<i32>} : memref<4x16x768xf32, #tpu.memory_space<vmem>>, vector<1x1x16xf32>,
        %parallel_loop3A_666 = vector.shape_cast %parallel_loop3A_665 : vector<1x1x16xf32> to vector<16xf32>
        %parallel_loop3A_667 = arith.constant 2 : i32
        %parallel_loop3A_668 = arith.index_cast %parallel_loop3A_667 : i32 to index
        %parallel_loop3A_669 = arith.index_cast %parallel_loop3A_380 : i32 to index
        %parallel_loop3A_670 = arith.constant 464 : index
        %parallel_loop3A_671 = tpu.vector_load %arg8[%parallel_loop3A_668, %parallel_loop3A_669, %parallel_loop3A_670] {strides = array<i32>} : memref<4x16x768xf32, #tpu.memory_space<vmem>>, vector<1x1x16xf32>,
        %parallel_loop3A_672 = vector.shape_cast %parallel_loop3A_671 : vector<1x1x16xf32> to vector<16xf32>
        %parallel_loop3A_673 = arith.constant 2 : i32
        %parallel_loop3A_674 = arith.index_cast %parallel_loop3A_673 : i32 to index
        %parallel_loop3A_675 = arith.index_cast %parallel_loop3A_380 : i32 to index
        %parallel_loop3A_676 = arith.constant 480 : index
        %parallel_loop3A_677 = tpu.vector_load %arg8[%parallel_loop3A_674, %parallel_loop3A_675, %parallel_loop3A_676] {strides = array<i32>} : memref<4x16x768xf32, #tpu.memory_space<vmem>>, vector<1x1x16xf32>,
        %parallel_loop3A_678 = vector.shape_cast %parallel_loop3A_677 : vector<1x1x16xf32> to vector<16xf32>
        %parallel_loop3A_679 = arith.constant 2 : i32
        %parallel_loop3A_680 = arith.index_cast %parallel_loop3A_679 : i32 to index
        %parallel_loop3A_681 = arith.index_cast %parallel_loop3A_380 : i32 to index
        %parallel_loop3A_682 = arith.constant 496 : index
        %parallel_loop3A_683 = tpu.vector_load %arg8[%parallel_loop3A_680, %parallel_loop3A_681, %parallel_loop3A_682] {strides = array<i32>} : memref<4x16x768xf32, #tpu.memory_space<vmem>>, vector<1x1x16xf32>,
        %parallel_loop3A_684 = vector.shape_cast %parallel_loop3A_683 : vector<1x1x16xf32> to vector<16xf32>
        %parallel_loop3A_685 = arith.constant 2 : i32
        %parallel_loop3A_686 = arith.index_cast %parallel_loop3A_685 : i32 to index
        %parallel_loop3A_687 = arith.index_cast %parallel_loop3A_380 : i32 to index
        %parallel_loop3A_688 = arith.constant 256 : index
        %parallel_loop3A_689 = tpu.vector_load %arg7[%parallel_loop3A_686, %parallel_loop3A_687, %parallel_loop3A_688] {strides = array<i32>} : memref<4x16x768xf32, #tpu.memory_space<vmem>>, vector<1x1x16xf32>,
        %parallel_loop3A_690 = vector.shape_cast %parallel_loop3A_689 : vector<1x1x16xf32> to vector<16xf32>
        %parallel_loop3A_691 = vector.shape_cast %parallel_loop3A_594 : vector<16xf32> to vector<1x1x16xf32>
        tpu.vector_store %arg7[%parallel_loop3A_686, %parallel_loop3A_687, %parallel_loop3A_688], %parallel_loop3A_691 {add = true, strides = array<i32>} : memref<4x16x768xf32, #tpu.memory_space<vmem>>, vector<1x1x16xf32>,
        %parallel_loop3A_692 = arith.constant 2 : i32
        %parallel_loop3A_693 = arith.index_cast %parallel_loop3A_692 : i32 to index
        %parallel_loop3A_694 = arith.index_cast %parallel_loop3A_380 : i32 to index
        %parallel_loop3A_695 = arith.constant 272 : index
        %parallel_loop3A_696 = tpu.vector_load %arg7[%parallel_loop3A_693, %parallel_loop3A_694, %parallel_loop3A_695] {strides = array<i32>} : memref<4x16x768xf32, #tpu.memory_space<vmem>>, vector<1x1x16xf32>,
        %parallel_loop3A_697 = vector.shape_cast %parallel_loop3A_696 : vector<1x1x16xf32> to vector<16xf32>
        %parallel_loop3A_698 = vector.shape_cast %parallel_loop3A_600 : vector<16xf32> to vector<1x1x16xf32>
        tpu.vector_store %arg7[%parallel_loop3A_693, %parallel_loop3A_694, %parallel_loop3A_695], %parallel_loop3A_698 {add = true, strides = array<i32>} : memref<4x16x768xf32, #tpu.memory_space<vmem>>, vector<1x1x16xf32>,
        %parallel_loop3A_699 = arith.constant 2 : i32
        %parallel_loop3A_700 = arith.index_cast %parallel_loop3A_699 : i32 to index
        %parallel_loop3A_701 = arith.index_cast %parallel_loop3A_380 : i32 to index
        %parallel_loop3A_702 = arith.constant 288 : index
        %parallel_loop3A_703 = tpu.vector_load %arg7[%parallel_loop3A_700, %parallel_loop3A_701, %parallel_loop3A_702] {strides = array<i32>} : memref<4x16x768xf32, #tpu.memory_space<vmem>>, vector<1x1x16xf32>,
        %parallel_loop3A_704 = vector.shape_cast %parallel_loop3A_703 : vector<1x1x16xf32> to vector<16xf32>
        %parallel_loop3A_705 = vector.shape_cast %parallel_loop3A_606 : vector<16xf32> to vector<1x1x16xf32>
        tpu.vector_store %arg7[%parallel_loop3A_700, %parallel_loop3A_701, %parallel_loop3A_702], %parallel_loop3A_705 {add = true, strides = array<i32>} : memref<4x16x768xf32, #tpu.memory_space<vmem>>, vector<1x1x16xf32>,
        %parallel_loop3A_706 = arith.constant 2 : i32
        %parallel_loop3A_707 = arith.index_cast %parallel_loop3A_706 : i32 to index
        %parallel_loop3A_708 = arith.index_cast %parallel_loop3A_380 : i32 to index
        %parallel_loop3A_709 = arith.constant 304 : index
        %parallel_loop3A_710 = tpu.vector_load %arg7[%parallel_loop3A_707, %parallel_loop3A_708, %parallel_loop3A_709] {strides = array<i32>} : memref<4x16x768xf32, #tpu.memory_space<vmem>>, vector<1x1x16xf32>,
        %parallel_loop3A_711 = vector.shape_cast %parallel_loop3A_710 : vector<1x1x16xf32> to vector<16xf32>
        %parallel_loop3A_712 = vector.shape_cast %parallel_loop3A_612 : vector<16xf32> to vector<1x1x16xf32>
        tpu.vector_store %arg7[%parallel_loop3A_707, %parallel_loop3A_708, %parallel_loop3A_709], %parallel_loop3A_712 {add = true, strides = array<i32>} : memref<4x16x768xf32, #tpu.memory_space<vmem>>, vector<1x1x16xf32>,
        %parallel_loop3A_713 = arith.constant 2 : i32
        %parallel_loop3A_714 = arith.index_cast %parallel_loop3A_713 : i32 to index
        %parallel_loop3A_715 = arith.index_cast %parallel_loop3A_380 : i32 to index
        %parallel_loop3A_716 = arith.constant 320 : index
        %parallel_loop3A_717 = tpu.vector_load %arg7[%parallel_loop3A_714, %parallel_loop3A_715, %parallel_loop3A_716] {strides = array<i32>} : memref<4x16x768xf32, #tpu.memory_space<vmem>>, vector<1x1x16xf32>,
        %parallel_loop3A_718 = vector.shape_cast %parallel_loop3A_717 : vector<1x1x16xf32> to vector<16xf32>
        %parallel_loop3A_719 = vector.shape_cast %parallel_loop3A_618 : vector<16xf32> to vector<1x1x16xf32>
        tpu.vector_store %arg7[%parallel_loop3A_714, %parallel_loop3A_715, %parallel_loop3A_716], %parallel_loop3A_719 {add = true, strides = array<i32>} : memref<4x16x768xf32, #tpu.memory_space<vmem>>, vector<1x1x16xf32>,
        %parallel_loop3A_720 = arith.constant 2 : i32
        %parallel_loop3A_721 = arith.index_cast %parallel_loop3A_720 : i32 to index
        %parallel_loop3A_722 = arith.index_cast %parallel_loop3A_380 : i32 to index
        %parallel_loop3A_723 = arith.constant 336 : index
        %parallel_loop3A_724 = tpu.vector_load %arg7[%parallel_loop3A_721, %parallel_loop3A_722, %parallel_loop3A_723] {strides = array<i32>} : memref<4x16x768xf32, #tpu.memory_space<vmem>>, vector<1x1x16xf32>,
        %parallel_loop3A_725 = vector.shape_cast %parallel_loop3A_724 : vector<1x1x16xf32> to vector<16xf32>
        %parallel_loop3A_726 = vector.shape_cast %parallel_loop3A_624 : vector<16xf32> to vector<1x1x16xf32>
        tpu.vector_store %arg7[%parallel_loop3A_721, %parallel_loop3A_722, %parallel_loop3A_723], %parallel_loop3A_726 {add = true, strides = array<i32>} : memref<4x16x768xf32, #tpu.memory_space<vmem>>, vector<1x1x16xf32>,
        %parallel_loop3A_727 = arith.constant 2 : i32
        %parallel_loop3A_728 = arith.index_cast %parallel_loop3A_727 : i32 to index
        %parallel_loop3A_729 = arith.index_cast %parallel_loop3A_380 : i32 to index
        %parallel_loop3A_730 = arith.constant 352 : index
        %parallel_loop3A_731 = tpu.vector_load %arg7[%parallel_loop3A_728, %parallel_loop3A_729, %parallel_loop3A_730] {strides = array<i32>} : memref<4x16x768xf32, #tpu.memory_space<vmem>>, vector<1x1x16xf32>,
        %parallel_loop3A_732 = vector.shape_cast %parallel_loop3A_731 : vector<1x1x16xf32> to vector<16xf32>
        %parallel_loop3A_733 = vector.shape_cast %parallel_loop3A_630 : vector<16xf32> to vector<1x1x16xf32>
        tpu.vector_store %arg7[%parallel_loop3A_728, %parallel_loop3A_729, %parallel_loop3A_730], %parallel_loop3A_733 {add = true, strides = array<i32>} : memref<4x16x768xf32, #tpu.memory_space<vmem>>, vector<1x1x16xf32>,
        %parallel_loop3A_734 = arith.constant 2 : i32
        %parallel_loop3A_735 = arith.index_cast %parallel_loop3A_734 : i32 to index
        %parallel_loop3A_736 = arith.index_cast %parallel_loop3A_380 : i32 to index
        %parallel_loop3A_737 = arith.constant 368 : index
        %parallel_loop3A_738 = tpu.vector_load %arg7[%parallel_loop3A_735, %parallel_loop3A_736, %parallel_loop3A_737] {strides = array<i32>} : memref<4x16x768xf32, #tpu.memory_space<vmem>>, vector<1x1x16xf32>,
        %parallel_loop3A_739 = vector.shape_cast %parallel_loop3A_738 : vector<1x1x16xf32> to vector<16xf32>
        %parallel_loop3A_740 = vector.shape_cast %parallel_loop3A_636 : vector<16xf32> to vector<1x1x16xf32>
        tpu.vector_store %arg7[%parallel_loop3A_735, %parallel_loop3A_736, %parallel_loop3A_737], %parallel_loop3A_740 {add = true, strides = array<i32>} : memref<4x16x768xf32, #tpu.memory_space<vmem>>, vector<1x1x16xf32>,
        %parallel_loop3A_741 = arith.constant 2 : i32
        %parallel_loop3A_742 = arith.index_cast %parallel_loop3A_741 : i32 to index
        %parallel_loop3A_743 = arith.index_cast %parallel_loop3A_380 : i32 to index
        %parallel_loop3A_744 = arith.constant 384 : index
        %parallel_loop3A_745 = tpu.vector_load %arg7[%parallel_loop3A_742, %parallel_loop3A_743, %parallel_loop3A_744] {strides = array<i32>} : memref<4x16x768xf32, #tpu.memory_space<vmem>>, vector<1x1x16xf32>,
        %parallel_loop3A_746 = vector.shape_cast %parallel_loop3A_745 : vector<1x1x16xf32> to vector<16xf32>
        %parallel_loop3A_747 = vector.shape_cast %parallel_loop3A_642 : vector<16xf32> to vector<1x1x16xf32>
        tpu.vector_store %arg7[%parallel_loop3A_742, %parallel_loop3A_743, %parallel_loop3A_744], %parallel_loop3A_747 {add = true, strides = array<i32>} : memref<4x16x768xf32, #tpu.memory_space<vmem>>, vector<1x1x16xf32>,
        %parallel_loop3A_748 = arith.constant 2 : i32
        %parallel_loop3A_749 = arith.index_cast %parallel_loop3A_748 : i32 to index
        %parallel_loop3A_750 = arith.index_cast %parallel_loop3A_380 : i32 to index
        %parallel_loop3A_751 = arith.constant 400 : index
        %parallel_loop3A_752 = tpu.vector_load %arg7[%parallel_loop3A_749, %parallel_loop3A_750, %parallel_loop3A_751] {strides = array<i32>} : memref<4x16x768xf32, #tpu.memory_space<vmem>>, vector<1x1x16xf32>,
        %parallel_loop3A_753 = vector.shape_cast %parallel_loop3A_752 : vector<1x1x16xf32> to vector<16xf32>
        %parallel_loop3A_754 = vector.shape_cast %parallel_loop3A_648 : vector<16xf32> to vector<1x1x16xf32>
        tpu.vector_store %arg7[%parallel_loop3A_749, %parallel_loop3A_750, %parallel_loop3A_751], %parallel_loop3A_754 {add = true, strides = array<i32>} : memref<4x16x768xf32, #tpu.memory_space<vmem>>, vector<1x1x16xf32>,
        %parallel_loop3A_755 = arith.constant 2 : i32
        %parallel_loop3A_756 = arith.index_cast %parallel_loop3A_755 : i32 to index
        %parallel_loop3A_757 = arith.index_cast %parallel_loop3A_380 : i32 to index
        %parallel_loop3A_758 = arith.constant 416 : index
        %parallel_loop3A_759 = tpu.vector_load %arg7[%parallel_loop3A_756, %parallel_loop3A_757, %parallel_loop3A_758] {strides = array<i32>} : memref<4x16x768xf32, #tpu.memory_space<vmem>>, vector<1x1x16xf32>,
        %parallel_loop3A_760 = vector.shape_cast %parallel_loop3A_759 : vector<1x1x16xf32> to vector<16xf32>
        %parallel_loop3A_761 = vector.shape_cast %parallel_loop3A_654 : vector<16xf32> to vector<1x1x16xf32>
        tpu.vector_store %arg7[%parallel_loop3A_756, %parallel_loop3A_757, %parallel_loop3A_758], %parallel_loop3A_761 {add = true, strides = array<i32>} : memref<4x16x768xf32, #tpu.memory_space<vmem>>, vector<1x1x16xf32>,
        %parallel_loop3A_762 = arith.constant 2 : i32
        %parallel_loop3A_763 = arith.index_cast %parallel_loop3A_762 : i32 to index
        %parallel_loop3A_764 = arith.index_cast %parallel_loop3A_380 : i32 to index
        %parallel_loop3A_765 = arith.constant 432 : index
        %parallel_loop3A_766 = tpu.vector_load %arg7[%parallel_loop3A_763, %parallel_loop3A_764, %parallel_loop3A_765] {strides = array<i32>} : memref<4x16x768xf32, #tpu.memory_space<vmem>>, vector<1x1x16xf32>,
        %parallel_loop3A_767 = vector.shape_cast %parallel_loop3A_766 : vector<1x1x16xf32> to vector<16xf32>
        %parallel_loop3A_768 = vector.shape_cast %parallel_loop3A_660 : vector<16xf32> to vector<1x1x16xf32>
        tpu.vector_store %arg7[%parallel_loop3A_763, %parallel_loop3A_764, %parallel_loop3A_765], %parallel_loop3A_768 {add = true, strides = array<i32>} : memref<4x16x768xf32, #tpu.memory_space<vmem>>, vector<1x1x16xf32>,
        %parallel_loop3A_769 = arith.constant 2 : i32
        %parallel_loop3A_770 = arith.index_cast %parallel_loop3A_769 : i32 to index
        %parallel_loop3A_771 = arith.index_cast %parallel_loop3A_380 : i32 to index
        %parallel_loop3A_772 = arith.constant 448 : index
        %parallel_loop3A_773 = tpu.vector_load %arg7[%parallel_loop3A_770, %parallel_loop3A_771, %parallel_loop3A_772] {strides = array<i32>} : memref<4x16x768xf32, #tpu.memory_space<vmem>>, vector<1x1x16xf32>,
        %parallel_loop3A_774 = vector.shape_cast %parallel_loop3A_773 : vector<1x1x16xf32> to vector<16xf32>
        %parallel_loop3A_775 = vector.shape_cast %parallel_loop3A_666 : vector<16xf32> to vector<1x1x16xf32>
        tpu.vector_store %arg7[%parallel_loop3A_770, %parallel_loop3A_771, %parallel_loop3A_772], %parallel_loop3A_775 {add = true, strides = array<i32>} : memref<4x16x768xf32, #tpu.memory_space<vmem>>, vector<1x1x16xf32>,
        %parallel_loop3A_776 = arith.constant 2 : i32
        %parallel_loop3A_777 = arith.index_cast %parallel_loop3A_776 : i32 to index
        %parallel_loop3A_778 = arith.index_cast %parallel_loop3A_380 : i32 to index
        %parallel_loop3A_779 = arith.constant 464 : index
        %parallel_loop3A_780 = tpu.vector_load %arg7[%parallel_loop3A_777, %parallel_loop3A_778, %parallel_loop3A_779] {strides = array<i32>} : memref<4x16x768xf32, #tpu.memory_space<vmem>>, vector<1x1x16xf32>,
        %parallel_loop3A_781 = vector.shape_cast %parallel_loop3A_780 : vector<1x1x16xf32> to vector<16xf32>
        %parallel_loop3A_782 = vector.shape_cast %parallel_loop3A_672 : vector<16xf32> to vector<1x1x16xf32>
        tpu.vector_store %arg7[%parallel_loop3A_777, %parallel_loop3A_778, %parallel_loop3A_779], %parallel_loop3A_782 {add = true, strides = array<i32>} : memref<4x16x768xf32, #tpu.memory_space<vmem>>, vector<1x1x16xf32>,
        %parallel_loop3A_783 = arith.constant 2 : i32
        %parallel_loop3A_784 = arith.index_cast %parallel_loop3A_783 : i32 to index
        %parallel_loop3A_785 = arith.index_cast %parallel_loop3A_380 : i32 to index
        %parallel_loop3A_786 = arith.constant 480 : index
        %parallel_loop3A_787 = tpu.vector_load %arg7[%parallel_loop3A_784, %parallel_loop3A_785, %parallel_loop3A_786] {strides = array<i32>} : memref<4x16x768xf32, #tpu.memory_space<vmem>>, vector<1x1x16xf32>,
        %parallel_loop3A_788 = vector.shape_cast %parallel_loop3A_787 : vector<1x1x16xf32> to vector<16xf32>
        %parallel_loop3A_789 = vector.shape_cast %parallel_loop3A_678 : vector<16xf32> to vector<1x1x16xf32>
        tpu.vector_store %arg7[%parallel_loop3A_784, %parallel_loop3A_785, %parallel_loop3A_786], %parallel_loop3A_789 {add = true, strides = array<i32>} : memref<4x16x768xf32, #tpu.memory_space<vmem>>, vector<1x1x16xf32>,
        %parallel_loop3A_790 = arith.constant 2 : i32
        %parallel_loop3A_791 = arith.index_cast %parallel_loop3A_790 : i32 to index
        %parallel_loop3A_792 = arith.index_cast %parallel_loop3A_380 : i32 to index
        %parallel_loop3A_793 = arith.constant 496 : index
        %parallel_loop3A_794 = tpu.vector_load %arg7[%parallel_loop3A_791, %parallel_loop3A_792, %parallel_loop3A_793] {strides = array<i32>} : memref<4x16x768xf32, #tpu.memory_space<vmem>>, vector<1x1x16xf32>,
        %parallel_loop3A_795 = vector.shape_cast %parallel_loop3A_794 : vector<1x1x16xf32> to vector<16xf32>
        %parallel_loop3A_796 = vector.shape_cast %parallel_loop3A_684 : vector<16xf32> to vector<1x1x16xf32>
        tpu.vector_store %arg7[%parallel_loop3A_791, %parallel_loop3A_792, %parallel_loop3A_793], %parallel_loop3A_796 {add = true, strides = array<i32>} : memref<4x16x768xf32, #tpu.memory_space<vmem>>, vector<1x1x16xf32>,
        %parallel_loop3A_797 = arith.constant 2 : i32
        %parallel_loop3A_798 = arith.index_cast %parallel_loop3A_797 : i32 to index
        %parallel_loop3A_799 = arith.index_cast %parallel_loop3A_380 : i32 to index
        %parallel_loop3A_800 = arith.constant 512 : index
        %parallel_loop3A_801 = tpu.vector_load %arg8[%parallel_loop3A_798, %parallel_loop3A_799, %parallel_loop3A_800] {strides = array<i32>} : memref<4x16x768xf32, #tpu.memory_space<vmem>>, vector<1x1x16xf32>,
        %parallel_loop3A_802 = vector.shape_cast %parallel_loop3A_801 : vector<1x1x16xf32> to vector<16xf32>
        %parallel_loop3A_803 = arith.constant 2 : i32
        %parallel_loop3A_804 = arith.index_cast %parallel_loop3A_803 : i32 to index
        %parallel_loop3A_805 = arith.index_cast %parallel_loop3A_380 : i32 to index
        %parallel_loop3A_806 = arith.constant 528 : index
        %parallel_loop3A_807 = tpu.vector_load %arg8[%parallel_loop3A_804, %parallel_loop3A_805, %parallel_loop3A_806] {strides = array<i32>} : memref<4x16x768xf32, #tpu.memory_space<vmem>>, vector<1x1x16xf32>,
        %parallel_loop3A_808 = vector.shape_cast %parallel_loop3A_807 : vector<1x1x16xf32> to vector<16xf32>
        %parallel_loop3A_809 = arith.constant 2 : i32
        %parallel_loop3A_810 = arith.index_cast %parallel_loop3A_809 : i32 to index
        %parallel_loop3A_811 = arith.index_cast %parallel_loop3A_380 : i32 to index
        %parallel_loop3A_812 = arith.constant 544 : index
        %parallel_loop3A_813 = tpu.vector_load %arg8[%parallel_loop3A_810, %parallel_loop3A_811, %parallel_loop3A_812] {strides = array<i32>} : memref<4x16x768xf32, #tpu.memory_space<vmem>>, vector<1x1x16xf32>,
        %parallel_loop3A_814 = vector.shape_cast %parallel_loop3A_813 : vector<1x1x16xf32> to vector<16xf32>
        %parallel_loop3A_815 = arith.constant 2 : i32
        %parallel_loop3A_816 = arith.index_cast %parallel_loop3A_815 : i32 to index
        %parallel_loop3A_817 = arith.index_cast %parallel_loop3A_380 : i32 to index
        %parallel_loop3A_818 = arith.constant 560 : index
        %parallel_loop3A_819 = tpu.vector_load %arg8[%parallel_loop3A_816, %parallel_loop3A_817, %parallel_loop3A_818] {strides = array<i32>} : memref<4x16x768xf32, #tpu.memory_space<vmem>>, vector<1x1x16xf32>,
        %parallel_loop3A_820 = vector.shape_cast %parallel_loop3A_819 : vector<1x1x16xf32> to vector<16xf32>
        %parallel_loop3A_821 = arith.constant 2 : i32
        %parallel_loop3A_822 = arith.index_cast %parallel_loop3A_821 : i32 to index
        %parallel_loop3A_823 = arith.index_cast %parallel_loop3A_380 : i32 to index
        %parallel_loop3A_824 = arith.constant 576 : index
        %parallel_loop3A_825 = tpu.vector_load %arg8[%parallel_loop3A_822, %parallel_loop3A_823, %parallel_loop3A_824] {strides = array<i32>} : memref<4x16x768xf32, #tpu.memory_space<vmem>>, vector<1x1x16xf32>,
        %parallel_loop3A_826 = vector.shape_cast %parallel_loop3A_825 : vector<1x1x16xf32> to vector<16xf32>
        %parallel_loop3A_827 = arith.constant 2 : i32
        %parallel_loop3A_828 = arith.index_cast %parallel_loop3A_827 : i32 to index
        %parallel_loop3A_829 = arith.index_cast %parallel_loop3A_380 : i32 to index
        %parallel_loop3A_830 = arith.constant 592 : index
        %parallel_loop3A_831 = tpu.vector_load %arg8[%parallel_loop3A_828, %parallel_loop3A_829, %parallel_loop3A_830] {strides = array<i32>} : memref<4x16x768xf32, #tpu.memory_space<vmem>>, vector<1x1x16xf32>,
        %parallel_loop3A_832 = vector.shape_cast %parallel_loop3A_831 : vector<1x1x16xf32> to vector<16xf32>
        %parallel_loop3A_833 = arith.constant 2 : i32
        %parallel_loop3A_834 = arith.index_cast %parallel_loop3A_833 : i32 to index
        %parallel_loop3A_835 = arith.index_cast %parallel_loop3A_380 : i32 to index
        %parallel_loop3A_836 = arith.constant 608 : index
        %parallel_loop3A_837 = tpu.vector_load %arg8[%parallel_loop3A_834, %parallel_loop3A_835, %parallel_loop3A_836] {strides = array<i32>} : memref<4x16x768xf32, #tpu.memory_space<vmem>>, vector<1x1x16xf32>,
        %parallel_loop3A_838 = vector.shape_cast %parallel_loop3A_837 : vector<1x1x16xf32> to vector<16xf32>
        %parallel_loop3A_839 = arith.constant 2 : i32
        %parallel_loop3A_840 = arith.index_cast %parallel_loop3A_839 : i32 to index
        %parallel_loop3A_841 = arith.index_cast %parallel_loop3A_380 : i32 to index
        %parallel_loop3A_842 = arith.constant 624 : index
        %parallel_loop3A_843 = tpu.vector_load %arg8[%parallel_loop3A_840, %parallel_loop3A_841, %parallel_loop3A_842] {strides = array<i32>} : memref<4x16x768xf32, #tpu.memory_space<vmem>>, vector<1x1x16xf32>,
        %parallel_loop3A_844 = vector.shape_cast %parallel_loop3A_843 : vector<1x1x16xf32> to vector<16xf32>
        %parallel_loop3A_845 = arith.constant 2 : i32
        %parallel_loop3A_846 = arith.index_cast %parallel_loop3A_845 : i32 to index
        %parallel_loop3A_847 = arith.index_cast %parallel_loop3A_380 : i32 to index
        %parallel_loop3A_848 = arith.constant 640 : index
        %parallel_loop3A_849 = tpu.vector_load %arg8[%parallel_loop3A_846, %parallel_loop3A_847, %parallel_loop3A_848] {strides = array<i32>} : memref<4x16x768xf32, #tpu.memory_space<vmem>>, vector<1x1x16xf32>,
        %parallel_loop3A_850 = vector.shape_cast %parallel_loop3A_849 : vector<1x1x16xf32> to vector<16xf32>
        %parallel_loop3A_851 = arith.constant 2 : i32
        %parallel_loop3A_852 = arith.index_cast %parallel_loop3A_851 : i32 to index
        %parallel_loop3A_853 = arith.index_cast %parallel_loop3A_380 : i32 to index
        %parallel_loop3A_854 = arith.constant 656 : index
        %parallel_loop3A_855 = tpu.vector_load %arg8[%parallel_loop3A_852, %parallel_loop3A_853, %parallel_loop3A_854] {strides = array<i32>} : memref<4x16x768xf32, #tpu.memory_space<vmem>>, vector<1x1x16xf32>,
        %parallel_loop3A_856 = vector.shape_cast %parallel_loop3A_855 : vector<1x1x16xf32> to vector<16xf32>
        %parallel_loop3A_857 = arith.constant 2 : i32
        %parallel_loop3A_858 = arith.index_cast %parallel_loop3A_857 : i32 to index
        %parallel_loop3A_859 = arith.index_cast %parallel_loop3A_380 : i32 to index
        %parallel_loop3A_860 = arith.constant 672 : index
        %parallel_loop3A_861 = tpu.vector_load %arg8[%parallel_loop3A_858, %parallel_loop3A_859, %parallel_loop3A_860] {strides = array<i32>} : memref<4x16x768xf32, #tpu.memory_space<vmem>>, vector<1x1x16xf32>,
        %parallel_loop3A_862 = vector.shape_cast %parallel_loop3A_861 : vector<1x1x16xf32> to vector<16xf32>
        %parallel_loop3A_863 = arith.constant 2 : i32
        %parallel_loop3A_864 = arith.index_cast %parallel_loop3A_863 : i32 to index
        %parallel_loop3A_865 = arith.index_cast %parallel_loop3A_380 : i32 to index
        %parallel_loop3A_866 = arith.constant 688 : index
        %parallel_loop3A_867 = tpu.vector_load %arg8[%parallel_loop3A_864, %parallel_loop3A_865, %parallel_loop3A_866] {strides = array<i32>} : memref<4x16x768xf32, #tpu.memory_space<vmem>>, vector<1x1x16xf32>,
        %parallel_loop3A_868 = vector.shape_cast %parallel_loop3A_867 : vector<1x1x16xf32> to vector<16xf32>
        %parallel_loop3A_869 = arith.constant 2 : i32
        %parallel_loop3A_870 = arith.index_cast %parallel_loop3A_869 : i32 to index
        %parallel_loop3A_871 = arith.index_cast %parallel_loop3A_380 : i32 to index
        %parallel_loop3A_872 = arith.constant 704 : index
        %parallel_loop3A_873 = tpu.vector_load %arg8[%parallel_loop3A_870, %parallel_loop3A_871, %parallel_loop3A_872] {strides = array<i32>} : memref<4x16x768xf32, #tpu.memory_space<vmem>>, vector<1x1x16xf32>,
        %parallel_loop3A_874 = vector.shape_cast %parallel_loop3A_873 : vector<1x1x16xf32> to vector<16xf32>
        %parallel_loop3A_875 = arith.constant 2 : i32
        %parallel_loop3A_876 = arith.index_cast %parallel_loop3A_875 : i32 to index
        %parallel_loop3A_877 = arith.index_cast %parallel_loop3A_380 : i32 to index
        %parallel_loop3A_878 = arith.constant 720 : index
        %parallel_loop3A_879 = tpu.vector_load %arg8[%parallel_loop3A_876, %parallel_loop3A_877, %parallel_loop3A_878] {strides = array<i32>} : memref<4x16x768xf32, #tpu.memory_space<vmem>>, vector<1x1x16xf32>,
        %parallel_loop3A_880 = vector.shape_cast %parallel_loop3A_879 : vector<1x1x16xf32> to vector<16xf32>
        %parallel_loop3A_881 = arith.constant 2 : i32
        %parallel_loop3A_882 = arith.index_cast %parallel_loop3A_881 : i32 to index
        %parallel_loop3A_883 = arith.index_cast %parallel_loop3A_380 : i32 to index
        %parallel_loop3A_884 = arith.constant 736 : index
        %parallel_loop3A_885 = tpu.vector_load %arg8[%parallel_loop3A_882, %parallel_loop3A_883, %parallel_loop3A_884] {strides = array<i32>} : memref<4x16x768xf32, #tpu.memory_space<vmem>>, vector<1x1x16xf32>,
        %parallel_loop3A_886 = vector.shape_cast %parallel_loop3A_885 : vector<1x1x16xf32> to vector<16xf32>
        %parallel_loop3A_887 = arith.constant 2 : i32
        %parallel_loop3A_888 = arith.index_cast %parallel_loop3A_887 : i32 to index
        %parallel_loop3A_889 = arith.index_cast %parallel_loop3A_380 : i32 to index
        %parallel_loop3A_890 = arith.constant 752 : index
        %parallel_loop3A_891 = tpu.vector_load %arg8[%parallel_loop3A_888, %parallel_loop3A_889, %parallel_loop3A_890] {strides = array<i32>} : memref<4x16x768xf32, #tpu.memory_space<vmem>>, vector<1x1x16xf32>,
        %parallel_loop3A_892 = vector.shape_cast %parallel_loop3A_891 : vector<1x1x16xf32> to vector<16xf32>
        %parallel_loop3A_893 = arith.constant 2 : i32
        %parallel_loop3A_894 = arith.index_cast %parallel_loop3A_893 : i32 to index
        %parallel_loop3A_895 = arith.index_cast %parallel_loop3A_380 : i32 to index
        %parallel_loop3A_896 = arith.constant 512 : index
        %parallel_loop3A_897 = tpu.vector_load %arg7[%parallel_loop3A_894, %parallel_loop3A_895, %parallel_loop3A_896] {strides = array<i32>} : memref<4x16x768xf32, #tpu.memory_space<vmem>>, vector<1x1x16xf32>,
        %parallel_loop3A_898 = vector.shape_cast %parallel_loop3A_897 : vector<1x1x16xf32> to vector<16xf32>
        %parallel_loop3A_899 = vector.shape_cast %parallel_loop3A_802 : vector<16xf32> to vector<1x1x16xf32>
        tpu.vector_store %arg7[%parallel_loop3A_894, %parallel_loop3A_895, %parallel_loop3A_896], %parallel_loop3A_899 {add = true, strides = array<i32>} : memref<4x16x768xf32, #tpu.memory_space<vmem>>, vector<1x1x16xf32>,
        %parallel_loop3A_900 = arith.constant 2 : i32
        %parallel_loop3A_901 = arith.index_cast %parallel_loop3A_900 : i32 to index
        %parallel_loop3A_902 = arith.index_cast %parallel_loop3A_380 : i32 to index
        %parallel_loop3A_903 = arith.constant 528 : index
        %parallel_loop3A_904 = tpu.vector_load %arg7[%parallel_loop3A_901, %parallel_loop3A_902, %parallel_loop3A_903] {strides = array<i32>} : memref<4x16x768xf32, #tpu.memory_space<vmem>>, vector<1x1x16xf32>,
        %parallel_loop3A_905 = vector.shape_cast %parallel_loop3A_904 : vector<1x1x16xf32> to vector<16xf32>
        %parallel_loop3A_906 = vector.shape_cast %parallel_loop3A_808 : vector<16xf32> to vector<1x1x16xf32>
        tpu.vector_store %arg7[%parallel_loop3A_901, %parallel_loop3A_902, %parallel_loop3A_903], %parallel_loop3A_906 {add = true, strides = array<i32>} : memref<4x16x768xf32, #tpu.memory_space<vmem>>, vector<1x1x16xf32>,
        %parallel_loop3A_907 = arith.constant 2 : i32
        %parallel_loop3A_908 = arith.index_cast %parallel_loop3A_907 : i32 to index
        %parallel_loop3A_909 = arith.index_cast %parallel_loop3A_380 : i32 to index
        %parallel_loop3A_910 = arith.constant 544 : index
        %parallel_loop3A_911 = tpu.vector_load %arg7[%parallel_loop3A_908, %parallel_loop3A_909, %parallel_loop3A_910] {strides = array<i32>} : memref<4x16x768xf32, #tpu.memory_space<vmem>>, vector<1x1x16xf32>,
        %parallel_loop3A_912 = vector.shape_cast %parallel_loop3A_911 : vector<1x1x16xf32> to vector<16xf32>
        %parallel_loop3A_913 = vector.shape_cast %parallel_loop3A_814 : vector<16xf32> to vector<1x1x16xf32>
        tpu.vector_store %arg7[%parallel_loop3A_908, %parallel_loop3A_909, %parallel_loop3A_910], %parallel_loop3A_913 {add = true, strides = array<i32>} : memref<4x16x768xf32, #tpu.memory_space<vmem>>, vector<1x1x16xf32>,
        %parallel_loop3A_914 = arith.constant 2 : i32
        %parallel_loop3A_915 = arith.index_cast %parallel_loop3A_914 : i32 to index
        %parallel_loop3A_916 = arith.index_cast %parallel_loop3A_380 : i32 to index
        %parallel_loop3A_917 = arith.constant 560 : index
        %parallel_loop3A_918 = tpu.vector_load %arg7[%parallel_loop3A_915, %parallel_loop3A_916, %parallel_loop3A_917] {strides = array<i32>} : memref<4x16x768xf32, #tpu.memory_space<vmem>>, vector<1x1x16xf32>,
        %parallel_loop3A_919 = vector.shape_cast %parallel_loop3A_918 : vector<1x1x16xf32> to vector<16xf32>
        %parallel_loop3A_920 = vector.shape_cast %parallel_loop3A_820 : vector<16xf32> to vector<1x1x16xf32>
        tpu.vector_store %arg7[%parallel_loop3A_915, %parallel_loop3A_916, %parallel_loop3A_917], %parallel_loop3A_920 {add = true, strides = array<i32>} : memref<4x16x768xf32, #tpu.memory_space<vmem>>, vector<1x1x16xf32>,
        %parallel_loop3A_921 = arith.constant 2 : i32
        %parallel_loop3A_922 = arith.index_cast %parallel_loop3A_921 : i32 to index
        %parallel_loop3A_923 = arith.index_cast %parallel_loop3A_380 : i32 to index
        %parallel_loop3A_924 = arith.constant 576 : index
        %parallel_loop3A_925 = tpu.vector_load %arg7[%parallel_loop3A_922, %parallel_loop3A_923, %parallel_loop3A_924] {strides = array<i32>} : memref<4x16x768xf32, #tpu.memory_space<vmem>>, vector<1x1x16xf32>,
        %parallel_loop3A_926 = vector.shape_cast %parallel_loop3A_925 : vector<1x1x16xf32> to vector<16xf32>
        %parallel_loop3A_927 = vector.shape_cast %parallel_loop3A_826 : vector<16xf32> to vector<1x1x16xf32>
        tpu.vector_store %arg7[%parallel_loop3A_922, %parallel_loop3A_923, %parallel_loop3A_924], %parallel_loop3A_927 {add = true, strides = array<i32>} : memref<4x16x768xf32, #tpu.memory_space<vmem>>, vector<1x1x16xf32>,
        %parallel_loop3A_928 = arith.constant 2 : i32
        %parallel_loop3A_929 = arith.index_cast %parallel_loop3A_928 : i32 to index
        %parallel_loop3A_930 = arith.index_cast %parallel_loop3A_380 : i32 to index
        %parallel_loop3A_931 = arith.constant 592 : index
        %parallel_loop3A_932 = tpu.vector_load %arg7[%parallel_loop3A_929, %parallel_loop3A_930, %parallel_loop3A_931] {strides = array<i32>} : memref<4x16x768xf32, #tpu.memory_space<vmem>>, vector<1x1x16xf32>,
        %parallel_loop3A_933 = vector.shape_cast %parallel_loop3A_932 : vector<1x1x16xf32> to vector<16xf32>
        %parallel_loop3A_934 = vector.shape_cast %parallel_loop3A_832 : vector<16xf32> to vector<1x1x16xf32>
        tpu.vector_store %arg7[%parallel_loop3A_929, %parallel_loop3A_930, %parallel_loop3A_931], %parallel_loop3A_934 {add = true, strides = array<i32>} : memref<4x16x768xf32, #tpu.memory_space<vmem>>, vector<1x1x16xf32>,
        %parallel_loop3A_935 = arith.constant 2 : i32
        %parallel_loop3A_936 = arith.index_cast %parallel_loop3A_935 : i32 to index
        %parallel_loop3A_937 = arith.index_cast %parallel_loop3A_380 : i32 to index
        %parallel_loop3A_938 = arith.constant 608 : index
        %parallel_loop3A_939 = tpu.vector_load %arg7[%parallel_loop3A_936, %parallel_loop3A_937, %parallel_loop3A_938] {strides = array<i32>} : memref<4x16x768xf32, #tpu.memory_space<vmem>>, vector<1x1x16xf32>,
        %parallel_loop3A_940 = vector.shape_cast %parallel_loop3A_939 : vector<1x1x16xf32> to vector<16xf32>
        %parallel_loop3A_941 = vector.shape_cast %parallel_loop3A_838 : vector<16xf32> to vector<1x1x16xf32>
        tpu.vector_store %arg7[%parallel_loop3A_936, %parallel_loop3A_937, %parallel_loop3A_938], %parallel_loop3A_941 {add = true, strides = array<i32>} : memref<4x16x768xf32, #tpu.memory_space<vmem>>, vector<1x1x16xf32>,
        %parallel_loop3A_942 = arith.constant 2 : i32
        %parallel_loop3A_943 = arith.index_cast %parallel_loop3A_942 : i32 to index
        %parallel_loop3A_944 = arith.index_cast %parallel_loop3A_380 : i32 to index
        %parallel_loop3A_945 = arith.constant 624 : index
        %parallel_loop3A_946 = tpu.vector_load %arg7[%parallel_loop3A_943, %parallel_loop3A_944, %parallel_loop3A_945] {strides = array<i32>} : memref<4x16x768xf32, #tpu.memory_space<vmem>>, vector<1x1x16xf32>,
        %parallel_loop3A_947 = vector.shape_cast %parallel_loop3A_946 : vector<1x1x16xf32> to vector<16xf32>
        %parallel_loop3A_948 = vector.shape_cast %parallel_loop3A_844 : vector<16xf32> to vector<1x1x16xf32>
        tpu.vector_store %arg7[%parallel_loop3A_943, %parallel_loop3A_944, %parallel_loop3A_945], %parallel_loop3A_948 {add = true, strides = array<i32>} : memref<4x16x768xf32, #tpu.memory_space<vmem>>, vector<1x1x16xf32>,
        %parallel_loop3A_949 = arith.constant 2 : i32
        %parallel_loop3A_950 = arith.index_cast %parallel_loop3A_949 : i32 to index
        %parallel_loop3A_951 = arith.index_cast %parallel_loop3A_380 : i32 to index
        %parallel_loop3A_952 = arith.constant 640 : index
        %parallel_loop3A_953 = tpu.vector_load %arg7[%parallel_loop3A_950, %parallel_loop3A_951, %parallel_loop3A_952] {strides = array<i32>} : memref<4x16x768xf32, #tpu.memory_space<vmem>>, vector<1x1x16xf32>,
        %parallel_loop3A_954 = vector.shape_cast %parallel_loop3A_953 : vector<1x1x16xf32> to vector<16xf32>
        %parallel_loop3A_955 = vector.shape_cast %parallel_loop3A_850 : vector<16xf32> to vector<1x1x16xf32>
        tpu.vector_store %arg7[%parallel_loop3A_950, %parallel_loop3A_951, %parallel_loop3A_952], %parallel_loop3A_955 {add = true, strides = array<i32>} : memref<4x16x768xf32, #tpu.memory_space<vmem>>, vector<1x1x16xf32>,
        %parallel_loop3A_956 = arith.constant 2 : i32
        %parallel_loop3A_957 = arith.index_cast %parallel_loop3A_956 : i32 to index
        %parallel_loop3A_958 = arith.index_cast %parallel_loop3A_380 : i32 to index
        %parallel_loop3A_959 = arith.constant 656 : index
        %parallel_loop3A_960 = tpu.vector_load %arg7[%parallel_loop3A_957, %parallel_loop3A_958, %parallel_loop3A_959] {strides = array<i32>} : memref<4x16x768xf32, #tpu.memory_space<vmem>>, vector<1x1x16xf32>,
        %parallel_loop3A_961 = vector.shape_cast %parallel_loop3A_960 : vector<1x1x16xf32> to vector<16xf32>
        %parallel_loop3A_962 = vector.shape_cast %parallel_loop3A_856 : vector<16xf32> to vector<1x1x16xf32>
        tpu.vector_store %arg7[%parallel_loop3A_957, %parallel_loop3A_958, %parallel_loop3A_959], %parallel_loop3A_962 {add = true, strides = array<i32>} : memref<4x16x768xf32, #tpu.memory_space<vmem>>, vector<1x1x16xf32>,
        %parallel_loop3A_963 = arith.constant 2 : i32
        %parallel_loop3A_964 = arith.index_cast %parallel_loop3A_963 : i32 to index
        %parallel_loop3A_965 = arith.index_cast %parallel_loop3A_380 : i32 to index
        %parallel_loop3A_966 = arith.constant 672 : index
        %parallel_loop3A_967 = tpu.vector_load %arg7[%parallel_loop3A_964, %parallel_loop3A_965, %parallel_loop3A_966] {strides = array<i32>} : memref<4x16x768xf32, #tpu.memory_space<vmem>>, vector<1x1x16xf32>,
        %parallel_loop3A_968 = vector.shape_cast %parallel_loop3A_967 : vector<1x1x16xf32> to vector<16xf32>
        %parallel_loop3A_969 = vector.shape_cast %parallel_loop3A_862 : vector<16xf32> to vector<1x1x16xf32>
        tpu.vector_store %arg7[%parallel_loop3A_964, %parallel_loop3A_965, %parallel_loop3A_966], %parallel_loop3A_969 {add = true, strides = array<i32>} : memref<4x16x768xf32, #tpu.memory_space<vmem>>, vector<1x1x16xf32>,
        %parallel_loop3A_970 = arith.constant 2 : i32
        %parallel_loop3A_971 = arith.index_cast %parallel_loop3A_970 : i32 to index
        %parallel_loop3A_972 = arith.index_cast %parallel_loop3A_380 : i32 to index
        %parallel_loop3A_973 = arith.constant 688 : index
        %parallel_loop3A_974 = tpu.vector_load %arg7[%parallel_loop3A_971, %parallel_loop3A_972, %parallel_loop3A_973] {strides = array<i32>} : memref<4x16x768xf32, #tpu.memory_space<vmem>>, vector<1x1x16xf32>,
        %parallel_loop3A_975 = vector.shape_cast %parallel_loop3A_974 : vector<1x1x16xf32> to vector<16xf32>
        %parallel_loop3A_976 = vector.shape_cast %parallel_loop3A_868 : vector<16xf32> to vector<1x1x16xf32>
        tpu.vector_store %arg7[%parallel_loop3A_971, %parallel_loop3A_972, %parallel_loop3A_973], %parallel_loop3A_976 {add = true, strides = array<i32>} : memref<4x16x768xf32, #tpu.memory_space<vmem>>, vector<1x1x16xf32>,
        %parallel_loop3A_977 = arith.constant 2 : i32
        %parallel_loop3A_978 = arith.index_cast %parallel_loop3A_977 : i32 to index
        %parallel_loop3A_979 = arith.index_cast %parallel_loop3A_380 : i32 to index
        %parallel_loop3A_980 = arith.constant 704 : index
        %parallel_loop3A_981 = tpu.vector_load %arg7[%parallel_loop3A_978, %parallel_loop3A_979, %parallel_loop3A_980] {strides = array<i32>} : memref<4x16x768xf32, #tpu.memory_space<vmem>>, vector<1x1x16xf32>,
        %parallel_loop3A_982 = vector.shape_cast %parallel_loop3A_981 : vector<1x1x16xf32> to vector<16xf32>
        %parallel_loop3A_983 = vector.shape_cast %parallel_loop3A_874 : vector<16xf32> to vector<1x1x16xf32>
        tpu.vector_store %arg7[%parallel_loop3A_978, %parallel_loop3A_979, %parallel_loop3A_980], %parallel_loop3A_983 {add = true, strides = array<i32>} : memref<4x16x768xf32, #tpu.memory_space<vmem>>, vector<1x1x16xf32>,
        %parallel_loop3A_984 = arith.constant 2 : i32
        %parallel_loop3A_985 = arith.index_cast %parallel_loop3A_984 : i32 to index
        %parallel_loop3A_986 = arith.index_cast %parallel_loop3A_380 : i32 to index
        %parallel_loop3A_987 = arith.constant 720 : index
        %parallel_loop3A_988 = tpu.vector_load %arg7[%parallel_loop3A_985, %parallel_loop3A_986, %parallel_loop3A_987] {strides = array<i32>} : memref<4x16x768xf32, #tpu.memory_space<vmem>>, vector<1x1x16xf32>,
        %parallel_loop3A_989 = vector.shape_cast %parallel_loop3A_988 : vector<1x1x16xf32> to vector<16xf32>
        %parallel_loop3A_990 = vector.shape_cast %parallel_loop3A_880 : vector<16xf32> to vector<1x1x16xf32>
        tpu.vector_store %arg7[%parallel_loop3A_985, %parallel_loop3A_986, %parallel_loop3A_987], %parallel_loop3A_990 {add = true, strides = array<i32>} : memref<4x16x768xf32, #tpu.memory_space<vmem>>, vector<1x1x16xf32>,
        %parallel_loop3A_991 = arith.constant 2 : i32
        %parallel_loop3A_992 = arith.index_cast %parallel_loop3A_991 : i32 to index
        %parallel_loop3A_993 = arith.index_cast %parallel_loop3A_380 : i32 to index
        %parallel_loop3A_994 = arith.constant 736 : index
        %parallel_loop3A_995 = tpu.vector_load %arg7[%parallel_loop3A_992, %parallel_loop3A_993, %parallel_loop3A_994] {strides = array<i32>} : memref<4x16x768xf32, #tpu.memory_space<vmem>>, vector<1x1x16xf32>,
        %parallel_loop3A_996 = vector.shape_cast %parallel_loop3A_995 : vector<1x1x16xf32> to vector<16xf32>
        %parallel_loop3A_997 = vector.shape_cast %parallel_loop3A_886 : vector<16xf32> to vector<1x1x16xf32>
        tpu.vector_store %arg7[%parallel_loop3A_992, %parallel_loop3A_993, %parallel_loop3A_994], %parallel_loop3A_997 {add = true, strides = array<i32>} : memref<4x16x768xf32, #tpu.memory_space<vmem>>, vector<1x1x16xf32>,
        %parallel_loop3A_998 = arith.constant 2 : i32
        %parallel_loop3A_999 = arith.index_cast %parallel_loop3A_998 : i32 to index
        %parallel_loop3A_1000 = arith.index_cast %parallel_loop3A_380 : i32 to index
        %parallel_loop3A_1001 = arith.constant 752 : index
        %parallel_loop3A_1002 = tpu.vector_load %arg7[%parallel_loop3A_999, %parallel_loop3A_1000, %parallel_loop3A_1001] {strides = array<i32>} : memref<4x16x768xf32, #tpu.memory_space<vmem>>, vector<1x1x16xf32>,
        %parallel_loop3A_1003 = vector.shape_cast %parallel_loop3A_1002 : vector<1x1x16xf32> to vector<16xf32>
        %parallel_loop3A_1004 = vector.shape_cast %parallel_loop3A_892 : vector<16xf32> to vector<1x1x16xf32>
        tpu.vector_store %arg7[%parallel_loop3A_999, %parallel_loop3A_1000, %parallel_loop3A_1001], %parallel_loop3A_1004 {add = true, strides = array<i32>} : memref<4x16x768xf32, #tpu.memory_space<vmem>>, vector<1x1x16xf32>,
      } {sc.loop_unroll_factor = 1 : i64, sc.parallel_access}
      %mul3A_304 = arith.constant 16 : i32
      %mul3A_305 = arith.muli %add3A_261, %mul3A_304 : i32
      %add3A_306 = arith.addi %mul3A_2, %mul3A_305 : i32
      %dma_start3A_307 = arith.constant 2 : i32
      %dma_start3A_308 = arith.constant 0 : i32
      %dma_start3A_309 = arith.constant 0 : i32
      %dma_start3A_310 = tpu.memref_slice %arg7[%dma_start3A_307, %dma_start3A_308, %dma_start3A_309] : memref<4x16x768xf32, #tpu.memory_space<vmem>> -> memref<1x16x768xf32, #tpu.memory_space<vmem>>
      %dma_start3A_311 = tpu.memref_squeeze %dma_start3A_310 : memref<1x16x768xf32, #tpu.memory_space<vmem>> -> memref<16x768xf32, #tpu.memory_space<vmem>>
      %dma_start3A_312 = arith.constant 0 : i32
      %dma_start3A_313 = tpu.memref_slice %arg5[%add3A_306, %dma_start3A_312] : memref<32768x768xf32, #tpu.memory_space<hbm>> -> memref<16x768xf32, #tpu.memory_space<hbm>>
      %dma_start3A_314 = arith.constant 0 : i32
      %dma_start3A_315 = tpu.memref_slice %arg5[%add3A_306, %dma_start3A_314] : memref<32768x768xf32, #tpu.memory_space<hbm>> -> memref<16x768xf32, #tpu.memory_space<hbm>>
      %dma_start3A_316 = arith.constant 0 : i32
      %dma_start3A_317 = arith.constant 0 : i32
      %dma_start3A_318 = tpu.memref_slice %arg7[%dma_start3A_307, %dma_start3A_316, %dma_start3A_317] : memref<4x16x768xf32, #tpu.memory_space<vmem>> -> memref<1x16x768xf32, #tpu.memory_space<vmem>>
      %dma_start3A_319 = tpu.memref_squeeze %dma_start3A_318 : memref<1x16x768xf32, #tpu.memory_space<vmem>> -> memref<16x768xf32, #tpu.memory_space<vmem>>
      tpu.enqueue_dma source(%dma_start3A_319 : memref<16x768xf32, #tpu.memory_space<vmem>>) target(%dma_start3A_315 : memref<16x768xf32, #tpu.memory_space<hbm>>) target_semaphore(%arg19 : memref<!tpu.dma_semaphore, #tpu.memory_space<semaphore_mem>>)
      %add3A_320 = arith.constant 3 : i32
      %add3A_321 = arith.addi %add3A_144, %add3A_320 : i32
      %dma_wait3A_322 = arith.constant 3 : i32
      %dma_wait3A_323 = arith.constant 0 : i32
      %dma_wait3A_324 = arith.constant 0 : i32
      %dma_wait3A_325 = tpu.memref_slice %arg8[%dma_wait3A_322, %dma_wait3A_323, %dma_wait3A_324] : memref<4x16x768xf32, #tpu.memory_space<vmem>> -> memref<1x16x768xf32, #tpu.memory_space<vmem>>
      %dma_wait3A_326 = tpu.memref_squeeze %dma_wait3A_325 : memref<1x16x768xf32, #tpu.memory_space<vmem>> -> memref<16x768xf32, #tpu.memory_space<vmem>>
      %dma_wait3A_327 = arith.constant 0 : i32
      %dma_wait3A_328 = arith.constant 0 : i32
      %dma_wait3A_329 = tpu.memref_slice %arg2[%dma_wait3A_327, %dma_wait3A_328] : memref<32768x768xf32, #tpu.memory_space<hbm>> -> memref<16x768xf32, #tpu.memory_space<hbm>>
      %dma_wait3A_330 = arith.constant 0 : i32
      %dma_wait3A_331 = arith.constant 0 : i32
      %dma_wait3A_332 = tpu.memref_slice %arg8[%dma_wait3A_322, %dma_wait3A_330, %dma_wait3A_331] : memref<4x16x768xf32, #tpu.memory_space<vmem>> -> memref<1x16x768xf32, #tpu.memory_space<vmem>>
      %dma_wait3A_333 = tpu.memref_squeeze %dma_wait3A_332 : memref<1x16x768xf32, #tpu.memory_space<vmem>> -> memref<16x768xf32, #tpu.memory_space<vmem>>
      %dma_wait3A_334 = arith.constant 0 : i32
      %dma_wait3A_335 = arith.constant 0 : i32
      %dma_wait3A_336 = tpu.memref_slice %arg2[%dma_wait3A_334, %dma_wait3A_335] : memref<32768x768xf32, #tpu.memory_space<hbm>> -> memref<16x768xf32, #tpu.memory_space<hbm>>
      tpu.wait_dma2 semaphore(%arg12 : memref<!tpu.dma_semaphore, #tpu.memory_space<semaphore_mem>>) src(%dma_wait3A_336 : memref<16x768xf32, #tpu.memory_space<hbm>>) dst(%dma_wait3A_333 : memref<16x768xf32, #tpu.memory_space<vmem>>)
      %dma_wait3A_337 = arith.constant 3 : i32
      %dma_wait3A_338 = arith.constant 0 : i32
      %dma_wait3A_339 = arith.constant 0 : i32
      %dma_wait3A_340 = tpu.memref_slice %arg7[%dma_wait3A_337, %dma_wait3A_338, %dma_wait3A_339] : memref<4x16x768xf32, #tpu.memory_space<vmem>> -> memref<1x16x768xf32, #tpu.memory_space<vmem>>
      %dma_wait3A_341 = tpu.memref_squeeze %dma_wait3A_340 : memref<1x16x768xf32, #tpu.memory_space<vmem>> -> memref<16x768xf32, #tpu.memory_space<vmem>>
      %dma_wait3A_342 = arith.constant 0 : i32
      %dma_wait3A_343 = arith.constant 0 : i32
      %dma_wait3A_344 = tpu.memref_slice %arg4[%dma_wait3A_342, %dma_wait3A_343] : memref<8192x768xf32, #tpu.memory_space<hbm>> -> memref<16x768xf32, #tpu.memory_space<hbm>>
      %dma_wait3A_345 = arith.constant 0 : i32
      %dma_wait3A_346 = arith.constant 0 : i32
      %dma_wait3A_347 = tpu.memref_slice %arg7[%dma_wait3A_337, %dma_wait3A_345, %dma_wait3A_346] : memref<4x16x768xf32, #tpu.memory_space<vmem>> -> memref<1x16x768xf32, #tpu.memory_space<vmem>>
      %dma_wait3A_348 = tpu.memref_squeeze %dma_wait3A_347 : memref<1x16x768xf32, #tpu.memory_space<vmem>> -> memref<16x768xf32, #tpu.memory_space<vmem>>
      %dma_wait3A_349 = arith.constant 0 : i32
      %dma_wait3A_350 = arith.constant 0 : i32
      %dma_wait3A_351 = tpu.memref_slice %arg4[%dma_wait3A_349, %dma_wait3A_350] : memref<8192x768xf32, #tpu.memory_space<hbm>> -> memref<16x768xf32, #tpu.memory_space<hbm>>
      tpu.wait_dma2 semaphore(%arg16 : memref<!tpu.dma_semaphore, #tpu.memory_space<semaphore_mem>>) src(%dma_wait3A_351 : memref<16x768xf32, #tpu.memory_space<hbm>>) dst(%dma_wait3A_348 : memref<16x768xf32, #tpu.memory_space<vmem>>)
      %add3A_352 = arith.constant 4 : i32
      %add3A_353 = arith.addi %add3A_321, %add3A_352 : i32
      %sub3A_354 = arith.constant 1 : i32
      %sub3A_355 = arith.subi %add3A_353, %sub3A_354 : i32
      %lt3A_356 = arith.constant 64 : i32
      %lt3A_357 = arith.cmpi slt, %sub3A_355, %lt3A_356 : i32
      %convert_element_type3A_358 = arith.extui %lt3A_357 : i1 to i32
      %cond3A_359 = arith.constant 0 : i32
      %cond3A_360 = arith.cmpi ne, %convert_element_type3A_358, %cond3A_359 : i32
      scf.if %cond3A_360 {
        %ge3A = arith.constant 1 : i32
        %ge3A_380 = arith.cmpi sge, %add3A_321, %ge3A : i32
        %convert_element_type3A_381 = arith.extui %ge3A_380 : i1 to i32
        %cond3A_382 = arith.constant 0 : i32
        %cond3A_383 = arith.cmpi ne, %convert_element_type3A_381, %cond3A_382 : i32
        scf.if %cond3A_383 {
          %dma_wait3A_415 = arith.constant 2 : i32
          %dma_wait3A_416 = arith.constant 0 : i32
          %dma_wait3A_417 = arith.constant 0 : i32
          %dma_wait3A_418 = tpu.memref_slice %arg7[%dma_wait3A_415, %dma_wait3A_416, %dma_wait3A_417] : memref<4x16x768xf32, #tpu.memory_space<vmem>> -> memref<1x16x768xf32, #tpu.memory_space<vmem>>
          %dma_wait3A_419 = tpu.memref_squeeze %dma_wait3A_418 : memref<1x16x768xf32, #tpu.memory_space<vmem>> -> memref<16x768xf32, #tpu.memory_space<vmem>>
          %dma_wait3A_420 = arith.constant 0 : i32
          %dma_wait3A_421 = arith.constant 0 : i32
          %dma_wait3A_422 = tpu.memref_slice %arg5[%dma_wait3A_420, %dma_wait3A_421] : memref<32768x768xf32, #tpu.memory_space<hbm>> -> memref<16x768xf32, #tpu.memory_space<hbm>>
          %dma_wait3A_423 = arith.constant 0 : i32
          %dma_wait3A_424 = arith.constant 0 : i32
          %dma_wait3A_425 = tpu.memref_slice %arg5[%dma_wait3A_423, %dma_wait3A_424] : memref<32768x768xf32, #tpu.memory_space<hbm>> -> memref<16x768xf32, #tpu.memory_space<hbm>>
          %dma_wait3A_426 = arith.constant 0 : i32
          %dma_wait3A_427 = arith.constant 0 : i32
          %dma_wait3A_428 = tpu.memref_slice %arg7[%dma_wait3A_415, %dma_wait3A_426, %dma_wait3A_427] : memref<4x16x768xf32, #tpu.memory_space<vmem>> -> memref<1x16x768xf32, #tpu.memory_space<vmem>>
          %dma_wait3A_429 = tpu.memref_squeeze %dma_wait3A_428 : memref<1x16x768xf32, #tpu.memory_space<vmem>> -> memref<16x768xf32, #tpu.memory_space<vmem>>
          tpu.wait_dma2 semaphore(%arg19 : memref<!tpu.dma_semaphore, #tpu.memory_space<semaphore_mem>>) src(%dma_wait3A_429 : memref<16x768xf32, #tpu.memory_space<vmem>>) dst(%dma_wait3A_425 : memref<16x768xf32, #tpu.memory_space<hbm>>)
        } else {
        }
        %add3A_384 = arith.constant 4 : i32
        %add3A_385 = arith.addi %add3A_321, %add3A_384 : i32
        %sub3A_386 = arith.constant 1 : i32
        %sub3A_387 = arith.subi %add3A_385, %sub3A_386 : i32
        %mul3A_388 = arith.constant 16 : i32
        %mul3A_389 = arith.muli %sub3A_387, %mul3A_388 : i32
        %add3A_390 = arith.addi %mul3A_2, %mul3A_389 : i32
        %dma_start3A_391 = arith.constant 2 : i32
        %dma_start3A_392 = arith.constant 0 : i32
        %dma_start3A_393 = arith.constant 0 : i32
        %dma_start3A_394 = tpu.memref_slice %arg8[%dma_start3A_391, %dma_start3A_392, %dma_start3A_393] : memref<4x16x768xf32, #tpu.memory_space<vmem>> -> memref<1x16x768xf32, #tpu.memory_space<vmem>>
        %dma_start3A_395 = tpu.memref_squeeze %dma_start3A_394 : memref<1x16x768xf32, #tpu.memory_space<vmem>> -> memref<16x768xf32, #tpu.memory_space<vmem>>
        %dma_start3A_396 = arith.constant 0 : i32
        %dma_start3A_397 = tpu.memref_slice %arg2[%add3A_390, %dma_start3A_396] : memref<32768x768xf32, #tpu.memory_space<hbm>> -> memref<16x768xf32, #tpu.memory_space<hbm>>
        %dma_start3A_398 = arith.constant 0 : i32
        %dma_start3A_399 = arith.constant 0 : i32
        %dma_start3A_400 = tpu.memref_slice %arg8[%dma_start3A_391, %dma_start3A_398, %dma_start3A_399] : memref<4x16x768xf32, #tpu.memory_space<vmem>> -> memref<1x16x768xf32, #tpu.memory_space<vmem>>
        %dma_start3A_401 = tpu.memref_squeeze %dma_start3A_400 : memref<1x16x768xf32, #tpu.memory_space<vmem>> -> memref<16x768xf32, #tpu.memory_space<vmem>>
        %dma_start3A_402 = arith.constant 0 : i32
        %dma_start3A_403 = tpu.memref_slice %arg2[%add3A_390, %dma_start3A_402] : memref<32768x768xf32, #tpu.memory_space<hbm>> -> memref<16x768xf32, #tpu.memory_space<hbm>>
        tpu.enqueue_dma source(%dma_start3A_403 : memref<16x768xf32, #tpu.memory_space<hbm>>) target(%dma_start3A_401 : memref<16x768xf32, #tpu.memory_space<vmem>>) target_semaphore(%arg11 : memref<!tpu.dma_semaphore, #tpu.memory_space<semaphore_mem>>)
        %mul3A_404 = arith.constant 16 : i32
        %mul3A_405 = arith.muli %sub3A_387, %mul3A_404 : i32
        %dma_start3A_406 = arith.constant 2 : i32
        %dma_start3A_407 = arith.constant 0 : i32
        %dma_start3A_408 = arith.constant 0 : i32
        %dma_start3A_409 = tpu.memref_slice %arg7[%dma_start3A_406, %dma_start3A_407, %dma_start3A_408] : memref<4x16x768xf32, #tpu.memory_space<vmem>> -> memref<1x16x768xf32, #tpu.memory_space<vmem>>
        %dma_start3A_410 = tpu.memref_squeeze %dma_start3A_409 : memref<1x16x768xf32, #tpu.memory_space<vmem>> -> memref<16x768xf32, #tpu.memory_space<vmem>>
        %dma_start3A_411 = tpu.memref_slice %arg6[%mul3A_405] : memref<1024xi32, #tpu.memory_space<vmem>> -> memref<16xi32, #tpu.memory_space<vmem>>
        %dma_start3A_412 = arith.constant 0 : i32
        %dma_start3A_413 = arith.constant 0 : i32
        %dma_start3A_414 = tpu.memref_slice %arg4[%dma_start3A_412, %dma_start3A_413] : memref<8192x768xf32, #tpu.memory_space<hbm>> -> memref<8192x768xf32, #tpu.memory_space<hbm>>
        tpu.enqueue_indirect_dma source(%dma_start3A_414 : memref<8192x768xf32, #tpu.memory_space<hbm>>) target(%dma_start3A_410 : memref<16x768xf32, #tpu.memory_space<vmem>>) offsets(%dma_start3A_411 : memref<16xi32, #tpu.memory_space<vmem>>) semaphore(%arg15 : memref<!tpu.dma_semaphore, #tpu.memory_space<semaphore_mem>>)
      } else {
      }
      %parallel_loop3A_361 = arith.constant 0 : i32
      %parallel_loop3A_362 = arith.constant 16 : i32
      %parallel_loop3A_363 = arith.constant 1 : i32
      scf.for %parallel_loop3A_380 = %parallel_loop3A_361 to %parallel_loop3A_362 step %parallel_loop3A_363  : i32 {
        %parallel_loop3A_381 = arith.constant 3 : i32
        %parallel_loop3A_382 = arith.index_cast %parallel_loop3A_381 : i32 to index
        %parallel_loop3A_383 = arith.index_cast %parallel_loop3A_380 : i32 to index
        %parallel_loop3A_384 = arith.constant 0 : index
        %parallel_loop3A_385 = tpu.vector_load %arg8[%parallel_loop3A_382, %parallel_loop3A_383, %parallel_loop3A_384] {strides = array<i32>} : memref<4x16x768xf32, #tpu.memory_space<vmem>>, vector<1x1x16xf32>,
        %parallel_loop3A_386 = vector.shape_cast %parallel_loop3A_385 : vector<1x1x16xf32> to vector<16xf32>
        %parallel_loop3A_387 = arith.constant 3 : i32
        %parallel_loop3A_388 = arith.index_cast %parallel_loop3A_387 : i32 to index
        %parallel_loop3A_389 = arith.index_cast %parallel_loop3A_380 : i32 to index
        %parallel_loop3A_390 = arith.constant 16 : index
        %parallel_loop3A_391 = tpu.vector_load %arg8[%parallel_loop3A_388, %parallel_loop3A_389, %parallel_loop3A_390] {strides = array<i32>} : memref<4x16x768xf32, #tpu.memory_space<vmem>>, vector<1x1x16xf32>,
        %parallel_loop3A_392 = vector.shape_cast %parallel_loop3A_391 : vector<1x1x16xf32> to vector<16xf32>
        %parallel_loop3A_393 = arith.constant 3 : i32
        %parallel_loop3A_394 = arith.index_cast %parallel_loop3A_393 : i32 to index
        %parallel_loop3A_395 = arith.index_cast %parallel_loop3A_380 : i32 to index
        %parallel_loop3A_396 = arith.constant 32 : index
        %parallel_loop3A_397 = tpu.vector_load %arg8[%parallel_loop3A_394, %parallel_loop3A_395, %parallel_loop3A_396] {strides = array<i32>} : memref<4x16x768xf32, #tpu.memory_space<vmem>>, vector<1x1x16xf32>,
        %parallel_loop3A_398 = vector.shape_cast %parallel_loop3A_397 : vector<1x1x16xf32> to vector<16xf32>
        %parallel_loop3A_399 = arith.constant 3 : i32
        %parallel_loop3A_400 = arith.index_cast %parallel_loop3A_399 : i32 to index
        %parallel_loop3A_401 = arith.index_cast %parallel_loop3A_380 : i32 to index
        %parallel_loop3A_402 = arith.constant 48 : index
        %parallel_loop3A_403 = tpu.vector_load %arg8[%parallel_loop3A_400, %parallel_loop3A_401, %parallel_loop3A_402] {strides = array<i32>} : memref<4x16x768xf32, #tpu.memory_space<vmem>>, vector<1x1x16xf32>,
        %parallel_loop3A_404 = vector.shape_cast %parallel_loop3A_403 : vector<1x1x16xf32> to vector<16xf32>
        %parallel_loop3A_405 = arith.constant 3 : i32
        %parallel_loop3A_406 = arith.index_cast %parallel_loop3A_405 : i32 to index
        %parallel_loop3A_407 = arith.index_cast %parallel_loop3A_380 : i32 to index
        %parallel_loop3A_408 = arith.constant 64 : index
        %parallel_loop3A_409 = tpu.vector_load %arg8[%parallel_loop3A_406, %parallel_loop3A_407, %parallel_loop3A_408] {strides = array<i32>} : memref<4x16x768xf32, #tpu.memory_space<vmem>>, vector<1x1x16xf32>,
        %parallel_loop3A_410 = vector.shape_cast %parallel_loop3A_409 : vector<1x1x16xf32> to vector<16xf32>
        %parallel_loop3A_411 = arith.constant 3 : i32
        %parallel_loop3A_412 = arith.index_cast %parallel_loop3A_411 : i32 to index
        %parallel_loop3A_413 = arith.index_cast %parallel_loop3A_380 : i32 to index
        %parallel_loop3A_414 = arith.constant 80 : index
        %parallel_loop3A_415 = tpu.vector_load %arg8[%parallel_loop3A_412, %parallel_loop3A_413, %parallel_loop3A_414] {strides = array<i32>} : memref<4x16x768xf32, #tpu.memory_space<vmem>>, vector<1x1x16xf32>,
        %parallel_loop3A_416 = vector.shape_cast %parallel_loop3A_415 : vector<1x1x16xf32> to vector<16xf32>
        %parallel_loop3A_417 = arith.constant 3 : i32
        %parallel_loop3A_418 = arith.index_cast %parallel_loop3A_417 : i32 to index
        %parallel_loop3A_419 = arith.index_cast %parallel_loop3A_380 : i32 to index
        %parallel_loop3A_420 = arith.constant 96 : index
        %parallel_loop3A_421 = tpu.vector_load %arg8[%parallel_loop3A_418, %parallel_loop3A_419, %parallel_loop3A_420] {strides = array<i32>} : memref<4x16x768xf32, #tpu.memory_space<vmem>>, vector<1x1x16xf32>,
        %parallel_loop3A_422 = vector.shape_cast %parallel_loop3A_421 : vector<1x1x16xf32> to vector<16xf32>
        %parallel_loop3A_423 = arith.constant 3 : i32
        %parallel_loop3A_424 = arith.index_cast %parallel_loop3A_423 : i32 to index
        %parallel_loop3A_425 = arith.index_cast %parallel_loop3A_380 : i32 to index
        %parallel_loop3A_426 = arith.constant 112 : index
        %parallel_loop3A_427 = tpu.vector_load %arg8[%parallel_loop3A_424, %parallel_loop3A_425, %parallel_loop3A_426] {strides = array<i32>} : memref<4x16x768xf32, #tpu.memory_space<vmem>>, vector<1x1x16xf32>,
        %parallel_loop3A_428 = vector.shape_cast %parallel_loop3A_427 : vector<1x1x16xf32> to vector<16xf32>
        %parallel_loop3A_429 = arith.constant 3 : i32
        %parallel_loop3A_430 = arith.index_cast %parallel_loop3A_429 : i32 to index
        %parallel_loop3A_431 = arith.index_cast %parallel_loop3A_380 : i32 to index
        %parallel_loop3A_432 = arith.constant 128 : index
        %parallel_loop3A_433 = tpu.vector_load %arg8[%parallel_loop3A_430, %parallel_loop3A_431, %parallel_loop3A_432] {strides = array<i32>} : memref<4x16x768xf32, #tpu.memory_space<vmem>>, vector<1x1x16xf32>,
        %parallel_loop3A_434 = vector.shape_cast %parallel_loop3A_433 : vector<1x1x16xf32> to vector<16xf32>
        %parallel_loop3A_435 = arith.constant 3 : i32
        %parallel_loop3A_436 = arith.index_cast %parallel_loop3A_435 : i32 to index
        %parallel_loop3A_437 = arith.index_cast %parallel_loop3A_380 : i32 to index
        %parallel_loop3A_438 = arith.constant 144 : index
        %parallel_loop3A_439 = tpu.vector_load %arg8[%parallel_loop3A_436, %parallel_loop3A_437, %parallel_loop3A_438] {strides = array<i32>} : memref<4x16x768xf32, #tpu.memory_space<vmem>>, vector<1x1x16xf32>,
        %parallel_loop3A_440 = vector.shape_cast %parallel_loop3A_439 : vector<1x1x16xf32> to vector<16xf32>
        %parallel_loop3A_441 = arith.constant 3 : i32
        %parallel_loop3A_442 = arith.index_cast %parallel_loop3A_441 : i32 to index
        %parallel_loop3A_443 = arith.index_cast %parallel_loop3A_380 : i32 to index
        %parallel_loop3A_444 = arith.constant 160 : index
        %parallel_loop3A_445 = tpu.vector_load %arg8[%parallel_loop3A_442, %parallel_loop3A_443, %parallel_loop3A_444] {strides = array<i32>} : memref<4x16x768xf32, #tpu.memory_space<vmem>>, vector<1x1x16xf32>,
        %parallel_loop3A_446 = vector.shape_cast %parallel_loop3A_445 : vector<1x1x16xf32> to vector<16xf32>
        %parallel_loop3A_447 = arith.constant 3 : i32
        %parallel_loop3A_448 = arith.index_cast %parallel_loop3A_447 : i32 to index
        %parallel_loop3A_449 = arith.index_cast %parallel_loop3A_380 : i32 to index
        %parallel_loop3A_450 = arith.constant 176 : index
        %parallel_loop3A_451 = tpu.vector_load %arg8[%parallel_loop3A_448, %parallel_loop3A_449, %parallel_loop3A_450] {strides = array<i32>} : memref<4x16x768xf32, #tpu.memory_space<vmem>>, vector<1x1x16xf32>,
        %parallel_loop3A_452 = vector.shape_cast %parallel_loop3A_451 : vector<1x1x16xf32> to vector<16xf32>
        %parallel_loop3A_453 = arith.constant 3 : i32
        %parallel_loop3A_454 = arith.index_cast %parallel_loop3A_453 : i32 to index
        %parallel_loop3A_455 = arith.index_cast %parallel_loop3A_380 : i32 to index
        %parallel_loop3A_456 = arith.constant 192 : index
        %parallel_loop3A_457 = tpu.vector_load %arg8[%parallel_loop3A_454, %parallel_loop3A_455, %parallel_loop3A_456] {strides = array<i32>} : memref<4x16x768xf32, #tpu.memory_space<vmem>>, vector<1x1x16xf32>,
        %parallel_loop3A_458 = vector.shape_cast %parallel_loop3A_457 : vector<1x1x16xf32> to vector<16xf32>
        %parallel_loop3A_459 = arith.constant 3 : i32
        %parallel_loop3A_460 = arith.index_cast %parallel_loop3A_459 : i32 to index
        %parallel_loop3A_461 = arith.index_cast %parallel_loop3A_380 : i32 to index
        %parallel_loop3A_462 = arith.constant 208 : index
        %parallel_loop3A_463 = tpu.vector_load %arg8[%parallel_loop3A_460, %parallel_loop3A_461, %parallel_loop3A_462] {strides = array<i32>} : memref<4x16x768xf32, #tpu.memory_space<vmem>>, vector<1x1x16xf32>,
        %parallel_loop3A_464 = vector.shape_cast %parallel_loop3A_463 : vector<1x1x16xf32> to vector<16xf32>
        %parallel_loop3A_465 = arith.constant 3 : i32
        %parallel_loop3A_466 = arith.index_cast %parallel_loop3A_465 : i32 to index
        %parallel_loop3A_467 = arith.index_cast %parallel_loop3A_380 : i32 to index
        %parallel_loop3A_468 = arith.constant 224 : index
        %parallel_loop3A_469 = tpu.vector_load %arg8[%parallel_loop3A_466, %parallel_loop3A_467, %parallel_loop3A_468] {strides = array<i32>} : memref<4x16x768xf32, #tpu.memory_space<vmem>>, vector<1x1x16xf32>,
        %parallel_loop3A_470 = vector.shape_cast %parallel_loop3A_469 : vector<1x1x16xf32> to vector<16xf32>
        %parallel_loop3A_471 = arith.constant 3 : i32
        %parallel_loop3A_472 = arith.index_cast %parallel_loop3A_471 : i32 to index
        %parallel_loop3A_473 = arith.index_cast %parallel_loop3A_380 : i32 to index
        %parallel_loop3A_474 = arith.constant 240 : index
        %parallel_loop3A_475 = tpu.vector_load %arg8[%parallel_loop3A_472, %parallel_loop3A_473, %parallel_loop3A_474] {strides = array<i32>} : memref<4x16x768xf32, #tpu.memory_space<vmem>>, vector<1x1x16xf32>,
        %parallel_loop3A_476 = vector.shape_cast %parallel_loop3A_475 : vector<1x1x16xf32> to vector<16xf32>
        %parallel_loop3A_477 = arith.constant 3 : i32
        %parallel_loop3A_478 = arith.index_cast %parallel_loop3A_477 : i32 to index
        %parallel_loop3A_479 = arith.index_cast %parallel_loop3A_380 : i32 to index
        %parallel_loop3A_480 = arith.constant 0 : index
        %parallel_loop3A_481 = tpu.vector_load %arg7[%parallel_loop3A_478, %parallel_loop3A_479, %parallel_loop3A_480] {strides = array<i32>} : memref<4x16x768xf32, #tpu.memory_space<vmem>>, vector<1x1x16xf32>,
        %parallel_loop3A_482 = vector.shape_cast %parallel_loop3A_481 : vector<1x1x16xf32> to vector<16xf32>
        %parallel_loop3A_483 = vector.shape_cast %parallel_loop3A_386 : vector<16xf32> to vector<1x1x16xf32>
        tpu.vector_store %arg7[%parallel_loop3A_478, %parallel_loop3A_479, %parallel_loop3A_480], %parallel_loop3A_483 {add = true, strides = array<i32>} : memref<4x16x768xf32, #tpu.memory_space<vmem>>, vector<1x1x16xf32>,
        %parallel_loop3A_484 = arith.constant 3 : i32
        %parallel_loop3A_485 = arith.index_cast %parallel_loop3A_484 : i32 to index
        %parallel_loop3A_486 = arith.index_cast %parallel_loop3A_380 : i32 to index
        %parallel_loop3A_487 = arith.constant 16 : index
        %parallel_loop3A_488 = tpu.vector_load %arg7[%parallel_loop3A_485, %parallel_loop3A_486, %parallel_loop3A_487] {strides = array<i32>} : memref<4x16x768xf32, #tpu.memory_space<vmem>>, vector<1x1x16xf32>,
        %parallel_loop3A_489 = vector.shape_cast %parallel_loop3A_488 : vector<1x1x16xf32> to vector<16xf32>
        %parallel_loop3A_490 = vector.shape_cast %parallel_loop3A_392 : vector<16xf32> to vector<1x1x16xf32>
        tpu.vector_store %arg7[%parallel_loop3A_485, %parallel_loop3A_486, %parallel_loop3A_487], %parallel_loop3A_490 {add = true, strides = array<i32>} : memref<4x16x768xf32, #tpu.memory_space<vmem>>, vector<1x1x16xf32>,
        %parallel_loop3A_491 = arith.constant 3 : i32
        %parallel_loop3A_492 = arith.index_cast %parallel_loop3A_491 : i32 to index
        %parallel_loop3A_493 = arith.index_cast %parallel_loop3A_380 : i32 to index
        %parallel_loop3A_494 = arith.constant 32 : index
        %parallel_loop3A_495 = tpu.vector_load %arg7[%parallel_loop3A_492, %parallel_loop3A_493, %parallel_loop3A_494] {strides = array<i32>} : memref<4x16x768xf32, #tpu.memory_space<vmem>>, vector<1x1x16xf32>,
        %parallel_loop3A_496 = vector.shape_cast %parallel_loop3A_495 : vector<1x1x16xf32> to vector<16xf32>
        %parallel_loop3A_497 = vector.shape_cast %parallel_loop3A_398 : vector<16xf32> to vector<1x1x16xf32>
        tpu.vector_store %arg7[%parallel_loop3A_492, %parallel_loop3A_493, %parallel_loop3A_494], %parallel_loop3A_497 {add = true, strides = array<i32>} : memref<4x16x768xf32, #tpu.memory_space<vmem>>, vector<1x1x16xf32>,
        %parallel_loop3A_498 = arith.constant 3 : i32
        %parallel_loop3A_499 = arith.index_cast %parallel_loop3A_498 : i32 to index
        %parallel_loop3A_500 = arith.index_cast %parallel_loop3A_380 : i32 to index
        %parallel_loop3A_501 = arith.constant 48 : index
        %parallel_loop3A_502 = tpu.vector_load %arg7[%parallel_loop3A_499, %parallel_loop3A_500, %parallel_loop3A_501] {strides = array<i32>} : memref<4x16x768xf32, #tpu.memory_space<vmem>>, vector<1x1x16xf32>,
        %parallel_loop3A_503 = vector.shape_cast %parallel_loop3A_502 : vector<1x1x16xf32> to vector<16xf32>
        %parallel_loop3A_504 = vector.shape_cast %parallel_loop3A_404 : vector<16xf32> to vector<1x1x16xf32>
        tpu.vector_store %arg7[%parallel_loop3A_499, %parallel_loop3A_500, %parallel_loop3A_501], %parallel_loop3A_504 {add = true, strides = array<i32>} : memref<4x16x768xf32, #tpu.memory_space<vmem>>, vector<1x1x16xf32>,
        %parallel_loop3A_505 = arith.constant 3 : i32
        %parallel_loop3A_506 = arith.index_cast %parallel_loop3A_505 : i32 to index
        %parallel_loop3A_507 = arith.index_cast %parallel_loop3A_380 : i32 to index
        %parallel_loop3A_508 = arith.constant 64 : index
        %parallel_loop3A_509 = tpu.vector_load %arg7[%parallel_loop3A_506, %parallel_loop3A_507, %parallel_loop3A_508] {strides = array<i32>} : memref<4x16x768xf32, #tpu.memory_space<vmem>>, vector<1x1x16xf32>,
        %parallel_loop3A_510 = vector.shape_cast %parallel_loop3A_509 : vector<1x1x16xf32> to vector<16xf32>
        %parallel_loop3A_511 = vector.shape_cast %parallel_loop3A_410 : vector<16xf32> to vector<1x1x16xf32>
        tpu.vector_store %arg7[%parallel_loop3A_506, %parallel_loop3A_507, %parallel_loop3A_508], %parallel_loop3A_511 {add = true, strides = array<i32>} : memref<4x16x768xf32, #tpu.memory_space<vmem>>, vector<1x1x16xf32>,
        %parallel_loop3A_512 = arith.constant 3 : i32
        %parallel_loop3A_513 = arith.index_cast %parallel_loop3A_512 : i32 to index
        %parallel_loop3A_514 = arith.index_cast %parallel_loop3A_380 : i32 to index
        %parallel_loop3A_515 = arith.constant 80 : index
        %parallel_loop3A_516 = tpu.vector_load %arg7[%parallel_loop3A_513, %parallel_loop3A_514, %parallel_loop3A_515] {strides = array<i32>} : memref<4x16x768xf32, #tpu.memory_space<vmem>>, vector<1x1x16xf32>,
        %parallel_loop3A_517 = vector.shape_cast %parallel_loop3A_516 : vector<1x1x16xf32> to vector<16xf32>
        %parallel_loop3A_518 = vector.shape_cast %parallel_loop3A_416 : vector<16xf32> to vector<1x1x16xf32>
        tpu.vector_store %arg7[%parallel_loop3A_513, %parallel_loop3A_514, %parallel_loop3A_515], %parallel_loop3A_518 {add = true, strides = array<i32>} : memref<4x16x768xf32, #tpu.memory_space<vmem>>, vector<1x1x16xf32>,
        %parallel_loop3A_519 = arith.constant 3 : i32
        %parallel_loop3A_520 = arith.index_cast %parallel_loop3A_519 : i32 to index
        %parallel_loop3A_521 = arith.index_cast %parallel_loop3A_380 : i32 to index
        %parallel_loop3A_522 = arith.constant 96 : index
        %parallel_loop3A_523 = tpu.vector_load %arg7[%parallel_loop3A_520, %parallel_loop3A_521, %parallel_loop3A_522] {strides = array<i32>} : memref<4x16x768xf32, #tpu.memory_space<vmem>>, vector<1x1x16xf32>,
        %parallel_loop3A_524 = vector.shape_cast %parallel_loop3A_523 : vector<1x1x16xf32> to vector<16xf32>
        %parallel_loop3A_525 = vector.shape_cast %parallel_loop3A_422 : vector<16xf32> to vector<1x1x16xf32>
        tpu.vector_store %arg7[%parallel_loop3A_520, %parallel_loop3A_521, %parallel_loop3A_522], %parallel_loop3A_525 {add = true, strides = array<i32>} : memref<4x16x768xf32, #tpu.memory_space<vmem>>, vector<1x1x16xf32>,
        %parallel_loop3A_526 = arith.constant 3 : i32
        %parallel_loop3A_527 = arith.index_cast %parallel_loop3A_526 : i32 to index
        %parallel_loop3A_528 = arith.index_cast %parallel_loop3A_380 : i32 to index
        %parallel_loop3A_529 = arith.constant 112 : index
        %parallel_loop3A_530 = tpu.vector_load %arg7[%parallel_loop3A_527, %parallel_loop3A_528, %parallel_loop3A_529] {strides = array<i32>} : memref<4x16x768xf32, #tpu.memory_space<vmem>>, vector<1x1x16xf32>,
        %parallel_loop3A_531 = vector.shape_cast %parallel_loop3A_530 : vector<1x1x16xf32> to vector<16xf32>
        %parallel_loop3A_532 = vector.shape_cast %parallel_loop3A_428 : vector<16xf32> to vector<1x1x16xf32>
        tpu.vector_store %arg7[%parallel_loop3A_527, %parallel_loop3A_528, %parallel_loop3A_529], %parallel_loop3A_532 {add = true, strides = array<i32>} : memref<4x16x768xf32, #tpu.memory_space<vmem>>, vector<1x1x16xf32>,
        %parallel_loop3A_533 = arith.constant 3 : i32
        %parallel_loop3A_534 = arith.index_cast %parallel_loop3A_533 : i32 to index
        %parallel_loop3A_535 = arith.index_cast %parallel_loop3A_380 : i32 to index
        %parallel_loop3A_536 = arith.constant 128 : index
        %parallel_loop3A_537 = tpu.vector_load %arg7[%parallel_loop3A_534, %parallel_loop3A_535, %parallel_loop3A_536] {strides = array<i32>} : memref<4x16x768xf32, #tpu.memory_space<vmem>>, vector<1x1x16xf32>,
        %parallel_loop3A_538 = vector.shape_cast %parallel_loop3A_537 : vector<1x1x16xf32> to vector<16xf32>
        %parallel_loop3A_539 = vector.shape_cast %parallel_loop3A_434 : vector<16xf32> to vector<1x1x16xf32>
        tpu.vector_store %arg7[%parallel_loop3A_534, %parallel_loop3A_535, %parallel_loop3A_536], %parallel_loop3A_539 {add = true, strides = array<i32>} : memref<4x16x768xf32, #tpu.memory_space<vmem>>, vector<1x1x16xf32>,
        %parallel_loop3A_540 = arith.constant 3 : i32
        %parallel_loop3A_541 = arith.index_cast %parallel_loop3A_540 : i32 to index
        %parallel_loop3A_542 = arith.index_cast %parallel_loop3A_380 : i32 to index
        %parallel_loop3A_543 = arith.constant 144 : index
        %parallel_loop3A_544 = tpu.vector_load %arg7[%parallel_loop3A_541, %parallel_loop3A_542, %parallel_loop3A_543] {strides = array<i32>} : memref<4x16x768xf32, #tpu.memory_space<vmem>>, vector<1x1x16xf32>,
        %parallel_loop3A_545 = vector.shape_cast %parallel_loop3A_544 : vector<1x1x16xf32> to vector<16xf32>
        %parallel_loop3A_546 = vector.shape_cast %parallel_loop3A_440 : vector<16xf32> to vector<1x1x16xf32>
        tpu.vector_store %arg7[%parallel_loop3A_541, %parallel_loop3A_542, %parallel_loop3A_543], %parallel_loop3A_546 {add = true, strides = array<i32>} : memref<4x16x768xf32, #tpu.memory_space<vmem>>, vector<1x1x16xf32>,
        %parallel_loop3A_547 = arith.constant 3 : i32
        %parallel_loop3A_548 = arith.index_cast %parallel_loop3A_547 : i32 to index
        %parallel_loop3A_549 = arith.index_cast %parallel_loop3A_380 : i32 to index
        %parallel_loop3A_550 = arith.constant 160 : index
        %parallel_loop3A_551 = tpu.vector_load %arg7[%parallel_loop3A_548, %parallel_loop3A_549, %parallel_loop3A_550] {strides = array<i32>} : memref<4x16x768xf32, #tpu.memory_space<vmem>>, vector<1x1x16xf32>,
        %parallel_loop3A_552 = vector.shape_cast %parallel_loop3A_551 : vector<1x1x16xf32> to vector<16xf32>
        %parallel_loop3A_553 = vector.shape_cast %parallel_loop3A_446 : vector<16xf32> to vector<1x1x16xf32>
        tpu.vector_store %arg7[%parallel_loop3A_548, %parallel_loop3A_549, %parallel_loop3A_550], %parallel_loop3A_553 {add = true, strides = array<i32>} : memref<4x16x768xf32, #tpu.memory_space<vmem>>, vector<1x1x16xf32>,
        %parallel_loop3A_554 = arith.constant 3 : i32
        %parallel_loop3A_555 = arith.index_cast %parallel_loop3A_554 : i32 to index
        %parallel_loop3A_556 = arith.index_cast %parallel_loop3A_380 : i32 to index
        %parallel_loop3A_557 = arith.constant 176 : index
        %parallel_loop3A_558 = tpu.vector_load %arg7[%parallel_loop3A_555, %parallel_loop3A_556, %parallel_loop3A_557] {strides = array<i32>} : memref<4x16x768xf32, #tpu.memory_space<vmem>>, vector<1x1x16xf32>,
        %parallel_loop3A_559 = vector.shape_cast %parallel_loop3A_558 : vector<1x1x16xf32> to vector<16xf32>
        %parallel_loop3A_560 = vector.shape_cast %parallel_loop3A_452 : vector<16xf32> to vector<1x1x16xf32>
        tpu.vector_store %arg7[%parallel_loop3A_555, %parallel_loop3A_556, %parallel_loop3A_557], %parallel_loop3A_560 {add = true, strides = array<i32>} : memref<4x16x768xf32, #tpu.memory_space<vmem>>, vector<1x1x16xf32>,
        %parallel_loop3A_561 = arith.constant 3 : i32
        %parallel_loop3A_562 = arith.index_cast %parallel_loop3A_561 : i32 to index
        %parallel_loop3A_563 = arith.index_cast %parallel_loop3A_380 : i32 to index
        %parallel_loop3A_564 = arith.constant 192 : index
        %parallel_loop3A_565 = tpu.vector_load %arg7[%parallel_loop3A_562, %parallel_loop3A_563, %parallel_loop3A_564] {strides = array<i32>} : memref<4x16x768xf32, #tpu.memory_space<vmem>>, vector<1x1x16xf32>,
        %parallel_loop3A_566 = vector.shape_cast %parallel_loop3A_565 : vector<1x1x16xf32> to vector<16xf32>
        %parallel_loop3A_567 = vector.shape_cast %parallel_loop3A_458 : vector<16xf32> to vector<1x1x16xf32>
        tpu.vector_store %arg7[%parallel_loop3A_562, %parallel_loop3A_563, %parallel_loop3A_564], %parallel_loop3A_567 {add = true, strides = array<i32>} : memref<4x16x768xf32, #tpu.memory_space<vmem>>, vector<1x1x16xf32>,
        %parallel_loop3A_568 = arith.constant 3 : i32
        %parallel_loop3A_569 = arith.index_cast %parallel_loop3A_568 : i32 to index
        %parallel_loop3A_570 = arith.index_cast %parallel_loop3A_380 : i32 to index
        %parallel_loop3A_571 = arith.constant 208 : index
        %parallel_loop3A_572 = tpu.vector_load %arg7[%parallel_loop3A_569, %parallel_loop3A_570, %parallel_loop3A_571] {strides = array<i32>} : memref<4x16x768xf32, #tpu.memory_space<vmem>>, vector<1x1x16xf32>,
        %parallel_loop3A_573 = vector.shape_cast %parallel_loop3A_572 : vector<1x1x16xf32> to vector<16xf32>
        %parallel_loop3A_574 = vector.shape_cast %parallel_loop3A_464 : vector<16xf32> to vector<1x1x16xf32>
        tpu.vector_store %arg7[%parallel_loop3A_569, %parallel_loop3A_570, %parallel_loop3A_571], %parallel_loop3A_574 {add = true, strides = array<i32>} : memref<4x16x768xf32, #tpu.memory_space<vmem>>, vector<1x1x16xf32>,
        %parallel_loop3A_575 = arith.constant 3 : i32
        %parallel_loop3A_576 = arith.index_cast %parallel_loop3A_575 : i32 to index
        %parallel_loop3A_577 = arith.index_cast %parallel_loop3A_380 : i32 to index
        %parallel_loop3A_578 = arith.constant 224 : index
        %parallel_loop3A_579 = tpu.vector_load %arg7[%parallel_loop3A_576, %parallel_loop3A_577, %parallel_loop3A_578] {strides = array<i32>} : memref<4x16x768xf32, #tpu.memory_space<vmem>>, vector<1x1x16xf32>,
        %parallel_loop3A_580 = vector.shape_cast %parallel_loop3A_579 : vector<1x1x16xf32> to vector<16xf32>
        %parallel_loop3A_581 = vector.shape_cast %parallel_loop3A_470 : vector<16xf32> to vector<1x1x16xf32>
        tpu.vector_store %arg7[%parallel_loop3A_576, %parallel_loop3A_577, %parallel_loop3A_578], %parallel_loop3A_581 {add = true, strides = array<i32>} : memref<4x16x768xf32, #tpu.memory_space<vmem>>, vector<1x1x16xf32>,
        %parallel_loop3A_582 = arith.constant 3 : i32
        %parallel_loop3A_583 = arith.index_cast %parallel_loop3A_582 : i32 to index
        %parallel_loop3A_584 = arith.index_cast %parallel_loop3A_380 : i32 to index
        %parallel_loop3A_585 = arith.constant 240 : index
        %parallel_loop3A_586 = tpu.vector_load %arg7[%parallel_loop3A_583, %parallel_loop3A_584, %parallel_loop3A_585] {strides = array<i32>} : memref<4x16x768xf32, #tpu.memory_space<vmem>>, vector<1x1x16xf32>,
        %parallel_loop3A_587 = vector.shape_cast %parallel_loop3A_586 : vector<1x1x16xf32> to vector<16xf32>
        %parallel_loop3A_588 = vector.shape_cast %parallel_loop3A_476 : vector<16xf32> to vector<1x1x16xf32>
        tpu.vector_store %arg7[%parallel_loop3A_583, %parallel_loop3A_584, %parallel_loop3A_585], %parallel_loop3A_588 {add = true, strides = array<i32>} : memref<4x16x768xf32, #tpu.memory_space<vmem>>, vector<1x1x16xf32>,
        %parallel_loop3A_589 = arith.constant 3 : i32
        %parallel_loop3A_590 = arith.index_cast %parallel_loop3A_589 : i32 to index
        %parallel_loop3A_591 = arith.index_cast %parallel_loop3A_380 : i32 to index
        %parallel_loop3A_592 = arith.constant 256 : index
        %parallel_loop3A_593 = tpu.vector_load %arg8[%parallel_loop3A_590, %parallel_loop3A_591, %parallel_loop3A_592] {strides = array<i32>} : memref<4x16x768xf32, #tpu.memory_space<vmem>>, vector<1x1x16xf32>,
        %parallel_loop3A_594 = vector.shape_cast %parallel_loop3A_593 : vector<1x1x16xf32> to vector<16xf32>
        %parallel_loop3A_595 = arith.constant 3 : i32
        %parallel_loop3A_596 = arith.index_cast %parallel_loop3A_595 : i32 to index
        %parallel_loop3A_597 = arith.index_cast %parallel_loop3A_380 : i32 to index
        %parallel_loop3A_598 = arith.constant 272 : index
        %parallel_loop3A_599 = tpu.vector_load %arg8[%parallel_loop3A_596, %parallel_loop3A_597, %parallel_loop3A_598] {strides = array<i32>} : memref<4x16x768xf32, #tpu.memory_space<vmem>>, vector<1x1x16xf32>,
        %parallel_loop3A_600 = vector.shape_cast %parallel_loop3A_599 : vector<1x1x16xf32> to vector<16xf32>
        %parallel_loop3A_601 = arith.constant 3 : i32
        %parallel_loop3A_602 = arith.index_cast %parallel_loop3A_601 : i32 to index
        %parallel_loop3A_603 = arith.index_cast %parallel_loop3A_380 : i32 to index
        %parallel_loop3A_604 = arith.constant 288 : index
        %parallel_loop3A_605 = tpu.vector_load %arg8[%parallel_loop3A_602, %parallel_loop3A_603, %parallel_loop3A_604] {strides = array<i32>} : memref<4x16x768xf32, #tpu.memory_space<vmem>>, vector<1x1x16xf32>,
        %parallel_loop3A_606 = vector.shape_cast %parallel_loop3A_605 : vector<1x1x16xf32> to vector<16xf32>
        %parallel_loop3A_607 = arith.constant 3 : i32
        %parallel_loop3A_608 = arith.index_cast %parallel_loop3A_607 : i32 to index
        %parallel_loop3A_609 = arith.index_cast %parallel_loop3A_380 : i32 to index
        %parallel_loop3A_610 = arith.constant 304 : index
        %parallel_loop3A_611 = tpu.vector_load %arg8[%parallel_loop3A_608, %parallel_loop3A_609, %parallel_loop3A_610] {strides = array<i32>} : memref<4x16x768xf32, #tpu.memory_space<vmem>>, vector<1x1x16xf32>,
        %parallel_loop3A_612 = vector.shape_cast %parallel_loop3A_611 : vector<1x1x16xf32> to vector<16xf32>
        %parallel_loop3A_613 = arith.constant 3 : i32
        %parallel_loop3A_614 = arith.index_cast %parallel_loop3A_613 : i32 to index
        %parallel_loop3A_615 = arith.index_cast %parallel_loop3A_380 : i32 to index
        %parallel_loop3A_616 = arith.constant 320 : index
        %parallel_loop3A_617 = tpu.vector_load %arg8[%parallel_loop3A_614, %parallel_loop3A_615, %parallel_loop3A_616] {strides = array<i32>} : memref<4x16x768xf32, #tpu.memory_space<vmem>>, vector<1x1x16xf32>,
        %parallel_loop3A_618 = vector.shape_cast %parallel_loop3A_617 : vector<1x1x16xf32> to vector<16xf32>
        %parallel_loop3A_619 = arith.constant 3 : i32
        %parallel_loop3A_620 = arith.index_cast %parallel_loop3A_619 : i32 to index
        %parallel_loop3A_621 = arith.index_cast %parallel_loop3A_380 : i32 to index
        %parallel_loop3A_622 = arith.constant 336 : index
        %parallel_loop3A_623 = tpu.vector_load %arg8[%parallel_loop3A_620, %parallel_loop3A_621, %parallel_loop3A_622] {strides = array<i32>} : memref<4x16x768xf32, #tpu.memory_space<vmem>>, vector<1x1x16xf32>,
        %parallel_loop3A_624 = vector.shape_cast %parallel_loop3A_623 : vector<1x1x16xf32> to vector<16xf32>
        %parallel_loop3A_625 = arith.constant 3 : i32
        %parallel_loop3A_626 = arith.index_cast %parallel_loop3A_625 : i32 to index
        %parallel_loop3A_627 = arith.index_cast %parallel_loop3A_380 : i32 to index
        %parallel_loop3A_628 = arith.constant 352 : index
        %parallel_loop3A_629 = tpu.vector_load %arg8[%parallel_loop3A_626, %parallel_loop3A_627, %parallel_loop3A_628] {strides = array<i32>} : memref<4x16x768xf32, #tpu.memory_space<vmem>>, vector<1x1x16xf32>,
        %parallel_loop3A_630 = vector.shape_cast %parallel_loop3A_629 : vector<1x1x16xf32> to vector<16xf32>
        %parallel_loop3A_631 = arith.constant 3 : i32
        %parallel_loop3A_632 = arith.index_cast %parallel_loop3A_631 : i32 to index
        %parallel_loop3A_633 = arith.index_cast %parallel_loop3A_380 : i32 to index
        %parallel_loop3A_634 = arith.constant 368 : index
        %parallel_loop3A_635 = tpu.vector_load %arg8[%parallel_loop3A_632, %parallel_loop3A_633, %parallel_loop3A_634] {strides = array<i32>} : memref<4x16x768xf32, #tpu.memory_space<vmem>>, vector<1x1x16xf32>,
        %parallel_loop3A_636 = vector.shape_cast %parallel_loop3A_635 : vector<1x1x16xf32> to vector<16xf32>
        %parallel_loop3A_637 = arith.constant 3 : i32
        %parallel_loop3A_638 = arith.index_cast %parallel_loop3A_637 : i32 to index
        %parallel_loop3A_639 = arith.index_cast %parallel_loop3A_380 : i32 to index
        %parallel_loop3A_640 = arith.constant 384 : index
        %parallel_loop3A_641 = tpu.vector_load %arg8[%parallel_loop3A_638, %parallel_loop3A_639, %parallel_loop3A_640] {strides = array<i32>} : memref<4x16x768xf32, #tpu.memory_space<vmem>>, vector<1x1x16xf32>,
        %parallel_loop3A_642 = vector.shape_cast %parallel_loop3A_641 : vector<1x1x16xf32> to vector<16xf32>
        %parallel_loop3A_643 = arith.constant 3 : i32
        %parallel_loop3A_644 = arith.index_cast %parallel_loop3A_643 : i32 to index
        %parallel_loop3A_645 = arith.index_cast %parallel_loop3A_380 : i32 to index
        %parallel_loop3A_646 = arith.constant 400 : index
        %parallel_loop3A_647 = tpu.vector_load %arg8[%parallel_loop3A_644, %parallel_loop3A_645, %parallel_loop3A_646] {strides = array<i32>} : memref<4x16x768xf32, #tpu.memory_space<vmem>>, vector<1x1x16xf32>,
        %parallel_loop3A_648 = vector.shape_cast %parallel_loop3A_647 : vector<1x1x16xf32> to vector<16xf32>
        %parallel_loop3A_649 = arith.constant 3 : i32
        %parallel_loop3A_650 = arith.index_cast %parallel_loop3A_649 : i32 to index
        %parallel_loop3A_651 = arith.index_cast %parallel_loop3A_380 : i32 to index
        %parallel_loop3A_652 = arith.constant 416 : index
        %parallel_loop3A_653 = tpu.vector_load %arg8[%parallel_loop3A_650, %parallel_loop3A_651, %parallel_loop3A_652] {strides = array<i32>} : memref<4x16x768xf32, #tpu.memory_space<vmem>>, vector<1x1x16xf32>,
        %parallel_loop3A_654 = vector.shape_cast %parallel_loop3A_653 : vector<1x1x16xf32> to vector<16xf32>
        %parallel_loop3A_655 = arith.constant 3 : i32
        %parallel_loop3A_656 = arith.index_cast %parallel_loop3A_655 : i32 to index
        %parallel_loop3A_657 = arith.index_cast %parallel_loop3A_380 : i32 to index
        %parallel_loop3A_658 = arith.constant 432 : index
        %parallel_loop3A_659 = tpu.vector_load %arg8[%parallel_loop3A_656, %parallel_loop3A_657, %parallel_loop3A_658] {strides = array<i32>} : memref<4x16x768xf32, #tpu.memory_space<vmem>>, vector<1x1x16xf32>,
        %parallel_loop3A_660 = vector.shape_cast %parallel_loop3A_659 : vector<1x1x16xf32> to vector<16xf32>
        %parallel_loop3A_661 = arith.constant 3 : i32
        %parallel_loop3A_662 = arith.index_cast %parallel_loop3A_661 : i32 to index
        %parallel_loop3A_663 = arith.index_cast %parallel_loop3A_380 : i32 to index
        %parallel_loop3A_664 = arith.constant 448 : index
        %parallel_loop3A_665 = tpu.vector_load %arg8[%parallel_loop3A_662, %parallel_loop3A_663, %parallel_loop3A_664] {strides = array<i32>} : memref<4x16x768xf32, #tpu.memory_space<vmem>>, vector<1x1x16xf32>,
        %parallel_loop3A_666 = vector.shape_cast %parallel_loop3A_665 : vector<1x1x16xf32> to vector<16xf32>
        %parallel_loop3A_667 = arith.constant 3 : i32
        %parallel_loop3A_668 = arith.index_cast %parallel_loop3A_667 : i32 to index
        %parallel_loop3A_669 = arith.index_cast %parallel_loop3A_380 : i32 to index
        %parallel_loop3A_670 = arith.constant 464 : index
        %parallel_loop3A_671 = tpu.vector_load %arg8[%parallel_loop3A_668, %parallel_loop3A_669, %parallel_loop3A_670] {strides = array<i32>} : memref<4x16x768xf32, #tpu.memory_space<vmem>>, vector<1x1x16xf32>,
        %parallel_loop3A_672 = vector.shape_cast %parallel_loop3A_671 : vector<1x1x16xf32> to vector<16xf32>
        %parallel_loop3A_673 = arith.constant 3 : i32
        %parallel_loop3A_674 = arith.index_cast %parallel_loop3A_673 : i32 to index
        %parallel_loop3A_675 = arith.index_cast %parallel_loop3A_380 : i32 to index
        %parallel_loop3A_676 = arith.constant 480 : index
        %parallel_loop3A_677 = tpu.vector_load %arg8[%parallel_loop3A_674, %parallel_loop3A_675, %parallel_loop3A_676] {strides = array<i32>} : memref<4x16x768xf32, #tpu.memory_space<vmem>>, vector<1x1x16xf32>,
        %parallel_loop3A_678 = vector.shape_cast %parallel_loop3A_677 : vector<1x1x16xf32> to vector<16xf32>
        %parallel_loop3A_679 = arith.constant 3 : i32
        %parallel_loop3A_680 = arith.index_cast %parallel_loop3A_679 : i32 to index
        %parallel_loop3A_681 = arith.index_cast %parallel_loop3A_380 : i32 to index
        %parallel_loop3A_682 = arith.constant 496 : index
        %parallel_loop3A_683 = tpu.vector_load %arg8[%parallel_loop3A_680, %parallel_loop3A_681, %parallel_loop3A_682] {strides = array<i32>} : memref<4x16x768xf32, #tpu.memory_space<vmem>>, vector<1x1x16xf32>,
        %parallel_loop3A_684 = vector.shape_cast %parallel_loop3A_683 : vector<1x1x16xf32> to vector<16xf32>
        %parallel_loop3A_685 = arith.constant 3 : i32
        %parallel_loop3A_686 = arith.index_cast %parallel_loop3A_685 : i32 to index
        %parallel_loop3A_687 = arith.index_cast %parallel_loop3A_380 : i32 to index
        %parallel_loop3A_688 = arith.constant 256 : index
        %parallel_loop3A_689 = tpu.vector_load %arg7[%parallel_loop3A_686, %parallel_loop3A_687, %parallel_loop3A_688] {strides = array<i32>} : memref<4x16x768xf32, #tpu.memory_space<vmem>>, vector<1x1x16xf32>,
        %parallel_loop3A_690 = vector.shape_cast %parallel_loop3A_689 : vector<1x1x16xf32> to vector<16xf32>
        %parallel_loop3A_691 = vector.shape_cast %parallel_loop3A_594 : vector<16xf32> to vector<1x1x16xf32>
        tpu.vector_store %arg7[%parallel_loop3A_686, %parallel_loop3A_687, %parallel_loop3A_688], %parallel_loop3A_691 {add = true, strides = array<i32>} : memref<4x16x768xf32, #tpu.memory_space<vmem>>, vector<1x1x16xf32>,
        %parallel_loop3A_692 = arith.constant 3 : i32
        %parallel_loop3A_693 = arith.index_cast %parallel_loop3A_692 : i32 to index
        %parallel_loop3A_694 = arith.index_cast %parallel_loop3A_380 : i32 to index
        %parallel_loop3A_695 = arith.constant 272 : index
        %parallel_loop3A_696 = tpu.vector_load %arg7[%parallel_loop3A_693, %parallel_loop3A_694, %parallel_loop3A_695] {strides = array<i32>} : memref<4x16x768xf32, #tpu.memory_space<vmem>>, vector<1x1x16xf32>,
        %parallel_loop3A_697 = vector.shape_cast %parallel_loop3A_696 : vector<1x1x16xf32> to vector<16xf32>
        %parallel_loop3A_698 = vector.shape_cast %parallel_loop3A_600 : vector<16xf32> to vector<1x1x16xf32>
        tpu.vector_store %arg7[%parallel_loop3A_693, %parallel_loop3A_694, %parallel_loop3A_695], %parallel_loop3A_698 {add = true, strides = array<i32>} : memref<4x16x768xf32, #tpu.memory_space<vmem>>, vector<1x1x16xf32>,
        %parallel_loop3A_699 = arith.constant 3 : i32
        %parallel_loop3A_700 = arith.index_cast %parallel_loop3A_699 : i32 to index
        %parallel_loop3A_701 = arith.index_cast %parallel_loop3A_380 : i32 to index
        %parallel_loop3A_702 = arith.constant 288 : index
        %parallel_loop3A_703 = tpu.vector_load %arg7[%parallel_loop3A_700, %parallel_loop3A_701, %parallel_loop3A_702] {strides = array<i32>} : memref<4x16x768xf32, #tpu.memory_space<vmem>>, vector<1x1x16xf32>,
        %parallel_loop3A_704 = vector.shape_cast %parallel_loop3A_703 : vector<1x1x16xf32> to vector<16xf32>
        %parallel_loop3A_705 = vector.shape_cast %parallel_loop3A_606 : vector<16xf32> to vector<1x1x16xf32>
        tpu.vector_store %arg7[%parallel_loop3A_700, %parallel_loop3A_701, %parallel_loop3A_702], %parallel_loop3A_705 {add = true, strides = array<i32>} : memref<4x16x768xf32, #tpu.memory_space<vmem>>, vector<1x1x16xf32>,
        %parallel_loop3A_706 = arith.constant 3 : i32
        %parallel_loop3A_707 = arith.index_cast %parallel_loop3A_706 : i32 to index
        %parallel_loop3A_708 = arith.index_cast %parallel_loop3A_380 : i32 to index
        %parallel_loop3A_709 = arith.constant 304 : index
        %parallel_loop3A_710 = tpu.vector_load %arg7[%parallel_loop3A_707, %parallel_loop3A_708, %parallel_loop3A_709] {strides = array<i32>} : memref<4x16x768xf32, #tpu.memory_space<vmem>>, vector<1x1x16xf32>,
        %parallel_loop3A_711 = vector.shape_cast %parallel_loop3A_710 : vector<1x1x16xf32> to vector<16xf32>
        %parallel_loop3A_712 = vector.shape_cast %parallel_loop3A_612 : vector<16xf32> to vector<1x1x16xf32>
        tpu.vector_store %arg7[%parallel_loop3A_707, %parallel_loop3A_708, %parallel_loop3A_709], %parallel_loop3A_712 {add = true, strides = array<i32>} : memref<4x16x768xf32, #tpu.memory_space<vmem>>, vector<1x1x16xf32>,
        %parallel_loop3A_713 = arith.constant 3 : i32
        %parallel_loop3A_714 = arith.index_cast %parallel_loop3A_713 : i32 to index
        %parallel_loop3A_715 = arith.index_cast %parallel_loop3A_380 : i32 to index
        %parallel_loop3A_716 = arith.constant 320 : index
        %parallel_loop3A_717 = tpu.vector_load %arg7[%parallel_loop3A_714, %parallel_loop3A_715, %parallel_loop3A_716] {strides = array<i32>} : memref<4x16x768xf32, #tpu.memory_space<vmem>>, vector<1x1x16xf32>,
        %parallel_loop3A_718 = vector.shape_cast %parallel_loop3A_717 : vector<1x1x16xf32> to vector<16xf32>
        %parallel_loop3A_719 = vector.shape_cast %parallel_loop3A_618 : vector<16xf32> to vector<1x1x16xf32>
        tpu.vector_store %arg7[%parallel_loop3A_714, %parallel_loop3A_715, %parallel_loop3A_716], %parallel_loop3A_719 {add = true, strides = array<i32>} : memref<4x16x768xf32, #tpu.memory_space<vmem>>, vector<1x1x16xf32>,
        %parallel_loop3A_720 = arith.constant 3 : i32
        %parallel_loop3A_721 = arith.index_cast %parallel_loop3A_720 : i32 to index
        %parallel_loop3A_722 = arith.index_cast %parallel_loop3A_380 : i32 to index
        %parallel_loop3A_723 = arith.constant 336 : index
        %parallel_loop3A_724 = tpu.vector_load %arg7[%parallel_loop3A_721, %parallel_loop3A_722, %parallel_loop3A_723] {strides = array<i32>} : memref<4x16x768xf32, #tpu.memory_space<vmem>>, vector<1x1x16xf32>,
        %parallel_loop3A_725 = vector.shape_cast %parallel_loop3A_724 : vector<1x1x16xf32> to vector<16xf32>
        %parallel_loop3A_726 = vector.shape_cast %parallel_loop3A_624 : vector<16xf32> to vector<1x1x16xf32>
        tpu.vector_store %arg7[%parallel_loop3A_721, %parallel_loop3A_722, %parallel_loop3A_723], %parallel_loop3A_726 {add = true, strides = array<i32>} : memref<4x16x768xf32, #tpu.memory_space<vmem>>, vector<1x1x16xf32>,
        %parallel_loop3A_727 = arith.constant 3 : i32
        %parallel_loop3A_728 = arith.index_cast %parallel_loop3A_727 : i32 to index
        %parallel_loop3A_729 = arith.index_cast %parallel_loop3A_380 : i32 to index
        %parallel_loop3A_730 = arith.constant 352 : index
        %parallel_loop3A_731 = tpu.vector_load %arg7[%parallel_loop3A_728, %parallel_loop3A_729, %parallel_loop3A_730] {strides = array<i32>} : memref<4x16x768xf32, #tpu.memory_space<vmem>>, vector<1x1x16xf32>,
        %parallel_loop3A_732 = vector.shape_cast %parallel_loop3A_731 : vector<1x1x16xf32> to vector<16xf32>
        %parallel_loop3A_733 = vector.shape_cast %parallel_loop3A_630 : vector<16xf32> to vector<1x1x16xf32>
        tpu.vector_store %arg7[%parallel_loop3A_728, %parallel_loop3A_729, %parallel_loop3A_730], %parallel_loop3A_733 {add = true, strides = array<i32>} : memref<4x16x768xf32, #tpu.memory_space<vmem>>, vector<1x1x16xf32>,
        %parallel_loop3A_734 = arith.constant 3 : i32
        %parallel_loop3A_735 = arith.index_cast %parallel_loop3A_734 : i32 to index
        %parallel_loop3A_736 = arith.index_cast %parallel_loop3A_380 : i32 to index
        %parallel_loop3A_737 = arith.constant 368 : index
        %parallel_loop3A_738 = tpu.vector_load %arg7[%parallel_loop3A_735, %parallel_loop3A_736, %parallel_loop3A_737] {strides = array<i32>} : memref<4x16x768xf32, #tpu.memory_space<vmem>>, vector<1x1x16xf32>,
        %parallel_loop3A_739 = vector.shape_cast %parallel_loop3A_738 : vector<1x1x16xf32> to vector<16xf32>
        %parallel_loop3A_740 = vector.shape_cast %parallel_loop3A_636 : vector<16xf32> to vector<1x1x16xf32>
        tpu.vector_store %arg7[%parallel_loop3A_735, %parallel_loop3A_736, %parallel_loop3A_737], %parallel_loop3A_740 {add = true, strides = array<i32>} : memref<4x16x768xf32, #tpu.memory_space<vmem>>, vector<1x1x16xf32>,
        %parallel_loop3A_741 = arith.constant 3 : i32
        %parallel_loop3A_742 = arith.index_cast %parallel_loop3A_741 : i32 to index
        %parallel_loop3A_743 = arith.index_cast %parallel_loop3A_380 : i32 to index
        %parallel_loop3A_744 = arith.constant 384 : index
        %parallel_loop3A_745 = tpu.vector_load %arg7[%parallel_loop3A_742, %parallel_loop3A_743, %parallel_loop3A_744] {strides = array<i32>} : memref<4x16x768xf32, #tpu.memory_space<vmem>>, vector<1x1x16xf32>,
        %parallel_loop3A_746 = vector.shape_cast %parallel_loop3A_745 : vector<1x1x16xf32> to vector<16xf32>
        %parallel_loop3A_747 = vector.shape_cast %parallel_loop3A_642 : vector<16xf32> to vector<1x1x16xf32>
        tpu.vector_store %arg7[%parallel_loop3A_742, %parallel_loop3A_743, %parallel_loop3A_744], %parallel_loop3A_747 {add = true, strides = array<i32>} : memref<4x16x768xf32, #tpu.memory_space<vmem>>, vector<1x1x16xf32>,
        %parallel_loop3A_748 = arith.constant 3 : i32
        %parallel_loop3A_749 = arith.index_cast %parallel_loop3A_748 : i32 to index
        %parallel_loop3A_750 = arith.index_cast %parallel_loop3A_380 : i32 to index
        %parallel_loop3A_751 = arith.constant 400 : index
        %parallel_loop3A_752 = tpu.vector_load %arg7[%parallel_loop3A_749, %parallel_loop3A_750, %parallel_loop3A_751] {strides = array<i32>} : memref<4x16x768xf32, #tpu.memory_space<vmem>>, vector<1x1x16xf32>,
        %parallel_loop3A_753 = vector.shape_cast %parallel_loop3A_752 : vector<1x1x16xf32> to vector<16xf32>
        %parallel_loop3A_754 = vector.shape_cast %parallel_loop3A_648 : vector<16xf32> to vector<1x1x16xf32>
        tpu.vector_store %arg7[%parallel_loop3A_749, %parallel_loop3A_750, %parallel_loop3A_751], %parallel_loop3A_754 {add = true, strides = array<i32>} : memref<4x16x768xf32, #tpu.memory_space<vmem>>, vector<1x1x16xf32>,
        %parallel_loop3A_755 = arith.constant 3 : i32
        %parallel_loop3A_756 = arith.index_cast %parallel_loop3A_755 : i32 to index
        %parallel_loop3A_757 = arith.index_cast %parallel_loop3A_380 : i32 to index
        %parallel_loop3A_758 = arith.constant 416 : index
        %parallel_loop3A_759 = tpu.vector_load %arg7[%parallel_loop3A_756, %parallel_loop3A_757, %parallel_loop3A_758] {strides = array<i32>} : memref<4x16x768xf32, #tpu.memory_space<vmem>>, vector<1x1x16xf32>,
        %parallel_loop3A_760 = vector.shape_cast %parallel_loop3A_759 : vector<1x1x16xf32> to vector<16xf32>
        %parallel_loop3A_761 = vector.shape_cast %parallel_loop3A_654 : vector<16xf32> to vector<1x1x16xf32>
        tpu.vector_store %arg7[%parallel_loop3A_756, %parallel_loop3A_757, %parallel_loop3A_758], %parallel_loop3A_761 {add = true, strides = array<i32>} : memref<4x16x768xf32, #tpu.memory_space<vmem>>, vector<1x1x16xf32>,
        %parallel_loop3A_762 = arith.constant 3 : i32
        %parallel_loop3A_763 = arith.index_cast %parallel_loop3A_762 : i32 to index
        %parallel_loop3A_764 = arith.index_cast %parallel_loop3A_380 : i32 to index
        %parallel_loop3A_765 = arith.constant 432 : index
        %parallel_loop3A_766 = tpu.vector_load %arg7[%parallel_loop3A_763, %parallel_loop3A_764, %parallel_loop3A_765] {strides = array<i32>} : memref<4x16x768xf32, #tpu.memory_space<vmem>>, vector<1x1x16xf32>,
        %parallel_loop3A_767 = vector.shape_cast %parallel_loop3A_766 : vector<1x1x16xf32> to vector<16xf32>
        %parallel_loop3A_768 = vector.shape_cast %parallel_loop3A_660 : vector<16xf32> to vector<1x1x16xf32>
        tpu.vector_store %arg7[%parallel_loop3A_763, %parallel_loop3A_764, %parallel_loop3A_765], %parallel_loop3A_768 {add = true, strides = array<i32>} : memref<4x16x768xf32, #tpu.memory_space<vmem>>, vector<1x1x16xf32>,
        %parallel_loop3A_769 = arith.constant 3 : i32
        %parallel_loop3A_770 = arith.index_cast %parallel_loop3A_769 : i32 to index
        %parallel_loop3A_771 = arith.index_cast %parallel_loop3A_380 : i32 to index
        %parallel_loop3A_772 = arith.constant 448 : index
        %parallel_loop3A_773 = tpu.vector_load %arg7[%parallel_loop3A_770, %parallel_loop3A_771, %parallel_loop3A_772] {strides = array<i32>} : memref<4x16x768xf32, #tpu.memory_space<vmem>>, vector<1x1x16xf32>,
        %parallel_loop3A_774 = vector.shape_cast %parallel_loop3A_773 : vector<1x1x16xf32> to vector<16xf32>
        %parallel_loop3A_775 = vector.shape_cast %parallel_loop3A_666 : vector<16xf32> to vector<1x1x16xf32>
        tpu.vector_store %arg7[%parallel_loop3A_770, %parallel_loop3A_771, %parallel_loop3A_772], %parallel_loop3A_775 {add = true, strides = array<i32>} : memref<4x16x768xf32, #tpu.memory_space<vmem>>, vector<1x1x16xf32>,
        %parallel_loop3A_776 = arith.constant 3 : i32
        %parallel_loop3A_777 = arith.index_cast %parallel_loop3A_776 : i32 to index
        %parallel_loop3A_778 = arith.index_cast %parallel_loop3A_380 : i32 to index
        %parallel_loop3A_779 = arith.constant 464 : index
        %parallel_loop3A_780 = tpu.vector_load %arg7[%parallel_loop3A_777, %parallel_loop3A_778, %parallel_loop3A_779] {strides = array<i32>} : memref<4x16x768xf32, #tpu.memory_space<vmem>>, vector<1x1x16xf32>,
        %parallel_loop3A_781 = vector.shape_cast %parallel_loop3A_780 : vector<1x1x16xf32> to vector<16xf32>
        %parallel_loop3A_782 = vector.shape_cast %parallel_loop3A_672 : vector<16xf32> to vector<1x1x16xf32>
        tpu.vector_store %arg7[%parallel_loop3A_777, %parallel_loop3A_778, %parallel_loop3A_779], %parallel_loop3A_782 {add = true, strides = array<i32>} : memref<4x16x768xf32, #tpu.memory_space<vmem>>, vector<1x1x16xf32>,
        %parallel_loop3A_783 = arith.constant 3 : i32
        %parallel_loop3A_784 = arith.index_cast %parallel_loop3A_783 : i32 to index
        %parallel_loop3A_785 = arith.index_cast %parallel_loop3A_380 : i32 to index
        %parallel_loop3A_786 = arith.constant 480 : index
        %parallel_loop3A_787 = tpu.vector_load %arg7[%parallel_loop3A_784, %parallel_loop3A_785, %parallel_loop3A_786] {strides = array<i32>} : memref<4x16x768xf32, #tpu.memory_space<vmem>>, vector<1x1x16xf32>,
        %parallel_loop3A_788 = vector.shape_cast %parallel_loop3A_787 : vector<1x1x16xf32> to vector<16xf32>
        %parallel_loop3A_789 = vector.shape_cast %parallel_loop3A_678 : vector<16xf32> to vector<1x1x16xf32>
        tpu.vector_store %arg7[%parallel_loop3A_784, %parallel_loop3A_785, %parallel_loop3A_786], %parallel_loop3A_789 {add = true, strides = array<i32>} : memref<4x16x768xf32, #tpu.memory_space<vmem>>, vector<1x1x16xf32>,
        %parallel_loop3A_790 = arith.constant 3 : i32
        %parallel_loop3A_791 = arith.index_cast %parallel_loop3A_790 : i32 to index
        %parallel_loop3A_792 = arith.index_cast %parallel_loop3A_380 : i32 to index
        %parallel_loop3A_793 = arith.constant 496 : index
        %parallel_loop3A_794 = tpu.vector_load %arg7[%parallel_loop3A_791, %parallel_loop3A_792, %parallel_loop3A_793] {strides = array<i32>} : memref<4x16x768xf32, #tpu.memory_space<vmem>>, vector<1x1x16xf32>,
        %parallel_loop3A_795 = vector.shape_cast %parallel_loop3A_794 : vector<1x1x16xf32> to vector<16xf32>
        %parallel_loop3A_796 = vector.shape_cast %parallel_loop3A_684 : vector<16xf32> to vector<1x1x16xf32>
        tpu.vector_store %arg7[%parallel_loop3A_791, %parallel_loop3A_792, %parallel_loop3A_793], %parallel_loop3A_796 {add = true, strides = array<i32>} : memref<4x16x768xf32, #tpu.memory_space<vmem>>, vector<1x1x16xf32>,
        %parallel_loop3A_797 = arith.constant 3 : i32
        %parallel_loop3A_798 = arith.index_cast %parallel_loop3A_797 : i32 to index
        %parallel_loop3A_799 = arith.index_cast %parallel_loop3A_380 : i32 to index
        %parallel_loop3A_800 = arith.constant 512 : index
        %parallel_loop3A_801 = tpu.vector_load %arg8[%parallel_loop3A_798, %parallel_loop3A_799, %parallel_loop3A_800] {strides = array<i32>} : memref<4x16x768xf32, #tpu.memory_space<vmem>>, vector<1x1x16xf32>,
        %parallel_loop3A_802 = vector.shape_cast %parallel_loop3A_801 : vector<1x1x16xf32> to vector<16xf32>
        %parallel_loop3A_803 = arith.constant 3 : i32
        %parallel_loop3A_804 = arith.index_cast %parallel_loop3A_803 : i32 to index
        %parallel_loop3A_805 = arith.index_cast %parallel_loop3A_380 : i32 to index
        %parallel_loop3A_806 = arith.constant 528 : index
        %parallel_loop3A_807 = tpu.vector_load %arg8[%parallel_loop3A_804, %parallel_loop3A_805, %parallel_loop3A_806] {strides = array<i32>} : memref<4x16x768xf32, #tpu.memory_space<vmem>>, vector<1x1x16xf32>,
        %parallel_loop3A_808 = vector.shape_cast %parallel_loop3A_807 : vector<1x1x16xf32> to vector<16xf32>
        %parallel_loop3A_809 = arith.constant 3 : i32
        %parallel_loop3A_810 = arith.index_cast %parallel_loop3A_809 : i32 to index
        %parallel_loop3A_811 = arith.index_cast %parallel_loop3A_380 : i32 to index
        %parallel_loop3A_812 = arith.constant 544 : index
        %parallel_loop3A_813 = tpu.vector_load %arg8[%parallel_loop3A_810, %parallel_loop3A_811, %parallel_loop3A_812] {strides = array<i32>} : memref<4x16x768xf32, #tpu.memory_space<vmem>>, vector<1x1x16xf32>,
        %parallel_loop3A_814 = vector.shape_cast %parallel_loop3A_813 : vector<1x1x16xf32> to vector<16xf32>
        %parallel_loop3A_815 = arith.constant 3 : i32
        %parallel_loop3A_816 = arith.index_cast %parallel_loop3A_815 : i32 to index
        %parallel_loop3A_817 = arith.index_cast %parallel_loop3A_380 : i32 to index
        %parallel_loop3A_818 = arith.constant 560 : index
        %parallel_loop3A_819 = tpu.vector_load %arg8[%parallel_loop3A_816, %parallel_loop3A_817, %parallel_loop3A_818] {strides = array<i32>} : memref<4x16x768xf32, #tpu.memory_space<vmem>>, vector<1x1x16xf32>,
        %parallel_loop3A_820 = vector.shape_cast %parallel_loop3A_819 : vector<1x1x16xf32> to vector<16xf32>
        %parallel_loop3A_821 = arith.constant 3 : i32
        %parallel_loop3A_822 = arith.index_cast %parallel_loop3A_821 : i32 to index
        %parallel_loop3A_823 = arith.index_cast %parallel_loop3A_380 : i32 to index
        %parallel_loop3A_824 = arith.constant 576 : index
        %parallel_loop3A_825 = tpu.vector_load %arg8[%parallel_loop3A_822, %parallel_loop3A_823, %parallel_loop3A_824] {strides = array<i32>} : memref<4x16x768xf32, #tpu.memory_space<vmem>>, vector<1x1x16xf32>,
        %parallel_loop3A_826 = vector.shape_cast %parallel_loop3A_825 : vector<1x1x16xf32> to vector<16xf32>
        %parallel_loop3A_827 = arith.constant 3 : i32
        %parallel_loop3A_828 = arith.index_cast %parallel_loop3A_827 : i32 to index
        %parallel_loop3A_829 = arith.index_cast %parallel_loop3A_380 : i32 to index
        %parallel_loop3A_830 = arith.constant 592 : index
        %parallel_loop3A_831 = tpu.vector_load %arg8[%parallel_loop3A_828, %parallel_loop3A_829, %parallel_loop3A_830] {strides = array<i32>} : memref<4x16x768xf32, #tpu.memory_space<vmem>>, vector<1x1x16xf32>,
        %parallel_loop3A_832 = vector.shape_cast %parallel_loop3A_831 : vector<1x1x16xf32> to vector<16xf32>
        %parallel_loop3A_833 = arith.constant 3 : i32
        %parallel_loop3A_834 = arith.index_cast %parallel_loop3A_833 : i32 to index
        %parallel_loop3A_835 = arith.index_cast %parallel_loop3A_380 : i32 to index
        %parallel_loop3A_836 = arith.constant 608 : index
        %parallel_loop3A_837 = tpu.vector_load %arg8[%parallel_loop3A_834, %parallel_loop3A_835, %parallel_loop3A_836] {strides = array<i32>} : memref<4x16x768xf32, #tpu.memory_space<vmem>>, vector<1x1x16xf32>,
        %parallel_loop3A_838 = vector.shape_cast %parallel_loop3A_837 : vector<1x1x16xf32> to vector<16xf32>
        %parallel_loop3A_839 = arith.constant 3 : i32
        %parallel_loop3A_840 = arith.index_cast %parallel_loop3A_839 : i32 to index
        %parallel_loop3A_841 = arith.index_cast %parallel_loop3A_380 : i32 to index
        %parallel_loop3A_842 = arith.constant 624 : index
        %parallel_loop3A_843 = tpu.vector_load %arg8[%parallel_loop3A_840, %parallel_loop3A_841, %parallel_loop3A_842] {strides = array<i32>} : memref<4x16x768xf32, #tpu.memory_space<vmem>>, vector<1x1x16xf32>,
        %parallel_loop3A_844 = vector.shape_cast %parallel_loop3A_843 : vector<1x1x16xf32> to vector<16xf32>
        %parallel_loop3A_845 = arith.constant 3 : i32
        %parallel_loop3A_846 = arith.index_cast %parallel_loop3A_845 : i32 to index
        %parallel_loop3A_847 = arith.index_cast %parallel_loop3A_380 : i32 to index
        %parallel_loop3A_848 = arith.constant 640 : index
        %parallel_loop3A_849 = tpu.vector_load %arg8[%parallel_loop3A_846, %parallel_loop3A_847, %parallel_loop3A_848] {strides = array<i32>} : memref<4x16x768xf32, #tpu.memory_space<vmem>>, vector<1x1x16xf32>,
        %parallel_loop3A_850 = vector.shape_cast %parallel_loop3A_849 : vector<1x1x16xf32> to vector<16xf32>
        %parallel_loop3A_851 = arith.constant 3 : i32
        %parallel_loop3A_852 = arith.index_cast %parallel_loop3A_851 : i32 to index
        %parallel_loop3A_853 = arith.index_cast %parallel_loop3A_380 : i32 to index
        %parallel_loop3A_854 = arith.constant 656 : index
        %parallel_loop3A_855 = tpu.vector_load %arg8[%parallel_loop3A_852, %parallel_loop3A_853, %parallel_loop3A_854] {strides = array<i32>} : memref<4x16x768xf32, #tpu.memory_space<vmem>>, vector<1x1x16xf32>,
        %parallel_loop3A_856 = vector.shape_cast %parallel_loop3A_855 : vector<1x1x16xf32> to vector<16xf32>
        %parallel_loop3A_857 = arith.constant 3 : i32
        %parallel_loop3A_858 = arith.index_cast %parallel_loop3A_857 : i32 to index
        %parallel_loop3A_859 = arith.index_cast %parallel_loop3A_380 : i32 to index
        %parallel_loop3A_860 = arith.constant 672 : index
        %parallel_loop3A_861 = tpu.vector_load %arg8[%parallel_loop3A_858, %parallel_loop3A_859, %parallel_loop3A_860] {strides = array<i32>} : memref<4x16x768xf32, #tpu.memory_space<vmem>>, vector<1x1x16xf32>,
        %parallel_loop3A_862 = vector.shape_cast %parallel_loop3A_861 : vector<1x1x16xf32> to vector<16xf32>
        %parallel_loop3A_863 = arith.constant 3 : i32
        %parallel_loop3A_864 = arith.index_cast %parallel_loop3A_863 : i32 to index
        %parallel_loop3A_865 = arith.index_cast %parallel_loop3A_380 : i32 to index
        %parallel_loop3A_866 = arith.constant 688 : index
        %parallel_loop3A_867 = tpu.vector_load %arg8[%parallel_loop3A_864, %parallel_loop3A_865, %parallel_loop3A_866] {strides = array<i32>} : memref<4x16x768xf32, #tpu.memory_space<vmem>>, vector<1x1x16xf32>,
        %parallel_loop3A_868 = vector.shape_cast %parallel_loop3A_867 : vector<1x1x16xf32> to vector<16xf32>
        %parallel_loop3A_869 = arith.constant 3 : i32
        %parallel_loop3A_870 = arith.index_cast %parallel_loop3A_869 : i32 to index
        %parallel_loop3A_871 = arith.index_cast %parallel_loop3A_380 : i32 to index
        %parallel_loop3A_872 = arith.constant 704 : index
        %parallel_loop3A_873 = tpu.vector_load %arg8[%parallel_loop3A_870, %parallel_loop3A_871, %parallel_loop3A_872] {strides = array<i32>} : memref<4x16x768xf32, #tpu.memory_space<vmem>>, vector<1x1x16xf32>,
        %parallel_loop3A_874 = vector.shape_cast %parallel_loop3A_873 : vector<1x1x16xf32> to vector<16xf32>
        %parallel_loop3A_875 = arith.constant 3 : i32
        %parallel_loop3A_876 = arith.index_cast %parallel_loop3A_875 : i32 to index
        %parallel_loop3A_877 = arith.index_cast %parallel_loop3A_380 : i32 to index
        %parallel_loop3A_878 = arith.constant 720 : index
        %parallel_loop3A_879 = tpu.vector_load %arg8[%parallel_loop3A_876, %parallel_loop3A_877, %parallel_loop3A_878] {strides = array<i32>} : memref<4x16x768xf32, #tpu.memory_space<vmem>>, vector<1x1x16xf32>,
        %parallel_loop3A_880 = vector.shape_cast %parallel_loop3A_879 : vector<1x1x16xf32> to vector<16xf32>
        %parallel_loop3A_881 = arith.constant 3 : i32
        %parallel_loop3A_882 = arith.index_cast %parallel_loop3A_881 : i32 to index
        %parallel_loop3A_883 = arith.index_cast %parallel_loop3A_380 : i32 to index
        %parallel_loop3A_884 = arith.constant 736 : index
        %parallel_loop3A_885 = tpu.vector_load %arg8[%parallel_loop3A_882, %parallel_loop3A_883, %parallel_loop3A_884] {strides = array<i32>} : memref<4x16x768xf32, #tpu.memory_space<vmem>>, vector<1x1x16xf32>,
        %parallel_loop3A_886 = vector.shape_cast %parallel_loop3A_885 : vector<1x1x16xf32> to vector<16xf32>
        %parallel_loop3A_887 = arith.constant 3 : i32
        %parallel_loop3A_888 = arith.index_cast %parallel_loop3A_887 : i32 to index
        %parallel_loop3A_889 = arith.index_cast %parallel_loop3A_380 : i32 to index
        %parallel_loop3A_890 = arith.constant 752 : index
        %parallel_loop3A_891 = tpu.vector_load %arg8[%parallel_loop3A_888, %parallel_loop3A_889, %parallel_loop3A_890] {strides = array<i32>} : memref<4x16x768xf32, #tpu.memory_space<vmem>>, vector<1x1x16xf32>,
        %parallel_loop3A_892 = vector.shape_cast %parallel_loop3A_891 : vector<1x1x16xf32> to vector<16xf32>
        %parallel_loop3A_893 = arith.constant 3 : i32
        %parallel_loop3A_894 = arith.index_cast %parallel_loop3A_893 : i32 to index
        %parallel_loop3A_895 = arith.index_cast %parallel_loop3A_380 : i32 to index
        %parallel_loop3A_896 = arith.constant 512 : index
        %parallel_loop3A_897 = tpu.vector_load %arg7[%parallel_loop3A_894, %parallel_loop3A_895, %parallel_loop3A_896] {strides = array<i32>} : memref<4x16x768xf32, #tpu.memory_space<vmem>>, vector<1x1x16xf32>,
        %parallel_loop3A_898 = vector.shape_cast %parallel_loop3A_897 : vector<1x1x16xf32> to vector<16xf32>
        %parallel_loop3A_899 = vector.shape_cast %parallel_loop3A_802 : vector<16xf32> to vector<1x1x16xf32>
        tpu.vector_store %arg7[%parallel_loop3A_894, %parallel_loop3A_895, %parallel_loop3A_896], %parallel_loop3A_899 {add = true, strides = array<i32>} : memref<4x16x768xf32, #tpu.memory_space<vmem>>, vector<1x1x16xf32>,
        %parallel_loop3A_900 = arith.constant 3 : i32
        %parallel_loop3A_901 = arith.index_cast %parallel_loop3A_900 : i32 to index
        %parallel_loop3A_902 = arith.index_cast %parallel_loop3A_380 : i32 to index
        %parallel_loop3A_903 = arith.constant 528 : index
        %parallel_loop3A_904 = tpu.vector_load %arg7[%parallel_loop3A_901, %parallel_loop3A_902, %parallel_loop3A_903] {strides = array<i32>} : memref<4x16x768xf32, #tpu.memory_space<vmem>>, vector<1x1x16xf32>,
        %parallel_loop3A_905 = vector.shape_cast %parallel_loop3A_904 : vector<1x1x16xf32> to vector<16xf32>
        %parallel_loop3A_906 = vector.shape_cast %parallel_loop3A_808 : vector<16xf32> to vector<1x1x16xf32>
        tpu.vector_store %arg7[%parallel_loop3A_901, %parallel_loop3A_902, %parallel_loop3A_903], %parallel_loop3A_906 {add = true, strides = array<i32>} : memref<4x16x768xf32, #tpu.memory_space<vmem>>, vector<1x1x16xf32>,
        %parallel_loop3A_907 = arith.constant 3 : i32
        %parallel_loop3A_908 = arith.index_cast %parallel_loop3A_907 : i32 to index
        %parallel_loop3A_909 = arith.index_cast %parallel_loop3A_380 : i32 to index
        %parallel_loop3A_910 = arith.constant 544 : index
        %parallel_loop3A_911 = tpu.vector_load %arg7[%parallel_loop3A_908, %parallel_loop3A_909, %parallel_loop3A_910] {strides = array<i32>} : memref<4x16x768xf32, #tpu.memory_space<vmem>>, vector<1x1x16xf32>,
        %parallel_loop3A_912 = vector.shape_cast %parallel_loop3A_911 : vector<1x1x16xf32> to vector<16xf32>
        %parallel_loop3A_913 = vector.shape_cast %parallel_loop3A_814 : vector<16xf32> to vector<1x1x16xf32>
        tpu.vector_store %arg7[%parallel_loop3A_908, %parallel_loop3A_909, %parallel_loop3A_910], %parallel_loop3A_913 {add = true, strides = array<i32>} : memref<4x16x768xf32, #tpu.memory_space<vmem>>, vector<1x1x16xf32>,
        %parallel_loop3A_914 = arith.constant 3 : i32
        %parallel_loop3A_915 = arith.index_cast %parallel_loop3A_914 : i32 to index
        %parallel_loop3A_916 = arith.index_cast %parallel_loop3A_380 : i32 to index
        %parallel_loop3A_917 = arith.constant 560 : index
        %parallel_loop3A_918 = tpu.vector_load %arg7[%parallel_loop3A_915, %parallel_loop3A_916, %parallel_loop3A_917] {strides = array<i32>} : memref<4x16x768xf32, #tpu.memory_space<vmem>>, vector<1x1x16xf32>,
        %parallel_loop3A_919 = vector.shape_cast %parallel_loop3A_918 : vector<1x1x16xf32> to vector<16xf32>
        %parallel_loop3A_920 = vector.shape_cast %parallel_loop3A_820 : vector<16xf32> to vector<1x1x16xf32>
        tpu.vector_store %arg7[%parallel_loop3A_915, %parallel_loop3A_916, %parallel_loop3A_917], %parallel_loop3A_920 {add = true, strides = array<i32>} : memref<4x16x768xf32, #tpu.memory_space<vmem>>, vector<1x1x16xf32>,
        %parallel_loop3A_921 = arith.constant 3 : i32
        %parallel_loop3A_922 = arith.index_cast %parallel_loop3A_921 : i32 to index
        %parallel_loop3A_923 = arith.index_cast %parallel_loop3A_380 : i32 to index
        %parallel_loop3A_924 = arith.constant 576 : index
        %parallel_loop3A_925 = tpu.vector_load %arg7[%parallel_loop3A_922, %parallel_loop3A_923, %parallel_loop3A_924] {strides = array<i32>} : memref<4x16x768xf32, #tpu.memory_space<vmem>>, vector<1x1x16xf32>,
        %parallel_loop3A_926 = vector.shape_cast %parallel_loop3A_925 : vector<1x1x16xf32> to vector<16xf32>
        %parallel_loop3A_927 = vector.shape_cast %parallel_loop3A_826 : vector<16xf32> to vector<1x1x16xf32>
        tpu.vector_store %arg7[%parallel_loop3A_922, %parallel_loop3A_923, %parallel_loop3A_924], %parallel_loop3A_927 {add = true, strides = array<i32>} : memref<4x16x768xf32, #tpu.memory_space<vmem>>, vector<1x1x16xf32>,
        %parallel_loop3A_928 = arith.constant 3 : i32
        %parallel_loop3A_929 = arith.index_cast %parallel_loop3A_928 : i32 to index
        %parallel_loop3A_930 = arith.index_cast %parallel_loop3A_380 : i32 to index
        %parallel_loop3A_931 = arith.constant 592 : index
        %parallel_loop3A_932 = tpu.vector_load %arg7[%parallel_loop3A_929, %parallel_loop3A_930, %parallel_loop3A_931] {strides = array<i32>} : memref<4x16x768xf32, #tpu.memory_space<vmem>>, vector<1x1x16xf32>,
        %parallel_loop3A_933 = vector.shape_cast %parallel_loop3A_932 : vector<1x1x16xf32> to vector<16xf32>
        %parallel_loop3A_934 = vector.shape_cast %parallel_loop3A_832 : vector<16xf32> to vector<1x1x16xf32>
        tpu.vector_store %arg7[%parallel_loop3A_929, %parallel_loop3A_930, %parallel_loop3A_931], %parallel_loop3A_934 {add = true, strides = array<i32>} : memref<4x16x768xf32, #tpu.memory_space<vmem>>, vector<1x1x16xf32>,
        %parallel_loop3A_935 = arith.constant 3 : i32
        %parallel_loop3A_936 = arith.index_cast %parallel_loop3A_935 : i32 to index
        %parallel_loop3A_937 = arith.index_cast %parallel_loop3A_380 : i32 to index
        %parallel_loop3A_938 = arith.constant 608 : index
        %parallel_loop3A_939 = tpu.vector_load %arg7[%parallel_loop3A_936, %parallel_loop3A_937, %parallel_loop3A_938] {strides = array<i32>} : memref<4x16x768xf32, #tpu.memory_space<vmem>>, vector<1x1x16xf32>,
        %parallel_loop3A_940 = vector.shape_cast %parallel_loop3A_939 : vector<1x1x16xf32> to vector<16xf32>
        %parallel_loop3A_941 = vector.shape_cast %parallel_loop3A_838 : vector<16xf32> to vector<1x1x16xf32>
        tpu.vector_store %arg7[%parallel_loop3A_936, %parallel_loop3A_937, %parallel_loop3A_938], %parallel_loop3A_941 {add = true, strides = array<i32>} : memref<4x16x768xf32, #tpu.memory_space<vmem>>, vector<1x1x16xf32>,
        %parallel_loop3A_942 = arith.constant 3 : i32
        %parallel_loop3A_943 = arith.index_cast %parallel_loop3A_942 : i32 to index
        %parallel_loop3A_944 = arith.index_cast %parallel_loop3A_380 : i32 to index
        %parallel_loop3A_945 = arith.constant 624 : index
        %parallel_loop3A_946 = tpu.vector_load %arg7[%parallel_loop3A_943, %parallel_loop3A_944, %parallel_loop3A_945] {strides = array<i32>} : memref<4x16x768xf32, #tpu.memory_space<vmem>>, vector<1x1x16xf32>,
        %parallel_loop3A_947 = vector.shape_cast %parallel_loop3A_946 : vector<1x1x16xf32> to vector<16xf32>
        %parallel_loop3A_948 = vector.shape_cast %parallel_loop3A_844 : vector<16xf32> to vector<1x1x16xf32>
        tpu.vector_store %arg7[%parallel_loop3A_943, %parallel_loop3A_944, %parallel_loop3A_945], %parallel_loop3A_948 {add = true, strides = array<i32>} : memref<4x16x768xf32, #tpu.memory_space<vmem>>, vector<1x1x16xf32>,
        %parallel_loop3A_949 = arith.constant 3 : i32
        %parallel_loop3A_950 = arith.index_cast %parallel_loop3A_949 : i32 to index
        %parallel_loop3A_951 = arith.index_cast %parallel_loop3A_380 : i32 to index
        %parallel_loop3A_952 = arith.constant 640 : index
        %parallel_loop3A_953 = tpu.vector_load %arg7[%parallel_loop3A_950, %parallel_loop3A_951, %parallel_loop3A_952] {strides = array<i32>} : memref<4x16x768xf32, #tpu.memory_space<vmem>>, vector<1x1x16xf32>,
        %parallel_loop3A_954 = vector.shape_cast %parallel_loop3A_953 : vector<1x1x16xf32> to vector<16xf32>
        %parallel_loop3A_955 = vector.shape_cast %parallel_loop3A_850 : vector<16xf32> to vector<1x1x16xf32>
        tpu.vector_store %arg7[%parallel_loop3A_950, %parallel_loop3A_951, %parallel_loop3A_952], %parallel_loop3A_955 {add = true, strides = array<i32>} : memref<4x16x768xf32, #tpu.memory_space<vmem>>, vector<1x1x16xf32>,
        %parallel_loop3A_956 = arith.constant 3 : i32
        %parallel_loop3A_957 = arith.index_cast %parallel_loop3A_956 : i32 to index
        %parallel_loop3A_958 = arith.index_cast %parallel_loop3A_380 : i32 to index
        %parallel_loop3A_959 = arith.constant 656 : index
        %parallel_loop3A_960 = tpu.vector_load %arg7[%parallel_loop3A_957, %parallel_loop3A_958, %parallel_loop3A_959] {strides = array<i32>} : memref<4x16x768xf32, #tpu.memory_space<vmem>>, vector<1x1x16xf32>,
        %parallel_loop3A_961 = vector.shape_cast %parallel_loop3A_960 : vector<1x1x16xf32> to vector<16xf32>
        %parallel_loop3A_962 = vector.shape_cast %parallel_loop3A_856 : vector<16xf32> to vector<1x1x16xf32>
        tpu.vector_store %arg7[%parallel_loop3A_957, %parallel_loop3A_958, %parallel_loop3A_959], %parallel_loop3A_962 {add = true, strides = array<i32>} : memref<4x16x768xf32, #tpu.memory_space<vmem>>, vector<1x1x16xf32>,
        %parallel_loop3A_963 = arith.constant 3 : i32
        %parallel_loop3A_964 = arith.index_cast %parallel_loop3A_963 : i32 to index
        %parallel_loop3A_965 = arith.index_cast %parallel_loop3A_380 : i32 to index
        %parallel_loop3A_966 = arith.constant 672 : index
        %parallel_loop3A_967 = tpu.vector_load %arg7[%parallel_loop3A_964, %parallel_loop3A_965, %parallel_loop3A_966] {strides = array<i32>} : memref<4x16x768xf32, #tpu.memory_space<vmem>>, vector<1x1x16xf32>,
        %parallel_loop3A_968 = vector.shape_cast %parallel_loop3A_967 : vector<1x1x16xf32> to vector<16xf32>
        %parallel_loop3A_969 = vector.shape_cast %parallel_loop3A_862 : vector<16xf32> to vector<1x1x16xf32>
        tpu.vector_store %arg7[%parallel_loop3A_964, %parallel_loop3A_965, %parallel_loop3A_966], %parallel_loop3A_969 {add = true, strides = array<i32>} : memref<4x16x768xf32, #tpu.memory_space<vmem>>, vector<1x1x16xf32>,
        %parallel_loop3A_970 = arith.constant 3 : i32
        %parallel_loop3A_971 = arith.index_cast %parallel_loop3A_970 : i32 to index
        %parallel_loop3A_972 = arith.index_cast %parallel_loop3A_380 : i32 to index
        %parallel_loop3A_973 = arith.constant 688 : index
        %parallel_loop3A_974 = tpu.vector_load %arg7[%parallel_loop3A_971, %parallel_loop3A_972, %parallel_loop3A_973] {strides = array<i32>} : memref<4x16x768xf32, #tpu.memory_space<vmem>>, vector<1x1x16xf32>,
        %parallel_loop3A_975 = vector.shape_cast %parallel_loop3A_974 : vector<1x1x16xf32> to vector<16xf32>
        %parallel_loop3A_976 = vector.shape_cast %parallel_loop3A_868 : vector<16xf32> to vector<1x1x16xf32>
        tpu.vector_store %arg7[%parallel_loop3A_971, %parallel_loop3A_972, %parallel_loop3A_973], %parallel_loop3A_976 {add = true, strides = array<i32>} : memref<4x16x768xf32, #tpu.memory_space<vmem>>, vector<1x1x16xf32>,
        %parallel_loop3A_977 = arith.constant 3 : i32
        %parallel_loop3A_978 = arith.index_cast %parallel_loop3A_977 : i32 to index
        %parallel_loop3A_979 = arith.index_cast %parallel_loop3A_380 : i32 to index
        %parallel_loop3A_980 = arith.constant 704 : index
        %parallel_loop3A_981 = tpu.vector_load %arg7[%parallel_loop3A_978, %parallel_loop3A_979, %parallel_loop3A_980] {strides = array<i32>} : memref<4x16x768xf32, #tpu.memory_space<vmem>>, vector<1x1x16xf32>,
        %parallel_loop3A_982 = vector.shape_cast %parallel_loop3A_981 : vector<1x1x16xf32> to vector<16xf32>
        %parallel_loop3A_983 = vector.shape_cast %parallel_loop3A_874 : vector<16xf32> to vector<1x1x16xf32>
        tpu.vector_store %arg7[%parallel_loop3A_978, %parallel_loop3A_979, %parallel_loop3A_980], %parallel_loop3A_983 {add = true, strides = array<i32>} : memref<4x16x768xf32, #tpu.memory_space<vmem>>, vector<1x1x16xf32>,
        %parallel_loop3A_984 = arith.constant 3 : i32
        %parallel_loop3A_985 = arith.index_cast %parallel_loop3A_984 : i32 to index
        %parallel_loop3A_986 = arith.index_cast %parallel_loop3A_380 : i32 to index
        %parallel_loop3A_987 = arith.constant 720 : index
        %parallel_loop3A_988 = tpu.vector_load %arg7[%parallel_loop3A_985, %parallel_loop3A_986, %parallel_loop3A_987] {strides = array<i32>} : memref<4x16x768xf32, #tpu.memory_space<vmem>>, vector<1x1x16xf32>,
        %parallel_loop3A_989 = vector.shape_cast %parallel_loop3A_988 : vector<1x1x16xf32> to vector<16xf32>
        %parallel_loop3A_990 = vector.shape_cast %parallel_loop3A_880 : vector<16xf32> to vector<1x1x16xf32>
        tpu.vector_store %arg7[%parallel_loop3A_985, %parallel_loop3A_986, %parallel_loop3A_987], %parallel_loop3A_990 {add = true, strides = array<i32>} : memref<4x16x768xf32, #tpu.memory_space<vmem>>, vector<1x1x16xf32>,
        %parallel_loop3A_991 = arith.constant 3 : i32
        %parallel_loop3A_992 = arith.index_cast %parallel_loop3A_991 : i32 to index
        %parallel_loop3A_993 = arith.index_cast %parallel_loop3A_380 : i32 to index
        %parallel_loop3A_994 = arith.constant 736 : index
        %parallel_loop3A_995 = tpu.vector_load %arg7[%parallel_loop3A_992, %parallel_loop3A_993, %parallel_loop3A_994] {strides = array<i32>} : memref<4x16x768xf32, #tpu.memory_space<vmem>>, vector<1x1x16xf32>,
        %parallel_loop3A_996 = vector.shape_cast %parallel_loop3A_995 : vector<1x1x16xf32> to vector<16xf32>
        %parallel_loop3A_997 = vector.shape_cast %parallel_loop3A_886 : vector<16xf32> to vector<1x1x16xf32>
        tpu.vector_store %arg7[%parallel_loop3A_992, %parallel_loop3A_993, %parallel_loop3A_994], %parallel_loop3A_997 {add = true, strides = array<i32>} : memref<4x16x768xf32, #tpu.memory_space<vmem>>, vector<1x1x16xf32>,
        %parallel_loop3A_998 = arith.constant 3 : i32
        %parallel_loop3A_999 = arith.index_cast %parallel_loop3A_998 : i32 to index
        %parallel_loop3A_1000 = arith.index_cast %parallel_loop3A_380 : i32 to index
        %parallel_loop3A_1001 = arith.constant 752 : index
        %parallel_loop3A_1002 = tpu.vector_load %arg7[%parallel_loop3A_999, %parallel_loop3A_1000, %parallel_loop3A_1001] {strides = array<i32>} : memref<4x16x768xf32, #tpu.memory_space<vmem>>, vector<1x1x16xf32>,
        %parallel_loop3A_1003 = vector.shape_cast %parallel_loop3A_1002 : vector<1x1x16xf32> to vector<16xf32>
        %parallel_loop3A_1004 = vector.shape_cast %parallel_loop3A_892 : vector<16xf32> to vector<1x1x16xf32>
        tpu.vector_store %arg7[%parallel_loop3A_999, %parallel_loop3A_1000, %parallel_loop3A_1001], %parallel_loop3A_1004 {add = true, strides = array<i32>} : memref<4x16x768xf32, #tpu.memory_space<vmem>>, vector<1x1x16xf32>,
      } {sc.loop_unroll_factor = 1 : i64, sc.parallel_access}
      %mul3A_364 = arith.constant 16 : i32
      %mul3A_365 = arith.muli %add3A_321, %mul3A_364 : i32
      %add3A_366 = arith.addi %mul3A_2, %mul3A_365 : i32
      %dma_start3A_367 = arith.constant 3 : i32
      %dma_start3A_368 = arith.constant 0 : i32
      %dma_start3A_369 = arith.constant 0 : i32
      %dma_start3A_370 = tpu.memref_slice %arg7[%dma_start3A_367, %dma_start3A_368, %dma_start3A_369] : memref<4x16x768xf32, #tpu.memory_space<vmem>> -> memref<1x16x768xf32, #tpu.memory_space<vmem>>
      %dma_start3A_371 = tpu.memref_squeeze %dma_start3A_370 : memref<1x16x768xf32, #tpu.memory_space<vmem>> -> memref<16x768xf32, #tpu.memory_space<vmem>>
      %dma_start3A_372 = arith.constant 0 : i32
      %dma_start3A_373 = tpu.memref_slice %arg5[%add3A_366, %dma_start3A_372] : memref<32768x768xf32, #tpu.memory_space<hbm>> -> memref<16x768xf32, #tpu.memory_space<hbm>>
      %dma_start3A_374 = arith.constant 0 : i32
      %dma_start3A_375 = tpu.memref_slice %arg5[%add3A_366, %dma_start3A_374] : memref<32768x768xf32, #tpu.memory_space<hbm>> -> memref<16x768xf32, #tpu.memory_space<hbm>>
      %dma_start3A_376 = arith.constant 0 : i32
      %dma_start3A_377 = arith.constant 0 : i32
      %dma_start3A_378 = tpu.memref_slice %arg7[%dma_start3A_367, %dma_start3A_376, %dma_start3A_377] : memref<4x16x768xf32, #tpu.memory_space<vmem>> -> memref<1x16x768xf32, #tpu.memory_space<vmem>>
      %dma_start3A_379 = tpu.memref_squeeze %dma_start3A_378 : memref<1x16x768xf32, #tpu.memory_space<vmem>> -> memref<16x768xf32, #tpu.memory_space<vmem>>
      tpu.enqueue_dma source(%dma_start3A_379 : memref<16x768xf32, #tpu.memory_space<vmem>>) target(%dma_start3A_375 : memref<16x768xf32, #tpu.memory_space<hbm>>) target_semaphore(%arg20 : memref<!tpu.dma_semaphore, #tpu.memory_space<semaphore_mem>>)
    }
    %scan3A_80 = arith.constant 16 : i32
    %dma_wait3A = arith.constant 0 : i32
    %dma_wait3A_81 = arith.constant 0 : i32
    %dma_wait3A_82 = arith.constant 0 : i32
    %dma_wait3A_83 = tpu.memref_slice %arg7[%dma_wait3A, %dma_wait3A_81, %dma_wait3A_82] : memref<4x16x768xf32, #tpu.memory_space<vmem>> -> memref<1x16x768xf32, #tpu.memory_space<vmem>>
    %dma_wait3A_84 = tpu.memref_squeeze %dma_wait3A_83 : memref<1x16x768xf32, #tpu.memory_space<vmem>> -> memref<16x768xf32, #tpu.memory_space<vmem>>
    %dma_wait3A_85 = arith.constant 0 : i32
    %dma_wait3A_86 = arith.constant 0 : i32
    %dma_wait3A_87 = tpu.memref_slice %arg5[%dma_wait3A_85, %dma_wait3A_86] : memref<32768x768xf32, #tpu.memory_space<hbm>> -> memref<16x768xf32, #tpu.memory_space<hbm>>
    %dma_wait3A_88 = arith.constant 0 : i32
    %dma_wait3A_89 = arith.constant 0 : i32
    %dma_wait3A_90 = tpu.memref_slice %arg5[%dma_wait3A_88, %dma_wait3A_89] : memref<32768x768xf32, #tpu.memory_space<hbm>> -> memref<16x768xf32, #tpu.memory_space<hbm>>
    %dma_wait3A_91 = arith.constant 0 : i32
    %dma_wait3A_92 = arith.constant 0 : i32
    %dma_wait3A_93 = tpu.memref_slice %arg7[%dma_wait3A, %dma_wait3A_91, %dma_wait3A_92] : memref<4x16x768xf32, #tpu.memory_space<vmem>> -> memref<1x16x768xf32, #tpu.memory_space<vmem>>
    %dma_wait3A_94 = tpu.memref_squeeze %dma_wait3A_93 : memref<1x16x768xf32, #tpu.memory_space<vmem>> -> memref<16x768xf32, #tpu.memory_space<vmem>>
    tpu.wait_dma2 semaphore(%arg17 : memref<!tpu.dma_semaphore, #tpu.memory_space<semaphore_mem>>) src(%dma_wait3A_94 : memref<16x768xf32, #tpu.memory_space<vmem>>) dst(%dma_wait3A_90 : memref<16x768xf32, #tpu.memory_space<hbm>>)
    %dma_wait3A_95 = arith.constant 1 : i32
    %dma_wait3A_96 = arith.constant 0 : i32
    %dma_wait3A_97 = arith.constant 0 : i32
    %dma_wait3A_98 = tpu.memref_slice %arg7[%dma_wait3A_95, %dma_wait3A_96, %dma_wait3A_97] : memref<4x16x768xf32, #tpu.memory_space<vmem>> -> memref<1x16x768xf32, #tpu.memory_space<vmem>>
    %dma_wait3A_99 = tpu.memref_squeeze %dma_wait3A_98 : memref<1x16x768xf32, #tpu.memory_space<vmem>> -> memref<16x768xf32, #tpu.memory_space<vmem>>
    %dma_wait3A_100 = arith.constant 0 : i32
    %dma_wait3A_101 = arith.constant 0 : i32
    %dma_wait3A_102 = tpu.memref_slice %arg5[%dma_wait3A_100, %dma_wait3A_101] : memref<32768x768xf32, #tpu.memory_space<hbm>> -> memref<16x768xf32, #tpu.memory_space<hbm>>
    %dma_wait3A_103 = arith.constant 0 : i32
    %dma_wait3A_104 = arith.constant 0 : i32
    %dma_wait3A_105 = tpu.memref_slice %arg5[%dma_wait3A_103, %dma_wait3A_104] : memref<32768x768xf32, #tpu.memory_space<hbm>> -> memref<16x768xf32, #tpu.memory_space<hbm>>
    %dma_wait3A_106 = arith.constant 0 : i32
    %dma_wait3A_107 = arith.constant 0 : i32
    %dma_wait3A_108 = tpu.memref_slice %arg7[%dma_wait3A_95, %dma_wait3A_106, %dma_wait3A_107] : memref<4x16x768xf32, #tpu.memory_space<vmem>> -> memref<1x16x768xf32, #tpu.memory_space<vmem>>
    %dma_wait3A_109 = tpu.memref_squeeze %dma_wait3A_108 : memref<1x16x768xf32, #tpu.memory_space<vmem>> -> memref<16x768xf32, #tpu.memory_space<vmem>>
    tpu.wait_dma2 semaphore(%arg18 : memref<!tpu.dma_semaphore, #tpu.memory_space<semaphore_mem>>) src(%dma_wait3A_109 : memref<16x768xf32, #tpu.memory_space<vmem>>) dst(%dma_wait3A_105 : memref<16x768xf32, #tpu.memory_space<hbm>>)
    %dma_wait3A_110 = arith.constant 2 : i32
    %dma_wait3A_111 = arith.constant 0 : i32
    %dma_wait3A_112 = arith.constant 0 : i32
    %dma_wait3A_113 = tpu.memref_slice %arg7[%dma_wait3A_110, %dma_wait3A_111, %dma_wait3A_112] : memref<4x16x768xf32, #tpu.memory_space<vmem>> -> memref<1x16x768xf32, #tpu.memory_space<vmem>>
    %dma_wait3A_114 = tpu.memref_squeeze %dma_wait3A_113 : memref<1x16x768xf32, #tpu.memory_space<vmem>> -> memref<16x768xf32, #tpu.memory_space<vmem>>
    %dma_wait3A_115 = arith.constant 0 : i32
    %dma_wait3A_116 = arith.constant 0 : i32
    %dma_wait3A_117 = tpu.memref_slice %arg5[%dma_wait3A_115, %dma_wait3A_116] : memref<32768x768xf32, #tpu.memory_space<hbm>> -> memref<16x768xf32, #tpu.memory_space<hbm>>
    %dma_wait3A_118 = arith.constant 0 : i32
    %dma_wait3A_119 = arith.constant 0 : i32
    %dma_wait3A_120 = tpu.memref_slice %arg5[%dma_wait3A_118, %dma_wait3A_119] : memref<32768x768xf32, #tpu.memory_space<hbm>> -> memref<16x768xf32, #tpu.memory_space<hbm>>
    %dma_wait3A_121 = arith.constant 0 : i32
    %dma_wait3A_122 = arith.constant 0 : i32
    %dma_wait3A_123 = tpu.memref_slice %arg7[%dma_wait3A_110, %dma_wait3A_121, %dma_wait3A_122] : memref<4x16x768xf32, #tpu.memory_space<vmem>> -> memref<1x16x768xf32, #tpu.memory_space<vmem>>
    %dma_wait3A_124 = tpu.memref_squeeze %dma_wait3A_123 : memref<1x16x768xf32, #tpu.memory_space<vmem>> -> memref<16x768xf32, #tpu.memory_space<vmem>>
    tpu.wait_dma2 semaphore(%arg19 : memref<!tpu.dma_semaphore, #tpu.memory_space<semaphore_mem>>) src(%dma_wait3A_124 : memref<16x768xf32, #tpu.memory_space<vmem>>) dst(%dma_wait3A_120 : memref<16x768xf32, #tpu.memory_space<hbm>>)
    %dma_wait3A_125 = arith.constant 3 : i32
    %dma_wait3A_126 = arith.constant 0 : i32
    %dma_wait3A_127 = arith.constant 0 : i32
    %dma_wait3A_128 = tpu.memref_slice %arg7[%dma_wait3A_125, %dma_wait3A_126, %dma_wait3A_127] : memref<4x16x768xf32, #tpu.memory_space<vmem>> -> memref<1x16x768xf32, #tpu.memory_space<vmem>>
    %dma_wait3A_129 = tpu.memref_squeeze %dma_wait3A_128 : memref<1x16x768xf32, #tpu.memory_space<vmem>> -> memref<16x768xf32, #tpu.memory_space<vmem>>
    %dma_wait3A_130 = arith.constant 0 : i32
    %dma_wait3A_131 = arith.constant 0 : i32
    %dma_wait3A_132 = tpu.memref_slice %arg5[%dma_wait3A_130, %dma_wait3A_131] : memref<32768x768xf32, #tpu.memory_space<hbm>> -> memref<16x768xf32, #tpu.memory_space<hbm>>
    %dma_wait3A_133 = arith.constant 0 : i32
    %dma_wait3A_134 = arith.constant 0 : i32
    %dma_wait3A_135 = tpu.memref_slice %arg5[%dma_wait3A_133, %dma_wait3A_134] : memref<32768x768xf32, #tpu.memory_space<hbm>> -> memref<16x768xf32, #tpu.memory_space<hbm>>
    %dma_wait3A_136 = arith.constant 0 : i32
    %dma_wait3A_137 = arith.constant 0 : i32
    %dma_wait3A_138 = tpu.memref_slice %arg7[%dma_wait3A_125, %dma_wait3A_136, %dma_wait3A_137] : memref<4x16x768xf32, #tpu.memory_space<vmem>> -> memref<1x16x768xf32, #tpu.memory_space<vmem>>
    %dma_wait3A_139 = tpu.memref_squeeze %dma_wait3A_138 : memref<1x16x768xf32, #tpu.memory_space<vmem>> -> memref<16x768xf32, #tpu.memory_space<vmem>>
    tpu.wait_dma2 semaphore(%arg20 : memref<!tpu.dma_semaphore, #tpu.memory_space<semaphore_mem>>) src(%dma_wait3A_139 : memref<16x768xf32, #tpu.memory_space<vmem>>) dst(%dma_wait3A_135 : memref<16x768xf32, #tpu.memory_space<hbm>>)
    return
  }
}

</mosaic_0001>

<sc_bundles>
// kernel: kernel.3.cloned.1.call-start
scs
__scs_entry_jumppad:
0x0: {  	(pc) =	sbr.rel $0x88, $3  }
0x1: {  	(tag) =	ssettag $0x0;
	lr =	simm.s32 $0x1  }
0x2: {  	[smem:$0x3F9E] =	sst lr;
	_ =	strace $0xD0000000  }
0x3: {  	_ = 	snop  }
0x4: {  	_ = 	snop  }
0x5: {  	_ = 	snop  }
0x6: {  	_ = 	snop  }
0x7: {  	_ = 	snop  }
__scs_overlays_trampoline_lowered:
0x8: {  	[smem:$0x3FAD] =	sst s0  }
0x9: {  	[smem:$0x3FAE] =	sst s1  }
0xa: {  	[smem:$0x3FAF] =	sst s2  }
0xb: {  	[smem:$0x3FB0] =	sst s3  }
0xc: {  	[smem:$0x3FB1] =	sst s4  }
0xd: {  	[smem:$0x3FB2] =	sst s5  }
0xe: {  	[smem:$0x3FB3] =	sst s6  }
0xf: {  	[smem:$0x3FB4] =	sst s7  }
0x10: {  	[smem:$0x3FB5] =	sst s8  }
0x11: {  	[smem:$0x3FB6] =	sst s9;
	s0 =	simm.s32 @!p0 $0x0  }
0x12: {  	s1 =	sld [smem:$0x3F9C];
	s0 =	simm.s32 @p0 $0x1  }
0x13: {  	[smem:$0x3FB7] =	sst s0;
	s0 =	simm.s32 @!p1 $0x0  }
0x14: {  	s2 =	sld [smem:$0x3F9B];
	s0 =	simm.s32 @p1 $0x1  }
0x15: {  	[smem:$0x3FB8] =	sst s0;
	s0 =	simm.s32 @!p2 $0x0  }
0x16: {  	s3 =	sld [smem:$0x3FDB];
	s0 =	simm.s32 @p2 $0x1  }
0x17: {  	s4 =	simm.s32 $0x1BF5;
	[smem:$0x3FBA] =	sst s0  }
0x18: {  	s0 =	sld [smem:$0x3F9D];
	_ =	swait.ge [sflag:s4], $0x0  }
0x19: {  	s7 =	sld [smem:$0x3F9E]  }
0x1a: {  	s8 =	sadd.s32 $0xFFFFE003, lr  }
0x1b: {  	s9 =	sadd.s32 $0xFFFFFEF7, lr;
	s5 =	simm.s32 $0xFFFFFFFF;
	p2 =	slt.u32 s8, $0xFFFFF086  }
0x1c: {  	p1 =	slt.u32 s9, $0xF7A;
	s5 =	simm.s32 @!p2 $0x0  }
0x1d: {  	s5 =	simm.s32 @p1 $0x1;
	p0 =	seq.s32 s7, s2  }
0x1e: {  	s7 =	smul.u32 @!p0 $0xF7A, s2;
	p2 =	seq.s32 @!p0 s5, $0x0  }
0x1f: {  	s9 =	smul.u32 $0xF7A, s1;
	s8 =	simm.s32 @!p0 $0x1BF5;
	p2 =	por !p2, p0  }
0x20: {  	[sflag:s8] =	ssyncset.s32 @!p0 $0xFFFFF086;
	s6 =	sadd.s32 @!p0 s3, s7;
	s7 =	simm.s32 @!p0 $0x108  }
0x21: {  	s3 =	sadd.s32 s3, s9;
	s6 =	sadd.s32 @!p0 $0x88, s6;
	s7 =	simm.s32 @p2 $0x1082  }
0x22: {  	[simem:s7], [sflag:s8] =	dma.local @!p0 [hbm:s6], $0xF7A  }
0x23: {  	s9 =	sor.u32 $0xD0000000, s2;
	s6 =	simm.s32 $0x108;
	_ =	swait.ge @!p0 [sflag:s8], $0x0  }
0x24: {  	s3 =	sadd.s32 $0x88, s3;
	s6 =	simm.s32 @!p1 $0x1082;
	[sflag:s4] =	ssyncset.s32 $0xFFFFF086  }
0x25: {  	[simem:s6], [sflag:s4] =	dma.local [hbm:s3], $0xF7A  }
0x26: {  	[smem:$0x3F9E] =	sst s1;
	(tag) =	ssettag s2;
	_ =	strace s9  }
0x27: {  	s1 =	sld [smem:$0x3FAE]  }
0x28: {  	s2 =	sld [smem:$0x3FAF]  }
0x29: {  	s4 =	sld [smem:$0x3FB1]  }
0x2a: {  	p0 =	seq.s32 s5, $0x0;
	s5 =	sld [smem:$0x3FB2]  }
0x2b: {  	s6 =	sld [smem:$0x3FB3]  }
0x2c: {  	s7 =	sld [smem:$0x3FB4]  }
0x2d: {  	s3 =	simm.s32 $0x108;
	s8 =	sld [smem:$0x3FB5]  }
0x2e: {  	s3 =	simm.s32 @!p0 $0x1082;
	s9 =	sld [smem:$0x3FB6]  }
0x2f: {  	lr =	sadd.s32 s0, s3;
	s0 =	sld [smem:$0x3FAD]  }
0x30: {  	s3 =	sld [smem:$0x3FB0]  }
0x31: {  	[smem:$0x3FB9] =	sst s10  }
0x32: {  	s10 =	sld [smem:$0x3FB7];
	_ =	sdelay $0x3  }
0x33: {  	p0 =	seq.s32 s10, $0x1;
	s10 =	sld [smem:$0x3FB9];
	_ =	sdelay $0x3  }
0x34: {  	[smem:$0x3FB9] =	sst s10  }
0x35: {  	s10 =	sld [smem:$0x3FB8];
	_ =	sdelay $0x3  }
0x36: {  	p1 =	seq.s32 s10, $0x1;
	s10 =	sld [smem:$0x3FB9];
	_ =	sdelay $0x3  }
0x37: {  	[smem:$0x3FB9] =	sst s10  }
0x38: {  	s10 =	sld [smem:$0x3FBA]  }
0x39: {  	_ = 	snop;
	(pc) =	sbr.ind lr, $3  }
0x3a: {  	_ = 	snop  }
0x3b: {  	_ = 	snop  }
0x3c: {  	p2 =	seq.s32 s10, $0x1;
	s10 =	sld [smem:$0x3FB9]  }
0x3d: {  	_ =	shalt  }
0x3e: {  	_ =	shalt  }
0x3f: {  	_ =	shalt  }
0x40: {  	_ =	shalt  }
0x41: {  	_ =	shalt  }
0x42: {  	_ =	shalt  }
0x43: {  	_ =	shalt  }
0x44: {  	_ =	shalt  }
0x45: {  	_ =	shalt  }
0x46: {  	_ =	shalt  }
0x47: {  	_ =	shalt  }
0x48: {  	_ =	shalt  }
0x49: {  	_ =	shalt  }
0x4a: {  	_ =	shalt  }
0x4b: {  	_ =	shalt  }
0x4c: {  	_ =	shalt  }
0x4d: {  	_ =	shalt  }
0x4e: {  	_ =	shalt  }
0x4f: {  	_ =	shalt  }
0x50: {  	_ =	shalt  }
0x51: {  	_ =	shalt  }
0x52: {  	_ =	shalt  }
0x53: {  	_ =	shalt  }
0x54: {  	_ =	shalt  }
0x55: {  	_ =	shalt  }
0x56: {  	_ =	shalt  }
0x57: {  	_ =	shalt  }
0x58: {  	_ =	shalt  }
0x59: {  	_ =	shalt  }
0x5a: {  	_ =	shalt  }
0x5b: {  	_ =	shalt  }
0x5c: {  	_ =	shalt  }
0x5d: {  	_ =	shalt  }
0x5e: {  	_ =	shalt  }
0x5f: {  	_ =	shalt  }
0x60: {  	_ =	shalt  }
0x61: {  	_ =	shalt  }
0x62: {  	_ =	shalt  }
0x63: {  	_ =	shalt  }
0x64: {  	_ =	shalt  }
0x65: {  	_ =	shalt  }
0x66: {  	_ =	shalt  }
0x67: {  	_ =	shalt  }
0x68: {  	_ =	shalt  }
0x69: {  	_ =	shalt  }
0x6a: {  	_ =	shalt  }
0x6b: {  	_ =	shalt  }
0x6c: {  	_ =	shalt  }
0x6d: {  	_ =	shalt  }
0x6e: {  	_ =	shalt  }
0x6f: {  	_ =	shalt  }
0x70: {  	_ =	shalt  }
0x71: {  	_ =	shalt  }
0x72: {  	_ =	shalt  }
0x73: {  	_ =	shalt  }
0x74: {  	_ =	shalt  }
0x75: {  	_ =	shalt  }
0x76: {  	_ =	shalt  }
0x77: {  	_ =	shalt  }
0x78: {  	_ =	shalt  }
0x79: {  	_ =	shalt  }
0x7a: {  	_ =	shalt  }
0x7b: {  	_ =	shalt  }
0x7c: {  	_ =	shalt  }
0x7d: {  	_ =	shalt  }
0x7e: {  	_ =	shalt  }
0x7f: {  	_ =	shalt  }
0x80: {  	_ =	shalt  }
0x81: {  	_ =	shalt  }
0x82: {  	_ =	shalt  }
0x83: {  	_ =	shalt  }
0x84: {  	_ =	shalt  }
0x85: {  	_ =	shalt  }
0x86: {  	_ =	shalt  }
0x87: {  	_ =	shalt  }
.Lfunc_end0:
.L_simem_size_0:
called_computation_lowered:
.L_overlay_start_0:
0x88: {  	s2 =	sld [smem:$0x3FD9]  }
0x89: {  	s3 =	sld [smem:$0x3FFE];
	_ =	sdelay $0x1  }
0x8a: {  	s1 =	srdreg.scid  }
0x8b: {  	s0 =	sand.u32 $0x1, s1  }
0x8c: {  	s17 =	sshll.u32 s0, $0xA;
	s2 =	sadd.s32 s3, s2  }
0x8d: {  	s2 =	sadd.s32 s2, s17  }
0x8e: {  	[smem:$0x3FC5] =	sst s2  }
0x8f: {  	_ = 	snop  }
0x90: {  	s2 =	sld [smem:$0x3FC9]  }
0x91: {  	s18 =	sld [smem:$0x3FC7]  }
0x92: {  	s4 =	sld [smem:$0x3FD0];
	(tm) =	ssettm $0x1  }
0x93: {  	s5 =	sld [smem:$0x3FFB];
	_ =	sdelay $0x3  }
0x94: {  	_ =	strace s5  }
0x95: {  	s5 =	sld [smem:$0x3FFC];
	_ =	sdelay $0x3  }
0x96: {  	_ =	strace s5  }
0x97: {  	s5 =	sld [smem:$0x3FFD];
	_ =	sdelay $0x3  }
0x98: {  	_ =	strace s5  }
0x99: {  	_ =	strace $0x8FFFFFFF  }
0x9a: {  	s19 =	sld [smem:$0x3FDB];
	_ =	sdelay $0x1  }
0x9b: {  	s6 =	simm.s32 $_scs_section_size  }
0x9c: {  	s7 =	simm.s32 $_size__tile_overlayer_lowered;
	s8 =	simm.s32 $_tile_overlayer_lowered  }
0x9d: {  	s22 =	simm.s32 $0x1BFF;
	s21 =	sshll.u32 s8, $0x1;
	s5 =	sadd.s32 s6, s19  }
0x9e: {  	s9 =	simm.s32 $0x0;
	s20 =	sshll.u32 s7, $0x1;
	s7 =	sadd.s32 s21, s5  }
0x9f: {  	[timem:s9], [sflag:s22] =	dma.local [hbm:s7], s20  }
0xa0: {  	_ =	swait.ge [sflag:s22], s20  }
0xa1: {  	s6 =	ssub.s32 $0x0, s20;
	[sflag:s22] =	ssyncset.done $0x0  }
0xa2: {  	[sflag:s22] =	ssyncadd.s32 s6;
	_ =	sdelay $0x1  }
0xa3: {  	s23 =	simm.s32 $0x1B8B  }
0xa4: {  	_ =	swait.ge [sflag:s23], $0x1  }
0xa5: {  	[sflag:s23] =	ssyncset.done $0x0  }
0xa6: {  	s25 =	simm.s32 $0x1B8E;
	s24 =	sld [smem:$0x3FFE];
	[sflag:s23] =	ssyncadd.s32 $0xFFFFFFFF  }
0xa7: {  	s26 =	simm.s32 $execute0_lowered;
	[smem:$0x3FD2] =	sst s25  }
0xa8: {  	s7 =	sshll.u32 s26, $0x1;
	_ =	strace $0x80000046;
	[dreg:$0x1] =	wrdreg $0xFFFFFFFF  }
0xa9: {  	s28 =	simm.s32 $_size_execute0_lowered;
	s5 =	sadd.s32 s5, s7;
	[dreg:$0x0] =	wrdreg $0x0  }
0xaa: {  	s7 =	sshll.u32 s28, $0x1;
	[dreg:$0x2] =	wrdreg s5  }
0xab: {  	[dreg:$0x3] =	wrdreg s7  }
0xac: {  	[dreg:$0x4] =	wrdreg $0xC0  }
0xad: {  	_ =	task [dreg:s9], $0x5FFFF  }
0xae: {  	[dreg:$0x1] =	wrdreg $0xFFFFFFFF  }
0xaf: {  	[dreg:$0x0] =	wrdreg $0x60  }
0xb0: {  	[dreg:$0x2] =	wrdreg s2  }
0xb1: {  	[dreg:$0x3] =	wrdreg s24  }
0xb2: {  	[dreg:$0x4] =	wrdreg s18  }
0xb3: {  	[dreg:$0x5] =	wrdreg s4  }
0xb4: {  	[dreg:$0x6] =	wrdreg $0x9  }
0xb5: {  	_ =	task.clear_ibuf [dreg:s9], $0x7FFFF;
	_ =	strace $0x90000046  }
0xb6: {  	s29 =	simm.s32 $0x9;
	_ =	strace $0x80000048  }
0xb7: {  	_ =	swait.ge [sflag:s29], $0x1  }
0xb8: {  	[sflag:s29] =	ssyncadd.s32 $0xFFFFFFFF  }
0xb9: {  	_ =	strace $0x90000048  }
0xba: {  	_ =	sfence  }
0xbb: {  	s30 =	sld [smem:$0x0];
	_ =	sdelay $0x2  }
0xbc: {  	s31 =	sshll.u32 s1, $0xD;
	s1 =	sshrl.u32 s1, $0x2  }
0xbd: {  	s3 =	sand.u32 $0x4000, s31;
	s1 =	sadd.s32 s1, s30  }
0xbe: {  	s0 =	sor.u32 s3, s0;
	s1 =	sshll.u32 s1, $0x11  }
0xbf: {  	s0 =	sor.u32 s1, s0  }
0xc0: {  	s0 =	sadd.s32 $0x8F2B, s0  }
0xc1: {  	[sflag:s0] =	ssyncadd.remote.s32 $0x1  }
0xc2: {  	_ =	sfence.sel $0xFFFF  }
0xc3: {  	[dreg:$0x0] =	wrdreg $0xFFFFFFFF;
	(pc) =	sbr.abs _section_cstart, $3  }
0xc4: {  	[dreg:$0x1] =	wrdreg $0xFFFFFFFF  }
0xc5: {  	_ =	task.clear_ibuf [dreg:s9], $0x2FFFF;
	_ =	strace $0x9FFFFFFF  }
0xc6: {  	(tm) =	ssettm $0x7FFFFFFF  }
0xc7: {  	_ =	shalt  }
tec
execute0_lowered:
.L_overlay_start_1:
0x0: {  	(tag) =	ssettag $0x1  }
0x1: {  	s1 =	rddreg [dreg:$0x0];
	s0 =	srdreg.scid  }
0x2: {  	s2 =	rddreg [dreg:$0x1];
	s4 =	stileid.u32  }
0x3: {  	s3 =	rddreg [dreg:$0x2];
	s21 =	simm.s32 $0x1;
	s22 =	simm.s32 $0x5  }
0x4: {  	s25 =	simm.s32 $0x9400;
	s16 =	simm.s32 $0x6;
	s18 =	simm.s32 $0x3  }
0x5: {  	s19 =	simm.s32 $0x7;
	s0 =	sand.u32 $0x1, s0;
	s5 =	sshll.u32 s4, $0xB  }
0x6: {  	s4 =	rddreg [dreg:$0x3];
	s6 =	sshll.u32 s0, $0xA;
	s0 =	ssub.s32 $0x2, s0  }
0x7: {  	s31 =	sadd.s32 $0xC00, s4;
	s5 =	sor.u32 s6, s5;
	s6 =	simm.s32 $0x0  }
0x8: {  	s28 =	sshrl.u32 s0, $0x1;
	s7 =	sshrl.u32 s5, $0x3;
	[smem:$0x7FF] =	sst s6  }
0x9: {  	s0 =	ssub.s32 s0, s28;
	s8 =	smul.u32 $0x300, s7;
	_ =	strace $0x80000047  }
0xa: {  	s2 =	sadd.s32 s7, s2;
	s0 =	smax.u32 s0, $0x1;
	[dreg:$0xa] =	wrdreg s31  }
0xb: {  	s20 =	simm.s32 $0x4;
	s2 =	sadd.s32 $0x400, s2;
	[dreg:$0x9] =	wrdreg s0  }
0xc: {  	s11 =	simm.s32 $0x0;
	[dreg:$0x5] =	wrdreg s2;
	s29 =	sadd.s32 s1, s8  }
0xd: {  	v2 =	vlaneseq.u32;
	s9 =	sadd.s32 $0x100, s3;
	s30 =	sadd.s32 $0x600, s29;
	[dreg:$0x6] =	wrdreg s29  }
0xe: {  	vm0 =	vmmov $0xffff;
	s10 =	sadd.s32 $0x200, s3;
	v1 =	vshrl.u32 v2, $0x3;
	s2 =	sadd.s32 $0xC00, s29;
	[dreg:$0x7] =	wrdreg s30  }
0xf: {  	v0 =	vand.u32 $0x7, v2;
	v2 =	vor.u32 $0x8, v2;
	v1 =	vmul.u32 $0x8, v1;
	s7 =	simm.s32 $0x8;
	s0 =	simm.s32 $0x2;
	[dreg:$0x8] =	wrdreg s2  }
.LBB2_1:
0x10: {  	[dreg:$0xb] =	wrdreg s11  }
0x11: {  	s2 =	rddreg [dreg:$0x5];
	s14 =	simm.s32 $0xD  }
0x12: {  	[tilespmem:s6], [sflag:$0xD] =	stream.linear.gather [hbm4b:s2+s6], $0x400, $0x38;
	[tilespmem:$0x18400] =	vst v63  }
0x13: {  	_ =	swait.ge [sflag:s14], $0x400  }
0x14: {  	[sflag:s14] =	ssyncset.done $0x0  }
0x15: {  	s8 =	simm.s32 $0xC400;
	s15 =	rddreg [dreg:$0x6];
	[sflag:s14] =	ssyncadd.s32 $0xFFFFFC00  }
0x16: {  	[tilespmem:s8], [sflag:$0x1] =	stream.linear.gather [hbm4b:s15+s6], $0x3000, $0x38;
	[tilespmem:$0x18400] =	vst v63  }
0x17: {  	v3 =	vld [tilespmem:$0x0];
	_ =	sdelay $0x4  }
0x18: {  	v4 =	vshrl.u32 v3, $0x3  }
0x19: {  	v4 =	vmul.u32 $0x30, v4  }
0x1a: {  	v3 =	vand.u32 $0x7, v3  }
0x1b: {  	v3 =	vor.u32 v3, v4  }
0x1c: {  	v4 =	vperm.xlane v3, v0;
	_ =	sdelay $0x1  }
0x1d: {  	v4 =	vadd.s32 v1, v4;
	_ =	sdelay $0x3  }
0x1e: {  	s17 =	simm.s32 $0x400;
	v3 =	vperm.xlane v3, v2  }
0x1f: {  	[tilespmem:s17], [sflag:$0x5] =	stream.indirect_vreg.gather [hbm4b:s3+s6], $0x80, v4, vm0, $0xb8;
	[tilespmem:$0x18400] =	vst v63  }
0x20: {  	s23 =	simm.s32 $0xC00;
	v3 =	vadd.s32 v1, v3  }
0x21: {  	[tilespmem:s23], [sflag:$0x5] =	stream.indirect_vreg.gather [hbm4b:s9+s6], $0x80, v4, vm0, $0xb8;
	[tilespmem:$0x18400] =	vst v63  }
0x22: {  	s24 =	simm.s32 $0x1400  }
0x23: {  	[tilespmem:s24], [sflag:$0x5] =	stream.indirect_vreg.gather [hbm4b:s10+s6], $0x80, v4, vm0, $0xb8;
	[tilespmem:$0x18400] =	vst v63  }
0x24: {  	s26 =	simm.s32 $0x1C00  }
0x25: {  	[tilespmem:s26], [sflag:$0x5] =	stream.indirect_vreg.gather [hbm4b:s3+s6], $0x80, v3, vm0, $0xb8;
	[tilespmem:$0x18400] =	vst v63  }
0x26: {  	s28 =	simm.s32 $0x2400  }
0x27: {  	[tilespmem:s28], [sflag:$0x5] =	stream.indirect_vreg.gather [hbm4b:s9+s6], $0x80, v3, vm0, $0xb8;
	[tilespmem:$0x18400] =	vst v63  }
0x28: {  	s29 =	simm.s32 $0x2C00  }
0x29: {  	[tilespmem:s29], [sflag:$0x5] =	stream.indirect_vreg.gather [hbm4b:s10+s6], $0x80, v3, vm0, $0xb8;
	[tilespmem:$0x18400] =	vst v63  }
0x2a: {  	s31 =	simm.s32 $0xF400;
	s30 =	rddreg [dreg:$0x7]  }
0x2b: {  	[tilespmem:s31], [sflag:$0x2] =	stream.linear.gather [hbm4b:s30+s6], $0x3000, $0x38;
	[tilespmem:$0x18400] =	vst v63  }
0x2c: {  	v3 =	vld [tilespmem:$0x10];
	_ =	sdelay $0x4  }
0x2d: {  	v62 =	vshrl.u32 v3, $0x3  }
0x2e: {  	v4 =	vmul.u32 $0x30, v62  }
0x2f: {  	v3 =	vand.u32 $0x7, v3  }
0x30: {  	v3 =	vor.u32 v3, v4  }
0x31: {  	v4 =	vperm.xlane v3, v0;
	_ =	sdelay $0x1  }
0x32: {  	v4 =	vadd.s32 v1, v4;
	_ =	sdelay $0x3  }
0x33: {  	s8 =	simm.s32 $0x3400;
	v3 =	vperm.xlane v3, v2  }
0x34: {  	[tilespmem:s8], [sflag:$0x6] =	stream.indirect_vreg.gather [hbm4b:s3+s6], $0x80, v4, vm0, $0xb8;
	[tilespmem:$0x18400] =	vst v63  }
0x35: {  	s11 =	simm.s32 $0x3C00;
	v3 =	vadd.s32 v1, v3  }
0x36: {  	[tilespmem:s11], [sflag:$0x6] =	stream.indirect_vreg.gather [hbm4b:s9+s6], $0x80, v4, vm0, $0xb8;
	[tilespmem:$0x18400] =	vst v63  }
0x37: {  	s12 =	simm.s32 $0x4400  }
0x38: {  	[tilespmem:s12], [sflag:$0x6] =	stream.indirect_vreg.gather [hbm4b:s10+s6], $0x80, v4, vm0, $0xb8;
	[tilespmem:$0x18400] =	vst v63  }
0x39: {  	s13 =	simm.s32 $0x4C00  }
0x3a: {  	[tilespmem:s13], [sflag:$0x6] =	stream.indirect_vreg.gather [hbm4b:s3+s6], $0x80, v3, vm0, $0xb8;
	[tilespmem:$0x18400] =	vst v63  }
0x3b: {  	s14 =	simm.s32 $0x5400  }
0x3c: {  	[tilespmem:s14], [sflag:$0x6] =	stream.indirect_vreg.gather [hbm4b:s9+s6], $0x80, v3, vm0, $0xb8;
	[tilespmem:$0x18400] =	vst v63  }
0x3d: {  	s15 =	simm.s32 $0x5C00  }
0x3e: {  	[tilespmem:s15], [sflag:$0x6] =	stream.indirect_vreg.gather [hbm4b:s10+s6], $0x80, v3, vm0, $0xb8;
	[tilespmem:$0x18400] =	vst v63  }
0x3f: {  	s17 =	rddreg [dreg:$0x8];
	s23 =	simm.s32 $0x12400  }
0x40: {  	[tilespmem:s23], [sflag:$0x3] =	stream.linear.gather [hbm4b:s17+s6], $0x3000, $0x38;
	[tilespmem:$0x18400] =	vst v63  }
0x41: {  	v3 =	vld [tilespmem:$0x20];
	_ =	sdelay $0x4  }
0x42: {  	v63 =	vshrl.u32 v3, $0x3  }
0x43: {  	v4 =	vmul.u32 $0x30, v63  }
0x44: {  	v3 =	vand.u32 $0x7, v3  }
0x45: {  	v3 =	vor.u32 v3, v4  }
0x46: {  	v4 =	vperm.xlane v3, v0;
	_ =	sdelay $0x1  }
0x47: {  	v4 =	vadd.s32 v1, v4;
	_ =	sdelay $0x3  }
0x48: {  	s24 =	simm.s32 $0x6400;
	v3 =	vperm.xlane v3, v2  }
0x49: {  	[tilespmem:s24], [sflag:$0x7] =	stream.indirect_vreg.gather [hbm4b:s3+s6], $0x80, v4, vm0, $0xb8;
	[tilespmem:$0x18400] =	vst v63  }
0x4a: {  	s26 =	simm.s32 $0x6C00;
	v3 =	vadd.s32 v1, v3  }
0x4b: {  	[tilespmem:s26], [sflag:$0x7] =	stream.indirect_vreg.gather [hbm4b:s9+s6], $0x80, v4, vm0, $0xb8;
	[tilespmem:$0x18400] =	vst v63  }
0x4c: {  	s28 =	simm.s32 $0x7400  }
0x4d: {  	[tilespmem:s28], [sflag:$0x7] =	stream.indirect_vreg.gather [hbm4b:s10+s6], $0x80, v4, vm0, $0xb8;
	[tilespmem:$0x18400] =	vst v63  }
0x4e: {  	s29 =	simm.s32 $0x7C00  }
0x4f: {  	[tilespmem:s29], [sflag:$0x7] =	stream.indirect_vreg.gather [hbm4b:s3+s6], $0x80, v3, vm0, $0xb8;
	[tilespmem:$0x18400] =	vst v63  }
0x50: {  	s30 =	simm.s32 $0x8400  }
0x51: {  	[tilespmem:s30], [sflag:$0x7] =	stream.indirect_vreg.gather [hbm4b:s9+s6], $0x80, v3, vm0, $0xb8;
	[tilespmem:$0x18400] =	vst v63  }
0x52: {  	s31 =	simm.s32 $0x8C00;
	s11 =	simm.s32 $0x0  }
0x53: {  	[tilespmem:s31], [sflag:$0x7] =	stream.indirect_vreg.gather [hbm4b:s10+s6], $0x80, v3, vm0, $0xb8;
	[tilespmem:$0x18400] =	vst v63  }
.LBB2_2:
0x54: {  	_ =	swait.ge [sflag:s21], $0x3000  }
0x55: {  	[sflag:s21] =	ssyncset.done $0x0  }
0x56: {  	s13 =	sshll.u32 s11, $0x6;
	[sflag:s21] =	ssyncadd.s32 $0xFFFFD000  }
0x57: {  	s15 =	sor.u32 $0x30, s13;
	_ =	swait.ge [sflag:s22], $0x3000  }
0x58: {  	p0 =	seq.s32 s11, $0x0;
	s8 =	sor.u32 s5, s15;
	[sflag:s22] =	ssyncset.done $0x0  }
0x59: {  	s17 =	simm.s32 @!p0 $0xC;
	s8 =	sshrl.u32 s8, $0x3;
	[sflag:s22] =	ssyncadd.s32 $0xFFFFD000  }
0x5a: {  	s12 =	smul.u32 $0x300, s8;
	_ =	swait.ge @!p0 [sflag:s17], $0x3000  }
0x5b: {  	s2 =	simm.s32 $0x15400;
	[sflag:s17] =	ssyncset.done @!p0 $0x0  }
0x5c: {  	s8 =	simm.s32 $0x0;
	s14 =	sadd.s32 s1, s12;
	[sflag:s17] =	ssyncadd.s32 @!p0 $0xFFFFD000  }
0x5d: {  	[tilespmem:s2], [sflag:$0x4] =	stream.linear.gather [hbm4b:s14+s8], $0x3000, $0x38;
	[tilespmem:$0x18400] =	vst v63  }
0x5e: {  	v3 =	vld [tilespmem:s15+$0x0];
	_ =	sdelay $0x4  }
0x5f: {  	v4 =	vshrl.u32 v3, $0x3  }
0x60: {  	v4 =	vmul.u32 $0x30, v4  }
0x61: {  	v3 =	vand.u32 $0x7, v3  }
0x62: {  	v3 =	vor.u32 v3, v4  }
0x63: {  	v4 =	vperm.xlane v3, v0;
	_ =	sdelay $0x1  }
0x64: {  	v4 =	vadd.s32 v1, v4;
	_ =	sdelay $0x3  }
0x65: {  	v3 =	vperm.xlane v3, v2  }
0x66: {  	[tilespmem:s25], [sflag:$0x8] =	stream.indirect_vreg.gather [hbm4b:s3+s8], $0x80, v4, vm0, $0xb8;
	[tilespmem:$0x18400] =	vst v63  }
0x67: {  	s23 =	simm.s32 $0x9C00;
	v3 =	vadd.s32 v1, v3  }
0x68: {  	[tilespmem:s23], [sflag:$0x8] =	stream.indirect_vreg.gather [hbm4b:s9+s8], $0x80, v4, vm0, $0xb8;
	[tilespmem:$0x18400] =	vst v63  }
0x69: {  	s24 =	simm.s32 $0xA400  }
0x6a: {  	[tilespmem:s24], [sflag:$0x8] =	stream.indirect_vreg.gather [hbm4b:s10+s8], $0x80, v4, vm0, $0xb8;
	[tilespmem:$0x18400] =	vst v63  }
0x6b: {  	s26 =	simm.s32 $0xAC00;
	s30 =	simm.s32 $0x0  }
0x6c: {  	[tilespmem:s26], [sflag:$0x8] =	stream.indirect_vreg.gather [hbm4b:s3+s8], $0x80, v3, vm0, $0xb8;
	[tilespmem:$0x18400] =	vst v63  }
0x6d: {  	s28 =	simm.s32 $0xB400;
	s31 =	sand.u32 $0x380, s8;
	s15 =	smul.u32 $0x1800, s30  }
0x6e: {  	[tilespmem:s28], [sflag:$0x8] =	stream.indirect_vreg.gather [hbm4b:s9+s8], $0x80, v3, vm0, $0xb8;
	[tilespmem:$0x18400] =	vst v63  }
0x6f: {  	s29 =	simm.s32 $0xBC00;
	s15 =	sor.u32 s31, s15  }
0x70: {  	[tilespmem:s29], [sflag:$0x8] =	stream.indirect_vreg.gather [hbm4b:s10+s8], $0x80, v3, vm0, $0xb8;
	[tilespmem:$0x18400] =	vst v63  }
0x71: {  	v7 =	vld [tilespmem:s15+$0xC800]  }
0x72: {  	v8 =	vld [tilespmem:s15+$0xC810]  }
0x73: {  	v9 =	vld [tilespmem:s15+$0xC820]  }
0x74: {  	v10 =	vld [tilespmem:s15+$0xC830]  }
0x75: {  	v6 =	vld [tilespmem:s15+$0xC840]  }
0x76: {  	v5 =	vld [tilespmem:s15+$0xC850]  }
0x77: {  	v3 =	vld [tilespmem:s15+$0xC860]  }
0x78: {  	v4 =	vld [tilespmem:s15+$0xC870]  }
0x79: {  	v17 =	vld [tilespmem:s15+$0xC400]  }
0x7a: {  	v16 =	vld [tilespmem:s15+$0xC410]  }
0x7b: {  	v15 =	vld [tilespmem:s15+$0xC420]  }
0x7c: {  	v14 =	vld [tilespmem:s15+$0xC430]  }
0x7d: {  	v13 =	vld [tilespmem:s15+$0xC440]  }
0x7e: {  	v12 =	vld [tilespmem:s15+$0xC450]  }
0x7f: {  	s23 =	simm.s32 $0x1;
	v11 =	vld [tilespmem:s15+$0xC460]  }
.LBB2_3:
0x80: {  	p0 =	sne.s32 s23, $0xF;
	v18 =	vld [tilespmem:s15+$0xC470];
	s17 =	sor.u32 $0x400, s15  }
0x81: {  	[tilespmem:s17+$0x0] =	vst.add.f32.msk $0xffff, v17;
	s17 =	sor.u32 $0x410, s15  }
0x82: {  	[tilespmem:s17+$0x0] =	vst.add.f32.msk $0xffff, v16;
	s17 =	sor.u32 $0x420, s15  }
0x83: {  	[tilespmem:s17+$0x0] =	vst.add.f32.msk $0xffff, v15;
	s17 =	sor.u32 $0x430, s15  }
0x84: {  	[tilespmem:s17+$0x0] =	vst.add.f32.msk $0xffff, v14;
	s17 =	sor.u32 $0x440, s15  }
0x85: {  	[tilespmem:s17+$0x0] =	vst.add.f32.msk $0xffff, v13;
	s17 =	sor.u32 $0x450, s15  }
0x86: {  	[tilespmem:s17+$0x0] =	vst.add.f32.msk $0xffff, v12;
	s17 =	sor.u32 $0x460, s15  }
0x87: {  	[tilespmem:s17+$0x0] =	vst.add.f32.msk $0xffff, v11;
	s17 =	sor.u32 $0x470, s15  }
0x88: {  	[tilespmem:s17+$0x0] =	vst.add.f32.msk $0xffff, v18  }
0x89: {  	v11 =	vld [tilespmem:s15+$0xD870]  }
0x8a: {  	v12 =	vld [tilespmem:s15+$0xCC00]  }
0x8b: {  	v13 =	vld [tilespmem:s15+$0xCC10]  }
0x8c: {  	v14 =	vld [tilespmem:s15+$0xCC20]  }
0x8d: {  	v15 =	vld [tilespmem:s15+$0xCC30]  }
0x8e: {  	[tilespmem:s15+$0x1870] =	vst.add.f32.msk $0xffff, v11  }
0x8f: {  	v11 =	vld [tilespmem:s15+$0xCC40]  }
0x90: {  	v16 =	vld [tilespmem:s15+$0xCC50]  }
0x91: {  	v17 =	vld [tilespmem:s15+$0xCC60]  }
0x92: {  	v18 =	vld [tilespmem:s15+$0xCC70]  }
0x93: {  	v19 =	vld [tilespmem:s15+$0xD000]  }
0x94: {  	v20 =	vld [tilespmem:s15+$0xD010]  }
0x95: {  	v21 =	vld [tilespmem:s15+$0xD020]  }
0x96: {  	v22 =	vld [tilespmem:s15+$0xD030]  }
0x97: {  	v23 =	vld [tilespmem:s15+$0xD040]  }
0x98: {  	v24 =	vld [tilespmem:s15+$0xD050]  }
0x99: {  	v25 =	vld [tilespmem:s15+$0xD060]  }
0x9a: {  	v26 =	vld [tilespmem:s15+$0xD070]  }
0x9b: {  	v27 =	vld [tilespmem:s15+$0xD400]  }
0x9c: {  	v28 =	vld [tilespmem:s15+$0xD410]  }
0x9d: {  	v29 =	vld [tilespmem:s15+$0xD420]  }
0x9e: {  	v30 =	vld [tilespmem:s15+$0xD430]  }
0x9f: {  	v31 =	vld [tilespmem:s15+$0xD440]  }
0xa0: {  	v32 =	vld [tilespmem:s15+$0xD450]  }
0xa1: {  	v33 =	vld [tilespmem:s15+$0xD460]  }
0xa2: {  	v34 =	vld [tilespmem:s15+$0xD470]  }
0xa3: {  	v35 =	vld [tilespmem:s15+$0xD800]  }
0xa4: {  	v36 =	vld [tilespmem:s15+$0xD810]  }
0xa5: {  	v37 =	vld [tilespmem:s15+$0xD820]  }
0xa6: {  	v38 =	vld [tilespmem:s15+$0xD830]  }
0xa7: {  	v39 =	vld [tilespmem:s15+$0xD840]  }
0xa8: {  	v40 =	vld [tilespmem:s15+$0xD850]  }
0xa9: {  	v41 =	vld [tilespmem:s15+$0xD860]  }
0xaa: {  	[tilespmem:s15+$0xC00] =	vst.add.f32.msk $0xffff, v12  }
0xab: {  	[tilespmem:s15+$0xC10] =	vst.add.f32.msk $0xffff, v13  }
0xac: {  	[tilespmem:s15+$0xC20] =	vst.add.f32.msk $0xffff, v14  }
0xad: {  	[tilespmem:s15+$0xC30] =	vst.add.f32.msk $0xffff, v15  }
0xae: {  	[tilespmem:s15+$0xC40] =	vst.add.f32.msk $0xffff, v11  }
0xaf: {  	[tilespmem:s15+$0xC50] =	vst.add.f32.msk $0xffff, v16  }
0xb0: {  	[tilespmem:s15+$0xC60] =	vst.add.f32.msk $0xffff, v17  }
0xb1: {  	[tilespmem:s15+$0xC70] =	vst.add.f32.msk $0xffff, v18  }
0xb2: {  	[tilespmem:s15+$0x1000] =	vst.add.f32.msk $0xffff, v19  }
0xb3: {  	[tilespmem:s15+$0x1010] =	vst.add.f32.msk $0xffff, v20  }
0xb4: {  	[tilespmem:s15+$0x1020] =	vst.add.f32.msk $0xffff, v21  }
0xb5: {  	[tilespmem:s15+$0x1030] =	vst.add.f32.msk $0xffff, v22  }
0xb6: {  	[tilespmem:s15+$0x1040] =	vst.add.f32.msk $0xffff, v23  }
0xb7: {  	[tilespmem:s15+$0x1050] =	vst.add.f32.msk $0xffff, v24  }
0xb8: {  	[tilespmem:s15+$0x1060] =	vst.add.f32.msk $0xffff, v25  }
0xb9: {  	[tilespmem:s15+$0x1070] =	vst.add.f32.msk $0xffff, v26  }
0xba: {  	[tilespmem:s15+$0x1400] =	vst.add.f32.msk $0xffff, v27  }
0xbb: {  	[tilespmem:s15+$0x1410] =	vst.add.f32.msk $0xffff, v28  }
0xbc: {  	[tilespmem:s15+$0x1420] =	vst.add.f32.msk $0xffff, v29  }
0xbd: {  	[tilespmem:s15+$0x1430] =	vst.add.f32.msk $0xffff, v30  }
0xbe: {  	[tilespmem:s15+$0x1440] =	vst.add.f32.msk $0xffff, v31  }
0xbf: {  	[tilespmem:s15+$0x1450] =	vst.add.f32.msk $0xffff, v32  }
0xc0: {  	[tilespmem:s15+$0x1460] =	vst.add.f32.msk $0xffff, v33  }
0xc1: {  	[tilespmem:s15+$0x1470] =	vst.add.f32.msk $0xffff, v34  }
0xc2: {  	[tilespmem:s15+$0x1800] =	vst.add.f32.msk $0xffff, v35  }
0xc3: {  	[tilespmem:s15+$0x1810] =	vst.add.f32.msk $0xffff, v36  }
0xc4: {  	[tilespmem:s15+$0x1820] =	vst.add.f32.msk $0xffff, v37  }
0xc5: {  	[tilespmem:s15+$0x1830] =	vst.add.f32.msk $0xffff, v38  }
0xc6: {  	[tilespmem:s15+$0x1840] =	vst.add.f32.msk $0xffff, v39  }
0xc7: {  	[tilespmem:s15+$0x1850] =	vst.add.f32.msk $0xffff, v40  }
0xc8: {  	[tilespmem:s15+$0x1860] =	vst.add.f32.msk $0xffff, v41  }
0xc9: {  	[tilespmem:s15+$0x800] =	vst.add.f32.msk $0xffff, v7  }
0xca: {  	[tilespmem:s15+$0x810] =	vst.add.f32.msk $0xffff, v8  }
0xcb: {  	[tilespmem:s15+$0x820] =	vst.add.f32.msk $0xffff, v9  }
0xcc: {  	[tilespmem:s15+$0x830] =	vst.add.f32.msk $0xffff, v10  }
0xcd: {  	s17 =	sshrl.u32 s23, $0x3;
	[tilespmem:s15+$0x840] =	vst.add.f32.msk $0xffff, v6  }
0xce: {  	s8 =	sadd.s32 $0x80, s8;
	s17 =	smul.u32 $0x1800, s17;
	[tilespmem:s15+$0x850] =	vst.add.f32.msk $0xffff, v5  }
0xcf: {  	s26 =	sand.u32 $0x380, s8;
	[tilespmem:s15+$0x860] =	vst.add.f32.msk $0xffff, v3  }
0xd0: {  	[tilespmem:s15+$0x870] =	vst.add.f32.msk $0xffff, v4;
	s15 =	sor.u32 s26, s17  }
0xd1: {  	v7 =	vld [tilespmem:s15+$0xC800]  }
0xd2: {  	v8 =	vld [tilespmem:s15+$0xC810]  }
0xd3: {  	v9 =	vld [tilespmem:s15+$0xC820]  }
0xd4: {  	v10 =	vld [tilespmem:s15+$0xC830]  }
0xd5: {  	v6 =	vld [tilespmem:s15+$0xC840]  }
0xd6: {  	v5 =	vld [tilespmem:s15+$0xC850]  }
0xd7: {  	v3 =	vld [tilespmem:s15+$0xC860]  }
0xd8: {  	v4 =	vld [tilespmem:s15+$0xC870]  }
0xd9: {  	v17 =	vld [tilespmem:s15+$0xC400]  }
0xda: {  	v16 =	vld [tilespmem:s15+$0xC410]  }
.Ltmp0:
0xdb: {  	v15 =	vld [tilespmem:s15+$0xC420];
	(pc) =	sbr.rel @p0 .LBB2_3-.Ltmp0, $4  }
0xdc: {  	v14 =	vld [tilespmem:s15+$0xC430]  }
0xdd: {  	v13 =	vld [tilespmem:s15+$0xC440]  }
0xde: {  	v12 =	vld [tilespmem:s15+$0xC450]  }
0xdf: {  	s23 =	sadd.s32 $0x1, s23;
	v11 =	vld [tilespmem:s15+$0xC460]  }
0xe0: {  	v18 =	vld [tilespmem:s15+$0xC470];
	s8 =	sor.u32 $0x400, s15  }
0xe1: {  	s2 =	sor.u32 $0x410, s15;
	[tilespmem:s8+$0x0] =	vst.add.f32.msk $0xffff, v17  }
0xe2: {  	s14 =	sor.u32 $0x420, s15;
	[tilespmem:s2+$0x0] =	vst.add.f32.msk $0xffff, v16  }
0xe3: {  	s17 =	sor.u32 $0x430, s15;
	[tilespmem:s14+$0x0] =	vst.add.f32.msk $0xffff, v15  }
0xe4: {  	s23 =	sor.u32 $0x440, s15;
	[tilespmem:s17+$0x0] =	vst.add.f32.msk $0xffff, v14  }
0xe5: {  	s24 =	sor.u32 $0x450, s15;
	[tilespmem:s23+$0x0] =	vst.add.f32.msk $0xffff, v13  }
0xe6: {  	s26 =	sor.u32 $0x460, s15;
	[tilespmem:s24+$0x0] =	vst.add.f32.msk $0xffff, v12  }
0xe7: {  	s2 =	sor.u32 $0x470, s15;
	[tilespmem:s26+$0x0] =	vst.add.f32.msk $0xffff, v11  }
0xe8: {  	[tilespmem:s2+$0x0] =	vst.add.f32.msk $0xffff, v18  }
0xe9: {  	v11 =	vld [tilespmem:s15+$0xD870]  }
0xea: {  	v12 =	vld [tilespmem:s15+$0xCC00]  }
0xeb: {  	v13 =	vld [tilespmem:s15+$0xCC10]  }
0xec: {  	v14 =	vld [tilespmem:s15+$0xCC20]  }
0xed: {  	v15 =	vld [tilespmem:s15+$0xCC30]  }
0xee: {  	v16 =	vld [tilespmem:s15+$0xCC50]  }
0xef: {  	v17 =	vld [tilespmem:s15+$0xCC60]  }
0xf0: {  	v18 =	vld [tilespmem:s15+$0xCC70]  }
0xf1: {  	v19 =	vld [tilespmem:s15+$0xD000]  }
0xf2: {  	v20 =	vld [tilespmem:s15+$0xD010]  }
0xf3: {  	v21 =	vld [tilespmem:s15+$0xD020]  }
0xf4: {  	v22 =	vld [tilespmem:s15+$0xD030]  }
0xf5: {  	v23 =	vld [tilespmem:s15+$0xD040]  }
0xf6: {  	v24 =	vld [tilespmem:s15+$0xD050]  }
0xf7: {  	v25 =	vld [tilespmem:s15+$0xD060]  }
0xf8: {  	v26 =	vld [tilespmem:s15+$0xD070]  }
0xf9: {  	v27 =	vld [tilespmem:s15+$0xD400]  }
0xfa: {  	v28 =	vld [tilespmem:s15+$0xD410]  }
0xfb: {  	v29 =	vld [tilespmem:s15+$0xD420]  }
0xfc: {  	v30 =	vld [tilespmem:s15+$0xD430]  }
0xfd: {  	v31 =	vld [tilespmem:s15+$0xD440]  }
0xfe: {  	v32 =	vld [tilespmem:s15+$0xD450]  }
0xff: {  	v33 =	vld [tilespmem:s15+$0xD460]  }
0x100: {  	v34 =	vld [tilespmem:s15+$0xD470]  }
0x101: {  	v35 =	vld [tilespmem:s15+$0xD800]  }
0x102: {  	v36 =	vld [tilespmem:s15+$0xD810]  }
0x103: {  	v37 =	vld [tilespmem:s15+$0xD820]  }
0x104: {  	v38 =	vld [tilespmem:s15+$0xD830]  }
0x105: {  	v39 =	vld [tilespmem:s15+$0xD840]  }
0x106: {  	v40 =	vld [tilespmem:s15+$0xD850]  }
0x107: {  	v41 =	vld [tilespmem:s15+$0xD860]  }
0x108: {  	[tilespmem:s15+$0x800] =	vst.add.f32.msk $0xffff, v7  }
0x109: {  	[tilespmem:s15+$0x810] =	vst.add.f32.msk $0xffff, v8  }
0x10a: {  	[tilespmem:s15+$0x820] =	vst.add.f32.msk $0xffff, v9  }
0x10b: {  	[tilespmem:s15+$0x830] =	vst.add.f32.msk $0xffff, v10  }
0x10c: {  	[tilespmem:s15+$0x840] =	vst.add.f32.msk $0xffff, v6  }
0x10d: {  	[tilespmem:s15+$0x850] =	vst.add.f32.msk $0xffff, v5  }
0x10e: {  	[tilespmem:s15+$0x860] =	vst.add.f32.msk $0xffff, v3  }
0x10f: {  	[tilespmem:s15+$0x870] =	vst.add.f32.msk $0xffff, v4  }
0x110: {  	[tilespmem:s15+$0x1870] =	vst.add.f32.msk $0xffff, v11  }
0x111: {  	v11 =	vld [tilespmem:s15+$0xCC40]  }
0x112: {  	[tilespmem:s15+$0xC00] =	vst.add.f32.msk $0xffff, v12  }
0x113: {  	[tilespmem:s15+$0xC10] =	vst.add.f32.msk $0xffff, v13  }
0x114: {  	[tilespmem:s15+$0xC20] =	vst.add.f32.msk $0xffff, v14  }
0x115: {  	[tilespmem:s15+$0xC30] =	vst.add.f32.msk $0xffff, v15  }
0x116: {  	[tilespmem:s15+$0xC50] =	vst.add.f32.msk $0xffff, v16  }
0x117: {  	[tilespmem:s15+$0xC60] =	vst.add.f32.msk $0xffff, v17  }
0x118: {  	[tilespmem:s15+$0xC70] =	vst.add.f32.msk $0xffff, v18  }
0x119: {  	[tilespmem:s15+$0x1000] =	vst.add.f32.msk $0xffff, v19  }
0x11a: {  	[tilespmem:s15+$0x1010] =	vst.add.f32.msk $0xffff, v20  }
0x11b: {  	[tilespmem:s15+$0x1020] =	vst.add.f32.msk $0xffff, v21  }
0x11c: {  	[tilespmem:s15+$0x1030] =	vst.add.f32.msk $0xffff, v22  }
0x11d: {  	[tilespmem:s15+$0x1040] =	vst.add.f32.msk $0xffff, v23  }
0x11e: {  	[tilespmem:s15+$0x1050] =	vst.add.f32.msk $0xffff, v24  }
0x11f: {  	[tilespmem:s15+$0x1060] =	vst.add.f32.msk $0xffff, v25  }
0x120: {  	[tilespmem:s15+$0x1070] =	vst.add.f32.msk $0xffff, v26  }
0x121: {  	[tilespmem:s15+$0x1400] =	vst.add.f32.msk $0xffff, v27  }
0x122: {  	[tilespmem:s15+$0x1410] =	vst.add.f32.msk $0xffff, v28  }
0x123: {  	[tilespmem:s15+$0x1420] =	vst.add.f32.msk $0xffff, v29  }
0x124: {  	[tilespmem:s15+$0x1430] =	vst.add.f32.msk $0xffff, v30  }
0x125: {  	[tilespmem:s15+$0x1440] =	vst.add.f32.msk $0xffff, v31  }
0x126: {  	[tilespmem:s15+$0x1450] =	vst.add.f32.msk $0xffff, v32  }
0x127: {  	[tilespmem:s15+$0x1460] =	vst.add.f32.msk $0xffff, v33  }
0x128: {  	[tilespmem:s15+$0x1470] =	vst.add.f32.msk $0xffff, v34  }
0x129: {  	[tilespmem:s15+$0x1800] =	vst.add.f32.msk $0xffff, v35  }
0x12a: {  	[tilespmem:s15+$0x1810] =	vst.add.f32.msk $0xffff, v36  }
0x12b: {  	[tilespmem:s15+$0x1820] =	vst.add.f32.msk $0xffff, v37  }
0x12c: {  	s14 =	sor.u32 s5, s13;
	[tilespmem:s15+$0x1830] =	vst.add.f32.msk $0xffff, v38  }
0x12d: {  	s8 =	sshrl.u32 s14, $0x3;
	[tilespmem:s15+$0x1840] =	vst.add.f32.msk $0xffff, v39  }
0x12e: {  	s8 =	smul.u32 $0x300, s8;
	[tilespmem:s15+$0x1850] =	vst.add.f32.msk $0xffff, v40  }
0x12f: {  	[tilespmem:s15+$0x1860] =	vst.add.f32.msk $0xffff, v41  }
0x130: {  	s17 =	sadd.s32 s4, s8;
	s2 =	simm.s32 $0x400;
	[tilespmem:s15+$0xC40] =	vst.add.f32.msk $0xffff, v11  }
0x131: {  	[hbm4b:s17+s6] =	stream.linear.scatter [tilespmem:s2], [sflag:$0x9], $0x3000, $0x38;
	[tilespmem:$0x18400] =	vst v63  }
0x132: {  	_ =	swait.ge [sflag:s0], $0x3000  }
0x133: {  	[sflag:s0] =	ssyncset.done $0x0  }
0x134: {  	p0 =	seq.s32 s11, $0xF;
	[sflag:s0] =	ssyncadd.s32 $0xFFFFD000  }
0x135: {  	s15 =	sadd.s32 @!p0 $0x40, s13;
	_ =	swait.ge [sflag:s16], $0x3000  }
0x136: {  	s15 =	sadd.s32 @!p0 s5, s15;
	[sflag:s16] =	ssyncset.done $0x0  }
0x137: {  	s17 =	simm.s32 @!p0 $0x9;
	s15 =	sshrl.u32 @!p0 s15, $0x3;
	[sflag:s16] =	ssyncadd.s32 $0xFFFFD000  }
0x138: {  	s15 =	smul.u32 @!p0 $0x300, s15;
	_ =	swait.ge @!p0 [sflag:s17], $0x3000  }
0x139: {  	s23 =	simm.s32 @!p0 $0xC400;
	[sflag:s17] =	ssyncset.done @!p0 $0x0  }
0x13a: {  	s15 =	sadd.s32 @!p0 s1, s15;
	[sflag:s17] =	ssyncadd.s32 @!p0 $0xFFFFD000;
	s17 =	simm.s32 @!p0 $0x0  }
0x13b: {  	[tilespmem:s23], [sflag:$0x1] =	stream.linear.gather @!p0 [hbm4b:s15+s17], $0x3000, $0x38;
	[tilespmem:$0x18400] =	vst v63  }
0x13c: {  	v3 =	vld @!p0 [tilespmem:s13+$0x40];
	_ =	sdelay $0x4  }
0x13d: {  	v4 =	vshrl.u32 @!p0 v3, $0x3  }
0x13e: {  	v4 =	vmul.u32 @!p0 $0x30, v4  }
0x13f: {  	v5 =	vlaneseq.u32 @!p0;
	v3 =	vand.u32 @!p0 $0x7, v3  }
0x140: {  	v6 =	vshrl.u32 @!p0 v5, $0x3;
	v3 =	vor.u32 @!p0 v3, v4;
	v4 =	vand.u32 @!p0 $0x7, v5  }
0x141: {  	v6 =	vmul.u32 @!p0 $0x8, v6;
	v4 =	vperm.xlane @!p0 v3, v4;
	_ =	sdelay $0x1  }
0x142: {  	v4 =	vadd.s32 @!p0 v6, v4;
	_ =	sdelay $0x2  }
0x143: {  	v5 =	vor.u32 @!p0 $0x8, v5  }
0x144: {  	vm1 =	vmmov @!p0 $0xffff;
	s15 =	simm.s32 @!p0 $0x400;
	v3 =	vperm.xlane @!p0 v3, v5  }
0x145: {  	[tilespmem:s15], [sflag:$0x5] =	stream.indirect_vreg.gather @!p0 [hbm4b:s3+s17], $0x80, v4, vm1, $0xb8;
	[tilespmem:$0x18400] =	vst v63  }
0x146: {  	v3 =	vadd.s32 @!p0 v6, v3;
	s15 =	simm.s32 @!p0 $0xC00  }
0x147: {  	[tilespmem:s15], [sflag:$0x5] =	stream.indirect_vreg.gather @!p0 [hbm4b:s9+s17], $0x80, v4, vm1, $0xb8;
	[tilespmem:$0x18400] =	vst v63  }
0x148: {  	s15 =	simm.s32 @!p0 $0x1400  }
0x149: {  	[tilespmem:s15], [sflag:$0x5] =	stream.indirect_vreg.gather @!p0 [hbm4b:s10+s17], $0x80, v4, vm1, $0xb8;
	[tilespmem:$0x18400] =	vst v63  }
0x14a: {  	s15 =	simm.s32 @!p0 $0x1C00  }
0x14b: {  	[tilespmem:s15], [sflag:$0x5] =	stream.indirect_vreg.gather @!p0 [hbm4b:s3+s17], $0x80, v3, vm1, $0xb8;
	[tilespmem:$0x18400] =	vst v63  }
0x14c: {  	s15 =	simm.s32 @!p0 $0x2400  }
0x14d: {  	[tilespmem:s15], [sflag:$0x5] =	stream.indirect_vreg.gather @!p0 [hbm4b:s9+s17], $0x80, v3, vm1, $0xb8;
	[tilespmem:$0x18400] =	vst v63  }
0x14e: {  	s23 =	simm.s32 $0x0;
	s15 =	simm.s32 @!p0 $0x2C00  }
0x14f: {  	[tilespmem:s15], [sflag:$0x5] =	stream.indirect_vreg.gather @!p0 [hbm4b:s10+s17], $0x80, v3, vm1, $0xb8;
	[tilespmem:$0x18400] =	vst v63  }
0x150: {  	s26 =	smul.u32 $0x1800, s23;
	s15 =	simm.s32 $0x0  }
0x151: {  	s24 =	sand.u32 $0x380, s15  }
0x152: {  	s23 =	sor.u32 s24, s26  }
0x153: {  	v3 =	vld [tilespmem:s23+$0x10400]  }
0x154: {  	v4 =	vld [tilespmem:s23+$0x10410]  }
0x155: {  	v5 =	vld [tilespmem:s23+$0x10420]  }
0x156: {  	v6 =	vld [tilespmem:s23+$0x10430]  }
0x157: {  	v7 =	vld [tilespmem:s23+$0x10440]  }
0x158: {  	v8 =	vld [tilespmem:s23+$0x10450]  }
0x159: {  	v9 =	vld [tilespmem:s23+$0x10460]  }
0x15a: {  	v10 =	vld [tilespmem:s23+$0x10470]  }
0x15b: {  	v11 =	vld [tilespmem:s23+$0xFC00]  }
0x15c: {  	v12 =	vld [tilespmem:s23+$0xFC10]  }
0x15d: {  	v13 =	vld [tilespmem:s23+$0xFC20]  }
0x15e: {  	v14 =	vld [tilespmem:s23+$0xFC30]  }
0x15f: {  	v15 =	vld [tilespmem:s23+$0xFC40]  }
0x160: {  	v45 =	vld [tilespmem:s23+$0xFC50]  }
0x161: {  	v46 =	vld [tilespmem:s23+$0xFC60]  }
0x162: {  	v47 =	vld [tilespmem:s23+$0xFC70]  }
0x163: {  	v48 =	vld [tilespmem:s23+$0xF400]  }
0x164: {  	v49 =	vld [tilespmem:s23+$0xF410]  }
0x165: {  	v50 =	vld [tilespmem:s23+$0xF420]  }
0x166: {  	v51 =	vld [tilespmem:s23+$0xF430]  }
0x167: {  	v52 =	vld [tilespmem:s23+$0xF440]  }
0x168: {  	v53 =	vld [tilespmem:s23+$0xF450]  }
0x169: {  	v54 =	vld [tilespmem:s23+$0xF460]  }
0x16a: {  	v55 =	vld [tilespmem:s23+$0xF470]  }
0x16b: {  	v56 =	vld [tilespmem:s23+$0xF800]  }
0x16c: {  	v57 =	vld [tilespmem:s23+$0xF810]  }
0x16d: {  	v58 =	vld [tilespmem:s23+$0xF820]  }
0x16e: {  	v59 =	vld [tilespmem:s23+$0xF830]  }
0x16f: {  	v60 =	vld [tilespmem:s23+$0xF840]  }
0x170: {  	v61 =	vld [tilespmem:s23+$0xF850]  }
0x171: {  	v62 =	vld [tilespmem:s23+$0xF860]  }
0x172: {  	v63 =	vld [tilespmem:s23+$0xF870]  }
0x173: {  	[tilespmem:s23+$0x3400] =	vst.add.f32.msk $0xffff, v48  }
0x174: {  	[tilespmem:s23+$0x3410] =	vst.add.f32.msk $0xffff, v49  }
0x175: {  	[tilespmem:s23+$0x3420] =	vst.add.f32.msk $0xffff, v50  }
0x176: {  	[tilespmem:s23+$0x3430] =	vst.add.f32.msk $0xffff, v51  }
0x177: {  	[tilespmem:s23+$0x3440] =	vst.add.f32.msk $0xffff, v52  }
0x178: {  	[tilespmem:s23+$0x3450] =	vst.add.f32.msk $0xffff, v53  }
0x179: {  	[tilespmem:s23+$0x3460] =	vst.add.f32.msk $0xffff, v54  }
0x17a: {  	[tilespmem:s23+$0x3470] =	vst.add.f32.msk $0xffff, v55  }
0x17b: {  	[tilespmem:s23+$0x3800] =	vst.add.f32.msk $0xffff, v56  }
0x17c: {  	[tilespmem:s23+$0x3810] =	vst.add.f32.msk $0xffff, v57  }
0x17d: {  	[tilespmem:s23+$0x3820] =	vst.add.f32.msk $0xffff, v58  }
0x17e: {  	[tilespmem:s23+$0x3830] =	vst.add.f32.msk $0xffff, v59  }
0x17f: {  	[tilespmem:s23+$0x3840] =	vst.add.f32.msk $0xffff, v60  }
0x180: {  	[tilespmem:s23+$0x3850] =	vst.add.f32.msk $0xffff, v61  }
0x181: {  	[tilespmem:s23+$0x3860] =	vst.add.f32.msk $0xffff, v62  }
0x182: {  	s17 =	sadd.s32 $0x3C00, s23;
	[tilespmem:s23+$0x3870] =	vst.add.f32.msk $0xffff, v63  }
0x183: {  	v19 =	vld [tilespmem:s17+$0xC400]  }
0x184: {  	v20 =	vld [tilespmem:s17+$0xC410]  }
0x185: {  	v21 =	vld [tilespmem:s17+$0xC420]  }
0x186: {  	v22 =	vld [tilespmem:s17+$0xC430]  }
0x187: {  	v23 =	vld [tilespmem:s17+$0xC440]  }
0x188: {  	v24 =	vld [tilespmem:s17+$0xC450]  }
0x189: {  	v25 =	vld [tilespmem:s17+$0xC460]  }
0x18a: {  	v26 =	vld [tilespmem:s17+$0xC470]  }
0x18b: {  	[tilespmem:s23+$0x3C00] =	vst.add.f32.msk $0xffff, v11  }
0x18c: {  	[tilespmem:s23+$0x3C10] =	vst.add.f32.msk $0xffff, v12  }
0x18d: {  	[tilespmem:s23+$0x3C20] =	vst.add.f32.msk $0xffff, v13  }
0x18e: {  	[tilespmem:s23+$0x3C30] =	vst.add.f32.msk $0xffff, v14  }
0x18f: {  	[tilespmem:s23+$0x3C40] =	vst.add.f32.msk $0xffff, v15  }
0x190: {  	[tilespmem:s23+$0x3C50] =	vst.add.f32.msk $0xffff, v45  }
0x191: {  	[tilespmem:s23+$0x3C60] =	vst.add.f32.msk $0xffff, v46  }
0x192: {  	[tilespmem:s23+$0x3C70] =	vst.add.f32.msk $0xffff, v47  }
0x193: {  	[tilespmem:s23+$0x4000] =	vst.add.f32.msk $0xffff, v19  }
0x194: {  	[tilespmem:s23+$0x4010] =	vst.add.f32.msk $0xffff, v20  }
0x195: {  	[tilespmem:s23+$0x4020] =	vst.add.f32.msk $0xffff, v21  }
0x196: {  	[tilespmem:s23+$0x4030] =	vst.add.f32.msk $0xffff, v22  }
0x197: {  	[tilespmem:s23+$0x4040] =	vst.add.f32.msk $0xffff, v23  }
0x198: {  	[tilespmem:s23+$0x4050] =	vst.add.f32.msk $0xffff, v24  }
0x199: {  	s17 =	sadd.s32 $0x0, s26;
	[tilespmem:s23+$0x4060] =	vst.add.f32.msk $0xffff, v25  }
0x19a: {  	s28 =	sor.u32 $0x4400, s17;
	[tilespmem:s23+$0x4070] =	vst.add.f32.msk $0xffff, v26  }
0x19b: {  	s29 =	sor.u32 $0x4410, s17;
	v11 =	vld [tilespmem:s28+$0xC400]  }
0x19c: {  	s30 =	sor.u32 $0x4420, s17;
	v12 =	vld [tilespmem:s29+$0xC400]  }
0x19d: {  	s26 =	simm.s32 $0x1;
	s31 =	sor.u32 $0x4430, s17;
	v13 =	vld [tilespmem:s30+$0xC400]  }
.LBB2_5:
0x19e: {  	p1 =	sne.s32 s26, $0xF;
	v14 =	vld [tilespmem:s31+$0xC400];
	s24 =	sor.u32 $0x4440, s17  }
0x19f: {  	s2 =	sor.u32 $0x4450, s17;
	v15 =	vld [tilespmem:s24+$0xC400]  }
0x1a0: {  	s14 =	sor.u32 $0x4460, s17;
	v16 =	vld [tilespmem:s2+$0xC400]  }
0x1a1: {  	s17 =	sor.u32 $0x4470, s17;
	v17 =	vld [tilespmem:s14+$0xC400]  }
0x1a2: {  	v18 =	vld [tilespmem:s17+$0xC400]  }
0x1a3: {  	[tilespmem:s23+$0x4400] =	vst.add.f32.msk $0xffff, v3  }
0x1a4: {  	[tilespmem:s23+$0x4410] =	vst.add.f32.msk $0xffff, v4  }
0x1a5: {  	[tilespmem:s23+$0x4420] =	vst.add.f32.msk $0xffff, v5  }
0x1a6: {  	[tilespmem:s23+$0x4430] =	vst.add.f32.msk $0xffff, v6  }
0x1a7: {  	[tilespmem:s23+$0x4440] =	vst.add.f32.msk $0xffff, v7  }
0x1a8: {  	[tilespmem:s23+$0x4450] =	vst.add.f32.msk $0xffff, v8  }
0x1a9: {  	[tilespmem:s23+$0x4460] =	vst.add.f32.msk $0xffff, v9  }
0x1aa: {  	[tilespmem:s23+$0x4470] =	vst.add.f32.msk $0xffff, v10  }
0x1ab: {  	[tilespmem:s28+$0x400] =	vst.add.f32.msk $0xffff, v11  }
0x1ac: {  	[tilespmem:s29+$0x400] =	vst.add.f32.msk $0xffff, v12  }
0x1ad: {  	[tilespmem:s30+$0x400] =	vst.add.f32.msk $0xffff, v13  }
0x1ae: {  	[tilespmem:s31+$0x400] =	vst.add.f32.msk $0xffff, v14  }
0x1af: {  	s23 =	sshrl.u32 s26, $0x3;
	[tilespmem:s24+$0x400] =	vst.add.f32.msk $0xffff, v15  }
0x1b0: {  	s15 =	sadd.s32 $0x80, s15;
	s28 =	smul.u32 $0x1800, s23;
	[tilespmem:s2+$0x400] =	vst.add.f32.msk $0xffff, v16  }
0x1b1: {  	s2 =	sand.u32 $0x380, s15;
	[tilespmem:s14+$0x400] =	vst.add.f32.msk $0xffff, v17  }
0x1b2: {  	s23 =	sor.u32 s2, s28;
	[tilespmem:s17+$0x400] =	vst.add.f32.msk $0xffff, v18  }
0x1b3: {  	v3 =	vld [tilespmem:s23+$0x10400]  }
0x1b4: {  	v4 =	vld [tilespmem:s23+$0x10410]  }
0x1b5: {  	v5 =	vld [tilespmem:s23+$0x10420]  }
0x1b6: {  	v6 =	vld [tilespmem:s23+$0x10430]  }
0x1b7: {  	v7 =	vld [tilespmem:s23+$0x10440]  }
0x1b8: {  	v8 =	vld [tilespmem:s23+$0x10450]  }
0x1b9: {  	v9 =	vld [tilespmem:s23+$0x10460]  }
0x1ba: {  	v10 =	vld [tilespmem:s23+$0x10470]  }
0x1bb: {  	v11 =	vld [tilespmem:s23+$0xFC00]  }
0x1bc: {  	v12 =	vld [tilespmem:s23+$0xFC10]  }
0x1bd: {  	v13 =	vld [tilespmem:s23+$0xFC20]  }
0x1be: {  	v14 =	vld [tilespmem:s23+$0xFC30]  }
0x1bf: {  	v15 =	vld [tilespmem:s23+$0xFC40]  }
0x1c0: {  	v16 =	vld [tilespmem:s23+$0xFC50]  }
0x1c1: {  	v17 =	vld [tilespmem:s23+$0xFC60]  }
0x1c2: {  	v18 =	vld [tilespmem:s23+$0xFC70]  }
0x1c3: {  	v19 =	vld [tilespmem:s23+$0xF400]  }
0x1c4: {  	v20 =	vld [tilespmem:s23+$0xF410]  }
0x1c5: {  	v21 =	vld [tilespmem:s23+$0xF420]  }
0x1c6: {  	v22 =	vld [tilespmem:s23+$0xF430]  }
0x1c7: {  	v23 =	vld [tilespmem:s23+$0xF440]  }
0x1c8: {  	v24 =	vld [tilespmem:s23+$0xF450]  }
0x1c9: {  	v25 =	vld [tilespmem:s23+$0xF460]  }
0x1ca: {  	v26 =	vld [tilespmem:s23+$0xF470]  }
0x1cb: {  	v27 =	vld [tilespmem:s23+$0xF800]  }
0x1cc: {  	v28 =	vld [tilespmem:s23+$0xF810]  }
0x1cd: {  	v29 =	vld [tilespmem:s23+$0xF820]  }
0x1ce: {  	v30 =	vld [tilespmem:s23+$0xF830]  }
0x1cf: {  	v31 =	vld [tilespmem:s23+$0xF840]  }
0x1d0: {  	v32 =	vld [tilespmem:s23+$0xF850]  }
0x1d1: {  	v33 =	vld [tilespmem:s23+$0xF860]  }
0x1d2: {  	v34 =	vld [tilespmem:s23+$0xF870]  }
0x1d3: {  	[tilespmem:s23+$0x3400] =	vst.add.f32.msk $0xffff, v19  }
0x1d4: {  	[tilespmem:s23+$0x3410] =	vst.add.f32.msk $0xffff, v20  }
0x1d5: {  	[tilespmem:s23+$0x3420] =	vst.add.f32.msk $0xffff, v21  }
0x1d6: {  	[tilespmem:s23+$0x3430] =	vst.add.f32.msk $0xffff, v22  }
0x1d7: {  	[tilespmem:s23+$0x3440] =	vst.add.f32.msk $0xffff, v23  }
0x1d8: {  	[tilespmem:s23+$0x3450] =	vst.add.f32.msk $0xffff, v24  }
0x1d9: {  	[tilespmem:s23+$0x3460] =	vst.add.f32.msk $0xffff, v25  }
0x1da: {  	[tilespmem:s23+$0x3470] =	vst.add.f32.msk $0xffff, v26  }
0x1db: {  	[tilespmem:s23+$0x3800] =	vst.add.f32.msk $0xffff, v27  }
0x1dc: {  	[tilespmem:s23+$0x3810] =	vst.add.f32.msk $0xffff, v28  }
0x1dd: {  	[tilespmem:s23+$0x3820] =	vst.add.f32.msk $0xffff, v29  }
0x1de: {  	[tilespmem:s23+$0x3830] =	vst.add.f32.msk $0xffff, v30  }
0x1df: {  	[tilespmem:s23+$0x3840] =	vst.add.f32.msk $0xffff, v31  }
0x1e0: {  	[tilespmem:s23+$0x3850] =	vst.add.f32.msk $0xffff, v32  }
0x1e1: {  	[tilespmem:s23+$0x3860] =	vst.add.f32.msk $0xffff, v33  }
0x1e2: {  	s2 =	sadd.s32 $0x3C00, s23;
	[tilespmem:s23+$0x3870] =	vst.add.f32.msk $0xffff, v34  }
0x1e3: {  	v19 =	vld [tilespmem:s2+$0xC400]  }
0x1e4: {  	v20 =	vld [tilespmem:s2+$0xC410]  }
0x1e5: {  	v21 =	vld [tilespmem:s2+$0xC420]  }
0x1e6: {  	v22 =	vld [tilespmem:s2+$0xC430]  }
0x1e7: {  	v23 =	vld [tilespmem:s2+$0xC440]  }
0x1e8: {  	v24 =	vld [tilespmem:s2+$0xC450]  }
0x1e9: {  	v25 =	vld [tilespmem:s2+$0xC460]  }
0x1ea: {  	v26 =	vld [tilespmem:s2+$0xC470]  }
0x1eb: {  	[tilespmem:s23+$0x3C00] =	vst.add.f32.msk $0xffff, v11  }
0x1ec: {  	[tilespmem:s23+$0x3C10] =	vst.add.f32.msk $0xffff, v12  }
0x1ed: {  	[tilespmem:s23+$0x3C20] =	vst.add.f32.msk $0xffff, v13  }
0x1ee: {  	[tilespmem:s23+$0x3C30] =	vst.add.f32.msk $0xffff, v14  }
0x1ef: {  	[tilespmem:s23+$0x3C40] =	vst.add.f32.msk $0xffff, v15  }
0x1f0: {  	[tilespmem:s23+$0x3C50] =	vst.add.f32.msk $0xffff, v16  }
0x1f1: {  	[tilespmem:s23+$0x3C60] =	vst.add.f32.msk $0xffff, v17  }
0x1f2: {  	[tilespmem:s23+$0x3C70] =	vst.add.f32.msk $0xffff, v18  }
0x1f3: {  	[tilespmem:s23+$0x4000] =	vst.add.f32.msk $0xffff, v19  }
0x1f4: {  	[tilespmem:s23+$0x4010] =	vst.add.f32.msk $0xffff, v20  }
0x1f5: {  	[tilespmem:s23+$0x4020] =	vst.add.f32.msk $0xffff, v21  }
0x1f6: {  	[tilespmem:s23+$0x4030] =	vst.add.f32.msk $0xffff, v22  }
0x1f7: {  	[tilespmem:s23+$0x4040] =	vst.add.f32.msk $0xffff, v23  }
0x1f8: {  	[tilespmem:s23+$0x4050] =	vst.add.f32.msk $0xffff, v24  }
.Ltmp1:
0x1f9: {  	s17 =	sadd.s32 s28, s15;
	[tilespmem:s23+$0x4060] =	vst.add.f32.msk $0xffff, v25;
	(pc) =	sbr.rel @p1 .LBB2_5-.Ltmp1, $4  }
0x1fa: {  	s28 =	sor.u32 $0x4400, s17;
	[tilespmem:s23+$0x4070] =	vst.add.f32.msk $0xffff, v26  }
0x1fb: {  	s29 =	sor.u32 $0x4410, s17;
	v11 =	vld [tilespmem:s28+$0xC400]  }
0x1fc: {  	s30 =	sor.u32 $0x4420, s17;
	v12 =	vld [tilespmem:s29+$0xC400]  }
0x1fd: {  	s26 =	sadd.s32 $0x1, s26;
	s31 =	sor.u32 $0x4430, s17;
	v13 =	vld [tilespmem:s30+$0xC400]  }
0x1fe: {  	v14 =	vld [tilespmem:s31+$0xC400];
	s2 =	sor.u32 $0x4440, s17  }
0x1ff: {  	s14 =	sor.u32 $0x4450, s17;
	v15 =	vld [tilespmem:s2+$0xC400]  }
0x200: {  	s15 =	sor.u32 $0x4460, s17;
	v16 =	vld [tilespmem:s14+$0xC400]  }
0x201: {  	s24 =	sor.u32 $0x4470, s17;
	v17 =	vld [tilespmem:s15+$0xC400]  }
0x202: {  	v18 =	vld [tilespmem:s24+$0xC400]  }
0x203: {  	[tilespmem:s23+$0x4400] =	vst.add.f32.msk $0xffff, v3  }
0x204: {  	[tilespmem:s23+$0x4410] =	vst.add.f32.msk $0xffff, v4  }
0x205: {  	[tilespmem:s23+$0x4420] =	vst.add.f32.msk $0xffff, v5  }
0x206: {  	[tilespmem:s23+$0x4430] =	vst.add.f32.msk $0xffff, v6  }
0x207: {  	[tilespmem:s23+$0x4440] =	vst.add.f32.msk $0xffff, v7  }
0x208: {  	[tilespmem:s23+$0x4450] =	vst.add.f32.msk $0xffff, v8  }
0x209: {  	[tilespmem:s23+$0x4460] =	vst.add.f32.msk $0xffff, v9  }
0x20a: {  	[tilespmem:s23+$0x4470] =	vst.add.f32.msk $0xffff, v10  }
0x20b: {  	[tilespmem:s28+$0x400] =	vst.add.f32.msk $0xffff, v11  }
0x20c: {  	[tilespmem:s29+$0x400] =	vst.add.f32.msk $0xffff, v12  }
0x20d: {  	[tilespmem:s30+$0x400] =	vst.add.f32.msk $0xffff, v13  }
0x20e: {  	[tilespmem:s31+$0x400] =	vst.add.f32.msk $0xffff, v14  }
0x20f: {  	[tilespmem:s2+$0x400] =	vst.add.f32.msk $0xffff, v15  }
0x210: {  	[tilespmem:s14+$0x400] =	vst.add.f32.msk $0xffff, v16  }
0x211: {  	s26 =	sadd.s32 s8, s4;
	[tilespmem:s15+$0x400] =	vst.add.f32.msk $0xffff, v17  }
0x212: {  	s28 =	simm.s32 $0x3400;
	s2 =	sadd.s32 $0x600, s26;
	[tilespmem:s24+$0x400] =	vst.add.f32.msk $0xffff, v18  }
0x213: {  	[hbm4b:s2+s6] =	stream.linear.scatter [tilespmem:s28], [sflag:$0xA], $0x3000, $0x38;
	[tilespmem:$0x18400] =	vst v63  }
0x214: {  	_ =	swait.ge [sflag:s18], $0x3000  }
0x215: {  	[sflag:s18] =	ssyncset.done $0x0  }
0x216: {  	[sflag:s18] =	ssyncadd.s32 $0xFFFFD000  }
0x217: {  	s2 =	sadd.s32 @!p0 $0x50, s13;
	_ =	swait.ge [sflag:s19], $0x3000  }
0x218: {  	s2 =	sadd.s32 @!p0 s5, s2;
	[sflag:s19] =	ssyncset.done $0x0  }
0x219: {  	s14 =	simm.s32 @!p0 $0xA;
	s2 =	sshrl.u32 @!p0 s2, $0x3;
	[sflag:s19] =	ssyncadd.s32 $0xFFFFD000  }
0x21a: {  	s2 =	smul.u32 @!p0 $0x300, s2;
	_ =	swait.ge @!p0 [sflag:s14], $0x3000  }
0x21b: {  	s15 =	simm.s32 @!p0 $0xF400;
	[sflag:s14] =	ssyncset.done @!p0 $0x0  }
0x21c: {  	s2 =	sadd.s32 @!p0 s1, s2;
	[sflag:s14] =	ssyncadd.s32 @!p0 $0xFFFFD000;
	s14 =	simm.s32 @!p0 $0x0  }
0x21d: {  	[tilespmem:s15], [sflag:$0x2] =	stream.linear.gather @!p0 [hbm4b:s2+s14], $0x3000, $0x38;
	[tilespmem:$0x18400] =	vst v63  }
0x21e: {  	v3 =	vld @!p0 [tilespmem:s13+$0x50];
	_ =	sdelay $0x4  }
0x21f: {  	v4 =	vshrl.u32 @!p0 v3, $0x3  }
0x220: {  	v4 =	vmul.u32 @!p0 $0x30, v4  }
0x221: {  	v5 =	vlaneseq.u32 @!p0;
	v3 =	vand.u32 @!p0 $0x7, v3  }
0x222: {  	v6 =	vshrl.u32 @!p0 v5, $0x3;
	v3 =	vor.u32 @!p0 v3, v4;
	v4 =	vand.u32 @!p0 $0x7, v5  }
0x223: {  	v6 =	vmul.u32 @!p0 $0x8, v6;
	v4 =	vperm.xlane @!p0 v3, v4;
	_ =	sdelay $0x1  }
0x224: {  	v4 =	vadd.s32 @!p0 v6, v4;
	_ =	sdelay $0x2  }
0x225: {  	v5 =	vor.u32 @!p0 $0x8, v5  }
0x226: {  	s2 =	simm.s32 @!p0 $0x3400;
	v3 =	vperm.xlane @!p0 v3, v5  }
0x227: {  	[tilespmem:s2], [sflag:$0x6] =	stream.indirect_vreg.gather @!p0 [hbm4b:s3+s14], $0x80, v4, vm1, $0xb8;
	[tilespmem:$0x18400] =	vst v63  }
0x228: {  	v3 =	vadd.s32 @!p0 v6, v3;
	s2 =	simm.s32 @!p0 $0x3C00  }
0x229: {  	[tilespmem:s2], [sflag:$0x6] =	stream.indirect_vreg.gather @!p0 [hbm4b:s9+s14], $0x80, v4, vm1, $0xb8;
	[tilespmem:$0x18400] =	vst v63  }
0x22a: {  	s2 =	simm.s32 @!p0 $0x4400  }
0x22b: {  	[tilespmem:s2], [sflag:$0x6] =	stream.indirect_vreg.gather @!p0 [hbm4b:s10+s14], $0x80, v4, vm1, $0xb8;
	[tilespmem:$0x18400] =	vst v63  }
0x22c: {  	s2 =	simm.s32 @!p0 $0x4C00  }
0x22d: {  	[tilespmem:s2], [sflag:$0x6] =	stream.indirect_vreg.gather @!p0 [hbm4b:s3+s14], $0x80, v3, vm1, $0xb8;
	[tilespmem:$0x18400] =	vst v63  }
0x22e: {  	s2 =	simm.s32 @!p0 $0x5400  }
0x22f: {  	[tilespmem:s2], [sflag:$0x6] =	stream.indirect_vreg.gather @!p0 [hbm4b:s9+s14], $0x80, v3, vm1, $0xb8;
	[tilespmem:$0x18400] =	vst v63  }
0x230: {  	s29 =	simm.s32 $0x0;
	s2 =	simm.s32 @!p0 $0x5C00  }
0x231: {  	[tilespmem:s2], [sflag:$0x6] =	stream.indirect_vreg.gather @!p0 [hbm4b:s10+s14], $0x80, v3, vm1, $0xb8;
	[tilespmem:$0x18400] =	vst v63  }
0x232: {  	s23 =	simm.s32 $0x0;
	s2 =	smul.u32 $0x1800, s29  }
0x233: {  	s30 =	sand.u32 $0x380, s23  }
0x234: {  	s15 =	sor.u32 s30, s2  }
0x235: {  	v3 =	vld [tilespmem:s15+$0x12400]  }
0x236: {  	v4 =	vld [tilespmem:s15+$0x12410]  }
0x237: {  	v5 =	vld [tilespmem:s15+$0x12420]  }
0x238: {  	v6 =	vld [tilespmem:s15+$0x12430]  }
0x239: {  	v7 =	vld [tilespmem:s15+$0x12440]  }
0x23a: {  	v8 =	vld [tilespmem:s15+$0x12450]  }
0x23b: {  	s2 =	sadd.s32 $0x0, s2;
	v54 =	vld [tilespmem:s15+$0x12460]  }
0x23c: {  	v55 =	vld [tilespmem:s15+$0x12470];
	s14 =	sor.u32 $0x6400, s2  }
0x23d: {  	s17 =	sor.u32 $0x6410, s2;
	v56 =	vld [tilespmem:s14+$0xC400]  }
0x23e: {  	s24 =	sor.u32 $0x6420, s2;
	v57 =	vld [tilespmem:s17+$0xC400]  }
0x23f: {  	s26 =	sor.u32 $0x6430, s2;
	v58 =	vld [tilespmem:s24+$0xC400]  }
0x240: {  	s28 =	sor.u32 $0x6440, s2;
	v59 =	vld [tilespmem:s26+$0xC400]  }
0x241: {  	s29 =	sor.u32 $0x6450, s2;
	v60 =	vld [tilespmem:s28+$0xC400]  }
0x242: {  	s31 =	sor.u32 $0x6460, s2;
	v61 =	vld [tilespmem:s29+$0xC400]  }
0x243: {  	s2 =	sor.u32 $0x6470, s2;
	v62 =	vld [tilespmem:s31+$0xC400]  }
0x244: {  	v63 =	vld [tilespmem:s2+$0xC400]  }
0x245: {  	[tilespmem:s15+$0x6400] =	vst.add.f32.msk $0xffff, v3  }
0x246: {  	[tilespmem:s15+$0x6410] =	vst.add.f32.msk $0xffff, v4  }
0x247: {  	[tilespmem:s15+$0x6420] =	vst.add.f32.msk $0xffff, v5  }
0x248: {  	[tilespmem:s15+$0x6430] =	vst.add.f32.msk $0xffff, v6  }
0x249: {  	[tilespmem:s15+$0x6440] =	vst.add.f32.msk $0xffff, v7  }
0x24a: {  	[tilespmem:s15+$0x6450] =	vst.add.f32.msk $0xffff, v8  }
0x24b: {  	[tilespmem:s15+$0x6460] =	vst.add.f32.msk $0xffff, v54  }
0x24c: {  	[tilespmem:s15+$0x6470] =	vst.add.f32.msk $0xffff, v55  }
0x24d: {  	[tilespmem:s14+$0x400] =	vst.add.f32.msk $0xffff, v56  }
0x24e: {  	[tilespmem:s17+$0x400] =	vst.add.f32.msk $0xffff, v57  }
0x24f: {  	[tilespmem:s24+$0x400] =	vst.add.f32.msk $0xffff, v58  }
0x250: {  	[tilespmem:s26+$0x400] =	vst.add.f32.msk $0xffff, v59  }
0x251: {  	[tilespmem:s28+$0x400] =	vst.add.f32.msk $0xffff, v60  }
0x252: {  	[tilespmem:s29+$0x400] =	vst.add.f32.msk $0xffff, v61  }
0x253: {  	[tilespmem:s31+$0x400] =	vst.add.f32.msk $0xffff, v62  }
0x254: {  	s30 =	sadd.s32 $0x6800, s15;
	[tilespmem:s2+$0x400] =	vst.add.f32.msk $0xffff, v63  }
0x255: {  	v8 =	vld [tilespmem:s30+$0xC400]  }
0x256: {  	v9 =	vld [tilespmem:s30+$0xC410]  }
0x257: {  	v10 =	vld [tilespmem:s30+$0xC420]  }
0x258: {  	v11 =	vld [tilespmem:s30+$0xC430]  }
0x259: {  	v12 =	vld [tilespmem:s30+$0xC440]  }
0x25a: {  	v13 =	vld [tilespmem:s30+$0xC450]  }
0x25b: {  	v14 =	vld [tilespmem:s30+$0xC460]  }
0x25c: {  	s31 =	sadd.s32 $0x6C00, s15;
	v15 =	vld [tilespmem:s30+$0xC470]  }
0x25d: {  	v16 =	vld [tilespmem:s31+$0xC400]  }
0x25e: {  	v17 =	vld [tilespmem:s31+$0xC410]  }
0x25f: {  	v18 =	vld [tilespmem:s31+$0xC420]  }
0x260: {  	v3 =	vld [tilespmem:s31+$0xC430]  }
0x261: {  	v4 =	vld [tilespmem:s31+$0xC440]  }
0x262: {  	v5 =	vld [tilespmem:s31+$0xC450]  }
0x263: {  	v6 =	vld [tilespmem:s31+$0xC460]  }
0x264: {  	v7 =	vld [tilespmem:s31+$0xC470]  }
0x265: {  	[tilespmem:s15+$0x6C00] =	vst.add.f32.msk $0xffff, v8  }
0x266: {  	[tilespmem:s15+$0x6C10] =	vst.add.f32.msk $0xffff, v9  }
0x267: {  	[tilespmem:s15+$0x6C20] =	vst.add.f32.msk $0xffff, v10  }
0x268: {  	[tilespmem:s15+$0x6C30] =	vst.add.f32.msk $0xffff, v11  }
0x269: {  	[tilespmem:s15+$0x6C40] =	vst.add.f32.msk $0xffff, v12  }
0x26a: {  	[tilespmem:s15+$0x6C50] =	vst.add.f32.msk $0xffff, v13  }
0x26b: {  	[tilespmem:s15+$0x6C60] =	vst.add.f32.msk $0xffff, v14  }
0x26c: {  	[tilespmem:s15+$0x6C70] =	vst.add.f32.msk $0xffff, v15  }
0x26d: {  	[tilespmem:s15+$0x7000] =	vst.add.f32.msk $0xffff, v16  }
0x26e: {  	[tilespmem:s15+$0x7010] =	vst.add.f32.msk $0xffff, v17  }
0x26f: {  	s26 =	simm.s32 $0x1;
	[tilespmem:s15+$0x7020] =	vst.add.f32.msk $0xffff, v18  }
.LBB2_7:
0x270: {  	p1 =	sne.s32 s26, $0xF;
	[tilespmem:s15+$0x7030] =	vst.add.f32.msk $0xffff, v3  }
0x271: {  	[tilespmem:s15+$0x7040] =	vst.add.f32.msk $0xffff, v4  }
0x272: {  	[tilespmem:s15+$0x7050] =	vst.add.f32.msk $0xffff, v5  }
0x273: {  	[tilespmem:s15+$0x7060] =	vst.add.f32.msk $0xffff, v6  }
0x274: {  	s2 =	sadd.s32 $0x7000, s15;
	[tilespmem:s15+$0x7070] =	vst.add.f32.msk $0xffff, v7  }
0x275: {  	v3 =	vld [tilespmem:s2+$0xC400]  }
0x276: {  	v4 =	vld [tilespmem:s2+$0xC410]  }
0x277: {  	v5 =	vld [tilespmem:s2+$0xC420]  }
0x278: {  	v6 =	vld [tilespmem:s2+$0xC430]  }
0x279: {  	v7 =	vld [tilespmem:s2+$0xC440]  }
0x27a: {  	v8 =	vld [tilespmem:s2+$0xC450]  }
0x27b: {  	v9 =	vld [tilespmem:s2+$0xC460]  }
0x27c: {  	v10 =	vld [tilespmem:s2+$0xC470];
	s2 =	sadd.s32 $0x7400, s15  }
0x27d: {  	v11 =	vld [tilespmem:s2+$0xC400]  }
0x27e: {  	v12 =	vld [tilespmem:s2+$0xC410]  }
0x27f: {  	v13 =	vld [tilespmem:s2+$0xC420]  }
0x280: {  	v14 =	vld [tilespmem:s2+$0xC470]  }
0x281: {  	v15 =	vld [tilespmem:s2+$0xC430]  }
0x282: {  	v16 =	vld [tilespmem:s2+$0xC440]  }
0x283: {  	v17 =	vld [tilespmem:s2+$0xC450]  }
0x284: {  	v18 =	vld [tilespmem:s2+$0xC460]  }
0x285: {  	[tilespmem:s15+$0x7870] =	vst.add.f32.msk $0xffff, v14  }
0x286: {  	[tilespmem:s15+$0x7400] =	vst.add.f32.msk $0xffff, v3  }
0x287: {  	[tilespmem:s15+$0x7410] =	vst.add.f32.msk $0xffff, v4  }
0x288: {  	[tilespmem:s15+$0x7420] =	vst.add.f32.msk $0xffff, v5  }
0x289: {  	[tilespmem:s15+$0x7430] =	vst.add.f32.msk $0xffff, v6  }
0x28a: {  	[tilespmem:s15+$0x7440] =	vst.add.f32.msk $0xffff, v7  }
0x28b: {  	[tilespmem:s15+$0x7450] =	vst.add.f32.msk $0xffff, v8  }
0x28c: {  	[tilespmem:s15+$0x7460] =	vst.add.f32.msk $0xffff, v9  }
0x28d: {  	[tilespmem:s15+$0x7470] =	vst.add.f32.msk $0xffff, v10  }
0x28e: {  	[tilespmem:s15+$0x7800] =	vst.add.f32.msk $0xffff, v11  }
0x28f: {  	[tilespmem:s15+$0x7810] =	vst.add.f32.msk $0xffff, v12  }
0x290: {  	[tilespmem:s15+$0x7820] =	vst.add.f32.msk $0xffff, v13  }
0x291: {  	s2 =	sshrl.u32 s26, $0x3;
	[tilespmem:s15+$0x7830] =	vst.add.f32.msk $0xffff, v15  }
0x292: {  	s23 =	sadd.s32 $0x80, s23;
	s2 =	smul.u32 $0x1800, s2;
	[tilespmem:s15+$0x7840] =	vst.add.f32.msk $0xffff, v16  }
0x293: {  	s14 =	sand.u32 $0x380, s23;
	[tilespmem:s15+$0x7850] =	vst.add.f32.msk $0xffff, v17  }
0x294: {  	[tilespmem:s15+$0x7860] =	vst.add.f32.msk $0xffff, v18;
	s15 =	sor.u32 s14, s2  }
0x295: {  	v3 =	vld [tilespmem:s15+$0x12400]  }
0x296: {  	v4 =	vld [tilespmem:s15+$0x12410]  }
0x297: {  	v5 =	vld [tilespmem:s15+$0x12420]  }
0x298: {  	v6 =	vld [tilespmem:s15+$0x12430]  }
0x299: {  	v7 =	vld [tilespmem:s15+$0x12440]  }
0x29a: {  	v8 =	vld [tilespmem:s15+$0x12450]  }
0x29b: {  	s2 =	sadd.s32 s2, s23;
	v9 =	vld [tilespmem:s15+$0x12460]  }
0x29c: {  	s14 =	sor.u32 $0x6400, s2;
	v10 =	vld [tilespmem:s15+$0x12470]  }
0x29d: {  	s17 =	sor.u32 $0x6410, s2;
	v11 =	vld [tilespmem:s14+$0xC400]  }
0x29e: {  	s24 =	sor.u32 $0x6420, s2;
	v12 =	vld [tilespmem:s17+$0xC400]  }
0x29f: {  	s28 =	sor.u32 $0x6430, s2;
	v13 =	vld [tilespmem:s24+$0xC400]  }
0x2a0: {  	s29 =	sor.u32 $0x6440, s2;
	v14 =	vld [tilespmem:s28+$0xC400]  }
0x2a1: {  	s30 =	sor.u32 $0x6450, s2;
	v15 =	vld [tilespmem:s29+$0xC400]  }
0x2a2: {  	s31 =	sor.u32 $0x6460, s2;
	v16 =	vld [tilespmem:s30+$0xC400]  }
0x2a3: {  	s2 =	sor.u32 $0x6470, s2;
	v17 =	vld [tilespmem:s31+$0xC400]  }
0x2a4: {  	v18 =	vld [tilespmem:s2+$0xC400]  }
0x2a5: {  	[tilespmem:s15+$0x6400] =	vst.add.f32.msk $0xffff, v3  }
0x2a6: {  	[tilespmem:s15+$0x6410] =	vst.add.f32.msk $0xffff, v4  }
0x2a7: {  	[tilespmem:s15+$0x6420] =	vst.add.f32.msk $0xffff, v5  }
0x2a8: {  	[tilespmem:s15+$0x6430] =	vst.add.f32.msk $0xffff, v6  }
0x2a9: {  	[tilespmem:s15+$0x6440] =	vst.add.f32.msk $0xffff, v7  }
0x2aa: {  	[tilespmem:s15+$0x6450] =	vst.add.f32.msk $0xffff, v8  }
0x2ab: {  	[tilespmem:s15+$0x6460] =	vst.add.f32.msk $0xffff, v9  }
0x2ac: {  	[tilespmem:s15+$0x6470] =	vst.add.f32.msk $0xffff, v10  }
0x2ad: {  	[tilespmem:s14+$0x400] =	vst.add.f32.msk $0xffff, v11  }
0x2ae: {  	[tilespmem:s17+$0x400] =	vst.add.f32.msk $0xffff, v12  }
0x2af: {  	[tilespmem:s24+$0x400] =	vst.add.f32.msk $0xffff, v13  }
0x2b0: {  	[tilespmem:s28+$0x400] =	vst.add.f32.msk $0xffff, v14  }
0x2b1: {  	[tilespmem:s29+$0x400] =	vst.add.f32.msk $0xffff, v15  }
0x2b2: {  	[tilespmem:s30+$0x400] =	vst.add.f32.msk $0xffff, v16  }
0x2b3: {  	[tilespmem:s31+$0x400] =	vst.add.f32.msk $0xffff, v17  }
0x2b4: {  	[tilespmem:s2+$0x400] =	vst.add.f32.msk $0xffff, v18;
	s2 =	sadd.s32 $0x6800, s15  }
0x2b5: {  	v8 =	vld [tilespmem:s2+$0xC400]  }
0x2b6: {  	v9 =	vld [tilespmem:s2+$0xC410]  }
0x2b7: {  	v10 =	vld [tilespmem:s2+$0xC420]  }
0x2b8: {  	v11 =	vld [tilespmem:s2+$0xC430]  }
0x2b9: {  	v12 =	vld [tilespmem:s2+$0xC440]  }
0x2ba: {  	v13 =	vld [tilespmem:s2+$0xC450]  }
0x2bb: {  	v14 =	vld [tilespmem:s2+$0xC460]  }
0x2bc: {  	v15 =	vld [tilespmem:s2+$0xC470];
	s2 =	sadd.s32 $0x6C00, s15  }
0x2bd: {  	v16 =	vld [tilespmem:s2+$0xC400]  }
0x2be: {  	v17 =	vld [tilespmem:s2+$0xC410]  }
0x2bf: {  	v18 =	vld [tilespmem:s2+$0xC420]  }
0x2c0: {  	v3 =	vld [tilespmem:s2+$0xC430]  }
0x2c1: {  	v4 =	vld [tilespmem:s2+$0xC440]  }
0x2c2: {  	v5 =	vld [tilespmem:s2+$0xC450]  }
0x2c3: {  	v6 =	vld [tilespmem:s2+$0xC460]  }
0x2c4: {  	v7 =	vld [tilespmem:s2+$0xC470]  }
0x2c5: {  	[tilespmem:s15+$0x6C00] =	vst.add.f32.msk $0xffff, v8  }
0x2c6: {  	[tilespmem:s15+$0x6C10] =	vst.add.f32.msk $0xffff, v9  }
0x2c7: {  	[tilespmem:s15+$0x6C20] =	vst.add.f32.msk $0xffff, v10  }
0x2c8: {  	[tilespmem:s15+$0x6C30] =	vst.add.f32.msk $0xffff, v11  }
0x2c9: {  	[tilespmem:s15+$0x6C40] =	vst.add.f32.msk $0xffff, v12  }
0x2ca: {  	[tilespmem:s15+$0x6C50] =	vst.add.f32.msk $0xffff, v13  }
.Ltmp2:
0x2cb: {  	[tilespmem:s15+$0x6C60] =	vst.add.f32.msk $0xffff, v14;
	(pc) =	sbr.rel @p1 .LBB2_7-.Ltmp2, $4  }
0x2cc: {  	[tilespmem:s15+$0x6C70] =	vst.add.f32.msk $0xffff, v15  }
0x2cd: {  	[tilespmem:s15+$0x7000] =	vst.add.f32.msk $0xffff, v16  }
0x2ce: {  	[tilespmem:s15+$0x7010] =	vst.add.f32.msk $0xffff, v17  }
0x2cf: {  	s26 =	sadd.s32 $0x1, s26;
	[tilespmem:s15+$0x7020] =	vst.add.f32.msk $0xffff, v18  }
0x2d0: {  	[tilespmem:s15+$0x7030] =	vst.add.f32.msk $0xffff, v3  }
0x2d1: {  	[tilespmem:s15+$0x7040] =	vst.add.f32.msk $0xffff, v4  }
0x2d2: {  	[tilespmem:s15+$0x7050] =	vst.add.f32.msk $0xffff, v5  }
0x2d3: {  	[tilespmem:s15+$0x7060] =	vst.add.f32.msk $0xffff, v6  }
0x2d4: {  	[tilespmem:s15+$0x7070] =	vst.add.f32.msk $0xffff, v7;
	s2 =	sadd.s32 $0x7000, s15  }
0x2d5: {  	v3 =	vld [tilespmem:s2+$0xC400]  }
0x2d6: {  	v4 =	vld [tilespmem:s2+$0xC410]  }
0x2d7: {  	v5 =	vld [tilespmem:s2+$0xC420]  }
0x2d8: {  	v6 =	vld [tilespmem:s2+$0xC430]  }
0x2d9: {  	v7 =	vld [tilespmem:s2+$0xC440]  }
0x2da: {  	v8 =	vld [tilespmem:s2+$0xC450]  }
0x2db: {  	v9 =	vld [tilespmem:s2+$0xC460]  }
0x2dc: {  	s14 =	sadd.s32 $0x7400, s15;
	v10 =	vld [tilespmem:s2+$0xC470]  }
0x2dd: {  	v11 =	vld [tilespmem:s14+$0xC400]  }
0x2de: {  	v12 =	vld [tilespmem:s14+$0xC410]  }
0x2df: {  	v13 =	vld [tilespmem:s14+$0xC420]  }
0x2e0: {  	v14 =	vld [tilespmem:s14+$0xC470]  }
0x2e1: {  	v15 =	vld [tilespmem:s14+$0xC430]  }
0x2e2: {  	v16 =	vld [tilespmem:s14+$0xC440]  }
0x2e3: {  	v17 =	vld [tilespmem:s14+$0xC450]  }
0x2e4: {  	v18 =	vld [tilespmem:s14+$0xC460]  }
0x2e5: {  	[tilespmem:s15+$0x7870] =	vst.add.f32.msk $0xffff, v14  }
0x2e6: {  	[tilespmem:s15+$0x7400] =	vst.add.f32.msk $0xffff, v3  }
0x2e7: {  	[tilespmem:s15+$0x7410] =	vst.add.f32.msk $0xffff, v4  }
0x2e8: {  	[tilespmem:s15+$0x7420] =	vst.add.f32.msk $0xffff, v5  }
0x2e9: {  	[tilespmem:s15+$0x7430] =	vst.add.f32.msk $0xffff, v6  }
0x2ea: {  	[tilespmem:s15+$0x7440] =	vst.add.f32.msk $0xffff, v7  }
0x2eb: {  	[tilespmem:s15+$0x7450] =	vst.add.f32.msk $0xffff, v8  }
0x2ec: {  	[tilespmem:s15+$0x7460] =	vst.add.f32.msk $0xffff, v9  }
0x2ed: {  	[tilespmem:s15+$0x7470] =	vst.add.f32.msk $0xffff, v10  }
0x2ee: {  	[tilespmem:s15+$0x7800] =	vst.add.f32.msk $0xffff, v11  }
0x2ef: {  	[tilespmem:s15+$0x7810] =	vst.add.f32.msk $0xffff, v12  }
0x2f0: {  	[tilespmem:s15+$0x7820] =	vst.add.f32.msk $0xffff, v13  }
0x2f1: {  	[tilespmem:s15+$0x7830] =	vst.add.f32.msk $0xffff, v15  }
0x2f2: {  	[tilespmem:s15+$0x7840] =	vst.add.f32.msk $0xffff, v16  }
0x2f3: {  	[tilespmem:s15+$0x7850] =	vst.add.f32.msk $0xffff, v17  }
0x2f4: {  	[tilespmem:s15+$0x7860] =	vst.add.f32.msk $0xffff, v18  }
0x2f5: {  	s15 =	rddreg [dreg:$0xa]  }
0x2f6: {  	s17 =	simm.s32 $0x6400;
	s2 =	sadd.s32 s15, s8  }
0x2f7: {  	[hbm4b:s2+s6] =	stream.linear.scatter [tilespmem:s17], [sflag:$0xB], $0x3000, $0x38;
	[tilespmem:$0x18400] =	vst v63  }
0x2f8: {  	_ =	swait.ge [sflag:s20], $0x3000  }
0x2f9: {  	[sflag:s20] =	ssyncset.done $0x0  }
0x2fa: {  	[sflag:s20] =	ssyncadd.s32 $0xFFFFD000  }
0x2fb: {  	s2 =	sadd.s32 @!p0 $0x60, s13;
	_ =	swait.ge [sflag:s7], $0x3000  }
0x2fc: {  	s2 =	sadd.s32 @!p0 s5, s2;
	[sflag:s7] =	ssyncset.done $0x0  }
0x2fd: {  	s8 =	simm.s32 @!p0 $0xB;
	s2 =	sshrl.u32 @!p0 s2, $0x3;
	[sflag:s7] =	ssyncadd.s32 $0xFFFFD000  }
0x2fe: {  	s2 =	smul.u32 @!p0 $0x300, s2;
	_ =	swait.ge @!p0 [sflag:s8], $0x3000  }
0x2ff: {  	s14 =	simm.s32 @!p0 $0x12400;
	[sflag:s8] =	ssyncset.done @!p0 $0x0  }
0x300: {  	s2 =	sadd.s32 @!p0 s1, s2;
	[sflag:s8] =	ssyncadd.s32 @!p0 $0xFFFFD000;
	s8 =	simm.s32 @!p0 $0x0  }
0x301: {  	[tilespmem:s14], [sflag:$0x3] =	stream.linear.gather @!p0 [hbm4b:s2+s8], $0x3000, $0x38;
	[tilespmem:$0x18400] =	vst v63  }
0x302: {  	v3 =	vld @!p0 [tilespmem:s13+$0x60];
	_ =	sdelay $0x4  }
0x303: {  	v4 =	vshrl.u32 @!p0 v3, $0x3  }
0x304: {  	v4 =	vmul.u32 @!p0 $0x30, v4  }
0x305: {  	v5 =	vlaneseq.u32 @!p0;
	v3 =	vand.u32 @!p0 $0x7, v3  }
0x306: {  	v6 =	vshrl.u32 @!p0 v5, $0x3;
	v3 =	vor.u32 @!p0 v3, v4;
	v4 =	vand.u32 @!p0 $0x7, v5  }
0x307: {  	v6 =	vmul.u32 @!p0 $0x8, v6;
	v4 =	vperm.xlane @!p0 v3, v4;
	_ =	sdelay $0x1  }
0x308: {  	v4 =	vadd.s32 @!p0 v6, v4;
	_ =	sdelay $0x2  }
0x309: {  	v5 =	vor.u32 @!p0 $0x8, v5  }
0x30a: {  	s2 =	simm.s32 @!p0 $0x6400;
	v3 =	vperm.xlane @!p0 v3, v5  }
0x30b: {  	[tilespmem:s2], [sflag:$0x7] =	stream.indirect_vreg.gather @!p0 [hbm4b:s3+s8], $0x80, v4, vm1, $0xb8;
	[tilespmem:$0x18400] =	vst v63  }
0x30c: {  	v3 =	vadd.s32 @!p0 v6, v3;
	s2 =	simm.s32 @!p0 $0x6C00  }
0x30d: {  	[tilespmem:s2], [sflag:$0x7] =	stream.indirect_vreg.gather @!p0 [hbm4b:s9+s8], $0x80, v4, vm1, $0xb8;
	[tilespmem:$0x18400] =	vst v63  }
0x30e: {  	s2 =	simm.s32 @!p0 $0x7400  }
0x30f: {  	[tilespmem:s2], [sflag:$0x7] =	stream.indirect_vreg.gather @!p0 [hbm4b:s10+s8], $0x80, v4, vm1, $0xb8;
	[tilespmem:$0x18400] =	vst v63  }
0x310: {  	s2 =	simm.s32 @!p0 $0x7C00  }
0x311: {  	[tilespmem:s2], [sflag:$0x7] =	stream.indirect_vreg.gather @!p0 [hbm4b:s3+s8], $0x80, v3, vm1, $0xb8;
	[tilespmem:$0x18400] =	vst v63  }
0x312: {  	s2 =	simm.s32 @!p0 $0x8400  }
0x313: {  	[tilespmem:s2], [sflag:$0x7] =	stream.indirect_vreg.gather @!p0 [hbm4b:s9+s8], $0x80, v3, vm1, $0xb8;
	[tilespmem:$0x18400] =	vst v63  }
0x314: {  	s23 =	simm.s32 $0x0;
	s2 =	simm.s32 @!p0 $0x8C00  }
0x315: {  	[tilespmem:s2], [sflag:$0x7] =	stream.indirect_vreg.gather @!p0 [hbm4b:s10+s8], $0x80, v3, vm1, $0xb8;
	[tilespmem:$0x18400] =	vst v63  }
0x316: {  	s24 =	smul.u32 $0x1800, s23;
	s8 =	simm.s32 $0x0  }
0x317: {  	s26 =	sand.u32 $0x380, s8  }
0x318: {  	s13 =	sor.u32 s26, s24  }
0x319: {  	v3 =	vld [tilespmem:s13+$0x16400]  }
0x31a: {  	v4 =	vld [tilespmem:s13+$0x16410]  }
0x31b: {  	v5 =	vld [tilespmem:s13+$0x16420]  }
0x31c: {  	v6 =	vld [tilespmem:s13+$0x16430]  }
0x31d: {  	v7 =	vld [tilespmem:s13+$0x16440]  }
0x31e: {  	v8 =	vld [tilespmem:s13+$0x16450]  }
0x31f: {  	v9 =	vld [tilespmem:s13+$0x16460]  }
0x320: {  	s2 =	sadd.s32 $0x9000, s13;
	v10 =	vld [tilespmem:s13+$0x16470]  }
0x321: {  	v11 =	vld [tilespmem:s2+$0xC400]  }
0x322: {  	v12 =	vld [tilespmem:s2+$0xC410]  }
0x323: {  	v13 =	vld [tilespmem:s2+$0xC420]  }
0x324: {  	v14 =	vld [tilespmem:s2+$0xC430]  }
0x325: {  	v15 =	vld [tilespmem:s2+$0xC440]  }
0x326: {  	v61 =	vld [tilespmem:s2+$0xC450]  }
0x327: {  	v62 =	vld [tilespmem:s2+$0xC460]  }
0x328: {  	s29 =	sadd.s32 $0x9400, s13;
	v63 =	vld [tilespmem:s2+$0xC470]  }
0x329: {  	v19 =	vld [tilespmem:s29+$0xC400]  }
0x32a: {  	v20 =	vld [tilespmem:s29+$0xC410]  }
0x32b: {  	v21 =	vld [tilespmem:s29+$0xC420]  }
0x32c: {  	v22 =	vld [tilespmem:s29+$0xC430]  }
0x32d: {  	v23 =	vld [tilespmem:s29+$0xC440]  }
0x32e: {  	v24 =	vld [tilespmem:s29+$0xC450]  }
0x32f: {  	v25 =	vld [tilespmem:s29+$0xC460]  }
0x330: {  	v26 =	vld [tilespmem:s29+$0xC470]  }
0x331: {  	[tilespmem:s13+$0x9400] =	vst.add.f32.msk $0xffff, v11  }
0x332: {  	[tilespmem:s13+$0x9410] =	vst.add.f32.msk $0xffff, v12  }
0x333: {  	[tilespmem:s13+$0x9420] =	vst.add.f32.msk $0xffff, v13  }
0x334: {  	[tilespmem:s13+$0x9430] =	vst.add.f32.msk $0xffff, v14  }
0x335: {  	[tilespmem:s13+$0x9440] =	vst.add.f32.msk $0xffff, v15  }
0x336: {  	[tilespmem:s13+$0x9450] =	vst.add.f32.msk $0xffff, v61  }
0x337: {  	[tilespmem:s13+$0x9460] =	vst.add.f32.msk $0xffff, v62  }
0x338: {  	[tilespmem:s13+$0x9470] =	vst.add.f32.msk $0xffff, v63  }
0x339: {  	[tilespmem:s13+$0x9800] =	vst.add.f32.msk $0xffff, v19  }
0x33a: {  	[tilespmem:s13+$0x9810] =	vst.add.f32.msk $0xffff, v20  }
0x33b: {  	[tilespmem:s13+$0x9820] =	vst.add.f32.msk $0xffff, v21  }
0x33c: {  	[tilespmem:s13+$0x9830] =	vst.add.f32.msk $0xffff, v22  }
0x33d: {  	[tilespmem:s13+$0x9840] =	vst.add.f32.msk $0xffff, v23  }
0x33e: {  	[tilespmem:s13+$0x9850] =	vst.add.f32.msk $0xffff, v24  }
0x33f: {  	[tilespmem:s13+$0x9860] =	vst.add.f32.msk $0xffff, v25  }
0x340: {  	s30 =	sadd.s32 $0x9800, s13;
	[tilespmem:s13+$0x9870] =	vst.add.f32.msk $0xffff, v26  }
0x341: {  	v11 =	vld [tilespmem:s30+$0xC400]  }
0x342: {  	v12 =	vld [tilespmem:s30+$0xC410]  }
0x343: {  	v13 =	vld [tilespmem:s30+$0xC420]  }
0x344: {  	v14 =	vld [tilespmem:s30+$0xC430]  }
0x345: {  	v15 =	vld [tilespmem:s30+$0xC440]  }
0x346: {  	v16 =	vld [tilespmem:s30+$0xC450]  }
0x347: {  	v17 =	vld [tilespmem:s30+$0xC460]  }
0x348: {  	s31 =	sadd.s32 $0x9C00, s13;
	v18 =	vld [tilespmem:s30+$0xC470]  }
0x349: {  	v19 =	vld [tilespmem:s31+$0xC400]  }
0x34a: {  	v20 =	vld [tilespmem:s31+$0xC410]  }
0x34b: {  	v21 =	vld [tilespmem:s31+$0xC420]  }
0x34c: {  	v22 =	vld [tilespmem:s31+$0xC430]  }
0x34d: {  	v23 =	vld [tilespmem:s31+$0xC440]  }
0x34e: {  	v24 =	vld [tilespmem:s31+$0xC450]  }
0x34f: {  	v25 =	vld [tilespmem:s31+$0xC460]  }
0x350: {  	v26 =	vld [tilespmem:s31+$0xC470]  }
0x351: {  	[tilespmem:s13+$0x9C00] =	vst.add.f32.msk $0xffff, v11  }
0x352: {  	[tilespmem:s13+$0x9C10] =	vst.add.f32.msk $0xffff, v12  }
0x353: {  	[tilespmem:s13+$0x9C20] =	vst.add.f32.msk $0xffff, v13  }
0x354: {  	[tilespmem:s13+$0x9C30] =	vst.add.f32.msk $0xffff, v14  }
0x355: {  	[tilespmem:s13+$0x9C40] =	vst.add.f32.msk $0xffff, v15  }
0x356: {  	[tilespmem:s13+$0x9C50] =	vst.add.f32.msk $0xffff, v16  }
0x357: {  	[tilespmem:s13+$0x9C60] =	vst.add.f32.msk $0xffff, v17  }
0x358: {  	[tilespmem:s13+$0x9C70] =	vst.add.f32.msk $0xffff, v18  }
0x359: {  	[tilespmem:s13+$0xA000] =	vst.add.f32.msk $0xffff, v19  }
0x35a: {  	[tilespmem:s13+$0xA010] =	vst.add.f32.msk $0xffff, v20  }
0x35b: {  	[tilespmem:s13+$0xA020] =	vst.add.f32.msk $0xffff, v21  }
0x35c: {  	[tilespmem:s13+$0xA030] =	vst.add.f32.msk $0xffff, v22  }
0x35d: {  	[tilespmem:s13+$0xA040] =	vst.add.f32.msk $0xffff, v23  }
0x35e: {  	[tilespmem:s13+$0xA050] =	vst.add.f32.msk $0xffff, v24  }
0x35f: {  	s17 =	sadd.s32 $0x0, s24;
	[tilespmem:s13+$0xA060] =	vst.add.f32.msk $0xffff, v25  }
0x360: {  	s23 =	sor.u32 $0xA400, s17;
	[tilespmem:s13+$0xA070] =	vst.add.f32.msk $0xffff, v26  }
0x361: {  	s26 =	sor.u32 $0xA410, s17;
	v11 =	vld [tilespmem:s23+$0xC400]  }
0x362: {  	s15 =	simm.s32 $0x1;
	s28 =	sor.u32 $0xA420, s17;
	v12 =	vld [tilespmem:s26+$0xC400]  }
.LBB2_9:
0x363: {  	p0 =	sne.s32 s15, $0xF;
	v13 =	vld [tilespmem:s28+$0xC400];
	s2 =	sor.u32 $0xA430, s17  }
0x364: {  	s14 =	sor.u32 $0xA440, s17;
	v14 =	vld [tilespmem:s2+$0xC400]  }
0x365: {  	s24 =	sor.u32 $0xA450, s17;
	v15 =	vld [tilespmem:s14+$0xC400]  }
0x366: {  	s29 =	sor.u32 $0xA460, s17;
	v16 =	vld [tilespmem:s24+$0xC400]  }
0x367: {  	s17 =	sor.u32 $0xA470, s17;
	v17 =	vld [tilespmem:s29+$0xC400]  }
0x368: {  	v18 =	vld [tilespmem:s17+$0xC400]  }
0x369: {  	[tilespmem:s13+$0xA400] =	vst.add.f32.msk $0xffff, v3  }
0x36a: {  	[tilespmem:s13+$0xA410] =	vst.add.f32.msk $0xffff, v4  }
0x36b: {  	[tilespmem:s13+$0xA420] =	vst.add.f32.msk $0xffff, v5  }
0x36c: {  	[tilespmem:s13+$0xA430] =	vst.add.f32.msk $0xffff, v6  }
0x36d: {  	[tilespmem:s13+$0xA440] =	vst.add.f32.msk $0xffff, v7  }
0x36e: {  	[tilespmem:s13+$0xA450] =	vst.add.f32.msk $0xffff, v8  }
0x36f: {  	[tilespmem:s13+$0xA460] =	vst.add.f32.msk $0xffff, v9  }
0x370: {  	[tilespmem:s13+$0xA470] =	vst.add.f32.msk $0xffff, v10  }
0x371: {  	[tilespmem:s23+$0x400] =	vst.add.f32.msk $0xffff, v11  }
0x372: {  	[tilespmem:s26+$0x400] =	vst.add.f32.msk $0xffff, v12  }
0x373: {  	[tilespmem:s28+$0x400] =	vst.add.f32.msk $0xffff, v13  }
0x374: {  	[tilespmem:s2+$0x400] =	vst.add.f32.msk $0xffff, v14  }
0x375: {  	s2 =	sshrl.u32 s15, $0x3;
	[tilespmem:s14+$0x400] =	vst.add.f32.msk $0xffff, v15  }
0x376: {  	s8 =	sadd.s32 $0x80, s8;
	s23 =	smul.u32 $0x1800, s2;
	[tilespmem:s24+$0x400] =	vst.add.f32.msk $0xffff, v16  }
0x377: {  	s2 =	sand.u32 $0x380, s8;
	[tilespmem:s29+$0x400] =	vst.add.f32.msk $0xffff, v17  }
0x378: {  	s13 =	sor.u32 s2, s23;
	[tilespmem:s17+$0x400] =	vst.add.f32.msk $0xffff, v18  }
0x379: {  	v3 =	vld [tilespmem:s13+$0x16400]  }
0x37a: {  	v4 =	vld [tilespmem:s13+$0x16410]  }
0x37b: {  	v5 =	vld [tilespmem:s13+$0x16420]  }
0x37c: {  	v6 =	vld [tilespmem:s13+$0x16430]  }
0x37d: {  	v7 =	vld [tilespmem:s13+$0x16440]  }
0x37e: {  	v8 =	vld [tilespmem:s13+$0x16450]  }
0x37f: {  	v9 =	vld [tilespmem:s13+$0x16460]  }
0x380: {  	s2 =	sadd.s32 $0x9000, s13;
	v10 =	vld [tilespmem:s13+$0x16470]  }
0x381: {  	v11 =	vld [tilespmem:s2+$0xC400]  }
0x382: {  	v12 =	vld [tilespmem:s2+$0xC410]  }
0x383: {  	v13 =	vld [tilespmem:s2+$0xC420]  }
0x384: {  	v14 =	vld [tilespmem:s2+$0xC430]  }
0x385: {  	v15 =	vld [tilespmem:s2+$0xC440]  }
0x386: {  	v16 =	vld [tilespmem:s2+$0xC450]  }
0x387: {  	v17 =	vld [tilespmem:s2+$0xC460]  }
0x388: {  	v18 =	vld [tilespmem:s2+$0xC470];
	s2 =	sadd.s32 $0x9400, s13  }
0x389: {  	v19 =	vld [tilespmem:s2+$0xC400]  }
0x38a: {  	v20 =	vld [tilespmem:s2+$0xC410]  }
0x38b: {  	v21 =	vld [tilespmem:s2+$0xC420]  }
0x38c: {  	v22 =	vld [tilespmem:s2+$0xC430]  }
0x38d: {  	v23 =	vld [tilespmem:s2+$0xC440]  }
0x38e: {  	v24 =	vld [tilespmem:s2+$0xC450]  }
0x38f: {  	v25 =	vld [tilespmem:s2+$0xC460]  }
0x390: {  	v26 =	vld [tilespmem:s2+$0xC470]  }
0x391: {  	[tilespmem:s13+$0x9400] =	vst.add.f32.msk $0xffff, v11  }
0x392: {  	[tilespmem:s13+$0x9410] =	vst.add.f32.msk $0xffff, v12  }
0x393: {  	[tilespmem:s13+$0x9420] =	vst.add.f32.msk $0xffff, v13  }
0x394: {  	[tilespmem:s13+$0x9430] =	vst.add.f32.msk $0xffff, v14  }
0x395: {  	[tilespmem:s13+$0x9440] =	vst.add.f32.msk $0xffff, v15  }
0x396: {  	[tilespmem:s13+$0x9450] =	vst.add.f32.msk $0xffff, v16  }
0x397: {  	[tilespmem:s13+$0x9460] =	vst.add.f32.msk $0xffff, v17  }
0x398: {  	[tilespmem:s13+$0x9470] =	vst.add.f32.msk $0xffff, v18  }
0x399: {  	[tilespmem:s13+$0x9800] =	vst.add.f32.msk $0xffff, v19  }
0x39a: {  	[tilespmem:s13+$0x9810] =	vst.add.f32.msk $0xffff, v20  }
0x39b: {  	[tilespmem:s13+$0x9820] =	vst.add.f32.msk $0xffff, v21  }
0x39c: {  	[tilespmem:s13+$0x9830] =	vst.add.f32.msk $0xffff, v22  }
0x39d: {  	[tilespmem:s13+$0x9840] =	vst.add.f32.msk $0xffff, v23  }
0x39e: {  	[tilespmem:s13+$0x9850] =	vst.add.f32.msk $0xffff, v24  }
0x39f: {  	[tilespmem:s13+$0x9860] =	vst.add.f32.msk $0xffff, v25  }
0x3a0: {  	s2 =	sadd.s32 $0x9800, s13;
	[tilespmem:s13+$0x9870] =	vst.add.f32.msk $0xffff, v26  }
0x3a1: {  	v11 =	vld [tilespmem:s2+$0xC400]  }
0x3a2: {  	v12 =	vld [tilespmem:s2+$0xC410]  }
0x3a3: {  	v13 =	vld [tilespmem:s2+$0xC420]  }
0x3a4: {  	v14 =	vld [tilespmem:s2+$0xC430]  }
0x3a5: {  	v15 =	vld [tilespmem:s2+$0xC440]  }
0x3a6: {  	v16 =	vld [tilespmem:s2+$0xC450]  }
0x3a7: {  	v17 =	vld [tilespmem:s2+$0xC460]  }
0x3a8: {  	v18 =	vld [tilespmem:s2+$0xC470];
	s2 =	sadd.s32 $0x9C00, s13  }
0x3a9: {  	v19 =	vld [tilespmem:s2+$0xC400]  }
0x3aa: {  	v20 =	vld [tilespmem:s2+$0xC410]  }
0x3ab: {  	v21 =	vld [tilespmem:s2+$0xC420]  }
0x3ac: {  	v22 =	vld [tilespmem:s2+$0xC430]  }
0x3ad: {  	v23 =	vld [tilespmem:s2+$0xC440]  }
0x3ae: {  	v24 =	vld [tilespmem:s2+$0xC450]  }
0x3af: {  	v25 =	vld [tilespmem:s2+$0xC460]  }
0x3b0: {  	v26 =	vld [tilespmem:s2+$0xC470]  }
0x3b1: {  	[tilespmem:s13+$0x9C00] =	vst.add.f32.msk $0xffff, v11  }
0x3b2: {  	[tilespmem:s13+$0x9C10] =	vst.add.f32.msk $0xffff, v12  }
0x3b3: {  	[tilespmem:s13+$0x9C20] =	vst.add.f32.msk $0xffff, v13  }
0x3b4: {  	[tilespmem:s13+$0x9C30] =	vst.add.f32.msk $0xffff, v14  }
0x3b5: {  	[tilespmem:s13+$0x9C40] =	vst.add.f32.msk $0xffff, v15  }
0x3b6: {  	[tilespmem:s13+$0x9C50] =	vst.add.f32.msk $0xffff, v16  }
0x3b7: {  	[tilespmem:s13+$0x9C60] =	vst.add.f32.msk $0xffff, v17  }
0x3b8: {  	[tilespmem:s13+$0x9C70] =	vst.add.f32.msk $0xffff, v18  }
0x3b9: {  	[tilespmem:s13+$0xA000] =	vst.add.f32.msk $0xffff, v19  }
0x3ba: {  	[tilespmem:s13+$0xA010] =	vst.add.f32.msk $0xffff, v20  }
0x3bb: {  	[tilespmem:s13+$0xA020] =	vst.add.f32.msk $0xffff, v21  }
0x3bc: {  	[tilespmem:s13+$0xA030] =	vst.add.f32.msk $0xffff, v22  }
0x3bd: {  	[tilespmem:s13+$0xA040] =	vst.add.f32.msk $0xffff, v23  }
.Ltmp3:
0x3be: {  	[tilespmem:s13+$0xA050] =	vst.add.f32.msk $0xffff, v24;
	(pc) =	sbr.rel @p0 .LBB2_9-.Ltmp3, $4  }
0x3bf: {  	s17 =	sadd.s32 s23, s8;
	[tilespmem:s13+$0xA060] =	vst.add.f32.msk $0xffff, v25  }
0x3c0: {  	s23 =	sor.u32 $0xA400, s17;
	[tilespmem:s13+$0xA070] =	vst.add.f32.msk $0xffff, v26  }
0x3c1: {  	s26 =	sor.u32 $0xA410, s17;
	v11 =	vld [tilespmem:s23+$0xC400]  }
0x3c2: {  	s15 =	sadd.s32 $0x1, s15;
	s28 =	sor.u32 $0xA420, s17;
	v12 =	vld [tilespmem:s26+$0xC400]  }
0x3c3: {  	v13 =	vld [tilespmem:s28+$0xC400];
	s2 =	sor.u32 $0xA430, s17  }
0x3c4: {  	s8 =	sor.u32 $0xA440, s17;
	v14 =	vld [tilespmem:s2+$0xC400]  }
0x3c5: {  	s14 =	sor.u32 $0xA450, s17;
	v15 =	vld [tilespmem:s8+$0xC400]  }
0x3c6: {  	s15 =	sor.u32 $0xA460, s17;
	v16 =	vld [tilespmem:s14+$0xC400]  }
0x3c7: {  	s30 =	sor.u32 $0xA470, s17;
	v17 =	vld [tilespmem:s15+$0xC400]  }
0x3c8: {  	v18 =	vld [tilespmem:s30+$0xC400]  }
0x3c9: {  	[tilespmem:s13+$0xA400] =	vst.add.f32.msk $0xffff, v3  }
0x3ca: {  	[tilespmem:s13+$0xA410] =	vst.add.f32.msk $0xffff, v4  }
0x3cb: {  	[tilespmem:s13+$0xA420] =	vst.add.f32.msk $0xffff, v5  }
0x3cc: {  	[tilespmem:s13+$0xA430] =	vst.add.f32.msk $0xffff, v6  }
0x3cd: {  	[tilespmem:s13+$0xA440] =	vst.add.f32.msk $0xffff, v7  }
0x3ce: {  	[tilespmem:s13+$0xA450] =	vst.add.f32.msk $0xffff, v8  }
0x3cf: {  	[tilespmem:s13+$0xA460] =	vst.add.f32.msk $0xffff, v9  }
0x3d0: {  	[tilespmem:s13+$0xA470] =	vst.add.f32.msk $0xffff, v10  }
0x3d1: {  	[tilespmem:s23+$0x400] =	vst.add.f32.msk $0xffff, v11  }
0x3d2: {  	[tilespmem:s26+$0x400] =	vst.add.f32.msk $0xffff, v12  }
0x3d3: {  	s11 =	sadd.s32 $0x1, s11;
	[tilespmem:s28+$0x400] =	vst.add.f32.msk $0xffff, v13  }
0x3d4: {  	p0 =	sne.s32 s11, $0x10;
	[tilespmem:s2+$0x400] =	vst.add.f32.msk $0xffff, v14  }
.Ltmp4:
0x3d5: {  	[tilespmem:s8+$0x400] =	vst.add.f32.msk $0xffff, v15;
	(pc) =	sbr.rel @p0 .LBB2_2-.Ltmp4, $4  }
0x3d6: {  	[tilespmem:s14+$0x400] =	vst.add.f32.msk $0xffff, v16  }
0x3d7: {  	[tilespmem:s15+$0x400] =	vst.add.f32.msk $0xffff, v17  }
0x3d8: {  	s31 =	sadd.s32 s4, s12;
	[tilespmem:s30+$0x400] =	vst.add.f32.msk $0xffff, v18  }
0x3d9: {  	[hbm4b:s31+s6] =	stream.linear.scatter [tilespmem:s25], [sflag:$0xC], $0x3000, $0x38;
	[tilespmem:$0x18400] =	vst v63  }
0x3da: {  	s2 =	simm.s32 $0x9  }
0x3db: {  	_ =	swait.ge [sflag:s2], $0x3000  }
0x3dc: {  	[sflag:s2] =	ssyncset.done $0x0  }
0x3dd: {  	s29 =	simm.s32 $0xA;
	[sflag:s2] =	ssyncadd.s32 $0xFFFFD000  }
0x3de: {  	_ =	swait.ge [sflag:s29], $0x3000  }
0x3df: {  	[sflag:s29] =	ssyncset.done $0x0  }
0x3e0: {  	s30 =	simm.s32 $0xB;
	[sflag:s29] =	ssyncadd.s32 $0xFFFFD000  }
0x3e1: {  	_ =	swait.ge [sflag:s30], $0x3000  }
0x3e2: {  	[sflag:s30] =	ssyncset.done $0x0  }
0x3e3: {  	s8 =	simm.s32 $0xC;
	[sflag:s30] =	ssyncadd.s32 $0xFFFFD000  }
0x3e4: {  	_ =	swait.ge [sflag:s8], $0x3000  }
0x3e5: {  	s11 =	rddreg [dreg:$0xb]  }
0x3e6: {  	s31 =	rddreg [dreg:$0x9];
	s11 =	sadd.s32 $0x1, s11  }
0x3e7: {  	p0 =	sne.s32 s11, s31  }
.Ltmp5:
0x3e8: {  	_ = 	snop;
	(pc) =	sbr.rel @p0 .LBB2_1-.Ltmp5, $3  }
0x3e9: {  	_ =	sdelay $0x1  }
0x3ea: {  	[sflag:s8] =	ssyncset.done $0x0  }
0x3eb: {  	[sflag:s8] =	ssyncadd.s32 $0xFFFFD000  }
0x3ec: {  	_ =	sfence.sel $0x180000  }
0x3ed: {  	[bflag:$0x0] =	sbarrier.arrive $0xFFFF  }
0x3ee: {  	_ =	strace $0x90000047  }
0x3ef: {  	s0 =	stileid.u32;
	[bflag:$0x2] =	sbarrier.arrive $0xFFFF  }
0x3f0: {  	p0 =	sne.s32 s0, $0x0;
	s0 =	rddreg [dreg:$0x4]  }
0x3f1: {  	s0 =	sadd.s32 @!p0 $0x100000, s0  }
0x3f2: {  	[sflag:s0] =	ssyncadd.tile.s32 @!p0 $0x1;
	_ =	shalt  }
.Lfunc_end2:
_tile_overlayer_lowered:
.L_overlay_start_2:
0x3f3: {  	(tag) =	ssettag $0x2  }
0x3f4: {  	s0 =	rddreg [dreg:$0x0];
	s2 =	stileid.u32  }
0x3f5: {  	s1 =	rddreg [dreg:$0x1];
	p0 =	sne.s32 s2, $0x0  }
0x3f6: {  	s3 =	rddreg [dreg:$0x2];
	[bflag:$0x3] =	sbarrier.arrive $0xFFFF;
	s2 =	simm.s32 @!p0 $0x1C0D  }
0x3f7: {  	[timem:s3], [sflag:s2] =	dma.local @!p0 [hbm:s0], s1  }
0x3f8: {  	s0 =	simm.s32 @!p0 $0xD  }
0x3f9: {  	_ =	swait.ge @!p0 [sflag:s0], s1  }
0x3fa: {  	s1 =	ssub.s32 @!p0 $0x0, s1;
	[sflag:s0] =	ssyncset.done @!p0 $0x0  }
0x3fb: {  	[sflag:s0] =	ssyncadd.s32 @!p0 s1  }
0x3fc: {  	[bflag:$0x3] =	sbarrier.arrive $0xFFFF  }
0x3fd: {  	_ =	shalt  }

</sc_bundles>
